<compile_context>
chip_gen: v7x
topology: tpu7x:2x2x1
jax: 0.10.2.dev20260603
libtpu: 0.0.44.dev20260713+nightly
codegen_flags: <defaults>
</compile_context>

<pallas_src>
import functools

import jax
import jax.numpy as jnp
from jax import lax
from jax.experimental import pallas as pl
from jax.experimental.pallas import tpu as pltpu
from jax.experimental.pallas import tpu_sc as plsc

F32 = jnp.float32
NC = 2
NS = 16
NW = NC * NS
C = 80



def _tc_qkv(x, wq_w, wq_b, wk_w, wv_w):
    n, d = x.shape
    bn = 2000

    def body(x_ref, wq_ref, wqb_ref, wk_ref, wv_ref, xq_ref, xk_ref, xv_ref):
        xb = x_ref[...]
        xq_ref[...] = jnp.dot(xb, wq_ref[...], preferred_element_type=F32) + wqb_ref[...]
        xk_ref[...] = jnp.dot(xb, wk_ref[...], preferred_element_type=F32)
        xv_ref[...] = jnp.dot(xb, wv_ref[...], preferred_element_type=F32)

    out = jax.ShapeDtypeStruct((n, d), F32)
    w_spec = pl.BlockSpec((d, d), lambda i: (0, 0))
    b_spec = pl.BlockSpec((1, d), lambda i: (0, 0))
    r_spec = pl.BlockSpec((bn, d), lambda i: (i, 0))
    return pl.pallas_call(
        body,
        grid=(n // bn,),
        in_specs=[r_spec, w_spec, b_spec, w_spec, w_spec],
        out_specs=[r_spec, r_spec, r_spec],
        out_shape=[out, out, out],
    )(x, wq_w, wq_b.reshape(1, d), wk_w, wv_w)


def _edge_s(eab, g1b, wc1_ref, bc1_ref):
    d = eab.shape[1]
    big1 = jnp.dot(eab.astype(jnp.bfloat16), wc1_ref[...],
                   preferred_element_type=F32) + bc1_ref[...]
    t = g1b * big1[:, :d]
    s = jnp.sqrt(jnp.maximum(t, 0.0)) - jnp.sqrt(jnp.maximum(-t, 0.0))
    return jnp.maximum(s + big1[:, d:], 0.0)


def _tc_edge(ea, g1, wc1, bc1, wc2, ln_eg, ln_eb):
    e, d = ea.shape
    be = 8000

    def body(ea_ref, g1_ref, wc1_ref, bc1_ref, wc2_ref, g_ref, b_ref,
             eout_ref, p_ref):
        eab = ea_ref[...]
        s = _edge_s(eab, g1_ref[...], wc1_ref, bc1_ref)
        big2 = jnp.dot(s.astype(jnp.bfloat16), wc2_ref[...],
                       preferred_element_type=F32)
        p_ref[...] = jnp.exp(jnp.clip(big2[:, d:d + 16], -5.0, 5.0))
        eo = big2[:, :d] + eab
        mu = jnp.mean(eo, axis=-1, keepdims=True)
        var = jnp.mean((eo - mu) ** 2, axis=-1, keepdims=True)
        eout_ref[...] = (eo - mu) / jnp.sqrt(var + 1e-5) * g_ref[...] + b_ref[...]

    b_spec = pl.BlockSpec((1, d), lambda i: (0, 0))
    r_spec = pl.BlockSpec((be, d), lambda i: (i, 0))
    return pl.pallas_call(
        body,
        grid=(e // be,),
        in_specs=[r_spec, r_spec,
                  pl.BlockSpec((d, 2 * d), lambda i: (0, 0)),
                  pl.BlockSpec((1, 2 * d), lambda i: (0, 0)),
                  pl.BlockSpec((d, 2 * d), lambda i: (0, 0)),
                  b_spec, b_spec],
        out_specs=[r_spec, pl.BlockSpec((be, 16), lambda i: (i, 0))],
        out_shape=[jax.ShapeDtypeStruct((e, d), F32),
                   jax.ShapeDtypeStruct((e, 16), F32)],
    )(ea, g1, wc1, bc1, wc2, ln_eg.reshape(1, d), ln_eb.reshape(1, d))


def _tc_node(parts, den128, x, wo_w, ln_ng, ln_nb):
    n, d = x.shape

    def body(parts_ref, den_ref, x_ref, wo_ref, g_ref, b_ref, h_ref):
        u = parts_ref[0, :, :d] + parts_ref[1, :, :d]
        xo = u / (den_ref[...] + 1e-16)
        hh = jnp.dot(xo, wo_ref[...], preferred_element_type=F32) + x_ref[...]
        mu = jnp.mean(hh, axis=-1, keepdims=True)
        var = jnp.mean((hh - mu) ** 2, axis=-1, keepdims=True)
        h_ref[...] = (hh - mu) / jnp.sqrt(var + 1e-5) * g_ref[...] + b_ref[...]

    bn = 2000
    dm = parts.shape[2]
    w_spec = pl.BlockSpec((d, d), lambda i: (0, 0))
    b_spec = pl.BlockSpec((1, d), lambda i: (0, 0))
    r_spec = pl.BlockSpec((bn, d), lambda i: (i, 0))
    return pl.pallas_call(
        body,
        grid=(n // bn,),
        in_specs=[pl.BlockSpec((2, bn, dm), lambda i: (0, i, 0)),
                  r_spec, r_spec, w_spec, b_spec, b_spec],
        out_specs=r_spec,
        out_shape=jax.ShapeDtypeStruct((n, d), F32),
    )(parts, den128, x, wo_w, ln_ng.reshape(1, d), ln_nb.reshape(1, d))



def _sc_gather_add(xk, xq, src, dst):
    n, d = xk.shape
    e = src.shape[0]
    ew_ = e // NW
    ch = ew_ // C
    npair = ch // 2
    mesh = plsc.VectorSubcoreMesh(core_axis_name="c", subcore_axis_name="s")

    buf = lambda: [pltpu.VMEM((C,), jnp.int32), pltpu.VMEM((C,), jnp.int32),
                   pltpu.VMEM((C, d), F32), pltpu.VMEM((C, d), F32),
                   pltpu.VMEM((C, d), F32)]

    @functools.partial(
        pl.kernel,
        out_type=jax.ShapeDtypeStruct((e, d), F32),
        mesh=mesh,
        scratch_types=buf() + buf() + [pltpu.SemaphoreType.DMA] * 6,
        compiler_params=pltpu.CompilerParams(use_tc_tiling_on_sc=False,
                                             needs_layout_passes=False),
    )
    def k(xk_hbm, xq_hbm, src_hbm, dst_hbm, g1_hbm,
          sidx0, didx0, ka0, qa0, ob0, sidx1, didx1, ka1, qa1, ob1,
          semi0, semi1, semg0, semg1, semw0, semw1):
        wid = lax.axis_index("c") * NS + lax.axis_index("s")
        base = wid * ew_

        def idx_issue(i, sidx, didx, semi):
            off = base + i * C
            pltpu.async_copy(src_hbm.at[pl.ds(off, C)], sidx, semi)
            pltpu.async_copy(dst_hbm.at[pl.ds(off, C)], didx, semi)

        def idx_wait(i, sidx, didx, semi):
            off = base + i * C
            pltpu.make_async_copy(src_hbm.at[pl.ds(off, C)], sidx, semi).wait()
            pltpu.make_async_copy(dst_hbm.at[pl.ds(off, C)], didx, semi).wait()

        def gat_issue(sidx, didx, ka, qa, semg):
            pltpu.async_copy(xk_hbm.at[sidx], ka, semg)
            pltpu.async_copy(xq_hbm.at[didx], qa, semg)

        def gat_wait(sidx, didx, ka, qa, semg):
            pltpu.make_async_copy(xk_hbm.at[sidx], ka, semg).wait()
            pltpu.make_async_copy(xq_hbm.at[didx], qa, semg).wait()

        def add(ka, qa, ob):
            @plsc.parallel_loop(0, C, unroll=8)
            def row(r):
                for j in range(d // 16):
                    sl = pl.ds(j * 16, 16)
                    ob[r, sl] = ka[r, sl] + qa[r, sl]

        def w_issue(i, ob, semw):
            pltpu.async_copy(ob, g1_hbm.at[pl.ds(base + i * C, C)], semw)

        def w_wait(i, ob, semw):
            pltpu.make_async_copy(ob, g1_hbm.at[pl.ds(base + i * C, C)],
                                  semw).wait()

        idx_issue(0, sidx0, didx0, semi0)
        idx_issue(1, sidx1, didx1, semi1)
        idx_wait(0, sidx0, didx0, semi0)
        gat_issue(sidx0, didx0, ka0, qa0, semg0)

        def body(j, _):
            a = 2 * j
            b = a + 1
            idx_wait(b, sidx1, didx1, semi1)
            gat_issue(sidx1, didx1, ka1, qa1, semg1)
            gat_wait(sidx0, didx0, ka0, qa0, semg0)

            @pl.when(j > 0)
            def _():
                w_wait(a - 2, ob0, semw0)

            add(ka0, qa0, ob0)
            w_issue(a, ob0, semw0)
            idx_issue(a + 2, sidx0, didx0, semi0)
            gat_wait(sidx1, didx1, ka1, qa1, semg1)

            @pl.when(j > 0)
            def _():
                w_wait(b - 2, ob1, semw1)

            add(ka1, qa1, ob1)
            w_issue(b, ob1, semw1)

            @pl.when(b + 2 < ch)
            def _():
                idx_issue(b + 2, sidx1, didx1, semi1)

            idx_wait(a + 2, sidx0, didx0, semi0)
            gat_issue(sidx0, didx0, ka0, qa0, semg0)
            return 0

        lax.fori_loop(0, npair, body, 0)
        gat_wait(sidx0, didx0, ka0, qa0, semg0)
        w_wait(ch - 3, ob0, semw0)
        add(ka0, qa0, ob0)
        w_issue(ch - 1, ob0, semw0)
        w_wait(ch - 1, ob0, semw0)
        w_wait(ch - 2, ob1, semw1)

    return k(xk, xq, src, dst)


def _sc_segment(xv, src, dst, p16):
    n, d = xv.shape
    e = src.shape[0]
    dm = d + 16
    cs = 40
    ew_ = e // NW
    ch = ew_ // cs
    nch = n // cs
    mesh = plsc.VectorSubcoreMesh(core_axis_name="c", subcore_axis_name="s")

    @functools.partial(
        pl.kernel,
        out_type=jax.ShapeDtypeStruct((NC, n, dm), F32),
        mesh=mesh,
        scratch_types=(
            [pltpu.VMEM((cs,), jnp.int32), pltpu.VMEM((cs,), jnp.int32),
             pltpu.VMEM((cs,), jnp.int32), pltpu.VMEM((cs, 16), F32),
             pltpu.VMEM((cs, d), F32), pltpu.VMEM((cs, dm), F32)] * 2
            + [pltpu.VMEM_SHARED((n, dm), F32)]
            + [pltpu.SemaphoreType.DMA] * 6),
        compiler_params=pltpu.CompilerParams(use_tc_tiling_on_sc=False,
                                             needs_layout_passes=False),
    )
    def k(xv_hbm, src_hbm, dst_hbm, p_hbm, out_hbm,
          sidx0, didx0, ds0, pvv0, xvv0, msg0,
          sidx1, didx1, ds1, pvv1, xvv1, msg1,
          acc, semi0, semi1, semg0, semg1, sems0, sems1):
        cid = lax.axis_index("c")
        sid = lax.axis_index("s")
        wid = cid * NS + sid
        base = wid * ew_
        my_nch = (nch - sid + NS - 1) // NS

        def zrow(r, _):
            for j in range(dm // 16):
                msg0[r, pl.ds(j * 16, 16)] = jnp.zeros((16,), F32)
            return 0

        lax.fori_loop(0, cs, zrow, 0)

        def zchunk(j, _):
            pltpu.sync_copy(msg0, acc.at[pl.ds((sid + j * NS) * cs, cs)])
            return 0

        lax.fori_loop(0, my_nch, zchunk, 0)
        plsc.subcore_barrier()

        def idx_issue(i, sidx, didx, pvv, semi):
            off = base + i * cs
            pltpu.async_copy(src_hbm.at[pl.ds(off, cs)], sidx, semi)
            pltpu.async_copy(dst_hbm.at[pl.ds(off, cs)], didx, semi)
            pltpu.async_copy(p_hbm.at[pl.ds(off, cs)], pvv, semi)

        def idx_wait(i, sidx, didx, pvv, semi):
            off = base + i * cs
            pltpu.make_async_copy(src_hbm.at[pl.ds(off, cs)], sidx, semi).wait()
            pltpu.make_async_copy(dst_hbm.at[pl.ds(off, cs)], didx, semi).wait()
            pltpu.make_async_copy(p_hbm.at[pl.ds(off, cs)], pvv, semi).wait()

        def compute(xvv, pvv, msg, didx, dsv):
            @plsc.parallel_loop(0, cs, unroll=8)
            def row(r):
                prow = pvv[r, :]
                for h in range(d // 16):
                    sl = pl.ds(h * 16, 16)
                    pe = prow.at[jnp.full((16,), h, jnp.int32)].get(
                        mode="promise_in_bounds")
                    msg[r, sl] = xvv[r, sl] * pe
                msg[r, pl.ds(d, 16)] = prow
            offs = list(range(0, cs - 15, 16))
            if cs % 16:
                offs.append(cs - 16)
            for q in offs:
                sl = pl.ds(q, 16)
                dsv[sl] = didx[sl]

        def scat_issue(msg, dsv, sems):
            pltpu.async_copy(msg, acc.at[dsv], sems, add=True)

        def scat_wait(msg, dsv, sems):
            pltpu.make_async_copy(msg, acc.at[dsv], sems).wait()

        idx_issue(0, sidx0, didx0, pvv0, semi0)
        idx_issue(1, sidx1, didx1, pvv1, semi1)
        idx_wait(0, sidx0, didx0, pvv0, semi0)
        pltpu.async_copy(xv_hbm.at[sidx0], xvv0, semg0)

        def body(j, _):
            a = 2 * j
            b = a + 1
            idx_wait(b, sidx1, didx1, pvv1, semi1)
            pltpu.async_copy(xv_hbm.at[sidx1], xvv1, semg1)
            pltpu.make_async_copy(xv_hbm.at[sidx0], xvv0, semg0).wait()

            @pl.when(j > 0)
            def _():
                scat_wait(msg0, ds0, sems0)

            compute(xvv0, pvv0, msg0, didx0, ds0)
            scat_issue(msg0, ds0, sems0)

            @pl.when(a + 2 < ch)
            def _():
                idx_issue(a + 2, sidx0, didx0, pvv0, semi0)

            pltpu.make_async_copy(xv_hbm.at[sidx1], xvv1, semg1).wait()

            @pl.when(j > 0)
            def _():
                scat_wait(msg1, ds1, sems1)

            compute(xvv1, pvv1, msg1, didx1, ds1)
            scat_issue(msg1, ds1, sems1)

            @pl.when(b + 2 < ch)
            def _():
                idx_issue(b + 2, sidx1, didx1, pvv1, semi1)

            @pl.when(a + 2 < ch)
            def _():
                idx_wait(a + 2, sidx0, didx0, pvv0, semi0)
                pltpu.async_copy(xv_hbm.at[sidx0], xvv0, semg0)

            return 0

        lax.fori_loop(0, ch // 2, body, 0)
        scat_wait(msg0, ds0, sems0)
        scat_wait(msg1, ds1, sems1)
        plsc.subcore_barrier()

        def wchunk(j, _):
            row0 = (sid + j * NS) * cs
            pltpu.sync_copy(acc.at[pl.ds(row0, cs)],
                            out_hbm.at[cid, pl.ds(row0, cs)])
            return 0

        lax.fori_loop(0, my_nch, wchunk, 0)

    return k(xv, src, dst, p16)



def kernel(x, edge_index, edge_attr, wq_w, wq_b, wk_w, wv_w, web_w, web_b,
           wew_w, wew_b, wo_w, weo_w, Aw, ln_ng, ln_nb, ln_eg, ln_eb):
    n, d = x.shape
    hd, h, _ = Aw.shape
    src = edge_index[0]
    dst = edge_index[1]

    m16 = jnp.zeros((d, 16), F32).at[
        jnp.arange(d), jnp.arange(d) // hd].set(Aw[:, :, 0].T.reshape(-1))

    wc1 = jnp.concatenate([wew_w, web_w], axis=1).astype(jnp.bfloat16)
    bc1 = jnp.concatenate([wew_b, web_b]).reshape(1, 2 * d)
    wc2 = jnp.concatenate([weo_w, m16, jnp.zeros((d, d - 16), F32)],
                          axis=1).astype(jnp.bfloat16)

    xq, xk, xv = _tc_qkv(x, wq_w, wq_b, wk_w, wv_w)
    g1 = _sc_gather_add(xk, xq, src, dst)
    e_out, p16 = _tc_edge(edge_attr, g1, wc1, bc1, wc2, ln_eg, ln_eb)
    parts = _sc_segment(xv, src, dst, p16)
    den128 = jnp.repeat(parts[0, :, d:d + h] + parts[1, :, d:d + h],
                        hd, axis=1)
    hh = _tc_node(parts, den128, x, wo_w, ln_ng, ln_nb)
    return (hh, e_out)

# --- scband reference (transcript-rebuilt; emitter-appended) ---
"""Pipeline reference for scband-multi-head-graph-attention-52012053954975 (READ-ONLY COPY).

The authoritative reference and input builder live on the scoring server;
editing this copy changes nothing except your own understanding.
"""

import jax, jax.numpy as jnp
import numpy as np

N = 10000
E = 320000
D = 128
H = 8
HD = D // H
CLAMP = 5.0
EPS_LN = 1e-5


def _layer_norm(x, g, b):
    mu = jnp.mean(x, axis=-1, keepdims=True)
    var = jnp.mean((x - mu) ** 2, axis=-1, keepdims=True)
    return (x - mu) / jnp.sqrt(var + EPS_LN) * g + b


def _signed_sqrt(s):
    # sqrt(relu(s)) - sqrt(relu(-s)), written grad-safe
    pos = jnp.where(s > 0, jnp.sqrt(jnp.where(s > 0, s, 1.0)), 0.0)
    neg = jnp.where(s < 0, jnp.sqrt(jnp.where(s < 0, -s, 1.0)), 0.0)
    return pos - neg


def setup_inputs(seed: int = 0) -> dict:
    key = jax.random.key(seed)
    ks = jax.random.split(key, 16)
    s = 1.0 / np.sqrt(D)
    inp = {}
    inp["x"] = jax.random.normal(ks[0], (N, D), dtype=jnp.float32)
    inp["edge_index"] = jax.random.randint(ks[1], (2, E), 0, N, dtype=jnp.int32)
    inp["edge_attr"] = jax.random.normal(ks[2], (E, D), dtype=jnp.float32)
    inp["wq_w"] = jax.random.normal(ks[3], (D, D), dtype=jnp.float32) * s
    inp["wq_b"] = jnp.zeros((D,), dtype=jnp.float32)
    inp["wk_w"] = jax.random.normal(ks[4], (D, D), dtype=jnp.float32) * s
    inp["wv_w"] = jax.random.normal(ks[5], (D, D), dtype=jnp.float32) * s
    inp["web_w"] = jax.random.normal(ks[6], (D, D), dtype=jnp.float32) * s
    inp["web_b"] = jnp.zeros((D,), dtype=jnp.float32)
    inp["wew_w"] = jax.random.normal(ks[7], (D, D), dtype=jnp.float32) * s
    inp["wew_b"] = jnp.zeros((D,), dtype=jnp.float32)
    inp["wo_w"] = jax.random.normal(ks[8], (D, D), dtype=jnp.float32) * s
    inp["weo_w"] = jax.random.normal(ks[9], (D, D), dtype=jnp.float32) * s
    inp["Aw"] = jax.random.normal(ks[10], (HD, H, 1), dtype=jnp.float32) * np.sqrt(2.0 / (HD + H))
    inp["ln_ng"] = jnp.ones((D,), dtype=jnp.float32)
    inp["ln_nb"] = jnp.zeros((D,), dtype=jnp.float32)
    inp["ln_eg"] = jnp.ones((D,), dtype=jnp.float32)
    inp["ln_eb"] = jnp.zeros((D,), dtype=jnp.float32)
    return inp


def reference(x, edge_index, edge_attr, wq_w, wq_b, wk_w, wv_w, web_w, web_b,
              wew_w, wew_b, wo_w, weo_w, Aw, ln_ng, ln_nb, ln_eg, ln_eb):
    n = x.shape[0]
    xq = (x @ wq_w + wq_b).reshape(n, H, HD)
    xk = (x @ wk_w).reshape(n, H, HD)
    xv = (x @ wv_w).reshape(n, H, HD)
    src_idx = edge_index[0]
    dst_idx = edge_index[1]
    src = jnp.take(xk, src_idx, axis=0)
    dst = jnp.take(xq, dst_idx, axis=0)
    score = src + dst
    eb = (edge_attr @ web_w + web_b).reshape(-1, H, HD)
    ew = (edge_attr @ wew_w + wew_b).reshape(-1, H, HD)
    score = score * ew
    score = _signed_sqrt(score)
    score = score + eb
    score = jax.nn.relu(score)
    e_out = score.reshape(score.shape[0], -1)
    score = jnp.einsum('ehd,dhc->ehc', score, Aw)
    score = jnp.clip(score, -CLAMP, CLAMP)
    # pyg_softmax over dst_idx
    smax = jax.ops.segment_max(score, dst_idx, num_segments=n)
    out = score - jnp.take(smax, dst_idx, axis=0)
    out = jnp.exp(out)
    denom = jax.ops.segment_sum(out, dst_idx, num_segments=n)
    attn = out / (jnp.take(denom, dst_idx, axis=0) + 1e-16)
    msg = jnp.take(xv, src_idx, axis=0) * attn
    x_out = jax.ops.segment_sum(msg, dst_idx, num_segments=n)
    h = x_out.reshape(n, -1) @ wo_w
    e_out = e_out @ weo_w
    h = h + x
    e_out = e_out + edge_attr
    h = _layer_norm(h, ln_ng, ln_nb)
    e_out = _layer_norm(e_out, ln_eg, ln_eb)
    return (h, e_out)

if __name__ == "__main__":
    import jax
    _d = setup_inputs()
    print(jax.jit(kernel)(*tuple(_d.values())))

</pallas_src>

<mosaic_0001>
#map = affine_map<(d0, d1) -> (0, 0)>
#map1 = affine_map<(d0, d1) -> (0)>
#map2 = affine_map<(d0, d1) -> (0, 0, 0)>
module attributes {stable_mosaic.version = 14 : i64} {
  func.func @k(%arg0: i32, %arg1: i32, %arg2: memref<10000x128xf32, #tpu.memory_space<hbm>>, %arg3: memref<320000xi32, #tpu.memory_space<hbm>>, %arg4: memref<320000xi32, #tpu.memory_space<hbm>>, %arg5: memref<320000x16xf32, #tpu.memory_space<hbm>>, %arg6: memref<2x10000x144xf32, #tpu.memory_space<hbm>>, %arg7: memref<40xi32, #tpu.memory_space<vmem>>, %arg8: memref<40xi32, #tpu.memory_space<vmem>>, %arg9: memref<40xi32, #tpu.memory_space<vmem>>, %arg10: memref<40x16xf32, #tpu.memory_space<vmem>>, %arg11: memref<40x128xf32, #tpu.memory_space<vmem>>, %arg12: memref<40x144xf32, #tpu.memory_space<vmem>>, %arg13: memref<40xi32, #tpu.memory_space<vmem>>, %arg14: memref<40xi32, #tpu.memory_space<vmem>>, %arg15: memref<40xi32, #tpu.memory_space<vmem>>, %arg16: memref<40x16xf32, #tpu.memory_space<vmem>>, %arg17: memref<40x128xf32, #tpu.memory_space<vmem>>, %arg18: memref<40x144xf32, #tpu.memory_space<vmem>>, %arg19: memref<10000x144xf32, #tpu.memory_space<vmem_shared>>, %arg20: memref<!tpu.dma_semaphore, #tpu.memory_space<semaphore_mem>>, %arg21: memref<!tpu.dma_semaphore, #tpu.memory_space<semaphore_mem>>, %arg22: memref<!tpu.dma_semaphore, #tpu.memory_space<semaphore_mem>>, %arg23: memref<!tpu.dma_semaphore, #tpu.memory_space<semaphore_mem>>, %arg24: memref<!tpu.dma_semaphore, #tpu.memory_space<semaphore_mem>>, %arg25: memref<!tpu.dma_semaphore, #tpu.memory_space<semaphore_mem>>) attributes {dimension_semantics = [#tpu.dimension_semantics<core_parallel>, #tpu.dimension_semantics<subcore_parallel>], iteration_bounds = array<i64: 2, 16>, scalar_prefetch = 0 : i64, scratch_operands = 19 : i64, tpu.core_type = #tpu.core_type<sc_vector_subcore>, window_params = [{transform_indices = #map}, {transform_indices = #map1}, {transform_indices = #map1}, {transform_indices = #map}, {transform_indices = #map2}]} {
    %mul3A = arith.constant 16 : i32
    %mul3A_0 = arith.muli %arg0, %mul3A : i32
    %add3A = arith.addi %mul3A_0, %arg1 : i32
    %mul3A_1 = arith.constant 10000 : i32
    %mul3A_2 = arith.muli %add3A, %mul3A_1 : i32
    %sub3A = arith.constant 250 : i32
    %sub3A_3 = arith.subi %sub3A, %arg1 : i32
    %add3A_4 = arith.constant 16 : i32
    %add3A_5 = arith.addi %sub3A_3, %add3A_4 : i32
    %sub3A_6 = arith.constant 1 : i32
    %sub3A_7 = arith.subi %add3A_5, %sub3A_6 : i32
    %jit3A = arith.constant 16 : i32
    %div3A = arith.divsi %sub3A_7, %jit3A : i32
    %sign3A = arith.constant 0 : i32
    %sign3A_8 = arith.cmpi sgt, %sub3A_7, %sign3A : i32
    %sign3A_9 = arith.extui %sign3A_8 : i1 to i32
    %sign3A_10 = arith.constant 0 : i32
    %sign3A_11 = arith.cmpi slt, %sub3A_7, %sign3A_10 : i32
    %sign3A_12 = arith.extui %sign3A_11 : i1 to i32
    %sign3A_13 = arith.subi %sign3A_9, %sign3A_12 : i32
    %sign3A_14 = arith.constant 0 : i32
    %sign3A_15 = arith.cmpi sgt, %jit3A, %sign3A_14 : i32
    %sign3A_16 = arith.extui %sign3A_15 : i1 to i32
    %sign3A_17 = arith.constant 0 : i32
    %sign3A_18 = arith.cmpi slt, %jit3A, %sign3A_17 : i32
    %sign3A_19 = arith.extui %sign3A_18 : i1 to i32
    %sign3A_20 = arith.subi %sign3A_16, %sign3A_19 : i32
    %ne3A = arith.cmpi ne, %sign3A_13, %sign3A_20 : i32
    %rem3A = arith.remsi %sub3A_7, %jit3A : i32
    %ne3A_21 = arith.constant 0 : i32
    %ne3A_22 = arith.cmpi ne, %rem3A, %ne3A_21 : i32
    %and3A = arith.andi %ne3A, %ne3A_22 : i1
    %sub3A_23 = arith.constant 1 : i32
    %sub3A_24 = arith.subi %div3A, %sub3A_23 : i32
    %select_n3A = arith.select %and3A, %sub3A_24, %div3A : i32
    %scan3A = arith.constant 0 : i32
    %scan3A_25 = arith.constant 0 : i32
    %scan3A_26 = arith.constant 40 : i32
    %scan3A_27 = arith.addi %scan3A_25, %scan3A_26 : i32
    %scan3A_28 = arith.constant 1 : i32
    %scan3A_29 = scf.for %scan3A_99 = %scan3A_25 to %scan3A_27 step %scan3A_28 iter_args(%scan3A_100 = %scan3A) -> (i32)  : i32 {
      %broadcast_in_dim3A = arith.constant 0.000000e+00 : f32
      %broadcast_in_dim3A_101 = vector.broadcast %broadcast_in_dim3A : f32 to vector<16xf32>
      %swap3A = arith.index_cast %scan3A_99 : i32 to index
      %swap3A_102 = arith.constant 0 : index
      %swap3A_103 = tpu.vector_load %arg12[%swap3A, %swap3A_102] {strides = array<i32>} : memref<40x144xf32, #tpu.memory_space<vmem>>, vector<16xf32>,
      tpu.vector_store %arg12[%swap3A, %swap3A_102], %broadcast_in_dim3A_101 {strides = array<i32>} : memref<40x144xf32, #tpu.memory_space<vmem>>, vector<16xf32>,
      %broadcast_in_dim3A_104 = arith.constant 0.000000e+00 : f32
      %broadcast_in_dim3A_105 = vector.broadcast %broadcast_in_dim3A_104 : f32 to vector<16xf32>
      %swap3A_106 = arith.index_cast %scan3A_99 : i32 to index
      %swap3A_107 = arith.constant 16 : index
      %swap3A_108 = tpu.vector_load %arg12[%swap3A_106, %swap3A_107] {strides = array<i32>} : memref<40x144xf32, #tpu.memory_space<vmem>>, vector<16xf32>,
      tpu.vector_store %arg12[%swap3A_106, %swap3A_107], %broadcast_in_dim3A_105 {strides = array<i32>} : memref<40x144xf32, #tpu.memory_space<vmem>>, vector<16xf32>,
      %broadcast_in_dim3A_109 = arith.constant 0.000000e+00 : f32
      %broadcast_in_dim3A_110 = vector.broadcast %broadcast_in_dim3A_109 : f32 to vector<16xf32>
      %swap3A_111 = arith.index_cast %scan3A_99 : i32 to index
      %swap3A_112 = arith.constant 32 : index
      %swap3A_113 = tpu.vector_load %arg12[%swap3A_111, %swap3A_112] {strides = array<i32>} : memref<40x144xf32, #tpu.memory_space<vmem>>, vector<16xf32>,
      tpu.vector_store %arg12[%swap3A_111, %swap3A_112], %broadcast_in_dim3A_110 {strides = array<i32>} : memref<40x144xf32, #tpu.memory_space<vmem>>, vector<16xf32>,
      %broadcast_in_dim3A_114 = arith.constant 0.000000e+00 : f32
      %broadcast_in_dim3A_115 = vector.broadcast %broadcast_in_dim3A_114 : f32 to vector<16xf32>
      %swap3A_116 = arith.index_cast %scan3A_99 : i32 to index
      %swap3A_117 = arith.constant 48 : index
      %swap3A_118 = tpu.vector_load %arg12[%swap3A_116, %swap3A_117] {strides = array<i32>} : memref<40x144xf32, #tpu.memory_space<vmem>>, vector<16xf32>,
      tpu.vector_store %arg12[%swap3A_116, %swap3A_117], %broadcast_in_dim3A_115 {strides = array<i32>} : memref<40x144xf32, #tpu.memory_space<vmem>>, vector<16xf32>,
      %broadcast_in_dim3A_119 = arith.constant 0.000000e+00 : f32
      %broadcast_in_dim3A_120 = vector.broadcast %broadcast_in_dim3A_119 : f32 to vector<16xf32>
      %swap3A_121 = arith.index_cast %scan3A_99 : i32 to index
      %swap3A_122 = arith.constant 64 : index
      %swap3A_123 = tpu.vector_load %arg12[%swap3A_121, %swap3A_122] {strides = array<i32>} : memref<40x144xf32, #tpu.memory_space<vmem>>, vector<16xf32>,
      tpu.vector_store %arg12[%swap3A_121, %swap3A_122], %broadcast_in_dim3A_120 {strides = array<i32>} : memref<40x144xf32, #tpu.memory_space<vmem>>, vector<16xf32>,
      %broadcast_in_dim3A_124 = arith.constant 0.000000e+00 : f32
      %broadcast_in_dim3A_125 = vector.broadcast %broadcast_in_dim3A_124 : f32 to vector<16xf32>
      %swap3A_126 = arith.index_cast %scan3A_99 : i32 to index
      %swap3A_127 = arith.constant 80 : index
      %swap3A_128 = tpu.vector_load %arg12[%swap3A_126, %swap3A_127] {strides = array<i32>} : memref<40x144xf32, #tpu.memory_space<vmem>>, vector<16xf32>,
      tpu.vector_store %arg12[%swap3A_126, %swap3A_127], %broadcast_in_dim3A_125 {strides = array<i32>} : memref<40x144xf32, #tpu.memory_space<vmem>>, vector<16xf32>,
      %broadcast_in_dim3A_129 = arith.constant 0.000000e+00 : f32
      %broadcast_in_dim3A_130 = vector.broadcast %broadcast_in_dim3A_129 : f32 to vector<16xf32>
      %swap3A_131 = arith.index_cast %scan3A_99 : i32 to index
      %swap3A_132 = arith.constant 96 : index
      %swap3A_133 = tpu.vector_load %arg12[%swap3A_131, %swap3A_132] {strides = array<i32>} : memref<40x144xf32, #tpu.memory_space<vmem>>, vector<16xf32>,
      tpu.vector_store %arg12[%swap3A_131, %swap3A_132], %broadcast_in_dim3A_130 {strides = array<i32>} : memref<40x144xf32, #tpu.memory_space<vmem>>, vector<16xf32>,
      %broadcast_in_dim3A_134 = arith.constant 0.000000e+00 : f32
      %broadcast_in_dim3A_135 = vector.broadcast %broadcast_in_dim3A_134 : f32 to vector<16xf32>
      %swap3A_136 = arith.index_cast %scan3A_99 : i32 to index
      %swap3A_137 = arith.constant 112 : index
      %swap3A_138 = tpu.vector_load %arg12[%swap3A_136, %swap3A_137] {strides = array<i32>} : memref<40x144xf32, #tpu.memory_space<vmem>>, vector<16xf32>,
      tpu.vector_store %arg12[%swap3A_136, %swap3A_137], %broadcast_in_dim3A_135 {strides = array<i32>} : memref<40x144xf32, #tpu.memory_space<vmem>>, vector<16xf32>,
      %broadcast_in_dim3A_139 = arith.constant 0.000000e+00 : f32
      %broadcast_in_dim3A_140 = vector.broadcast %broadcast_in_dim3A_139 : f32 to vector<16xf32>
      %swap3A_141 = arith.index_cast %scan3A_99 : i32 to index
      %swap3A_142 = arith.constant 128 : index
      %swap3A_143 = tpu.vector_load %arg12[%swap3A_141, %swap3A_142] {strides = array<i32>} : memref<40x144xf32, #tpu.memory_space<vmem>>, vector<16xf32>,
      tpu.vector_store %arg12[%swap3A_141, %swap3A_142], %broadcast_in_dim3A_140 {strides = array<i32>} : memref<40x144xf32, #tpu.memory_space<vmem>>, vector<16xf32>,
      %scan3A_144 = arith.constant 0 : i32
      scf.yield %scan3A_144 : i32
    }
    %scan3A_30 = arith.constant 40 : i32
    %while3A = arith.constant 0 : i32
    %while3A_31 = arith.constant 0 : i32
    %while3A_32 = arith.subi %select_n3A, %while3A : i32
    %while3A_33 = arith.addi %while3A, %while3A_32 : i32
    %while3A_34 = arith.constant 1 : i32
    %while3A_35 = arith.divsi %while3A_32, %while3A_34 : i32
    %while3A_36 = arith.muli %while3A_35, %while3A_34 : i32
    %while3A_37 = arith.addi %while3A, %while3A_36 : i32
    %while3A_38 = arith.constant 1 : i32
    %while3A_39 = scf.for %while3A_99 = %while3A to %while3A_37 step %while3A_38 iter_args(%while3A_100 = %while3A_31) -> (i32)  : i32 {
      %mul3A_101 = arith.constant 16 : i32
      %mul3A_102 = arith.muli %while3A_99, %mul3A_101 : i32
      %add3A_103 = arith.addi %arg1, %mul3A_102 : i32
      %mul3A_104 = arith.constant 40 : i32
      %mul3A_105 = arith.muli %add3A_103, %mul3A_104 : i32
      "tpu.region"() ({
        %run_scoped3A = tpu.sem_alloc : memref<!tpu.dma_semaphore, #tpu.memory_space<semaphore_mem>>
        %dma_start3A_107 = arith.constant 0 : i32
        %dma_start3A_108 = tpu.memref_slice %arg19[%mul3A_105, %dma_start3A_107] : memref<10000x144xf32, #tpu.memory_space<vmem_shared>> -> memref<40x144xf32, #tpu.memory_space<vmem_shared>>
        %dma_start3A_109 = arith.constant 0 : i32
        %dma_start3A_110 = tpu.memref_slice %arg19[%mul3A_105, %dma_start3A_109] : memref<10000x144xf32, #tpu.memory_space<vmem_shared>> -> memref<40x144xf32, #tpu.memory_space<vmem_shared>>
        tpu.enqueue_dma source(%arg12 : memref<40x144xf32, #tpu.memory_space<vmem>>) target(%dma_start3A_110 : memref<40x144xf32, #tpu.memory_space<vmem_shared>>) target_semaphore(%run_scoped3A : memref<!tpu.dma_semaphore, #tpu.memory_space<semaphore_mem>>)
        %dma_wait3A_111 = arith.constant 0 : i32
        %dma_wait3A_112 = tpu.memref_slice %arg19[%mul3A_105, %dma_wait3A_111] : memref<10000x144xf32, #tpu.memory_space<vmem_shared>> -> memref<40x144xf32, #tpu.memory_space<vmem_shared>>
        %dma_wait3A_113 = arith.constant 0 : i32
        %dma_wait3A_114 = tpu.memref_slice %arg19[%mul3A_105, %dma_wait3A_113] : memref<10000x144xf32, #tpu.memory_space<vmem_shared>> -> memref<40x144xf32, #tpu.memory_space<vmem_shared>>
        tpu.wait_dma2 semaphore(%run_scoped3A : memref<!tpu.dma_semaphore, #tpu.memory_space<semaphore_mem>>) src(%arg12 : memref<40x144xf32, #tpu.memory_space<vmem>>) dst(%dma_wait3A_114 : memref<40x144xf32, #tpu.memory_space<vmem_shared>>)
        tpu.yield
      }) : () -> ()
      %while3A_106 = arith.constant 0 : i32
      scf.yield %while3A_106 : i32
    }
    %while3A_40 = arith.constant 1 : i32
    %while3A_41 = scf.for %while3A_99 = %while3A_37 to %while3A_33 step %while3A_40 iter_args(%while3A_100 = %while3A_39) -> (i32)  : i32 {
      %mul3A_101 = arith.constant 16 : i32
      %mul3A_102 = arith.muli %while3A_99, %mul3A_101 : i32
      %add3A_103 = arith.addi %arg1, %mul3A_102 : i32
      %mul3A_104 = arith.constant 40 : i32
      %mul3A_105 = arith.muli %add3A_103, %mul3A_104 : i32
      "tpu.region"() ({
        %run_scoped3A = tpu.sem_alloc : memref<!tpu.dma_semaphore, #tpu.memory_space<semaphore_mem>>
        %dma_start3A_107 = arith.constant 0 : i32
        %dma_start3A_108 = tpu.memref_slice %arg19[%mul3A_105, %dma_start3A_107] : memref<10000x144xf32, #tpu.memory_space<vmem_shared>> -> memref<40x144xf32, #tpu.memory_space<vmem_shared>>
        %dma_start3A_109 = arith.constant 0 : i32
        %dma_start3A_110 = tpu.memref_slice %arg19[%mul3A_105, %dma_start3A_109] : memref<10000x144xf32, #tpu.memory_space<vmem_shared>> -> memref<40x144xf32, #tpu.memory_space<vmem_shared>>
        tpu.enqueue_dma source(%arg12 : memref<40x144xf32, #tpu.memory_space<vmem>>) target(%dma_start3A_110 : memref<40x144xf32, #tpu.memory_space<vmem_shared>>) target_semaphore(%run_scoped3A : memref<!tpu.dma_semaphore, #tpu.memory_space<semaphore_mem>>)
        %dma_wait3A_111 = arith.constant 0 : i32
        %dma_wait3A_112 = tpu.memref_slice %arg19[%mul3A_105, %dma_wait3A_111] : memref<10000x144xf32, #tpu.memory_space<vmem_shared>> -> memref<40x144xf32, #tpu.memory_space<vmem_shared>>
        %dma_wait3A_113 = arith.constant 0 : i32
        %dma_wait3A_114 = tpu.memref_slice %arg19[%mul3A_105, %dma_wait3A_113] : memref<10000x144xf32, #tpu.memory_space<vmem_shared>> -> memref<40x144xf32, #tpu.memory_space<vmem_shared>>
        tpu.wait_dma2 semaphore(%run_scoped3A : memref<!tpu.dma_semaphore, #tpu.memory_space<semaphore_mem>>) src(%arg12 : memref<40x144xf32, #tpu.memory_space<vmem>>) dst(%dma_wait3A_114 : memref<40x144xf32, #tpu.memory_space<vmem_shared>>)
        tpu.yield
      }) : () -> ()
      %while3A_106 = arith.constant 0 : i32
      scf.yield %while3A_106 : i32
    }
    %barrier3A = arith.constant 0 : index
    tpu.barrier barrier_id(%barrier3A)
    %add3A_42 = arith.constant 0 : i32
    %add3A_43 = arith.addi %mul3A_2, %add3A_42 : i32
    %dma_start3A = tpu.memref_slice %arg3[%add3A_43] : memref<320000xi32, #tpu.memory_space<hbm>> -> memref<40xi32, #tpu.memory_space<hbm>>
    %dma_start3A_44 = tpu.memref_slice %arg3[%add3A_43] : memref<320000xi32, #tpu.memory_space<hbm>> -> memref<40xi32, #tpu.memory_space<hbm>>
    tpu.enqueue_dma source(%dma_start3A_44 : memref<40xi32, #tpu.memory_space<hbm>>) target(%arg7 : memref<40xi32, #tpu.memory_space<vmem>>) target_semaphore(%arg20 : memref<!tpu.dma_semaphore, #tpu.memory_space<semaphore_mem>>)
    %dma_start3A_45 = tpu.memref_slice %arg4[%add3A_43] : memref<320000xi32, #tpu.memory_space<hbm>> -> memref<40xi32, #tpu.memory_space<hbm>>
    %dma_start3A_46 = tpu.memref_slice %arg4[%add3A_43] : memref<320000xi32, #tpu.memory_space<hbm>> -> memref<40xi32, #tpu.memory_space<hbm>>
    tpu.enqueue_dma source(%dma_start3A_46 : memref<40xi32, #tpu.memory_space<hbm>>) target(%arg8 : memref<40xi32, #tpu.memory_space<vmem>>) target_semaphore(%arg20 : memref<!tpu.dma_semaphore, #tpu.memory_space<semaphore_mem>>)
    %dma_start3A_47 = arith.constant 0 : i32
    %dma_start3A_48 = tpu.memref_slice %arg5[%add3A_43, %dma_start3A_47] : memref<320000x16xf32, #tpu.memory_space<hbm>> -> memref<40x16xf32, #tpu.memory_space<hbm>>
    %dma_start3A_49 = arith.constant 0 : i32
    %dma_start3A_50 = tpu.memref_slice %arg5[%add3A_43, %dma_start3A_49] : memref<320000x16xf32, #tpu.memory_space<hbm>> -> memref<40x16xf32, #tpu.memory_space<hbm>>
    tpu.enqueue_dma source(%dma_start3A_50 : memref<40x16xf32, #tpu.memory_space<hbm>>) target(%arg10 : memref<40x16xf32, #tpu.memory_space<vmem>>) target_semaphore(%arg20 : memref<!tpu.dma_semaphore, #tpu.memory_space<semaphore_mem>>)
    %add3A_51 = arith.constant 40 : i32
    %add3A_52 = arith.addi %mul3A_2, %add3A_51 : i32
    %dma_start3A_53 = tpu.memref_slice %arg3[%add3A_52] : memref<320000xi32, #tpu.memory_space<hbm>> -> memref<40xi32, #tpu.memory_space<hbm>>
    %dma_start3A_54 = tpu.memref_slice %arg3[%add3A_52] : memref<320000xi32, #tpu.memory_space<hbm>> -> memref<40xi32, #tpu.memory_space<hbm>>
    tpu.enqueue_dma source(%dma_start3A_54 : memref<40xi32, #tpu.memory_space<hbm>>) target(%arg13 : memref<40xi32, #tpu.memory_space<vmem>>) target_semaphore(%arg21 : memref<!tpu.dma_semaphore, #tpu.memory_space<semaphore_mem>>)
    %dma_start3A_55 = tpu.memref_slice %arg4[%add3A_52] : memref<320000xi32, #tpu.memory_space<hbm>> -> memref<40xi32, #tpu.memory_space<hbm>>
    %dma_start3A_56 = tpu.memref_slice %arg4[%add3A_52] : memref<320000xi32, #tpu.memory_space<hbm>> -> memref<40xi32, #tpu.memory_space<hbm>>
    tpu.enqueue_dma source(%dma_start3A_56 : memref<40xi32, #tpu.memory_space<hbm>>) target(%arg14 : memref<40xi32, #tpu.memory_space<vmem>>) target_semaphore(%arg21 : memref<!tpu.dma_semaphore, #tpu.memory_space<semaphore_mem>>)
    %dma_start3A_57 = arith.constant 0 : i32
    %dma_start3A_58 = tpu.memref_slice %arg5[%add3A_52, %dma_start3A_57] : memref<320000x16xf32, #tpu.memory_space<hbm>> -> memref<40x16xf32, #tpu.memory_space<hbm>>
    %dma_start3A_59 = arith.constant 0 : i32
    %dma_start3A_60 = tpu.memref_slice %arg5[%add3A_52, %dma_start3A_59] : memref<320000x16xf32, #tpu.memory_space<hbm>> -> memref<40x16xf32, #tpu.memory_space<hbm>>
    tpu.enqueue_dma source(%dma_start3A_60 : memref<40x16xf32, #tpu.memory_space<hbm>>) target(%arg16 : memref<40x16xf32, #tpu.memory_space<vmem>>) target_semaphore(%arg21 : memref<!tpu.dma_semaphore, #tpu.memory_space<semaphore_mem>>)
    %add3A_61 = arith.constant 0 : i32
    %add3A_62 = arith.addi %mul3A_2, %add3A_61 : i32
    %dma_wait3A = tpu.memref_slice %arg3[%add3A_62] : memref<320000xi32, #tpu.memory_space<hbm>> -> memref<40xi32, #tpu.memory_space<hbm>>
    %dma_wait3A_63 = tpu.memref_slice %arg3[%add3A_62] : memref<320000xi32, #tpu.memory_space<hbm>> -> memref<40xi32, #tpu.memory_space<hbm>>
    tpu.wait_dma2 semaphore(%arg20 : memref<!tpu.dma_semaphore, #tpu.memory_space<semaphore_mem>>) src(%dma_wait3A_63 : memref<40xi32, #tpu.memory_space<hbm>>) dst(%arg7 : memref<40xi32, #tpu.memory_space<vmem>>)
    %dma_wait3A_64 = tpu.memref_slice %arg4[%add3A_62] : memref<320000xi32, #tpu.memory_space<hbm>> -> memref<40xi32, #tpu.memory_space<hbm>>
    %dma_wait3A_65 = tpu.memref_slice %arg4[%add3A_62] : memref<320000xi32, #tpu.memory_space<hbm>> -> memref<40xi32, #tpu.memory_space<hbm>>
    tpu.wait_dma2 semaphore(%arg20 : memref<!tpu.dma_semaphore, #tpu.memory_space<semaphore_mem>>) src(%dma_wait3A_65 : memref<40xi32, #tpu.memory_space<hbm>>) dst(%arg8 : memref<40xi32, #tpu.memory_space<vmem>>)
    %dma_wait3A_66 = arith.constant 0 : i32
    %dma_wait3A_67 = tpu.memref_slice %arg5[%add3A_62, %dma_wait3A_66] : memref<320000x16xf32, #tpu.memory_space<hbm>> -> memref<40x16xf32, #tpu.memory_space<hbm>>
    %dma_wait3A_68 = arith.constant 0 : i32
    %dma_wait3A_69 = tpu.memref_slice %arg5[%add3A_62, %dma_wait3A_68] : memref<320000x16xf32, #tpu.memory_space<hbm>> -> memref<40x16xf32, #tpu.memory_space<hbm>>
    tpu.wait_dma2 semaphore(%arg20 : memref<!tpu.dma_semaphore, #tpu.memory_space<semaphore_mem>>) src(%dma_wait3A_69 : memref<40x16xf32, #tpu.memory_space<hbm>>) dst(%arg10 : memref<40x16xf32, #tpu.memory_space<vmem>>)
    %dma_start3A_70 = arith.constant 0 : i32
    %dma_start3A_71 = arith.constant 0 : i32
    %dma_start3A_72 = tpu.memref_slice %arg2[%dma_start3A_70, %dma_start3A_71] : memref<10000x128xf32, #tpu.memory_space<hbm>> -> memref<10000x128xf32, #tpu.memory_space<hbm>>
    tpu.enqueue_indirect_dma source(%dma_start3A_72 : memref<10000x128xf32, #tpu.memory_space<hbm>>) target(%arg11 : memref<40x128xf32, #tpu.memory_space<vmem>>) offsets(%arg7 : memref<40xi32, #tpu.memory_space<vmem>>) semaphore(%arg22 : memref<!tpu.dma_semaphore, #tpu.memory_space<semaphore_mem>>)
    %scan3A_73 = arith.constant 0 : i32
    %scan3A_74 = arith.constant 0 : i32
    %scan3A_75 = arith.constant 125 : i32
    %scan3A_76 = arith.addi %scan3A_74, %scan3A_75 : i32
    %scan3A_77 = arith.constant 1 : i32
    %scan3A_78 = scf.for %scan3A_99 = %scan3A_74 to %scan3A_76 step %scan3A_77 iter_args(%scan3A_100 = %scan3A_73) -> (i32)  : i32 {
      %mul3A_101 = arith.constant 2 : i32
      %mul3A_102 = arith.muli %mul3A_101, %scan3A_99 : i32
      %add3A_103 = arith.constant 1 : i32
      %add3A_104 = arith.addi %mul3A_102, %add3A_103 : i32
      %mul3A_105 = arith.constant 40 : i32
      %mul3A_106 = arith.muli %add3A_104, %mul3A_105 : i32
      %add3A_107 = arith.addi %mul3A_2, %mul3A_106 : i32
      %dma_wait3A_108 = tpu.memref_slice %arg3[%add3A_107] : memref<320000xi32, #tpu.memory_space<hbm>> -> memref<40xi32, #tpu.memory_space<hbm>>
      %dma_wait3A_109 = tpu.memref_slice %arg3[%add3A_107] : memref<320000xi32, #tpu.memory_space<hbm>> -> memref<40xi32, #tpu.memory_space<hbm>>
      tpu.wait_dma2 semaphore(%arg21 : memref<!tpu.dma_semaphore, #tpu.memory_space<semaphore_mem>>) src(%dma_wait3A_109 : memref<40xi32, #tpu.memory_space<hbm>>) dst(%arg13 : memref<40xi32, #tpu.memory_space<vmem>>)
      %dma_wait3A_110 = tpu.memref_slice %arg4[%add3A_107] : memref<320000xi32, #tpu.memory_space<hbm>> -> memref<40xi32, #tpu.memory_space<hbm>>
      %dma_wait3A_111 = tpu.memref_slice %arg4[%add3A_107] : memref<320000xi32, #tpu.memory_space<hbm>> -> memref<40xi32, #tpu.memory_space<hbm>>
      tpu.wait_dma2 semaphore(%arg21 : memref<!tpu.dma_semaphore, #tpu.memory_space<semaphore_mem>>) src(%dma_wait3A_111 : memref<40xi32, #tpu.memory_space<hbm>>) dst(%arg14 : memref<40xi32, #tpu.memory_space<vmem>>)
      %dma_wait3A_112 = arith.constant 0 : i32
      %dma_wait3A_113 = tpu.memref_slice %arg5[%add3A_107, %dma_wait3A_112] : memref<320000x16xf32, #tpu.memory_space<hbm>> -> memref<40x16xf32, #tpu.memory_space<hbm>>
      %dma_wait3A_114 = arith.constant 0 : i32
      %dma_wait3A_115 = tpu.memref_slice %arg5[%add3A_107, %dma_wait3A_114] : memref<320000x16xf32, #tpu.memory_space<hbm>> -> memref<40x16xf32, #tpu.memory_space<hbm>>
      tpu.wait_dma2 semaphore(%arg21 : memref<!tpu.dma_semaphore, #tpu.memory_space<semaphore_mem>>) src(%dma_wait3A_115 : memref<40x16xf32, #tpu.memory_space<hbm>>) dst(%arg16 : memref<40x16xf32, #tpu.memory_space<vmem>>)
      %dma_start3A_116 = arith.constant 0 : i32
      %dma_start3A_117 = arith.constant 0 : i32
      %dma_start3A_118 = tpu.memref_slice %arg2[%dma_start3A_116, %dma_start3A_117] : memref<10000x128xf32, #tpu.memory_space<hbm>> -> memref<10000x128xf32, #tpu.memory_space<hbm>>
      tpu.enqueue_indirect_dma source(%dma_start3A_118 : memref<10000x128xf32, #tpu.memory_space<hbm>>) target(%arg17 : memref<40x128xf32, #tpu.memory_space<vmem>>) offsets(%arg13 : memref<40xi32, #tpu.memory_space<vmem>>) semaphore(%arg23 : memref<!tpu.dma_semaphore, #tpu.memory_space<semaphore_mem>>)
      %dma_wait3A_119 = arith.constant 0 : i32
      %dma_wait3A_120 = arith.constant 0 : i32
      %dma_wait3A_121 = tpu.memref_slice %arg2[%dma_wait3A_119, %dma_wait3A_120] : memref<10000x128xf32, #tpu.memory_space<hbm>> -> memref<10000x128xf32, #tpu.memory_space<hbm>>
      tpu.wait_indirect_dma semaphore(%arg22 : memref<!tpu.dma_semaphore, #tpu.memory_space<semaphore_mem>>) src(%dma_wait3A_121 : memref<10000x128xf32, #tpu.memory_space<hbm>>) dst(%arg11 : memref<40x128xf32, #tpu.memory_space<vmem>>)
      %gt3A = arith.constant 0 : i32
      %gt3A_122 = arith.cmpi sgt, %scan3A_99, %gt3A : i32
      %convert_element_type3A = arith.extui %gt3A_122 : i1 to i32
      %cond3A = arith.constant 0 : i32
      %cond3A_123 = arith.cmpi ne, %convert_element_type3A, %cond3A : i32
      scf.if %cond3A_123 {
        %dma_wait3A_186 = arith.constant 0 : i32
        %dma_wait3A_187 = arith.constant 0 : i32
        %dma_wait3A_188 = tpu.memref_slice %arg19[%dma_wait3A_186, %dma_wait3A_187] : memref<10000x144xf32, #tpu.memory_space<vmem_shared>> -> memref<10000x144xf32, #tpu.memory_space<vmem_shared>>
        tpu.wait_indirect_dma semaphore(%arg24 : memref<!tpu.dma_semaphore, #tpu.memory_space<semaphore_mem>>) src(%arg12 : memref<40x144xf32, #tpu.memory_space<vmem>>) dst(%dma_wait3A_188 : memref<10000x144xf32, #tpu.memory_space<vmem_shared>>)
      } else {
      }
      %parallel_loop3A = arith.constant 0 : i32
      %parallel_loop3A_124 = arith.constant 40 : i32
      %parallel_loop3A_125 = arith.constant 1 : i32
      scf.for %parallel_loop3A_186 = %parallel_loop3A to %parallel_loop3A_124 step %parallel_loop3A_125  : i32 {
        %parallel_loop3A_187 = arith.index_cast %parallel_loop3A_186 : i32 to index
        %parallel_loop3A_188 = arith.constant 0 : index
        %parallel_loop3A_189 = tpu.vector_load %arg10[%parallel_loop3A_187, %parallel_loop3A_188] {strides = array<i32>} : memref<40x16xf32, #tpu.memory_space<vmem>>, vector<16xf32>,
        %parallel_loop3A_190 = arith.constant 0 : i32
        %parallel_loop3A_191 = vector.broadcast %parallel_loop3A_190 : i32 to vector<16xi32>
        %parallel_loop3A_192 = arith.constant 0 : i32
        %parallel_loop3A_193 = vector.broadcast %parallel_loop3A_192 : i32 to vector<16xi32>
        %parallel_loop3A_194 = arith.cmpi slt, %parallel_loop3A_191, %parallel_loop3A_193 : vector<16xi32>
        %parallel_loop3A_195 = arith.constant 16 : i32
        %parallel_loop3A_196 = vector.broadcast %parallel_loop3A_195 : i32 to vector<16xi32>
        %parallel_loop3A_197 = arith.addi %parallel_loop3A_191, %parallel_loop3A_196 : vector<16xi32>
        %parallel_loop3A_198 = arith.select %parallel_loop3A_194, %parallel_loop3A_197, %parallel_loop3A_191 : vector<16xi1>, vector<16xi32>
        %parallel_loop3A_199 = vector.shape_cast %parallel_loop3A_198 : vector<16xi32> to vector<16x1xi32>
        %parallel_loop3A_200 = vector.shape_cast %parallel_loop3A_199 : vector<16x1xi32> to vector<16xi32>
        %parallel_loop3A_201 = tpu.dynamic_gather %parallel_loop3A_189[%parallel_loop3A_200] in [0] : vector<16xf32>, vector<16xi32> -> vector<16xf32>
        %parallel_loop3A_202 = arith.index_cast %parallel_loop3A_186 : i32 to index
        %parallel_loop3A_203 = arith.constant 0 : index
        %parallel_loop3A_204 = tpu.vector_load %arg11[%parallel_loop3A_202, %parallel_loop3A_203] {strides = array<i32>} : memref<40x128xf32, #tpu.memory_space<vmem>>, vector<16xf32>,
        %parallel_loop3A_205 = arith.mulf %parallel_loop3A_204, %parallel_loop3A_201 : vector<16xf32>
        %parallel_loop3A_206 = arith.index_cast %parallel_loop3A_186 : i32 to index
        %parallel_loop3A_207 = arith.constant 0 : index
        %parallel_loop3A_208 = tpu.vector_load %arg12[%parallel_loop3A_206, %parallel_loop3A_207] {strides = array<i32>} : memref<40x144xf32, #tpu.memory_space<vmem>>, vector<16xf32>,
        tpu.vector_store %arg12[%parallel_loop3A_206, %parallel_loop3A_207], %parallel_loop3A_205 {strides = array<i32>} : memref<40x144xf32, #tpu.memory_space<vmem>>, vector<16xf32>,
        %parallel_loop3A_209 = arith.constant 1 : i32
        %parallel_loop3A_210 = vector.broadcast %parallel_loop3A_209 : i32 to vector<16xi32>
        %parallel_loop3A_211 = arith.constant 0 : i32
        %parallel_loop3A_212 = vector.broadcast %parallel_loop3A_211 : i32 to vector<16xi32>
        %parallel_loop3A_213 = arith.cmpi slt, %parallel_loop3A_210, %parallel_loop3A_212 : vector<16xi32>
        %parallel_loop3A_214 = arith.constant 16 : i32
        %parallel_loop3A_215 = vector.broadcast %parallel_loop3A_214 : i32 to vector<16xi32>
        %parallel_loop3A_216 = arith.addi %parallel_loop3A_210, %parallel_loop3A_215 : vector<16xi32>
        %parallel_loop3A_217 = arith.select %parallel_loop3A_213, %parallel_loop3A_216, %parallel_loop3A_210 : vector<16xi1>, vector<16xi32>
        %parallel_loop3A_218 = vector.shape_cast %parallel_loop3A_217 : vector<16xi32> to vector<16x1xi32>
        %parallel_loop3A_219 = vector.shape_cast %parallel_loop3A_218 : vector<16x1xi32> to vector<16xi32>
        %parallel_loop3A_220 = tpu.dynamic_gather %parallel_loop3A_189[%parallel_loop3A_219] in [0] : vector<16xf32>, vector<16xi32> -> vector<16xf32>
        %parallel_loop3A_221 = arith.index_cast %parallel_loop3A_186 : i32 to index
        %parallel_loop3A_222 = arith.constant 16 : index
        %parallel_loop3A_223 = tpu.vector_load %arg11[%parallel_loop3A_221, %parallel_loop3A_222] {strides = array<i32>} : memref<40x128xf32, #tpu.memory_space<vmem>>, vector<16xf32>,
        %parallel_loop3A_224 = arith.mulf %parallel_loop3A_223, %parallel_loop3A_220 : vector<16xf32>
        %parallel_loop3A_225 = arith.index_cast %parallel_loop3A_186 : i32 to index
        %parallel_loop3A_226 = arith.constant 16 : index
        %parallel_loop3A_227 = tpu.vector_load %arg12[%parallel_loop3A_225, %parallel_loop3A_226] {strides = array<i32>} : memref<40x144xf32, #tpu.memory_space<vmem>>, vector<16xf32>,
        tpu.vector_store %arg12[%parallel_loop3A_225, %parallel_loop3A_226], %parallel_loop3A_224 {strides = array<i32>} : memref<40x144xf32, #tpu.memory_space<vmem>>, vector<16xf32>,
        %parallel_loop3A_228 = arith.constant 2 : i32
        %parallel_loop3A_229 = vector.broadcast %parallel_loop3A_228 : i32 to vector<16xi32>
        %parallel_loop3A_230 = arith.constant 0 : i32
        %parallel_loop3A_231 = vector.broadcast %parallel_loop3A_230 : i32 to vector<16xi32>
        %parallel_loop3A_232 = arith.cmpi slt, %parallel_loop3A_229, %parallel_loop3A_231 : vector<16xi32>
        %parallel_loop3A_233 = arith.constant 16 : i32
        %parallel_loop3A_234 = vector.broadcast %parallel_loop3A_233 : i32 to vector<16xi32>
        %parallel_loop3A_235 = arith.addi %parallel_loop3A_229, %parallel_loop3A_234 : vector<16xi32>
        %parallel_loop3A_236 = arith.select %parallel_loop3A_232, %parallel_loop3A_235, %parallel_loop3A_229 : vector<16xi1>, vector<16xi32>
        %parallel_loop3A_237 = vector.shape_cast %parallel_loop3A_236 : vector<16xi32> to vector<16x1xi32>
        %parallel_loop3A_238 = vector.shape_cast %parallel_loop3A_237 : vector<16x1xi32> to vector<16xi32>
        %parallel_loop3A_239 = tpu.dynamic_gather %parallel_loop3A_189[%parallel_loop3A_238] in [0] : vector<16xf32>, vector<16xi32> -> vector<16xf32>
        %parallel_loop3A_240 = arith.index_cast %parallel_loop3A_186 : i32 to index
        %parallel_loop3A_241 = arith.constant 32 : index
        %parallel_loop3A_242 = tpu.vector_load %arg11[%parallel_loop3A_240, %parallel_loop3A_241] {strides = array<i32>} : memref<40x128xf32, #tpu.memory_space<vmem>>, vector<16xf32>,
        %parallel_loop3A_243 = arith.mulf %parallel_loop3A_242, %parallel_loop3A_239 : vector<16xf32>
        %parallel_loop3A_244 = arith.index_cast %parallel_loop3A_186 : i32 to index
        %parallel_loop3A_245 = arith.constant 32 : index
        %parallel_loop3A_246 = tpu.vector_load %arg12[%parallel_loop3A_244, %parallel_loop3A_245] {strides = array<i32>} : memref<40x144xf32, #tpu.memory_space<vmem>>, vector<16xf32>,
        tpu.vector_store %arg12[%parallel_loop3A_244, %parallel_loop3A_245], %parallel_loop3A_243 {strides = array<i32>} : memref<40x144xf32, #tpu.memory_space<vmem>>, vector<16xf32>,
        %parallel_loop3A_247 = arith.constant 3 : i32
        %parallel_loop3A_248 = vector.broadcast %parallel_loop3A_247 : i32 to vector<16xi32>
        %parallel_loop3A_249 = arith.constant 0 : i32
        %parallel_loop3A_250 = vector.broadcast %parallel_loop3A_249 : i32 to vector<16xi32>
        %parallel_loop3A_251 = arith.cmpi slt, %parallel_loop3A_248, %parallel_loop3A_250 : vector<16xi32>
        %parallel_loop3A_252 = arith.constant 16 : i32
        %parallel_loop3A_253 = vector.broadcast %parallel_loop3A_252 : i32 to vector<16xi32>
        %parallel_loop3A_254 = arith.addi %parallel_loop3A_248, %parallel_loop3A_253 : vector<16xi32>
        %parallel_loop3A_255 = arith.select %parallel_loop3A_251, %parallel_loop3A_254, %parallel_loop3A_248 : vector<16xi1>, vector<16xi32>
        %parallel_loop3A_256 = vector.shape_cast %parallel_loop3A_255 : vector<16xi32> to vector<16x1xi32>
        %parallel_loop3A_257 = vector.shape_cast %parallel_loop3A_256 : vector<16x1xi32> to vector<16xi32>
        %parallel_loop3A_258 = tpu.dynamic_gather %parallel_loop3A_189[%parallel_loop3A_257] in [0] : vector<16xf32>, vector<16xi32> -> vector<16xf32>
        %parallel_loop3A_259 = arith.index_cast %parallel_loop3A_186 : i32 to index
        %parallel_loop3A_260 = arith.constant 48 : index
        %parallel_loop3A_261 = tpu.vector_load %arg11[%parallel_loop3A_259, %parallel_loop3A_260] {strides = array<i32>} : memref<40x128xf32, #tpu.memory_space<vmem>>, vector<16xf32>,
        %parallel_loop3A_262 = arith.mulf %parallel_loop3A_261, %parallel_loop3A_258 : vector<16xf32>
        %parallel_loop3A_263 = arith.index_cast %parallel_loop3A_186 : i32 to index
        %parallel_loop3A_264 = arith.constant 48 : index
        %parallel_loop3A_265 = tpu.vector_load %arg12[%parallel_loop3A_263, %parallel_loop3A_264] {strides = array<i32>} : memref<40x144xf32, #tpu.memory_space<vmem>>, vector<16xf32>,
        tpu.vector_store %arg12[%parallel_loop3A_263, %parallel_loop3A_264], %parallel_loop3A_262 {strides = array<i32>} : memref<40x144xf32, #tpu.memory_space<vmem>>, vector<16xf32>,
        %parallel_loop3A_266 = arith.constant 4 : i32
        %parallel_loop3A_267 = vector.broadcast %parallel_loop3A_266 : i32 to vector<16xi32>
        %parallel_loop3A_268 = arith.constant 0 : i32
        %parallel_loop3A_269 = vector.broadcast %parallel_loop3A_268 : i32 to vector<16xi32>
        %parallel_loop3A_270 = arith.cmpi slt, %parallel_loop3A_267, %parallel_loop3A_269 : vector<16xi32>
        %parallel_loop3A_271 = arith.constant 16 : i32
        %parallel_loop3A_272 = vector.broadcast %parallel_loop3A_271 : i32 to vector<16xi32>
        %parallel_loop3A_273 = arith.addi %parallel_loop3A_267, %parallel_loop3A_272 : vector<16xi32>
        %parallel_loop3A_274 = arith.select %parallel_loop3A_270, %parallel_loop3A_273, %parallel_loop3A_267 : vector<16xi1>, vector<16xi32>
        %parallel_loop3A_275 = vector.shape_cast %parallel_loop3A_274 : vector<16xi32> to vector<16x1xi32>
        %parallel_loop3A_276 = vector.shape_cast %parallel_loop3A_275 : vector<16x1xi32> to vector<16xi32>
        %parallel_loop3A_277 = tpu.dynamic_gather %parallel_loop3A_189[%parallel_loop3A_276] in [0] : vector<16xf32>, vector<16xi32> -> vector<16xf32>
        %parallel_loop3A_278 = arith.index_cast %parallel_loop3A_186 : i32 to index
        %parallel_loop3A_279 = arith.constant 64 : index
        %parallel_loop3A_280 = tpu.vector_load %arg11[%parallel_loop3A_278, %parallel_loop3A_279] {strides = array<i32>} : memref<40x128xf32, #tpu.memory_space<vmem>>, vector<16xf32>,
        %parallel_loop3A_281 = arith.mulf %parallel_loop3A_280, %parallel_loop3A_277 : vector<16xf32>
        %parallel_loop3A_282 = arith.index_cast %parallel_loop3A_186 : i32 to index
        %parallel_loop3A_283 = arith.constant 64 : index
        %parallel_loop3A_284 = tpu.vector_load %arg12[%parallel_loop3A_282, %parallel_loop3A_283] {strides = array<i32>} : memref<40x144xf32, #tpu.memory_space<vmem>>, vector<16xf32>,
        tpu.vector_store %arg12[%parallel_loop3A_282, %parallel_loop3A_283], %parallel_loop3A_281 {strides = array<i32>} : memref<40x144xf32, #tpu.memory_space<vmem>>, vector<16xf32>,
        %parallel_loop3A_285 = arith.constant 5 : i32
        %parallel_loop3A_286 = vector.broadcast %parallel_loop3A_285 : i32 to vector<16xi32>
        %parallel_loop3A_287 = arith.constant 0 : i32
        %parallel_loop3A_288 = vector.broadcast %parallel_loop3A_287 : i32 to vector<16xi32>
        %parallel_loop3A_289 = arith.cmpi slt, %parallel_loop3A_286, %parallel_loop3A_288 : vector<16xi32>
        %parallel_loop3A_290 = arith.constant 16 : i32
        %parallel_loop3A_291 = vector.broadcast %parallel_loop3A_290 : i32 to vector<16xi32>
        %parallel_loop3A_292 = arith.addi %parallel_loop3A_286, %parallel_loop3A_291 : vector<16xi32>
        %parallel_loop3A_293 = arith.select %parallel_loop3A_289, %parallel_loop3A_292, %parallel_loop3A_286 : vector<16xi1>, vector<16xi32>
        %parallel_loop3A_294 = vector.shape_cast %parallel_loop3A_293 : vector<16xi32> to vector<16x1xi32>
        %parallel_loop3A_295 = vector.shape_cast %parallel_loop3A_294 : vector<16x1xi32> to vector<16xi32>
        %parallel_loop3A_296 = tpu.dynamic_gather %parallel_loop3A_189[%parallel_loop3A_295] in [0] : vector<16xf32>, vector<16xi32> -> vector<16xf32>
        %parallel_loop3A_297 = arith.index_cast %parallel_loop3A_186 : i32 to index
        %parallel_loop3A_298 = arith.constant 80 : index
        %parallel_loop3A_299 = tpu.vector_load %arg11[%parallel_loop3A_297, %parallel_loop3A_298] {strides = array<i32>} : memref<40x128xf32, #tpu.memory_space<vmem>>, vector<16xf32>,
        %parallel_loop3A_300 = arith.mulf %parallel_loop3A_299, %parallel_loop3A_296 : vector<16xf32>
        %parallel_loop3A_301 = arith.index_cast %parallel_loop3A_186 : i32 to index
        %parallel_loop3A_302 = arith.constant 80 : index
        %parallel_loop3A_303 = tpu.vector_load %arg12[%parallel_loop3A_301, %parallel_loop3A_302] {strides = array<i32>} : memref<40x144xf32, #tpu.memory_space<vmem>>, vector<16xf32>,
        tpu.vector_store %arg12[%parallel_loop3A_301, %parallel_loop3A_302], %parallel_loop3A_300 {strides = array<i32>} : memref<40x144xf32, #tpu.memory_space<vmem>>, vector<16xf32>,
        %parallel_loop3A_304 = arith.constant 6 : i32
        %parallel_loop3A_305 = vector.broadcast %parallel_loop3A_304 : i32 to vector<16xi32>
        %parallel_loop3A_306 = arith.constant 0 : i32
        %parallel_loop3A_307 = vector.broadcast %parallel_loop3A_306 : i32 to vector<16xi32>
        %parallel_loop3A_308 = arith.cmpi slt, %parallel_loop3A_305, %parallel_loop3A_307 : vector<16xi32>
        %parallel_loop3A_309 = arith.constant 16 : i32
        %parallel_loop3A_310 = vector.broadcast %parallel_loop3A_309 : i32 to vector<16xi32>
        %parallel_loop3A_311 = arith.addi %parallel_loop3A_305, %parallel_loop3A_310 : vector<16xi32>
        %parallel_loop3A_312 = arith.select %parallel_loop3A_308, %parallel_loop3A_311, %parallel_loop3A_305 : vector<16xi1>, vector<16xi32>
        %parallel_loop3A_313 = vector.shape_cast %parallel_loop3A_312 : vector<16xi32> to vector<16x1xi32>
        %parallel_loop3A_314 = vector.shape_cast %parallel_loop3A_313 : vector<16x1xi32> to vector<16xi32>
        %parallel_loop3A_315 = tpu.dynamic_gather %parallel_loop3A_189[%parallel_loop3A_314] in [0] : vector<16xf32>, vector<16xi32> -> vector<16xf32>
        %parallel_loop3A_316 = arith.index_cast %parallel_loop3A_186 : i32 to index
        %parallel_loop3A_317 = arith.constant 96 : index
        %parallel_loop3A_318 = tpu.vector_load %arg11[%parallel_loop3A_316, %parallel_loop3A_317] {strides = array<i32>} : memref<40x128xf32, #tpu.memory_space<vmem>>, vector<16xf32>,
        %parallel_loop3A_319 = arith.mulf %parallel_loop3A_318, %parallel_loop3A_315 : vector<16xf32>
        %parallel_loop3A_320 = arith.index_cast %parallel_loop3A_186 : i32 to index
        %parallel_loop3A_321 = arith.constant 96 : index
        %parallel_loop3A_322 = tpu.vector_load %arg12[%parallel_loop3A_320, %parallel_loop3A_321] {strides = array<i32>} : memref<40x144xf32, #tpu.memory_space<vmem>>, vector<16xf32>,
        tpu.vector_store %arg12[%parallel_loop3A_320, %parallel_loop3A_321], %parallel_loop3A_319 {strides = array<i32>} : memref<40x144xf32, #tpu.memory_space<vmem>>, vector<16xf32>,
        %parallel_loop3A_323 = arith.constant 7 : i32
        %parallel_loop3A_324 = vector.broadcast %parallel_loop3A_323 : i32 to vector<16xi32>
        %parallel_loop3A_325 = arith.constant 0 : i32
        %parallel_loop3A_326 = vector.broadcast %parallel_loop3A_325 : i32 to vector<16xi32>
        %parallel_loop3A_327 = arith.cmpi slt, %parallel_loop3A_324, %parallel_loop3A_326 : vector<16xi32>
        %parallel_loop3A_328 = arith.constant 16 : i32
        %parallel_loop3A_329 = vector.broadcast %parallel_loop3A_328 : i32 to vector<16xi32>
        %parallel_loop3A_330 = arith.addi %parallel_loop3A_324, %parallel_loop3A_329 : vector<16xi32>
        %parallel_loop3A_331 = arith.select %parallel_loop3A_327, %parallel_loop3A_330, %parallel_loop3A_324 : vector<16xi1>, vector<16xi32>
        %parallel_loop3A_332 = vector.shape_cast %parallel_loop3A_331 : vector<16xi32> to vector<16x1xi32>
        %parallel_loop3A_333 = vector.shape_cast %parallel_loop3A_332 : vector<16x1xi32> to vector<16xi32>
        %parallel_loop3A_334 = tpu.dynamic_gather %parallel_loop3A_189[%parallel_loop3A_333] in [0] : vector<16xf32>, vector<16xi32> -> vector<16xf32>
        %parallel_loop3A_335 = arith.index_cast %parallel_loop3A_186 : i32 to index
        %parallel_loop3A_336 = arith.constant 112 : index
        %parallel_loop3A_337 = tpu.vector_load %arg11[%parallel_loop3A_335, %parallel_loop3A_336] {strides = array<i32>} : memref<40x128xf32, #tpu.memory_space<vmem>>, vector<16xf32>,
        %parallel_loop3A_338 = arith.mulf %parallel_loop3A_337, %parallel_loop3A_334 : vector<16xf32>
        %parallel_loop3A_339 = arith.index_cast %parallel_loop3A_186 : i32 to index
        %parallel_loop3A_340 = arith.constant 112 : index
        %parallel_loop3A_341 = tpu.vector_load %arg12[%parallel_loop3A_339, %parallel_loop3A_340] {strides = array<i32>} : memref<40x144xf32, #tpu.memory_space<vmem>>, vector<16xf32>,
        tpu.vector_store %arg12[%parallel_loop3A_339, %parallel_loop3A_340], %parallel_loop3A_338 {strides = array<i32>} : memref<40x144xf32, #tpu.memory_space<vmem>>, vector<16xf32>,
        %parallel_loop3A_342 = arith.index_cast %parallel_loop3A_186 : i32 to index
        %parallel_loop3A_343 = arith.constant 128 : index
        %parallel_loop3A_344 = tpu.vector_load %arg12[%parallel_loop3A_342, %parallel_loop3A_343] {strides = array<i32>} : memref<40x144xf32, #tpu.memory_space<vmem>>, vector<16xf32>,
        tpu.vector_store %arg12[%parallel_loop3A_342, %parallel_loop3A_343], %parallel_loop3A_189 {strides = array<i32>} : memref<40x144xf32, #tpu.memory_space<vmem>>, vector<16xf32>,
      } {sc.loop_unroll_factor = 8 : i64, sc.parallel_access}
      %get3A = arith.constant 0 : index
      %get3A_126 = tpu.vector_load %arg8[%get3A] {strides = array<i32>} : memref<40xi32, #tpu.memory_space<vmem>>, vector<16xi32>,
      %swap3A = arith.constant 0 : index
      %swap3A_127 = tpu.vector_load %arg9[%swap3A] {strides = array<i32>} : memref<40xi32, #tpu.memory_space<vmem>>, vector<16xi32>,
      tpu.vector_store %arg9[%swap3A], %get3A_126 {strides = array<i32>} : memref<40xi32, #tpu.memory_space<vmem>>, vector<16xi32>,
      %get3A_128 = arith.constant 16 : index
      %get3A_129 = tpu.vector_load %arg8[%get3A_128] {strides = array<i32>} : memref<40xi32, #tpu.memory_space<vmem>>, vector<16xi32>,
      %swap3A_130 = arith.constant 16 : index
      %swap3A_131 = tpu.vector_load %arg9[%swap3A_130] {strides = array<i32>} : memref<40xi32, #tpu.memory_space<vmem>>, vector<16xi32>,
      tpu.vector_store %arg9[%swap3A_130], %get3A_129 {strides = array<i32>} : memref<40xi32, #tpu.memory_space<vmem>>, vector<16xi32>,
      %get3A_132 = arith.constant 24 : index
      %get3A_133 = tpu.vector_load %arg8[%get3A_132] {strides = array<i32>} : memref<40xi32, #tpu.memory_space<vmem>>, vector<16xi32>,
      %swap3A_134 = arith.constant 24 : index
      %swap3A_135 = tpu.vector_load %arg9[%swap3A_134] {strides = array<i32>} : memref<40xi32, #tpu.memory_space<vmem>>, vector<16xi32>,
      tpu.vector_store %arg9[%swap3A_134], %get3A_133 {strides = array<i32>} : memref<40xi32, #tpu.memory_space<vmem>>, vector<16xi32>,
      %dma_start3A_136 = arith.constant 0 : i32
      %dma_start3A_137 = arith.constant 0 : i32
      %dma_start3A_138 = tpu.memref_slice %arg19[%dma_start3A_136, %dma_start3A_137] : memref<10000x144xf32, #tpu.memory_space<vmem_shared>> -> memref<10000x144xf32, #tpu.memory_space<vmem_shared>>
      tpu.enqueue_indirect_dma source(%arg12 : memref<40x144xf32, #tpu.memory_space<vmem>>) target(%dma_start3A_138 : memref<10000x144xf32, #tpu.memory_space<vmem_shared>>) offsets(%arg9 : memref<40xi32, #tpu.memory_space<vmem>>) semaphore(%arg24 : memref<!tpu.dma_semaphore, #tpu.memory_space<semaphore_mem>>) {add = true}
      %add3A_139 = arith.constant 2 : i32
      %add3A_140 = arith.addi %mul3A_102, %add3A_139 : i32
      %lt3A = arith.constant 250 : i32
      %lt3A_141 = arith.cmpi slt, %add3A_140, %lt3A : i32
      %convert_element_type3A_142 = arith.extui %lt3A_141 : i1 to i32
      %cond3A_143 = arith.constant 0 : i32
      %cond3A_144 = arith.cmpi ne, %convert_element_type3A_142, %cond3A_143 : i32
      scf.if %cond3A_144 {
        %add3A_186 = arith.constant 2 : i32
        %add3A_187 = arith.addi %mul3A_102, %add3A_186 : i32
        %mul3A_188 = arith.constant 40 : i32
        %mul3A_189 = arith.muli %add3A_187, %mul3A_188 : i32
        %add3A_190 = arith.addi %mul3A_2, %mul3A_189 : i32
        %dma_start3A_191 = tpu.memref_slice %arg3[%add3A_190] : memref<320000xi32, #tpu.memory_space<hbm>> -> memref<40xi32, #tpu.memory_space<hbm>>
        %dma_start3A_192 = tpu.memref_slice %arg3[%add3A_190] : memref<320000xi32, #tpu.memory_space<hbm>> -> memref<40xi32, #tpu.memory_space<hbm>>
        tpu.enqueue_dma source(%dma_start3A_192 : memref<40xi32, #tpu.memory_space<hbm>>) target(%arg7 : memref<40xi32, #tpu.memory_space<vmem>>) target_semaphore(%arg20 : memref<!tpu.dma_semaphore, #tpu.memory_space<semaphore_mem>>)
        %dma_start3A_193 = tpu.memref_slice %arg4[%add3A_190] : memref<320000xi32, #tpu.memory_space<hbm>> -> memref<40xi32, #tpu.memory_space<hbm>>
        %dma_start3A_194 = tpu.memref_slice %arg4[%add3A_190] : memref<320000xi32, #tpu.memory_space<hbm>> -> memref<40xi32, #tpu.memory_space<hbm>>
        tpu.enqueue_dma source(%dma_start3A_194 : memref<40xi32, #tpu.memory_space<hbm>>) target(%arg8 : memref<40xi32, #tpu.memory_space<vmem>>) target_semaphore(%arg20 : memref<!tpu.dma_semaphore, #tpu.memory_space<semaphore_mem>>)
        %dma_start3A_195 = arith.constant 0 : i32
        %dma_start3A_196 = tpu.memref_slice %arg5[%add3A_190, %dma_start3A_195] : memref<320000x16xf32, #tpu.memory_space<hbm>> -> memref<40x16xf32, #tpu.memory_space<hbm>>
        %dma_start3A_197 = arith.constant 0 : i32
        %dma_start3A_198 = tpu.memref_slice %arg5[%add3A_190, %dma_start3A_197] : memref<320000x16xf32, #tpu.memory_space<hbm>> -> memref<40x16xf32, #tpu.memory_space<hbm>>
        tpu.enqueue_dma source(%dma_start3A_198 : memref<40x16xf32, #tpu.memory_space<hbm>>) target(%arg10 : memref<40x16xf32, #tpu.memory_space<vmem>>) target_semaphore(%arg20 : memref<!tpu.dma_semaphore, #tpu.memory_space<semaphore_mem>>)
      } else {
      }
      %dma_wait3A_145 = arith.constant 0 : i32
      %dma_wait3A_146 = arith.constant 0 : i32
      %dma_wait3A_147 = tpu.memref_slice %arg2[%dma_wait3A_145, %dma_wait3A_146] : memref<10000x128xf32, #tpu.memory_space<hbm>> -> memref<10000x128xf32, #tpu.memory_space<hbm>>
      tpu.wait_indirect_dma semaphore(%arg23 : memref<!tpu.dma_semaphore, #tpu.memory_space<semaphore_mem>>) src(%dma_wait3A_147 : memref<10000x128xf32, #tpu.memory_space<hbm>>) dst(%arg17 : memref<40x128xf32, #tpu.memory_space<vmem>>)
      %gt3A_148 = arith.constant 0 : i32
      %gt3A_149 = arith.cmpi sgt, %scan3A_99, %gt3A_148 : i32
      %convert_element_type3A_150 = arith.extui %gt3A_149 : i1 to i32
      %cond3A_151 = arith.constant 0 : i32
      %cond3A_152 = arith.cmpi ne, %convert_element_type3A_150, %cond3A_151 : i32
      scf.if %cond3A_152 {
        %dma_wait3A_186 = arith.constant 0 : i32
        %dma_wait3A_187 = arith.constant 0 : i32
        %dma_wait3A_188 = tpu.memref_slice %arg19[%dma_wait3A_186, %dma_wait3A_187] : memref<10000x144xf32, #tpu.memory_space<vmem_shared>> -> memref<10000x144xf32, #tpu.memory_space<vmem_shared>>
        tpu.wait_indirect_dma semaphore(%arg25 : memref<!tpu.dma_semaphore, #tpu.memory_space<semaphore_mem>>) src(%arg18 : memref<40x144xf32, #tpu.memory_space<vmem>>) dst(%dma_wait3A_188 : memref<10000x144xf32, #tpu.memory_space<vmem_shared>>)
      } else {
      }
      %parallel_loop3A_153 = arith.constant 0 : i32
      %parallel_loop3A_154 = arith.constant 40 : i32
      %parallel_loop3A_155 = arith.constant 1 : i32
      scf.for %parallel_loop3A_186 = %parallel_loop3A_153 to %parallel_loop3A_154 step %parallel_loop3A_155  : i32 {
        %parallel_loop3A_187 = arith.index_cast %parallel_loop3A_186 : i32 to index
        %parallel_loop3A_188 = arith.constant 0 : index
        %parallel_loop3A_189 = tpu.vector_load %arg16[%parallel_loop3A_187, %parallel_loop3A_188] {strides = array<i32>} : memref<40x16xf32, #tpu.memory_space<vmem>>, vector<16xf32>,
        %parallel_loop3A_190 = arith.constant 0 : i32
        %parallel_loop3A_191 = vector.broadcast %parallel_loop3A_190 : i32 to vector<16xi32>
        %parallel_loop3A_192 = arith.constant 0 : i32
        %parallel_loop3A_193 = vector.broadcast %parallel_loop3A_192 : i32 to vector<16xi32>
        %parallel_loop3A_194 = arith.cmpi slt, %parallel_loop3A_191, %parallel_loop3A_193 : vector<16xi32>
        %parallel_loop3A_195 = arith.constant 16 : i32
        %parallel_loop3A_196 = vector.broadcast %parallel_loop3A_195 : i32 to vector<16xi32>
        %parallel_loop3A_197 = arith.addi %parallel_loop3A_191, %parallel_loop3A_196 : vector<16xi32>
        %parallel_loop3A_198 = arith.select %parallel_loop3A_194, %parallel_loop3A_197, %parallel_loop3A_191 : vector<16xi1>, vector<16xi32>
        %parallel_loop3A_199 = vector.shape_cast %parallel_loop3A_198 : vector<16xi32> to vector<16x1xi32>
        %parallel_loop3A_200 = vector.shape_cast %parallel_loop3A_199 : vector<16x1xi32> to vector<16xi32>
        %parallel_loop3A_201 = tpu.dynamic_gather %parallel_loop3A_189[%parallel_loop3A_200] in [0] : vector<16xf32>, vector<16xi32> -> vector<16xf32>
        %parallel_loop3A_202 = arith.index_cast %parallel_loop3A_186 : i32 to index
        %parallel_loop3A_203 = arith.constant 0 : index
        %parallel_loop3A_204 = tpu.vector_load %arg17[%parallel_loop3A_202, %parallel_loop3A_203] {strides = array<i32>} : memref<40x128xf32, #tpu.memory_space<vmem>>, vector<16xf32>,
        %parallel_loop3A_205 = arith.mulf %parallel_loop3A_204, %parallel_loop3A_201 : vector<16xf32>
        %parallel_loop3A_206 = arith.index_cast %parallel_loop3A_186 : i32 to index
        %parallel_loop3A_207 = arith.constant 0 : index
        %parallel_loop3A_208 = tpu.vector_load %arg18[%parallel_loop3A_206, %parallel_loop3A_207] {strides = array<i32>} : memref<40x144xf32, #tpu.memory_space<vmem>>, vector<16xf32>,
        tpu.vector_store %arg18[%parallel_loop3A_206, %parallel_loop3A_207], %parallel_loop3A_205 {strides = array<i32>} : memref<40x144xf32, #tpu.memory_space<vmem>>, vector<16xf32>,
        %parallel_loop3A_209 = arith.constant 1 : i32
        %parallel_loop3A_210 = vector.broadcast %parallel_loop3A_209 : i32 to vector<16xi32>
        %parallel_loop3A_211 = arith.constant 0 : i32
        %parallel_loop3A_212 = vector.broadcast %parallel_loop3A_211 : i32 to vector<16xi32>
        %parallel_loop3A_213 = arith.cmpi slt, %parallel_loop3A_210, %parallel_loop3A_212 : vector<16xi32>
        %parallel_loop3A_214 = arith.constant 16 : i32
        %parallel_loop3A_215 = vector.broadcast %parallel_loop3A_214 : i32 to vector<16xi32>
        %parallel_loop3A_216 = arith.addi %parallel_loop3A_210, %parallel_loop3A_215 : vector<16xi32>
        %parallel_loop3A_217 = arith.select %parallel_loop3A_213, %parallel_loop3A_216, %parallel_loop3A_210 : vector<16xi1>, vector<16xi32>
        %parallel_loop3A_218 = vector.shape_cast %parallel_loop3A_217 : vector<16xi32> to vector<16x1xi32>
        %parallel_loop3A_219 = vector.shape_cast %parallel_loop3A_218 : vector<16x1xi32> to vector<16xi32>
        %parallel_loop3A_220 = tpu.dynamic_gather %parallel_loop3A_189[%parallel_loop3A_219] in [0] : vector<16xf32>, vector<16xi32> -> vector<16xf32>
        %parallel_loop3A_221 = arith.index_cast %parallel_loop3A_186 : i32 to index
        %parallel_loop3A_222 = arith.constant 16 : index
        %parallel_loop3A_223 = tpu.vector_load %arg17[%parallel_loop3A_221, %parallel_loop3A_222] {strides = array<i32>} : memref<40x128xf32, #tpu.memory_space<vmem>>, vector<16xf32>,
        %parallel_loop3A_224 = arith.mulf %parallel_loop3A_223, %parallel_loop3A_220 : vector<16xf32>
        %parallel_loop3A_225 = arith.index_cast %parallel_loop3A_186 : i32 to index
        %parallel_loop3A_226 = arith.constant 16 : index
        %parallel_loop3A_227 = tpu.vector_load %arg18[%parallel_loop3A_225, %parallel_loop3A_226] {strides = array<i32>} : memref<40x144xf32, #tpu.memory_space<vmem>>, vector<16xf32>,
        tpu.vector_store %arg18[%parallel_loop3A_225, %parallel_loop3A_226], %parallel_loop3A_224 {strides = array<i32>} : memref<40x144xf32, #tpu.memory_space<vmem>>, vector<16xf32>,
        %parallel_loop3A_228 = arith.constant 2 : i32
        %parallel_loop3A_229 = vector.broadcast %parallel_loop3A_228 : i32 to vector<16xi32>
        %parallel_loop3A_230 = arith.constant 0 : i32
        %parallel_loop3A_231 = vector.broadcast %parallel_loop3A_230 : i32 to vector<16xi32>
        %parallel_loop3A_232 = arith.cmpi slt, %parallel_loop3A_229, %parallel_loop3A_231 : vector<16xi32>
        %parallel_loop3A_233 = arith.constant 16 : i32
        %parallel_loop3A_234 = vector.broadcast %parallel_loop3A_233 : i32 to vector<16xi32>
        %parallel_loop3A_235 = arith.addi %parallel_loop3A_229, %parallel_loop3A_234 : vector<16xi32>
        %parallel_loop3A_236 = arith.select %parallel_loop3A_232, %parallel_loop3A_235, %parallel_loop3A_229 : vector<16xi1>, vector<16xi32>
        %parallel_loop3A_237 = vector.shape_cast %parallel_loop3A_236 : vector<16xi32> to vector<16x1xi32>
        %parallel_loop3A_238 = vector.shape_cast %parallel_loop3A_237 : vector<16x1xi32> to vector<16xi32>
        %parallel_loop3A_239 = tpu.dynamic_gather %parallel_loop3A_189[%parallel_loop3A_238] in [0] : vector<16xf32>, vector<16xi32> -> vector<16xf32>
        %parallel_loop3A_240 = arith.index_cast %parallel_loop3A_186 : i32 to index
        %parallel_loop3A_241 = arith.constant 32 : index
        %parallel_loop3A_242 = tpu.vector_load %arg17[%parallel_loop3A_240, %parallel_loop3A_241] {strides = array<i32>} : memref<40x128xf32, #tpu.memory_space<vmem>>, vector<16xf32>,
        %parallel_loop3A_243 = arith.mulf %parallel_loop3A_242, %parallel_loop3A_239 : vector<16xf32>
        %parallel_loop3A_244 = arith.index_cast %parallel_loop3A_186 : i32 to index
        %parallel_loop3A_245 = arith.constant 32 : index
        %parallel_loop3A_246 = tpu.vector_load %arg18[%parallel_loop3A_244, %parallel_loop3A_245] {strides = array<i32>} : memref<40x144xf32, #tpu.memory_space<vmem>>, vector<16xf32>,
        tpu.vector_store %arg18[%parallel_loop3A_244, %parallel_loop3A_245], %parallel_loop3A_243 {strides = array<i32>} : memref<40x144xf32, #tpu.memory_space<vmem>>, vector<16xf32>,
        %parallel_loop3A_247 = arith.constant 3 : i32
        %parallel_loop3A_248 = vector.broadcast %parallel_loop3A_247 : i32 to vector<16xi32>
        %parallel_loop3A_249 = arith.constant 0 : i32
        %parallel_loop3A_250 = vector.broadcast %parallel_loop3A_249 : i32 to vector<16xi32>
        %parallel_loop3A_251 = arith.cmpi slt, %parallel_loop3A_248, %parallel_loop3A_250 : vector<16xi32>
        %parallel_loop3A_252 = arith.constant 16 : i32
        %parallel_loop3A_253 = vector.broadcast %parallel_loop3A_252 : i32 to vector<16xi32>
        %parallel_loop3A_254 = arith.addi %parallel_loop3A_248, %parallel_loop3A_253 : vector<16xi32>
        %parallel_loop3A_255 = arith.select %parallel_loop3A_251, %parallel_loop3A_254, %parallel_loop3A_248 : vector<16xi1>, vector<16xi32>
        %parallel_loop3A_256 = vector.shape_cast %parallel_loop3A_255 : vector<16xi32> to vector<16x1xi32>
        %parallel_loop3A_257 = vector.shape_cast %parallel_loop3A_256 : vector<16x1xi32> to vector<16xi32>
        %parallel_loop3A_258 = tpu.dynamic_gather %parallel_loop3A_189[%parallel_loop3A_257] in [0] : vector<16xf32>, vector<16xi32> -> vector<16xf32>
        %parallel_loop3A_259 = arith.index_cast %parallel_loop3A_186 : i32 to index
        %parallel_loop3A_260 = arith.constant 48 : index
        %parallel_loop3A_261 = tpu.vector_load %arg17[%parallel_loop3A_259, %parallel_loop3A_260] {strides = array<i32>} : memref<40x128xf32, #tpu.memory_space<vmem>>, vector<16xf32>,
        %parallel_loop3A_262 = arith.mulf %parallel_loop3A_261, %parallel_loop3A_258 : vector<16xf32>
        %parallel_loop3A_263 = arith.index_cast %parallel_loop3A_186 : i32 to index
        %parallel_loop3A_264 = arith.constant 48 : index
        %parallel_loop3A_265 = tpu.vector_load %arg18[%parallel_loop3A_263, %parallel_loop3A_264] {strides = array<i32>} : memref<40x144xf32, #tpu.memory_space<vmem>>, vector<16xf32>,
        tpu.vector_store %arg18[%parallel_loop3A_263, %parallel_loop3A_264], %parallel_loop3A_262 {strides = array<i32>} : memref<40x144xf32, #tpu.memory_space<vmem>>, vector<16xf32>,
        %parallel_loop3A_266 = arith.constant 4 : i32
        %parallel_loop3A_267 = vector.broadcast %parallel_loop3A_266 : i32 to vector<16xi32>
        %parallel_loop3A_268 = arith.constant 0 : i32
        %parallel_loop3A_269 = vector.broadcast %parallel_loop3A_268 : i32 to vector<16xi32>
        %parallel_loop3A_270 = arith.cmpi slt, %parallel_loop3A_267, %parallel_loop3A_269 : vector<16xi32>
        %parallel_loop3A_271 = arith.constant 16 : i32
        %parallel_loop3A_272 = vector.broadcast %parallel_loop3A_271 : i32 to vector<16xi32>
        %parallel_loop3A_273 = arith.addi %parallel_loop3A_267, %parallel_loop3A_272 : vector<16xi32>
        %parallel_loop3A_274 = arith.select %parallel_loop3A_270, %parallel_loop3A_273, %parallel_loop3A_267 : vector<16xi1>, vector<16xi32>
        %parallel_loop3A_275 = vector.shape_cast %parallel_loop3A_274 : vector<16xi32> to vector<16x1xi32>
        %parallel_loop3A_276 = vector.shape_cast %parallel_loop3A_275 : vector<16x1xi32> to vector<16xi32>
        %parallel_loop3A_277 = tpu.dynamic_gather %parallel_loop3A_189[%parallel_loop3A_276] in [0] : vector<16xf32>, vector<16xi32> -> vector<16xf32>
        %parallel_loop3A_278 = arith.index_cast %parallel_loop3A_186 : i32 to index
        %parallel_loop3A_279 = arith.constant 64 : index
        %parallel_loop3A_280 = tpu.vector_load %arg17[%parallel_loop3A_278, %parallel_loop3A_279] {strides = array<i32>} : memref<40x128xf32, #tpu.memory_space<vmem>>, vector<16xf32>,
        %parallel_loop3A_281 = arith.mulf %parallel_loop3A_280, %parallel_loop3A_277 : vector<16xf32>
        %parallel_loop3A_282 = arith.index_cast %parallel_loop3A_186 : i32 to index
        %parallel_loop3A_283 = arith.constant 64 : index
        %parallel_loop3A_284 = tpu.vector_load %arg18[%parallel_loop3A_282, %parallel_loop3A_283] {strides = array<i32>} : memref<40x144xf32, #tpu.memory_space<vmem>>, vector<16xf32>,
        tpu.vector_store %arg18[%parallel_loop3A_282, %parallel_loop3A_283], %parallel_loop3A_281 {strides = array<i32>} : memref<40x144xf32, #tpu.memory_space<vmem>>, vector<16xf32>,
        %parallel_loop3A_285 = arith.constant 5 : i32
        %parallel_loop3A_286 = vector.broadcast %parallel_loop3A_285 : i32 to vector<16xi32>
        %parallel_loop3A_287 = arith.constant 0 : i32
        %parallel_loop3A_288 = vector.broadcast %parallel_loop3A_287 : i32 to vector<16xi32>
        %parallel_loop3A_289 = arith.cmpi slt, %parallel_loop3A_286, %parallel_loop3A_288 : vector<16xi32>
        %parallel_loop3A_290 = arith.constant 16 : i32
        %parallel_loop3A_291 = vector.broadcast %parallel_loop3A_290 : i32 to vector<16xi32>
        %parallel_loop3A_292 = arith.addi %parallel_loop3A_286, %parallel_loop3A_291 : vector<16xi32>
        %parallel_loop3A_293 = arith.select %parallel_loop3A_289, %parallel_loop3A_292, %parallel_loop3A_286 : vector<16xi1>, vector<16xi32>
        %parallel_loop3A_294 = vector.shape_cast %parallel_loop3A_293 : vector<16xi32> to vector<16x1xi32>
        %parallel_loop3A_295 = vector.shape_cast %parallel_loop3A_294 : vector<16x1xi32> to vector<16xi32>
        %parallel_loop3A_296 = tpu.dynamic_gather %parallel_loop3A_189[%parallel_loop3A_295] in [0] : vector<16xf32>, vector<16xi32> -> vector<16xf32>
        %parallel_loop3A_297 = arith.index_cast %parallel_loop3A_186 : i32 to index
        %parallel_loop3A_298 = arith.constant 80 : index
        %parallel_loop3A_299 = tpu.vector_load %arg17[%parallel_loop3A_297, %parallel_loop3A_298] {strides = array<i32>} : memref<40x128xf32, #tpu.memory_space<vmem>>, vector<16xf32>,
        %parallel_loop3A_300 = arith.mulf %parallel_loop3A_299, %parallel_loop3A_296 : vector<16xf32>
        %parallel_loop3A_301 = arith.index_cast %parallel_loop3A_186 : i32 to index
        %parallel_loop3A_302 = arith.constant 80 : index
        %parallel_loop3A_303 = tpu.vector_load %arg18[%parallel_loop3A_301, %parallel_loop3A_302] {strides = array<i32>} : memref<40x144xf32, #tpu.memory_space<vmem>>, vector<16xf32>,
        tpu.vector_store %arg18[%parallel_loop3A_301, %parallel_loop3A_302], %parallel_loop3A_300 {strides = array<i32>} : memref<40x144xf32, #tpu.memory_space<vmem>>, vector<16xf32>,
        %parallel_loop3A_304 = arith.constant 6 : i32
        %parallel_loop3A_305 = vector.broadcast %parallel_loop3A_304 : i32 to vector<16xi32>
        %parallel_loop3A_306 = arith.constant 0 : i32
        %parallel_loop3A_307 = vector.broadcast %parallel_loop3A_306 : i32 to vector<16xi32>
        %parallel_loop3A_308 = arith.cmpi slt, %parallel_loop3A_305, %parallel_loop3A_307 : vector<16xi32>
        %parallel_loop3A_309 = arith.constant 16 : i32
        %parallel_loop3A_310 = vector.broadcast %parallel_loop3A_309 : i32 to vector<16xi32>
        %parallel_loop3A_311 = arith.addi %parallel_loop3A_305, %parallel_loop3A_310 : vector<16xi32>
        %parallel_loop3A_312 = arith.select %parallel_loop3A_308, %parallel_loop3A_311, %parallel_loop3A_305 : vector<16xi1>, vector<16xi32>
        %parallel_loop3A_313 = vector.shape_cast %parallel_loop3A_312 : vector<16xi32> to vector<16x1xi32>
        %parallel_loop3A_314 = vector.shape_cast %parallel_loop3A_313 : vector<16x1xi32> to vector<16xi32>
        %parallel_loop3A_315 = tpu.dynamic_gather %parallel_loop3A_189[%parallel_loop3A_314] in [0] : vector<16xf32>, vector<16xi32> -> vector<16xf32>
        %parallel_loop3A_316 = arith.index_cast %parallel_loop3A_186 : i32 to index
        %parallel_loop3A_317 = arith.constant 96 : index
        %parallel_loop3A_318 = tpu.vector_load %arg17[%parallel_loop3A_316, %parallel_loop3A_317] {strides = array<i32>} : memref<40x128xf32, #tpu.memory_space<vmem>>, vector<16xf32>,
        %parallel_loop3A_319 = arith.mulf %parallel_loop3A_318, %parallel_loop3A_315 : vector<16xf32>
        %parallel_loop3A_320 = arith.index_cast %parallel_loop3A_186 : i32 to index
        %parallel_loop3A_321 = arith.constant 96 : index
        %parallel_loop3A_322 = tpu.vector_load %arg18[%parallel_loop3A_320, %parallel_loop3A_321] {strides = array<i32>} : memref<40x144xf32, #tpu.memory_space<vmem>>, vector<16xf32>,
        tpu.vector_store %arg18[%parallel_loop3A_320, %parallel_loop3A_321], %parallel_loop3A_319 {strides = array<i32>} : memref<40x144xf32, #tpu.memory_space<vmem>>, vector<16xf32>,
        %parallel_loop3A_323 = arith.constant 7 : i32
        %parallel_loop3A_324 = vector.broadcast %parallel_loop3A_323 : i32 to vector<16xi32>
        %parallel_loop3A_325 = arith.constant 0 : i32
        %parallel_loop3A_326 = vector.broadcast %parallel_loop3A_325 : i32 to vector<16xi32>
        %parallel_loop3A_327 = arith.cmpi slt, %parallel_loop3A_324, %parallel_loop3A_326 : vector<16xi32>
        %parallel_loop3A_328 = arith.constant 16 : i32
        %parallel_loop3A_329 = vector.broadcast %parallel_loop3A_328 : i32 to vector<16xi32>
        %parallel_loop3A_330 = arith.addi %parallel_loop3A_324, %parallel_loop3A_329 : vector<16xi32>
        %parallel_loop3A_331 = arith.select %parallel_loop3A_327, %parallel_loop3A_330, %parallel_loop3A_324 : vector<16xi1>, vector<16xi32>
        %parallel_loop3A_332 = vector.shape_cast %parallel_loop3A_331 : vector<16xi32> to vector<16x1xi32>
        %parallel_loop3A_333 = vector.shape_cast %parallel_loop3A_332 : vector<16x1xi32> to vector<16xi32>
        %parallel_loop3A_334 = tpu.dynamic_gather %parallel_loop3A_189[%parallel_loop3A_333] in [0] : vector<16xf32>, vector<16xi32> -> vector<16xf32>
        %parallel_loop3A_335 = arith.index_cast %parallel_loop3A_186 : i32 to index
        %parallel_loop3A_336 = arith.constant 112 : index
        %parallel_loop3A_337 = tpu.vector_load %arg17[%parallel_loop3A_335, %parallel_loop3A_336] {strides = array<i32>} : memref<40x128xf32, #tpu.memory_space<vmem>>, vector<16xf32>,
        %parallel_loop3A_338 = arith.mulf %parallel_loop3A_337, %parallel_loop3A_334 : vector<16xf32>
        %parallel_loop3A_339 = arith.index_cast %parallel_loop3A_186 : i32 to index
        %parallel_loop3A_340 = arith.constant 112 : index
        %parallel_loop3A_341 = tpu.vector_load %arg18[%parallel_loop3A_339, %parallel_loop3A_340] {strides = array<i32>} : memref<40x144xf32, #tpu.memory_space<vmem>>, vector<16xf32>,
        tpu.vector_store %arg18[%parallel_loop3A_339, %parallel_loop3A_340], %parallel_loop3A_338 {strides = array<i32>} : memref<40x144xf32, #tpu.memory_space<vmem>>, vector<16xf32>,
        %parallel_loop3A_342 = arith.index_cast %parallel_loop3A_186 : i32 to index
        %parallel_loop3A_343 = arith.constant 128 : index
        %parallel_loop3A_344 = tpu.vector_load %arg18[%parallel_loop3A_342, %parallel_loop3A_343] {strides = array<i32>} : memref<40x144xf32, #tpu.memory_space<vmem>>, vector<16xf32>,
        tpu.vector_store %arg18[%parallel_loop3A_342, %parallel_loop3A_343], %parallel_loop3A_189 {strides = array<i32>} : memref<40x144xf32, #tpu.memory_space<vmem>>, vector<16xf32>,
      } {sc.loop_unroll_factor = 8 : i64, sc.parallel_access}
      %get3A_156 = arith.constant 0 : index
      %get3A_157 = tpu.vector_load %arg14[%get3A_156] {strides = array<i32>} : memref<40xi32, #tpu.memory_space<vmem>>, vector<16xi32>,
      %swap3A_158 = arith.constant 0 : index
      %swap3A_159 = tpu.vector_load %arg15[%swap3A_158] {strides = array<i32>} : memref<40xi32, #tpu.memory_space<vmem>>, vector<16xi32>,
      tpu.vector_store %arg15[%swap3A_158], %get3A_157 {strides = array<i32>} : memref<40xi32, #tpu.memory_space<vmem>>, vector<16xi32>,
      %get3A_160 = arith.constant 16 : index
      %get3A_161 = tpu.vector_load %arg14[%get3A_160] {strides = array<i32>} : memref<40xi32, #tpu.memory_space<vmem>>, vector<16xi32>,
      %swap3A_162 = arith.constant 16 : index
      %swap3A_163 = tpu.vector_load %arg15[%swap3A_162] {strides = array<i32>} : memref<40xi32, #tpu.memory_space<vmem>>, vector<16xi32>,
      tpu.vector_store %arg15[%swap3A_162], %get3A_161 {strides = array<i32>} : memref<40xi32, #tpu.memory_space<vmem>>, vector<16xi32>,
      %get3A_164 = arith.constant 24 : index
      %get3A_165 = tpu.vector_load %arg14[%get3A_164] {strides = array<i32>} : memref<40xi32, #tpu.memory_space<vmem>>, vector<16xi32>,
      %swap3A_166 = arith.constant 24 : index
      %swap3A_167 = tpu.vector_load %arg15[%swap3A_166] {strides = array<i32>} : memref<40xi32, #tpu.memory_space<vmem>>, vector<16xi32>,
      tpu.vector_store %arg15[%swap3A_166], %get3A_165 {strides = array<i32>} : memref<40xi32, #tpu.memory_space<vmem>>, vector<16xi32>,
      %dma_start3A_168 = arith.constant 0 : i32
      %dma_start3A_169 = arith.constant 0 : i32
      %dma_start3A_170 = tpu.memref_slice %arg19[%dma_start3A_168, %dma_start3A_169] : memref<10000x144xf32, #tpu.memory_space<vmem_shared>> -> memref<10000x144xf32, #tpu.memory_space<vmem_shared>>
      tpu.enqueue_indirect_dma source(%arg18 : memref<40x144xf32, #tpu.memory_space<vmem>>) target(%dma_start3A_170 : memref<10000x144xf32, #tpu.memory_space<vmem_shared>>) offsets(%arg15 : memref<40xi32, #tpu.memory_space<vmem>>) semaphore(%arg25 : memref<!tpu.dma_semaphore, #tpu.memory_space<semaphore_mem>>) {add = true}
      %add3A_171 = arith.constant 2 : i32
      %add3A_172 = arith.addi %add3A_104, %add3A_171 : i32
      %lt3A_173 = arith.constant 250 : i32
      %lt3A_174 = arith.cmpi slt, %add3A_172, %lt3A_173 : i32
      %convert_element_type3A_175 = arith.extui %lt3A_174 : i1 to i32
      %cond3A_176 = arith.constant 0 : i32
      %cond3A_177 = arith.cmpi ne, %convert_element_type3A_175, %cond3A_176 : i32
      scf.if %cond3A_177 {
        %add3A_186 = arith.constant 2 : i32
        %add3A_187 = arith.addi %add3A_104, %add3A_186 : i32
        %mul3A_188 = arith.constant 40 : i32
        %mul3A_189 = arith.muli %add3A_187, %mul3A_188 : i32
        %add3A_190 = arith.addi %mul3A_2, %mul3A_189 : i32
        %dma_start3A_191 = tpu.memref_slice %arg3[%add3A_190] : memref<320000xi32, #tpu.memory_space<hbm>> -> memref<40xi32, #tpu.memory_space<hbm>>
        %dma_start3A_192 = tpu.memref_slice %arg3[%add3A_190] : memref<320000xi32, #tpu.memory_space<hbm>> -> memref<40xi32, #tpu.memory_space<hbm>>
        tpu.enqueue_dma source(%dma_start3A_192 : memref<40xi32, #tpu.memory_space<hbm>>) target(%arg13 : memref<40xi32, #tpu.memory_space<vmem>>) target_semaphore(%arg21 : memref<!tpu.dma_semaphore, #tpu.memory_space<semaphore_mem>>)
        %dma_start3A_193 = tpu.memref_slice %arg4[%add3A_190] : memref<320000xi32, #tpu.memory_space<hbm>> -> memref<40xi32, #tpu.memory_space<hbm>>
        %dma_start3A_194 = tpu.memref_slice %arg4[%add3A_190] : memref<320000xi32, #tpu.memory_space<hbm>> -> memref<40xi32, #tpu.memory_space<hbm>>
        tpu.enqueue_dma source(%dma_start3A_194 : memref<40xi32, #tpu.memory_space<hbm>>) target(%arg14 : memref<40xi32, #tpu.memory_space<vmem>>) target_semaphore(%arg21 : memref<!tpu.dma_semaphore, #tpu.memory_space<semaphore_mem>>)
        %dma_start3A_195 = arith.constant 0 : i32
        %dma_start3A_196 = tpu.memref_slice %arg5[%add3A_190, %dma_start3A_195] : memref<320000x16xf32, #tpu.memory_space<hbm>> -> memref<40x16xf32, #tpu.memory_space<hbm>>
        %dma_start3A_197 = arith.constant 0 : i32
        %dma_start3A_198 = tpu.memref_slice %arg5[%add3A_190, %dma_start3A_197] : memref<320000x16xf32, #tpu.memory_space<hbm>> -> memref<40x16xf32, #tpu.memory_space<hbm>>
        tpu.enqueue_dma source(%dma_start3A_198 : memref<40x16xf32, #tpu.memory_space<hbm>>) target(%arg16 : memref<40x16xf32, #tpu.memory_space<vmem>>) target_semaphore(%arg21 : memref<!tpu.dma_semaphore, #tpu.memory_space<semaphore_mem>>)
      } else {
      }
      %add3A_178 = arith.constant 2 : i32
      %add3A_179 = arith.addi %mul3A_102, %add3A_178 : i32
      %lt3A_180 = arith.constant 250 : i32
      %lt3A_181 = arith.cmpi slt, %add3A_179, %lt3A_180 : i32
      %convert_element_type3A_182 = arith.extui %lt3A_181 : i1 to i32
      %cond3A_183 = arith.constant 0 : i32
      %cond3A_184 = arith.cmpi ne, %convert_element_type3A_182, %cond3A_183 : i32
      scf.if %cond3A_184 {
        %add3A_186 = arith.constant 2 : i32
        %add3A_187 = arith.addi %mul3A_102, %add3A_186 : i32
        %mul3A_188 = arith.constant 40 : i32
        %mul3A_189 = arith.muli %add3A_187, %mul3A_188 : i32
        %add3A_190 = arith.addi %mul3A_2, %mul3A_189 : i32
        %dma_wait3A_191 = tpu.memref_slice %arg3[%add3A_190] : memref<320000xi32, #tpu.memory_space<hbm>> -> memref<40xi32, #tpu.memory_space<hbm>>
        %dma_wait3A_192 = tpu.memref_slice %arg3[%add3A_190] : memref<320000xi32, #tpu.memory_space<hbm>> -> memref<40xi32, #tpu.memory_space<hbm>>
        tpu.wait_dma2 semaphore(%arg20 : memref<!tpu.dma_semaphore, #tpu.memory_space<semaphore_mem>>) src(%dma_wait3A_192 : memref<40xi32, #tpu.memory_space<hbm>>) dst(%arg7 : memref<40xi32, #tpu.memory_space<vmem>>)
        %dma_wait3A_193 = tpu.memref_slice %arg4[%add3A_190] : memref<320000xi32, #tpu.memory_space<hbm>> -> memref<40xi32, #tpu.memory_space<hbm>>
        %dma_wait3A_194 = tpu.memref_slice %arg4[%add3A_190] : memref<320000xi32, #tpu.memory_space<hbm>> -> memref<40xi32, #tpu.memory_space<hbm>>
        tpu.wait_dma2 semaphore(%arg20 : memref<!tpu.dma_semaphore, #tpu.memory_space<semaphore_mem>>) src(%dma_wait3A_194 : memref<40xi32, #tpu.memory_space<hbm>>) dst(%arg8 : memref<40xi32, #tpu.memory_space<vmem>>)
        %dma_wait3A_195 = arith.constant 0 : i32
        %dma_wait3A_196 = tpu.memref_slice %arg5[%add3A_190, %dma_wait3A_195] : memref<320000x16xf32, #tpu.memory_space<hbm>> -> memref<40x16xf32, #tpu.memory_space<hbm>>
        %dma_wait3A_197 = arith.constant 0 : i32
        %dma_wait3A_198 = tpu.memref_slice %arg5[%add3A_190, %dma_wait3A_197] : memref<320000x16xf32, #tpu.memory_space<hbm>> -> memref<40x16xf32, #tpu.memory_space<hbm>>
        tpu.wait_dma2 semaphore(%arg20 : memref<!tpu.dma_semaphore, #tpu.memory_space<semaphore_mem>>) src(%dma_wait3A_198 : memref<40x16xf32, #tpu.memory_space<hbm>>) dst(%arg10 : memref<40x16xf32, #tpu.memory_space<vmem>>)
        %dma_start3A_199 = arith.constant 0 : i32
        %dma_start3A_200 = arith.constant 0 : i32
        %dma_start3A_201 = tpu.memref_slice %arg2[%dma_start3A_199, %dma_start3A_200] : memref<10000x128xf32, #tpu.memory_space<hbm>> -> memref<10000x128xf32, #tpu.memory_space<hbm>>
        tpu.enqueue_indirect_dma source(%dma_start3A_201 : memref<10000x128xf32, #tpu.memory_space<hbm>>) target(%arg11 : memref<40x128xf32, #tpu.memory_space<vmem>>) offsets(%arg7 : memref<40xi32, #tpu.memory_space<vmem>>) semaphore(%arg22 : memref<!tpu.dma_semaphore, #tpu.memory_space<semaphore_mem>>)
      } else {
      }
      %scan3A_185 = arith.constant 0 : i32
      scf.yield %scan3A_185 : i32
    }
    %scan3A_79 = arith.constant 125 : i32
    %dma_wait3A_80 = arith.constant 0 : i32
    %dma_wait3A_81 = arith.constant 0 : i32
    %dma_wait3A_82 = tpu.memref_slice %arg19[%dma_wait3A_80, %dma_wait3A_81] : memref<10000x144xf32, #tpu.memory_space<vmem_shared>> -> memref<10000x144xf32, #tpu.memory_space<vmem_shared>>
    tpu.wait_indirect_dma semaphore(%arg24 : memref<!tpu.dma_semaphore, #tpu.memory_space<semaphore_mem>>) src(%arg12 : memref<40x144xf32, #tpu.memory_space<vmem>>) dst(%dma_wait3A_82 : memref<10000x144xf32, #tpu.memory_space<vmem_shared>>)
    %dma_wait3A_83 = arith.constant 0 : i32
    %dma_wait3A_84 = arith.constant 0 : i32
    %dma_wait3A_85 = tpu.memref_slice %arg19[%dma_wait3A_83, %dma_wait3A_84] : memref<10000x144xf32, #tpu.memory_space<vmem_shared>> -> memref<10000x144xf32, #tpu.memory_space<vmem_shared>>
    tpu.wait_indirect_dma semaphore(%arg25 : memref<!tpu.dma_semaphore, #tpu.memory_space<semaphore_mem>>) src(%arg18 : memref<40x144xf32, #tpu.memory_space<vmem>>) dst(%dma_wait3A_85 : memref<10000x144xf32, #tpu.memory_space<vmem_shared>>)
    %barrier3A_86 = arith.constant 0 : index
    tpu.barrier barrier_id(%barrier3A_86)
    %while3A_87 = arith.constant 0 : i32
    %while3A_88 = arith.constant 0 : i32
    %while3A_89 = arith.subi %select_n3A, %while3A_87 : i32
    %while3A_90 = arith.addi %while3A_87, %while3A_89 : i32
    %while3A_91 = arith.constant 1 : i32
    %while3A_92 = arith.divsi %while3A_89, %while3A_91 : i32
    %while3A_93 = arith.muli %while3A_92, %while3A_91 : i32
    %while3A_94 = arith.addi %while3A_87, %while3A_93 : i32
    %while3A_95 = arith.constant 1 : i32
    %while3A_96 = scf.for %while3A_99 = %while3A_87 to %while3A_94 step %while3A_95 iter_args(%while3A_100 = %while3A_88) -> (i32)  : i32 {
      %mul3A_101 = arith.constant 16 : i32
      %mul3A_102 = arith.muli %while3A_99, %mul3A_101 : i32
      %add3A_103 = arith.addi %arg1, %mul3A_102 : i32
      %mul3A_104 = arith.constant 40 : i32
      %mul3A_105 = arith.muli %add3A_103, %mul3A_104 : i32
      "tpu.region"() ({
        %run_scoped3A = tpu.sem_alloc : memref<!tpu.dma_semaphore, #tpu.memory_space<semaphore_mem>>
        %dma_start3A_107 = arith.constant 0 : i32
        %dma_start3A_108 = tpu.memref_slice %arg6[%arg0, %mul3A_105, %dma_start3A_107] : memref<2x10000x144xf32, #tpu.memory_space<hbm>> -> memref<1x40x144xf32, #tpu.memory_space<hbm>>
        %dma_start3A_109 = tpu.memref_squeeze %dma_start3A_108 : memref<1x40x144xf32, #tpu.memory_space<hbm>> -> memref<40x144xf32, #tpu.memory_space<hbm>>
        %dma_start3A_110 = arith.constant 0 : i32
        %dma_start3A_111 = tpu.memref_slice %arg19[%mul3A_105, %dma_start3A_110] : memref<10000x144xf32, #tpu.memory_space<vmem_shared>> -> memref<40x144xf32, #tpu.memory_space<vmem_shared>>
        tpu.enqueue_dma source(%dma_start3A_111 : memref<40x144xf32, #tpu.memory_space<vmem_shared>>) target(%dma_start3A_109 : memref<40x144xf32, #tpu.memory_space<hbm>>) target_semaphore(%run_scoped3A : memref<!tpu.dma_semaphore, #tpu.memory_space<semaphore_mem>>)
        %dma_wait3A_112 = arith.constant 0 : i32
        %dma_wait3A_113 = tpu.memref_slice %arg6[%arg0, %mul3A_105, %dma_wait3A_112] : memref<2x10000x144xf32, #tpu.memory_space<hbm>> -> memref<1x40x144xf32, #tpu.memory_space<hbm>>
        %dma_wait3A_114 = tpu.memref_squeeze %dma_wait3A_113 : memref<1x40x144xf32, #tpu.memory_space<hbm>> -> memref<40x144xf32, #tpu.memory_space<hbm>>
        %dma_wait3A_115 = arith.constant 0 : i32
        %dma_wait3A_116 = tpu.memref_slice %arg19[%mul3A_105, %dma_wait3A_115] : memref<10000x144xf32, #tpu.memory_space<vmem_shared>> -> memref<40x144xf32, #tpu.memory_space<vmem_shared>>
        tpu.wait_dma2 semaphore(%run_scoped3A : memref<!tpu.dma_semaphore, #tpu.memory_space<semaphore_mem>>) src(%dma_wait3A_116 : memref<40x144xf32, #tpu.memory_space<vmem_shared>>) dst(%dma_wait3A_114 : memref<40x144xf32, #tpu.memory_space<hbm>>)
        tpu.yield
      }) : () -> ()
      %while3A_106 = arith.constant 0 : i32
      scf.yield %while3A_106 : i32
    }
    %while3A_97 = arith.constant 1 : i32
    %while3A_98 = scf.for %while3A_99 = %while3A_94 to %while3A_90 step %while3A_97 iter_args(%while3A_100 = %while3A_96) -> (i32)  : i32 {
      %mul3A_101 = arith.constant 16 : i32
      %mul3A_102 = arith.muli %while3A_99, %mul3A_101 : i32
      %add3A_103 = arith.addi %arg1, %mul3A_102 : i32
      %mul3A_104 = arith.constant 40 : i32
      %mul3A_105 = arith.muli %add3A_103, %mul3A_104 : i32
      "tpu.region"() ({
        %run_scoped3A = tpu.sem_alloc : memref<!tpu.dma_semaphore, #tpu.memory_space<semaphore_mem>>
        %dma_start3A_107 = arith.constant 0 : i32
        %dma_start3A_108 = tpu.memref_slice %arg6[%arg0, %mul3A_105, %dma_start3A_107] : memref<2x10000x144xf32, #tpu.memory_space<hbm>> -> memref<1x40x144xf32, #tpu.memory_space<hbm>>
        %dma_start3A_109 = tpu.memref_squeeze %dma_start3A_108 : memref<1x40x144xf32, #tpu.memory_space<hbm>> -> memref<40x144xf32, #tpu.memory_space<hbm>>
        %dma_start3A_110 = arith.constant 0 : i32
        %dma_start3A_111 = tpu.memref_slice %arg19[%mul3A_105, %dma_start3A_110] : memref<10000x144xf32, #tpu.memory_space<vmem_shared>> -> memref<40x144xf32, #tpu.memory_space<vmem_shared>>
        tpu.enqueue_dma source(%dma_start3A_111 : memref<40x144xf32, #tpu.memory_space<vmem_shared>>) target(%dma_start3A_109 : memref<40x144xf32, #tpu.memory_space<hbm>>) target_semaphore(%run_scoped3A : memref<!tpu.dma_semaphore, #tpu.memory_space<semaphore_mem>>)
        %dma_wait3A_112 = arith.constant 0 : i32
        %dma_wait3A_113 = tpu.memref_slice %arg6[%arg0, %mul3A_105, %dma_wait3A_112] : memref<2x10000x144xf32, #tpu.memory_space<hbm>> -> memref<1x40x144xf32, #tpu.memory_space<hbm>>
        %dma_wait3A_114 = tpu.memref_squeeze %dma_wait3A_113 : memref<1x40x144xf32, #tpu.memory_space<hbm>> -> memref<40x144xf32, #tpu.memory_space<hbm>>
        %dma_wait3A_115 = arith.constant 0 : i32
        %dma_wait3A_116 = tpu.memref_slice %arg19[%mul3A_105, %dma_wait3A_115] : memref<10000x144xf32, #tpu.memory_space<vmem_shared>> -> memref<40x144xf32, #tpu.memory_space<vmem_shared>>
        tpu.wait_dma2 semaphore(%run_scoped3A : memref<!tpu.dma_semaphore, #tpu.memory_space<semaphore_mem>>) src(%dma_wait3A_116 : memref<40x144xf32, #tpu.memory_space<vmem_shared>>) dst(%dma_wait3A_114 : memref<40x144xf32, #tpu.memory_space<hbm>>)
        tpu.yield
      }) : () -> ()
      %while3A_106 = arith.constant 0 : i32
      scf.yield %while3A_106 : i32
    }
    return
  }
}

#map = affine_map<(d0, d1) -> (0, 0)>
#map1 = affine_map<(d0, d1) -> (0)>
module attributes {stable_mosaic.version = 14 : i64} {
  func.func @k(%arg0: i32, %arg1: i32, %arg2: memref<10000x128xf32, #tpu.memory_space<hbm>>, %arg3: memref<10000x128xf32, #tpu.memory_space<hbm>>, %arg4: memref<320000xi32, #tpu.memory_space<hbm>>, %arg5: memref<320000xi32, #tpu.memory_space<hbm>>, %arg6: memref<320000x128xf32, #tpu.memory_space<hbm>>, %arg7: memref<80xi32, #tpu.memory_space<vmem>>, %arg8: memref<80xi32, #tpu.memory_space<vmem>>, %arg9: memref<80x128xf32, #tpu.memory_space<vmem>>, %arg10: memref<80x128xf32, #tpu.memory_space<vmem>>, %arg11: memref<80x128xf32, #tpu.memory_space<vmem>>, %arg12: memref<80xi32, #tpu.memory_space<vmem>>, %arg13: memref<80xi32, #tpu.memory_space<vmem>>, %arg14: memref<80x128xf32, #tpu.memory_space<vmem>>, %arg15: memref<80x128xf32, #tpu.memory_space<vmem>>, %arg16: memref<80x128xf32, #tpu.memory_space<vmem>>, %arg17: memref<!tpu.dma_semaphore, #tpu.memory_space<semaphore_mem>>, %arg18: memref<!tpu.dma_semaphore, #tpu.memory_space<semaphore_mem>>, %arg19: memref<!tpu.dma_semaphore, #tpu.memory_space<semaphore_mem>>, %arg20: memref<!tpu.dma_semaphore, #tpu.memory_space<semaphore_mem>>, %arg21: memref<!tpu.dma_semaphore, #tpu.memory_space<semaphore_mem>>, %arg22: memref<!tpu.dma_semaphore, #tpu.memory_space<semaphore_mem>>) attributes {dimension_semantics = [#tpu.dimension_semantics<core_parallel>, #tpu.dimension_semantics<subcore_parallel>], iteration_bounds = array<i64: 2, 16>, scalar_prefetch = 0 : i64, scratch_operands = 16 : i64, tpu.core_type = #tpu.core_type<sc_vector_subcore>, window_params = [{transform_indices = #map}, {transform_indices = #map}, {transform_indices = #map1}, {transform_indices = #map1}, {transform_indices = #map}]} {
    %mul3A = arith.constant 16 : i32
    %mul3A_0 = arith.muli %arg0, %mul3A : i32
    %add3A = arith.addi %mul3A_0, %arg1 : i32
    %mul3A_1 = arith.constant 10000 : i32
    %mul3A_2 = arith.muli %add3A, %mul3A_1 : i32
    %add3A_3 = arith.constant 0 : i32
    %add3A_4 = arith.addi %mul3A_2, %add3A_3 : i32
    %dma_start3A = tpu.memref_slice %arg4[%add3A_4] : memref<320000xi32, #tpu.memory_space<hbm>> -> memref<80xi32, #tpu.memory_space<hbm>>
    %dma_start3A_5 = tpu.memref_slice %arg4[%add3A_4] : memref<320000xi32, #tpu.memory_space<hbm>> -> memref<80xi32, #tpu.memory_space<hbm>>
    tpu.enqueue_dma source(%dma_start3A_5 : memref<80xi32, #tpu.memory_space<hbm>>) target(%arg7 : memref<80xi32, #tpu.memory_space<vmem>>) target_semaphore(%arg17 : memref<!tpu.dma_semaphore, #tpu.memory_space<semaphore_mem>>)
    %dma_start3A_6 = tpu.memref_slice %arg5[%add3A_4] : memref<320000xi32, #tpu.memory_space<hbm>> -> memref<80xi32, #tpu.memory_space<hbm>>
    %dma_start3A_7 = tpu.memref_slice %arg5[%add3A_4] : memref<320000xi32, #tpu.memory_space<hbm>> -> memref<80xi32, #tpu.memory_space<hbm>>
    tpu.enqueue_dma source(%dma_start3A_7 : memref<80xi32, #tpu.memory_space<hbm>>) target(%arg8 : memref<80xi32, #tpu.memory_space<vmem>>) target_semaphore(%arg17 : memref<!tpu.dma_semaphore, #tpu.memory_space<semaphore_mem>>)
    %add3A_8 = arith.constant 80 : i32
    %add3A_9 = arith.addi %mul3A_2, %add3A_8 : i32
    %dma_start3A_10 = tpu.memref_slice %arg4[%add3A_9] : memref<320000xi32, #tpu.memory_space<hbm>> -> memref<80xi32, #tpu.memory_space<hbm>>
    %dma_start3A_11 = tpu.memref_slice %arg4[%add3A_9] : memref<320000xi32, #tpu.memory_space<hbm>> -> memref<80xi32, #tpu.memory_space<hbm>>
    tpu.enqueue_dma source(%dma_start3A_11 : memref<80xi32, #tpu.memory_space<hbm>>) target(%arg12 : memref<80xi32, #tpu.memory_space<vmem>>) target_semaphore(%arg18 : memref<!tpu.dma_semaphore, #tpu.memory_space<semaphore_mem>>)
    %dma_start3A_12 = tpu.memref_slice %arg5[%add3A_9] : memref<320000xi32, #tpu.memory_space<hbm>> -> memref<80xi32, #tpu.memory_space<hbm>>
    %dma_start3A_13 = tpu.memref_slice %arg5[%add3A_9] : memref<320000xi32, #tpu.memory_space<hbm>> -> memref<80xi32, #tpu.memory_space<hbm>>
    tpu.enqueue_dma source(%dma_start3A_13 : memref<80xi32, #tpu.memory_space<hbm>>) target(%arg13 : memref<80xi32, #tpu.memory_space<vmem>>) target_semaphore(%arg18 : memref<!tpu.dma_semaphore, #tpu.memory_space<semaphore_mem>>)
    %add3A_14 = arith.constant 0 : i32
    %add3A_15 = arith.addi %mul3A_2, %add3A_14 : i32
    %dma_wait3A = tpu.memref_slice %arg4[%add3A_15] : memref<320000xi32, #tpu.memory_space<hbm>> -> memref<80xi32, #tpu.memory_space<hbm>>
    %dma_wait3A_16 = tpu.memref_slice %arg4[%add3A_15] : memref<320000xi32, #tpu.memory_space<hbm>> -> memref<80xi32, #tpu.memory_space<hbm>>
    tpu.wait_dma2 semaphore(%arg17 : memref<!tpu.dma_semaphore, #tpu.memory_space<semaphore_mem>>) src(%dma_wait3A_16 : memref<80xi32, #tpu.memory_space<hbm>>) dst(%arg7 : memref<80xi32, #tpu.memory_space<vmem>>)
    %dma_wait3A_17 = tpu.memref_slice %arg5[%add3A_15] : memref<320000xi32, #tpu.memory_space<hbm>> -> memref<80xi32, #tpu.memory_space<hbm>>
    %dma_wait3A_18 = tpu.memref_slice %arg5[%add3A_15] : memref<320000xi32, #tpu.memory_space<hbm>> -> memref<80xi32, #tpu.memory_space<hbm>>
    tpu.wait_dma2 semaphore(%arg17 : memref<!tpu.dma_semaphore, #tpu.memory_space<semaphore_mem>>) src(%dma_wait3A_18 : memref<80xi32, #tpu.memory_space<hbm>>) dst(%arg8 : memref<80xi32, #tpu.memory_space<vmem>>)
    %dma_start3A_19 = arith.constant 0 : i32
    %dma_start3A_20 = arith.constant 0 : i32
    %dma_start3A_21 = tpu.memref_slice %arg2[%dma_start3A_19, %dma_start3A_20] : memref<10000x128xf32, #tpu.memory_space<hbm>> -> memref<10000x128xf32, #tpu.memory_space<hbm>>
    tpu.enqueue_indirect_dma source(%dma_start3A_21 : memref<10000x128xf32, #tpu.memory_space<hbm>>) target(%arg9 : memref<80x128xf32, #tpu.memory_space<vmem>>) offsets(%arg7 : memref<80xi32, #tpu.memory_space<vmem>>) semaphore(%arg19 : memref<!tpu.dma_semaphore, #tpu.memory_space<semaphore_mem>>)
    %dma_start3A_22 = arith.constant 0 : i32
    %dma_start3A_23 = arith.constant 0 : i32
    %dma_start3A_24 = tpu.memref_slice %arg3[%dma_start3A_22, %dma_start3A_23] : memref<10000x128xf32, #tpu.memory_space<hbm>> -> memref<10000x128xf32, #tpu.memory_space<hbm>>
    tpu.enqueue_indirect_dma source(%dma_start3A_24 : memref<10000x128xf32, #tpu.memory_space<hbm>>) target(%arg10 : memref<80x128xf32, #tpu.memory_space<vmem>>) offsets(%arg8 : memref<80xi32, #tpu.memory_space<vmem>>) semaphore(%arg19 : memref<!tpu.dma_semaphore, #tpu.memory_space<semaphore_mem>>)
    %scan3A = arith.constant 0 : i32
    %scan3A_25 = arith.constant 0 : i32
    %scan3A_26 = arith.constant 62 : i32
    %scan3A_27 = arith.addi %scan3A_25, %scan3A_26 : i32
    %scan3A_28 = arith.constant 1 : i32
    %scan3A_29 = scf.for %scan3A_63 = %scan3A_25 to %scan3A_27 step %scan3A_28 iter_args(%scan3A_64 = %scan3A) -> (i32)  : i32 {
      %mul3A_65 = arith.constant 2 : i32
      %mul3A_66 = arith.muli %mul3A_65, %scan3A_63 : i32
      %add3A_67 = arith.constant 1 : i32
      %add3A_68 = arith.addi %mul3A_66, %add3A_67 : i32
      %mul3A_69 = arith.constant 80 : i32
      %mul3A_70 = arith.muli %add3A_68, %mul3A_69 : i32
      %add3A_71 = arith.addi %mul3A_2, %mul3A_70 : i32
      %dma_wait3A_72 = tpu.memref_slice %arg4[%add3A_71] : memref<320000xi32, #tpu.memory_space<hbm>> -> memref<80xi32, #tpu.memory_space<hbm>>
      %dma_wait3A_73 = tpu.memref_slice %arg4[%add3A_71] : memref<320000xi32, #tpu.memory_space<hbm>> -> memref<80xi32, #tpu.memory_space<hbm>>
      tpu.wait_dma2 semaphore(%arg18 : memref<!tpu.dma_semaphore, #tpu.memory_space<semaphore_mem>>) src(%dma_wait3A_73 : memref<80xi32, #tpu.memory_space<hbm>>) dst(%arg12 : memref<80xi32, #tpu.memory_space<vmem>>)
      %dma_wait3A_74 = tpu.memref_slice %arg5[%add3A_71] : memref<320000xi32, #tpu.memory_space<hbm>> -> memref<80xi32, #tpu.memory_space<hbm>>
      %dma_wait3A_75 = tpu.memref_slice %arg5[%add3A_71] : memref<320000xi32, #tpu.memory_space<hbm>> -> memref<80xi32, #tpu.memory_space<hbm>>
      tpu.wait_dma2 semaphore(%arg18 : memref<!tpu.dma_semaphore, #tpu.memory_space<semaphore_mem>>) src(%dma_wait3A_75 : memref<80xi32, #tpu.memory_space<hbm>>) dst(%arg13 : memref<80xi32, #tpu.memory_space<vmem>>)
      %dma_start3A_76 = arith.constant 0 : i32
      %dma_start3A_77 = arith.constant 0 : i32
      %dma_start3A_78 = tpu.memref_slice %arg2[%dma_start3A_76, %dma_start3A_77] : memref<10000x128xf32, #tpu.memory_space<hbm>> -> memref<10000x128xf32, #tpu.memory_space<hbm>>
      tpu.enqueue_indirect_dma source(%dma_start3A_78 : memref<10000x128xf32, #tpu.memory_space<hbm>>) target(%arg14 : memref<80x128xf32, #tpu.memory_space<vmem>>) offsets(%arg12 : memref<80xi32, #tpu.memory_space<vmem>>) semaphore(%arg20 : memref<!tpu.dma_semaphore, #tpu.memory_space<semaphore_mem>>)
      %dma_start3A_79 = arith.constant 0 : i32
      %dma_start3A_80 = arith.constant 0 : i32
      %dma_start3A_81 = tpu.memref_slice %arg3[%dma_start3A_79, %dma_start3A_80] : memref<10000x128xf32, #tpu.memory_space<hbm>> -> memref<10000x128xf32, #tpu.memory_space<hbm>>
      tpu.enqueue_indirect_dma source(%dma_start3A_81 : memref<10000x128xf32, #tpu.memory_space<hbm>>) target(%arg15 : memref<80x128xf32, #tpu.memory_space<vmem>>) offsets(%arg13 : memref<80xi32, #tpu.memory_space<vmem>>) semaphore(%arg20 : memref<!tpu.dma_semaphore, #tpu.memory_space<semaphore_mem>>)
      %dma_wait3A_82 = arith.constant 0 : i32
      %dma_wait3A_83 = arith.constant 0 : i32
      %dma_wait3A_84 = tpu.memref_slice %arg2[%dma_wait3A_82, %dma_wait3A_83] : memref<10000x128xf32, #tpu.memory_space<hbm>> -> memref<10000x128xf32, #tpu.memory_space<hbm>>
      tpu.wait_indirect_dma semaphore(%arg19 : memref<!tpu.dma_semaphore, #tpu.memory_space<semaphore_mem>>) src(%dma_wait3A_84 : memref<10000x128xf32, #tpu.memory_space<hbm>>) dst(%arg9 : memref<80x128xf32, #tpu.memory_space<vmem>>)
      %dma_wait3A_85 = arith.constant 0 : i32
      %dma_wait3A_86 = arith.constant 0 : i32
      %dma_wait3A_87 = tpu.memref_slice %arg3[%dma_wait3A_85, %dma_wait3A_86] : memref<10000x128xf32, #tpu.memory_space<hbm>> -> memref<10000x128xf32, #tpu.memory_space<hbm>>
      tpu.wait_indirect_dma semaphore(%arg19 : memref<!tpu.dma_semaphore, #tpu.memory_space<semaphore_mem>>) src(%dma_wait3A_87 : memref<10000x128xf32, #tpu.memory_space<hbm>>) dst(%arg10 : memref<80x128xf32, #tpu.memory_space<vmem>>)
      %gt3A = arith.constant 0 : i32
      %gt3A_88 = arith.cmpi sgt, %scan3A_63, %gt3A : i32
      %convert_element_type3A = arith.extui %gt3A_88 : i1 to i32
      %cond3A = arith.constant 0 : i32
      %cond3A_89 = arith.cmpi ne, %convert_element_type3A, %cond3A : i32
      scf.if %cond3A_89 {
        %sub3A = arith.constant 2 : i32
        %sub3A_152 = arith.subi %mul3A_66, %sub3A : i32
        %mul3A_153 = arith.constant 80 : i32
        %mul3A_154 = arith.muli %sub3A_152, %mul3A_153 : i32
        %add3A_155 = arith.addi %mul3A_2, %mul3A_154 : i32
        %dma_wait3A_156 = arith.constant 0 : i32
        %dma_wait3A_157 = tpu.memref_slice %arg6[%add3A_155, %dma_wait3A_156] : memref<320000x128xf32, #tpu.memory_space<hbm>> -> memref<80x128xf32, #tpu.memory_space<hbm>>
        %dma_wait3A_158 = arith.constant 0 : i32
        %dma_wait3A_159 = tpu.memref_slice %arg6[%add3A_155, %dma_wait3A_158] : memref<320000x128xf32, #tpu.memory_space<hbm>> -> memref<80x128xf32, #tpu.memory_space<hbm>>
        tpu.wait_dma2 semaphore(%arg21 : memref<!tpu.dma_semaphore, #tpu.memory_space<semaphore_mem>>) src(%arg11 : memref<80x128xf32, #tpu.memory_space<vmem>>) dst(%dma_wait3A_159 : memref<80x128xf32, #tpu.memory_space<hbm>>)
      } else {
      }
      %parallel_loop3A_90 = arith.constant 0 : i32
      %parallel_loop3A_91 = arith.constant 80 : i32
      %parallel_loop3A_92 = arith.constant 1 : i32
      scf.for %parallel_loop3A_152 = %parallel_loop3A_90 to %parallel_loop3A_91 step %parallel_loop3A_92  : i32 {
        %parallel_loop3A_153 = arith.index_cast %parallel_loop3A_152 : i32 to index
        %parallel_loop3A_154 = arith.constant 0 : index
        %parallel_loop3A_155 = tpu.vector_load %arg9[%parallel_loop3A_153, %parallel_loop3A_154] {strides = array<i32>} : memref<80x128xf32, #tpu.memory_space<vmem>>, vector<16xf32>,
        %parallel_loop3A_156 = arith.index_cast %parallel_loop3A_152 : i32 to index
        %parallel_loop3A_157 = arith.constant 0 : index
        %parallel_loop3A_158 = tpu.vector_load %arg10[%parallel_loop3A_156, %parallel_loop3A_157] {strides = array<i32>} : memref<80x128xf32, #tpu.memory_space<vmem>>, vector<16xf32>,
        %parallel_loop3A_159 = arith.addf %parallel_loop3A_155, %parallel_loop3A_158 : vector<16xf32>
        %parallel_loop3A_160 = arith.index_cast %parallel_loop3A_152 : i32 to index
        %parallel_loop3A_161 = arith.constant 0 : index
        %parallel_loop3A_162 = tpu.vector_load %arg11[%parallel_loop3A_160, %parallel_loop3A_161] {strides = array<i32>} : memref<80x128xf32, #tpu.memory_space<vmem>>, vector<16xf32>,
        tpu.vector_store %arg11[%parallel_loop3A_160, %parallel_loop3A_161], %parallel_loop3A_159 {strides = array<i32>} : memref<80x128xf32, #tpu.memory_space<vmem>>, vector<16xf32>,
        %parallel_loop3A_163 = arith.index_cast %parallel_loop3A_152 : i32 to index
        %parallel_loop3A_164 = arith.constant 16 : index
        %parallel_loop3A_165 = tpu.vector_load %arg9[%parallel_loop3A_163, %parallel_loop3A_164] {strides = array<i32>} : memref<80x128xf32, #tpu.memory_space<vmem>>, vector<16xf32>,
        %parallel_loop3A_166 = arith.index_cast %parallel_loop3A_152 : i32 to index
        %parallel_loop3A_167 = arith.constant 16 : index
        %parallel_loop3A_168 = tpu.vector_load %arg10[%parallel_loop3A_166, %parallel_loop3A_167] {strides = array<i32>} : memref<80x128xf32, #tpu.memory_space<vmem>>, vector<16xf32>,
        %parallel_loop3A_169 = arith.addf %parallel_loop3A_165, %parallel_loop3A_168 : vector<16xf32>
        %parallel_loop3A_170 = arith.index_cast %parallel_loop3A_152 : i32 to index
        %parallel_loop3A_171 = arith.constant 16 : index
        %parallel_loop3A_172 = tpu.vector_load %arg11[%parallel_loop3A_170, %parallel_loop3A_171] {strides = array<i32>} : memref<80x128xf32, #tpu.memory_space<vmem>>, vector<16xf32>,
        tpu.vector_store %arg11[%parallel_loop3A_170, %parallel_loop3A_171], %parallel_loop3A_169 {strides = array<i32>} : memref<80x128xf32, #tpu.memory_space<vmem>>, vector<16xf32>,
        %parallel_loop3A_173 = arith.index_cast %parallel_loop3A_152 : i32 to index
        %parallel_loop3A_174 = arith.constant 32 : index
        %parallel_loop3A_175 = tpu.vector_load %arg9[%parallel_loop3A_173, %parallel_loop3A_174] {strides = array<i32>} : memref<80x128xf32, #tpu.memory_space<vmem>>, vector<16xf32>,
        %parallel_loop3A_176 = arith.index_cast %parallel_loop3A_152 : i32 to index
        %parallel_loop3A_177 = arith.constant 32 : index
        %parallel_loop3A_178 = tpu.vector_load %arg10[%parallel_loop3A_176, %parallel_loop3A_177] {strides = array<i32>} : memref<80x128xf32, #tpu.memory_space<vmem>>, vector<16xf32>,
        %parallel_loop3A_179 = arith.addf %parallel_loop3A_175, %parallel_loop3A_178 : vector<16xf32>
        %parallel_loop3A_180 = arith.index_cast %parallel_loop3A_152 : i32 to index
        %parallel_loop3A_181 = arith.constant 32 : index
        %parallel_loop3A_182 = tpu.vector_load %arg11[%parallel_loop3A_180, %parallel_loop3A_181] {strides = array<i32>} : memref<80x128xf32, #tpu.memory_space<vmem>>, vector<16xf32>,
        tpu.vector_store %arg11[%parallel_loop3A_180, %parallel_loop3A_181], %parallel_loop3A_179 {strides = array<i32>} : memref<80x128xf32, #tpu.memory_space<vmem>>, vector<16xf32>,
        %parallel_loop3A_183 = arith.index_cast %parallel_loop3A_152 : i32 to index
        %parallel_loop3A_184 = arith.constant 48 : index
        %parallel_loop3A_185 = tpu.vector_load %arg9[%parallel_loop3A_183, %parallel_loop3A_184] {strides = array<i32>} : memref<80x128xf32, #tpu.memory_space<vmem>>, vector<16xf32>,
        %parallel_loop3A_186 = arith.index_cast %parallel_loop3A_152 : i32 to index
        %parallel_loop3A_187 = arith.constant 48 : index
        %parallel_loop3A_188 = tpu.vector_load %arg10[%parallel_loop3A_186, %parallel_loop3A_187] {strides = array<i32>} : memref<80x128xf32, #tpu.memory_space<vmem>>, vector<16xf32>,
        %parallel_loop3A_189 = arith.addf %parallel_loop3A_185, %parallel_loop3A_188 : vector<16xf32>
        %parallel_loop3A_190 = arith.index_cast %parallel_loop3A_152 : i32 to index
        %parallel_loop3A_191 = arith.constant 48 : index
        %parallel_loop3A_192 = tpu.vector_load %arg11[%parallel_loop3A_190, %parallel_loop3A_191] {strides = array<i32>} : memref<80x128xf32, #tpu.memory_space<vmem>>, vector<16xf32>,
        tpu.vector_store %arg11[%parallel_loop3A_190, %parallel_loop3A_191], %parallel_loop3A_189 {strides = array<i32>} : memref<80x128xf32, #tpu.memory_space<vmem>>, vector<16xf32>,
        %parallel_loop3A_193 = arith.index_cast %parallel_loop3A_152 : i32 to index
        %parallel_loop3A_194 = arith.constant 64 : index
        %parallel_loop3A_195 = tpu.vector_load %arg9[%parallel_loop3A_193, %parallel_loop3A_194] {strides = array<i32>} : memref<80x128xf32, #tpu.memory_space<vmem>>, vector<16xf32>,
        %parallel_loop3A_196 = arith.index_cast %parallel_loop3A_152 : i32 to index
        %parallel_loop3A_197 = arith.constant 64 : index
        %parallel_loop3A_198 = tpu.vector_load %arg10[%parallel_loop3A_196, %parallel_loop3A_197] {strides = array<i32>} : memref<80x128xf32, #tpu.memory_space<vmem>>, vector<16xf32>,
        %parallel_loop3A_199 = arith.addf %parallel_loop3A_195, %parallel_loop3A_198 : vector<16xf32>
        %parallel_loop3A_200 = arith.index_cast %parallel_loop3A_152 : i32 to index
        %parallel_loop3A_201 = arith.constant 64 : index
        %parallel_loop3A_202 = tpu.vector_load %arg11[%parallel_loop3A_200, %parallel_loop3A_201] {strides = array<i32>} : memref<80x128xf32, #tpu.memory_space<vmem>>, vector<16xf32>,
        tpu.vector_store %arg11[%parallel_loop3A_200, %parallel_loop3A_201], %parallel_loop3A_199 {strides = array<i32>} : memref<80x128xf32, #tpu.memory_space<vmem>>, vector<16xf32>,
        %parallel_loop3A_203 = arith.index_cast %parallel_loop3A_152 : i32 to index
        %parallel_loop3A_204 = arith.constant 80 : index
        %parallel_loop3A_205 = tpu.vector_load %arg9[%parallel_loop3A_203, %parallel_loop3A_204] {strides = array<i32>} : memref<80x128xf32, #tpu.memory_space<vmem>>, vector<16xf32>,
        %parallel_loop3A_206 = arith.index_cast %parallel_loop3A_152 : i32 to index
        %parallel_loop3A_207 = arith.constant 80 : index
        %parallel_loop3A_208 = tpu.vector_load %arg10[%parallel_loop3A_206, %parallel_loop3A_207] {strides = array<i32>} : memref<80x128xf32, #tpu.memory_space<vmem>>, vector<16xf32>,
        %parallel_loop3A_209 = arith.addf %parallel_loop3A_205, %parallel_loop3A_208 : vector<16xf32>
        %parallel_loop3A_210 = arith.index_cast %parallel_loop3A_152 : i32 to index
        %parallel_loop3A_211 = arith.constant 80 : index
        %parallel_loop3A_212 = tpu.vector_load %arg11[%parallel_loop3A_210, %parallel_loop3A_211] {strides = array<i32>} : memref<80x128xf32, #tpu.memory_space<vmem>>, vector<16xf32>,
        tpu.vector_store %arg11[%parallel_loop3A_210, %parallel_loop3A_211], %parallel_loop3A_209 {strides = array<i32>} : memref<80x128xf32, #tpu.memory_space<vmem>>, vector<16xf32>,
        %parallel_loop3A_213 = arith.index_cast %parallel_loop3A_152 : i32 to index
        %parallel_loop3A_214 = arith.constant 96 : index
        %parallel_loop3A_215 = tpu.vector_load %arg9[%parallel_loop3A_213, %parallel_loop3A_214] {strides = array<i32>} : memref<80x128xf32, #tpu.memory_space<vmem>>, vector<16xf32>,
        %parallel_loop3A_216 = arith.index_cast %parallel_loop3A_152 : i32 to index
        %parallel_loop3A_217 = arith.constant 96 : index
        %parallel_loop3A_218 = tpu.vector_load %arg10[%parallel_loop3A_216, %parallel_loop3A_217] {strides = array<i32>} : memref<80x128xf32, #tpu.memory_space<vmem>>, vector<16xf32>,
        %parallel_loop3A_219 = arith.addf %parallel_loop3A_215, %parallel_loop3A_218 : vector<16xf32>
        %parallel_loop3A_220 = arith.index_cast %parallel_loop3A_152 : i32 to index
        %parallel_loop3A_221 = arith.constant 96 : index
        %parallel_loop3A_222 = tpu.vector_load %arg11[%parallel_loop3A_220, %parallel_loop3A_221] {strides = array<i32>} : memref<80x128xf32, #tpu.memory_space<vmem>>, vector<16xf32>,
        tpu.vector_store %arg11[%parallel_loop3A_220, %parallel_loop3A_221], %parallel_loop3A_219 {strides = array<i32>} : memref<80x128xf32, #tpu.memory_space<vmem>>, vector<16xf32>,
        %parallel_loop3A_223 = arith.index_cast %parallel_loop3A_152 : i32 to index
        %parallel_loop3A_224 = arith.constant 112 : index
        %parallel_loop3A_225 = tpu.vector_load %arg9[%parallel_loop3A_223, %parallel_loop3A_224] {strides = array<i32>} : memref<80x128xf32, #tpu.memory_space<vmem>>, vector<16xf32>,
        %parallel_loop3A_226 = arith.index_cast %parallel_loop3A_152 : i32 to index
        %parallel_loop3A_227 = arith.constant 112 : index
        %parallel_loop3A_228 = tpu.vector_load %arg10[%parallel_loop3A_226, %parallel_loop3A_227] {strides = array<i32>} : memref<80x128xf32, #tpu.memory_space<vmem>>, vector<16xf32>,
        %parallel_loop3A_229 = arith.addf %parallel_loop3A_225, %parallel_loop3A_228 : vector<16xf32>
        %parallel_loop3A_230 = arith.index_cast %parallel_loop3A_152 : i32 to index
        %parallel_loop3A_231 = arith.constant 112 : index
        %parallel_loop3A_232 = tpu.vector_load %arg11[%parallel_loop3A_230, %parallel_loop3A_231] {strides = array<i32>} : memref<80x128xf32, #tpu.memory_space<vmem>>, vector<16xf32>,
        tpu.vector_store %arg11[%parallel_loop3A_230, %parallel_loop3A_231], %parallel_loop3A_229 {strides = array<i32>} : memref<80x128xf32, #tpu.memory_space<vmem>>, vector<16xf32>,
      } {sc.loop_unroll_factor = 8 : i64, sc.parallel_access}
      %mul3A_93 = arith.constant 80 : i32
      %mul3A_94 = arith.muli %mul3A_66, %mul3A_93 : i32
      %add3A_95 = arith.addi %mul3A_2, %mul3A_94 : i32
      %dma_start3A_96 = arith.constant 0 : i32
      %dma_start3A_97 = tpu.memref_slice %arg6[%add3A_95, %dma_start3A_96] : memref<320000x128xf32, #tpu.memory_space<hbm>> -> memref<80x128xf32, #tpu.memory_space<hbm>>
      %dma_start3A_98 = arith.constant 0 : i32
      %dma_start3A_99 = tpu.memref_slice %arg6[%add3A_95, %dma_start3A_98] : memref<320000x128xf32, #tpu.memory_space<hbm>> -> memref<80x128xf32, #tpu.memory_space<hbm>>
      tpu.enqueue_dma source(%arg11 : memref<80x128xf32, #tpu.memory_space<vmem>>) target(%dma_start3A_99 : memref<80x128xf32, #tpu.memory_space<hbm>>) target_semaphore(%arg21 : memref<!tpu.dma_semaphore, #tpu.memory_space<semaphore_mem>>)
      %add3A_100 = arith.constant 2 : i32
      %add3A_101 = arith.addi %mul3A_66, %add3A_100 : i32
      %mul3A_102 = arith.constant 80 : i32
      %mul3A_103 = arith.muli %add3A_101, %mul3A_102 : i32
      %add3A_104 = arith.addi %mul3A_2, %mul3A_103 : i32
      %dma_start3A_105 = tpu.memref_slice %arg4[%add3A_104] : memref<320000xi32, #tpu.memory_space<hbm>> -> memref<80xi32, #tpu.memory_space<hbm>>
      %dma_start3A_106 = tpu.memref_slice %arg4[%add3A_104] : memref<320000xi32, #tpu.memory_space<hbm>> -> memref<80xi32, #tpu.memory_space<hbm>>
      tpu.enqueue_dma source(%dma_start3A_106 : memref<80xi32, #tpu.memory_space<hbm>>) target(%arg7 : memref<80xi32, #tpu.memory_space<vmem>>) target_semaphore(%arg17 : memref<!tpu.dma_semaphore, #tpu.memory_space<semaphore_mem>>)
      %dma_start3A_107 = tpu.memref_slice %arg5[%add3A_104] : memref<320000xi32, #tpu.memory_space<hbm>> -> memref<80xi32, #tpu.memory_space<hbm>>
      %dma_start3A_108 = tpu.memref_slice %arg5[%add3A_104] : memref<320000xi32, #tpu.memory_space<hbm>> -> memref<80xi32, #tpu.memory_space<hbm>>
      tpu.enqueue_dma source(%dma_start3A_108 : memref<80xi32, #tpu.memory_space<hbm>>) target(%arg8 : memref<80xi32, #tpu.memory_space<vmem>>) target_semaphore(%arg17 : memref<!tpu.dma_semaphore, #tpu.memory_space<semaphore_mem>>)
      %dma_wait3A_109 = arith.constant 0 : i32
      %dma_wait3A_110 = arith.constant 0 : i32
      %dma_wait3A_111 = tpu.memref_slice %arg2[%dma_wait3A_109, %dma_wait3A_110] : memref<10000x128xf32, #tpu.memory_space<hbm>> -> memref<10000x128xf32, #tpu.memory_space<hbm>>
      tpu.wait_indirect_dma semaphore(%arg20 : memref<!tpu.dma_semaphore, #tpu.memory_space<semaphore_mem>>) src(%dma_wait3A_111 : memref<10000x128xf32, #tpu.memory_space<hbm>>) dst(%arg14 : memref<80x128xf32, #tpu.memory_space<vmem>>)
      %dma_wait3A_112 = arith.constant 0 : i32
      %dma_wait3A_113 = arith.constant 0 : i32
      %dma_wait3A_114 = tpu.memref_slice %arg3[%dma_wait3A_112, %dma_wait3A_113] : memref<10000x128xf32, #tpu.memory_space<hbm>> -> memref<10000x128xf32, #tpu.memory_space<hbm>>
      tpu.wait_indirect_dma semaphore(%arg20 : memref<!tpu.dma_semaphore, #tpu.memory_space<semaphore_mem>>) src(%dma_wait3A_114 : memref<10000x128xf32, #tpu.memory_space<hbm>>) dst(%arg15 : memref<80x128xf32, #tpu.memory_space<vmem>>)
      %gt3A_115 = arith.constant 0 : i32
      %gt3A_116 = arith.cmpi sgt, %scan3A_63, %gt3A_115 : i32
      %convert_element_type3A_117 = arith.extui %gt3A_116 : i1 to i32
      %cond3A_118 = arith.constant 0 : i32
      %cond3A_119 = arith.cmpi ne, %convert_element_type3A_117, %cond3A_118 : i32
      scf.if %cond3A_119 {
        %sub3A = arith.constant 2 : i32
        %sub3A_152 = arith.subi %add3A_68, %sub3A : i32
        %mul3A_153 = arith.constant 80 : i32
        %mul3A_154 = arith.muli %sub3A_152, %mul3A_153 : i32
        %add3A_155 = arith.addi %mul3A_2, %mul3A_154 : i32
        %dma_wait3A_156 = arith.constant 0 : i32
        %dma_wait3A_157 = tpu.memref_slice %arg6[%add3A_155, %dma_wait3A_156] : memref<320000x128xf32, #tpu.memory_space<hbm>> -> memref<80x128xf32, #tpu.memory_space<hbm>>
        %dma_wait3A_158 = arith.constant 0 : i32
        %dma_wait3A_159 = tpu.memref_slice %arg6[%add3A_155, %dma_wait3A_158] : memref<320000x128xf32, #tpu.memory_space<hbm>> -> memref<80x128xf32, #tpu.memory_space<hbm>>
        tpu.wait_dma2 semaphore(%arg22 : memref<!tpu.dma_semaphore, #tpu.memory_space<semaphore_mem>>) src(%arg16 : memref<80x128xf32, #tpu.memory_space<vmem>>) dst(%dma_wait3A_159 : memref<80x128xf32, #tpu.memory_space<hbm>>)
      } else {
      }
      %parallel_loop3A_120 = arith.constant 0 : i32
      %parallel_loop3A_121 = arith.constant 80 : i32
      %parallel_loop3A_122 = arith.constant 1 : i32
      scf.for %parallel_loop3A_152 = %parallel_loop3A_120 to %parallel_loop3A_121 step %parallel_loop3A_122  : i32 {
        %parallel_loop3A_153 = arith.index_cast %parallel_loop3A_152 : i32 to index
        %parallel_loop3A_154 = arith.constant 0 : index
        %parallel_loop3A_155 = tpu.vector_load %arg14[%parallel_loop3A_153, %parallel_loop3A_154] {strides = array<i32>} : memref<80x128xf32, #tpu.memory_space<vmem>>, vector<16xf32>,
        %parallel_loop3A_156 = arith.index_cast %parallel_loop3A_152 : i32 to index
        %parallel_loop3A_157 = arith.constant 0 : index
        %parallel_loop3A_158 = tpu.vector_load %arg15[%parallel_loop3A_156, %parallel_loop3A_157] {strides = array<i32>} : memref<80x128xf32, #tpu.memory_space<vmem>>, vector<16xf32>,
        %parallel_loop3A_159 = arith.addf %parallel_loop3A_155, %parallel_loop3A_158 : vector<16xf32>
        %parallel_loop3A_160 = arith.index_cast %parallel_loop3A_152 : i32 to index
        %parallel_loop3A_161 = arith.constant 0 : index
        %parallel_loop3A_162 = tpu.vector_load %arg16[%parallel_loop3A_160, %parallel_loop3A_161] {strides = array<i32>} : memref<80x128xf32, #tpu.memory_space<vmem>>, vector<16xf32>,
        tpu.vector_store %arg16[%parallel_loop3A_160, %parallel_loop3A_161], %parallel_loop3A_159 {strides = array<i32>} : memref<80x128xf32, #tpu.memory_space<vmem>>, vector<16xf32>,
        %parallel_loop3A_163 = arith.index_cast %parallel_loop3A_152 : i32 to index
        %parallel_loop3A_164 = arith.constant 16 : index
        %parallel_loop3A_165 = tpu.vector_load %arg14[%parallel_loop3A_163, %parallel_loop3A_164] {strides = array<i32>} : memref<80x128xf32, #tpu.memory_space<vmem>>, vector<16xf32>,
        %parallel_loop3A_166 = arith.index_cast %parallel_loop3A_152 : i32 to index
        %parallel_loop3A_167 = arith.constant 16 : index
        %parallel_loop3A_168 = tpu.vector_load %arg15[%parallel_loop3A_166, %parallel_loop3A_167] {strides = array<i32>} : memref<80x128xf32, #tpu.memory_space<vmem>>, vector<16xf32>,
        %parallel_loop3A_169 = arith.addf %parallel_loop3A_165, %parallel_loop3A_168 : vector<16xf32>
        %parallel_loop3A_170 = arith.index_cast %parallel_loop3A_152 : i32 to index
        %parallel_loop3A_171 = arith.constant 16 : index
        %parallel_loop3A_172 = tpu.vector_load %arg16[%parallel_loop3A_170, %parallel_loop3A_171] {strides = array<i32>} : memref<80x128xf32, #tpu.memory_space<vmem>>, vector<16xf32>,
        tpu.vector_store %arg16[%parallel_loop3A_170, %parallel_loop3A_171], %parallel_loop3A_169 {strides = array<i32>} : memref<80x128xf32, #tpu.memory_space<vmem>>, vector<16xf32>,
        %parallel_loop3A_173 = arith.index_cast %parallel_loop3A_152 : i32 to index
        %parallel_loop3A_174 = arith.constant 32 : index
        %parallel_loop3A_175 = tpu.vector_load %arg14[%parallel_loop3A_173, %parallel_loop3A_174] {strides = array<i32>} : memref<80x128xf32, #tpu.memory_space<vmem>>, vector<16xf32>,
        %parallel_loop3A_176 = arith.index_cast %parallel_loop3A_152 : i32 to index
        %parallel_loop3A_177 = arith.constant 32 : index
        %parallel_loop3A_178 = tpu.vector_load %arg15[%parallel_loop3A_176, %parallel_loop3A_177] {strides = array<i32>} : memref<80x128xf32, #tpu.memory_space<vmem>>, vector<16xf32>,
        %parallel_loop3A_179 = arith.addf %parallel_loop3A_175, %parallel_loop3A_178 : vector<16xf32>
        %parallel_loop3A_180 = arith.index_cast %parallel_loop3A_152 : i32 to index
        %parallel_loop3A_181 = arith.constant 32 : index
        %parallel_loop3A_182 = tpu.vector_load %arg16[%parallel_loop3A_180, %parallel_loop3A_181] {strides = array<i32>} : memref<80x128xf32, #tpu.memory_space<vmem>>, vector<16xf32>,
        tpu.vector_store %arg16[%parallel_loop3A_180, %parallel_loop3A_181], %parallel_loop3A_179 {strides = array<i32>} : memref<80x128xf32, #tpu.memory_space<vmem>>, vector<16xf32>,
        %parallel_loop3A_183 = arith.index_cast %parallel_loop3A_152 : i32 to index
        %parallel_loop3A_184 = arith.constant 48 : index
        %parallel_loop3A_185 = tpu.vector_load %arg14[%parallel_loop3A_183, %parallel_loop3A_184] {strides = array<i32>} : memref<80x128xf32, #tpu.memory_space<vmem>>, vector<16xf32>,
        %parallel_loop3A_186 = arith.index_cast %parallel_loop3A_152 : i32 to index
        %parallel_loop3A_187 = arith.constant 48 : index
        %parallel_loop3A_188 = tpu.vector_load %arg15[%parallel_loop3A_186, %parallel_loop3A_187] {strides = array<i32>} : memref<80x128xf32, #tpu.memory_space<vmem>>, vector<16xf32>,
        %parallel_loop3A_189 = arith.addf %parallel_loop3A_185, %parallel_loop3A_188 : vector<16xf32>
        %parallel_loop3A_190 = arith.index_cast %parallel_loop3A_152 : i32 to index
        %parallel_loop3A_191 = arith.constant 48 : index
        %parallel_loop3A_192 = tpu.vector_load %arg16[%parallel_loop3A_190, %parallel_loop3A_191] {strides = array<i32>} : memref<80x128xf32, #tpu.memory_space<vmem>>, vector<16xf32>,
        tpu.vector_store %arg16[%parallel_loop3A_190, %parallel_loop3A_191], %parallel_loop3A_189 {strides = array<i32>} : memref<80x128xf32, #tpu.memory_space<vmem>>, vector<16xf32>,
        %parallel_loop3A_193 = arith.index_cast %parallel_loop3A_152 : i32 to index
        %parallel_loop3A_194 = arith.constant 64 : index
        %parallel_loop3A_195 = tpu.vector_load %arg14[%parallel_loop3A_193, %parallel_loop3A_194] {strides = array<i32>} : memref<80x128xf32, #tpu.memory_space<vmem>>, vector<16xf32>,
        %parallel_loop3A_196 = arith.index_cast %parallel_loop3A_152 : i32 to index
        %parallel_loop3A_197 = arith.constant 64 : index
        %parallel_loop3A_198 = tpu.vector_load %arg15[%parallel_loop3A_196, %parallel_loop3A_197] {strides = array<i32>} : memref<80x128xf32, #tpu.memory_space<vmem>>, vector<16xf32>,
        %parallel_loop3A_199 = arith.addf %parallel_loop3A_195, %parallel_loop3A_198 : vector<16xf32>
        %parallel_loop3A_200 = arith.index_cast %parallel_loop3A_152 : i32 to index
        %parallel_loop3A_201 = arith.constant 64 : index
        %parallel_loop3A_202 = tpu.vector_load %arg16[%parallel_loop3A_200, %parallel_loop3A_201] {strides = array<i32>} : memref<80x128xf32, #tpu.memory_space<vmem>>, vector<16xf32>,
        tpu.vector_store %arg16[%parallel_loop3A_200, %parallel_loop3A_201], %parallel_loop3A_199 {strides = array<i32>} : memref<80x128xf32, #tpu.memory_space<vmem>>, vector<16xf32>,
        %parallel_loop3A_203 = arith.index_cast %parallel_loop3A_152 : i32 to index
        %parallel_loop3A_204 = arith.constant 80 : index
        %parallel_loop3A_205 = tpu.vector_load %arg14[%parallel_loop3A_203, %parallel_loop3A_204] {strides = array<i32>} : memref<80x128xf32, #tpu.memory_space<vmem>>, vector<16xf32>,
        %parallel_loop3A_206 = arith.index_cast %parallel_loop3A_152 : i32 to index
        %parallel_loop3A_207 = arith.constant 80 : index
        %parallel_loop3A_208 = tpu.vector_load %arg15[%parallel_loop3A_206, %parallel_loop3A_207] {strides = array<i32>} : memref<80x128xf32, #tpu.memory_space<vmem>>, vector<16xf32>,
        %parallel_loop3A_209 = arith.addf %parallel_loop3A_205, %parallel_loop3A_208 : vector<16xf32>
        %parallel_loop3A_210 = arith.index_cast %parallel_loop3A_152 : i32 to index
        %parallel_loop3A_211 = arith.constant 80 : index
        %parallel_loop3A_212 = tpu.vector_load %arg16[%parallel_loop3A_210, %parallel_loop3A_211] {strides = array<i32>} : memref<80x128xf32, #tpu.memory_space<vmem>>, vector<16xf32>,
        tpu.vector_store %arg16[%parallel_loop3A_210, %parallel_loop3A_211], %parallel_loop3A_209 {strides = array<i32>} : memref<80x128xf32, #tpu.memory_space<vmem>>, vector<16xf32>,
        %parallel_loop3A_213 = arith.index_cast %parallel_loop3A_152 : i32 to index
        %parallel_loop3A_214 = arith.constant 96 : index
        %parallel_loop3A_215 = tpu.vector_load %arg14[%parallel_loop3A_213, %parallel_loop3A_214] {strides = array<i32>} : memref<80x128xf32, #tpu.memory_space<vmem>>, vector<16xf32>,
        %parallel_loop3A_216 = arith.index_cast %parallel_loop3A_152 : i32 to index
        %parallel_loop3A_217 = arith.constant 96 : index
        %parallel_loop3A_218 = tpu.vector_load %arg15[%parallel_loop3A_216, %parallel_loop3A_217] {strides = array<i32>} : memref<80x128xf32, #tpu.memory_space<vmem>>, vector<16xf32>,
        %parallel_loop3A_219 = arith.addf %parallel_loop3A_215, %parallel_loop3A_218 : vector<16xf32>
        %parallel_loop3A_220 = arith.index_cast %parallel_loop3A_152 : i32 to index
        %parallel_loop3A_221 = arith.constant 96 : index
        %parallel_loop3A_222 = tpu.vector_load %arg16[%parallel_loop3A_220, %parallel_loop3A_221] {strides = array<i32>} : memref<80x128xf32, #tpu.memory_space<vmem>>, vector<16xf32>,
        tpu.vector_store %arg16[%parallel_loop3A_220, %parallel_loop3A_221], %parallel_loop3A_219 {strides = array<i32>} : memref<80x128xf32, #tpu.memory_space<vmem>>, vector<16xf32>,
        %parallel_loop3A_223 = arith.index_cast %parallel_loop3A_152 : i32 to index
        %parallel_loop3A_224 = arith.constant 112 : index
        %parallel_loop3A_225 = tpu.vector_load %arg14[%parallel_loop3A_223, %parallel_loop3A_224] {strides = array<i32>} : memref<80x128xf32, #tpu.memory_space<vmem>>, vector<16xf32>,
        %parallel_loop3A_226 = arith.index_cast %parallel_loop3A_152 : i32 to index
        %parallel_loop3A_227 = arith.constant 112 : index
        %parallel_loop3A_228 = tpu.vector_load %arg15[%parallel_loop3A_226, %parallel_loop3A_227] {strides = array<i32>} : memref<80x128xf32, #tpu.memory_space<vmem>>, vector<16xf32>,
        %parallel_loop3A_229 = arith.addf %parallel_loop3A_225, %parallel_loop3A_228 : vector<16xf32>
        %parallel_loop3A_230 = arith.index_cast %parallel_loop3A_152 : i32 to index
        %parallel_loop3A_231 = arith.constant 112 : index
        %parallel_loop3A_232 = tpu.vector_load %arg16[%parallel_loop3A_230, %parallel_loop3A_231] {strides = array<i32>} : memref<80x128xf32, #tpu.memory_space<vmem>>, vector<16xf32>,
        tpu.vector_store %arg16[%parallel_loop3A_230, %parallel_loop3A_231], %parallel_loop3A_229 {strides = array<i32>} : memref<80x128xf32, #tpu.memory_space<vmem>>, vector<16xf32>,
      } {sc.loop_unroll_factor = 8 : i64, sc.parallel_access}
      %mul3A_123 = arith.constant 80 : i32
      %mul3A_124 = arith.muli %add3A_68, %mul3A_123 : i32
      %add3A_125 = arith.addi %mul3A_2, %mul3A_124 : i32
      %dma_start3A_126 = arith.constant 0 : i32
      %dma_start3A_127 = tpu.memref_slice %arg6[%add3A_125, %dma_start3A_126] : memref<320000x128xf32, #tpu.memory_space<hbm>> -> memref<80x128xf32, #tpu.memory_space<hbm>>
      %dma_start3A_128 = arith.constant 0 : i32
      %dma_start3A_129 = tpu.memref_slice %arg6[%add3A_125, %dma_start3A_128] : memref<320000x128xf32, #tpu.memory_space<hbm>> -> memref<80x128xf32, #tpu.memory_space<hbm>>
      tpu.enqueue_dma source(%arg16 : memref<80x128xf32, #tpu.memory_space<vmem>>) target(%dma_start3A_129 : memref<80x128xf32, #tpu.memory_space<hbm>>) target_semaphore(%arg22 : memref<!tpu.dma_semaphore, #tpu.memory_space<semaphore_mem>>)
      %add3A_130 = arith.constant 2 : i32
      %add3A_131 = arith.addi %add3A_68, %add3A_130 : i32
      %lt3A = arith.constant 125 : i32
      %lt3A_132 = arith.cmpi slt, %add3A_131, %lt3A : i32
      %convert_element_type3A_133 = arith.extui %lt3A_132 : i1 to i32
      %cond3A_134 = arith.constant 0 : i32
      %cond3A_135 = arith.cmpi ne, %convert_element_type3A_133, %cond3A_134 : i32
      scf.if %cond3A_135 {
        %add3A_152 = arith.constant 2 : i32
        %add3A_153 = arith.addi %add3A_68, %add3A_152 : i32
        %mul3A_154 = arith.constant 80 : i32
        %mul3A_155 = arith.muli %add3A_153, %mul3A_154 : i32
        %add3A_156 = arith.addi %mul3A_2, %mul3A_155 : i32
        %dma_start3A_157 = tpu.memref_slice %arg4[%add3A_156] : memref<320000xi32, #tpu.memory_space<hbm>> -> memref<80xi32, #tpu.memory_space<hbm>>
        %dma_start3A_158 = tpu.memref_slice %arg4[%add3A_156] : memref<320000xi32, #tpu.memory_space<hbm>> -> memref<80xi32, #tpu.memory_space<hbm>>
        tpu.enqueue_dma source(%dma_start3A_158 : memref<80xi32, #tpu.memory_space<hbm>>) target(%arg12 : memref<80xi32, #tpu.memory_space<vmem>>) target_semaphore(%arg18 : memref<!tpu.dma_semaphore, #tpu.memory_space<semaphore_mem>>)
        %dma_start3A_159 = tpu.memref_slice %arg5[%add3A_156] : memref<320000xi32, #tpu.memory_space<hbm>> -> memref<80xi32, #tpu.memory_space<hbm>>
        %dma_start3A_160 = tpu.memref_slice %arg5[%add3A_156] : memref<320000xi32, #tpu.memory_space<hbm>> -> memref<80xi32, #tpu.memory_space<hbm>>
        tpu.enqueue_dma source(%dma_start3A_160 : memref<80xi32, #tpu.memory_space<hbm>>) target(%arg13 : memref<80xi32, #tpu.memory_space<vmem>>) target_semaphore(%arg18 : memref<!tpu.dma_semaphore, #tpu.memory_space<semaphore_mem>>)
      } else {
      }
      %add3A_136 = arith.constant 2 : i32
      %add3A_137 = arith.addi %mul3A_66, %add3A_136 : i32
      %mul3A_138 = arith.constant 80 : i32
      %mul3A_139 = arith.muli %add3A_137, %mul3A_138 : i32
      %add3A_140 = arith.addi %mul3A_2, %mul3A_139 : i32
      %dma_wait3A_141 = tpu.memref_slice %arg4[%add3A_140] : memref<320000xi32, #tpu.memory_space<hbm>> -> memref<80xi32, #tpu.memory_space<hbm>>
      %dma_wait3A_142 = tpu.memref_slice %arg4[%add3A_140] : memref<320000xi32, #tpu.memory_space<hbm>> -> memref<80xi32, #tpu.memory_space<hbm>>
      tpu.wait_dma2 semaphore(%arg17 : memref<!tpu.dma_semaphore, #tpu.memory_space<semaphore_mem>>) src(%dma_wait3A_142 : memref<80xi32, #tpu.memory_space<hbm>>) dst(%arg7 : memref<80xi32, #tpu.memory_space<vmem>>)
      %dma_wait3A_143 = tpu.memref_slice %arg5[%add3A_140] : memref<320000xi32, #tpu.memory_space<hbm>> -> memref<80xi32, #tpu.memory_space<hbm>>
      %dma_wait3A_144 = tpu.memref_slice %arg5[%add3A_140] : memref<320000xi32, #tpu.memory_space<hbm>> -> memref<80xi32, #tpu.memory_space<hbm>>
      tpu.wait_dma2 semaphore(%arg17 : memref<!tpu.dma_semaphore, #tpu.memory_space<semaphore_mem>>) src(%dma_wait3A_144 : memref<80xi32, #tpu.memory_space<hbm>>) dst(%arg8 : memref<80xi32, #tpu.memory_space<vmem>>)
      %dma_start3A_145 = arith.constant 0 : i32
      %dma_start3A_146 = arith.constant 0 : i32
      %dma_start3A_147 = tpu.memref_slice %arg2[%dma_start3A_145, %dma_start3A_146] : memref<10000x128xf32, #tpu.memory_space<hbm>> -> memref<10000x128xf32, #tpu.memory_space<hbm>>
      tpu.enqueue_indirect_dma source(%dma_start3A_147 : memref<10000x128xf32, #tpu.memory_space<hbm>>) target(%arg9 : memref<80x128xf32, #tpu.memory_space<vmem>>) offsets(%arg7 : memref<80xi32, #tpu.memory_space<vmem>>) semaphore(%arg19 : memref<!tpu.dma_semaphore, #tpu.memory_space<semaphore_mem>>)
      %dma_start3A_148 = arith.constant 0 : i32
      %dma_start3A_149 = arith.constant 0 : i32
      %dma_start3A_150 = tpu.memref_slice %arg3[%dma_start3A_148, %dma_start3A_149] : memref<10000x128xf32, #tpu.memory_space<hbm>> -> memref<10000x128xf32, #tpu.memory_space<hbm>>
      tpu.enqueue_indirect_dma source(%dma_start3A_150 : memref<10000x128xf32, #tpu.memory_space<hbm>>) target(%arg10 : memref<80x128xf32, #tpu.memory_space<vmem>>) offsets(%arg8 : memref<80xi32, #tpu.memory_space<vmem>>) semaphore(%arg19 : memref<!tpu.dma_semaphore, #tpu.memory_space<semaphore_mem>>)
      %scan3A_151 = arith.constant 0 : i32
      scf.yield %scan3A_151 : i32
    }
    %scan3A_30 = arith.constant 62 : i32
    %dma_wait3A_31 = arith.constant 0 : i32
    %dma_wait3A_32 = arith.constant 0 : i32
    %dma_wait3A_33 = tpu.memref_slice %arg2[%dma_wait3A_31, %dma_wait3A_32] : memref<10000x128xf32, #tpu.memory_space<hbm>> -> memref<10000x128xf32, #tpu.memory_space<hbm>>
    tpu.wait_indirect_dma semaphore(%arg19 : memref<!tpu.dma_semaphore, #tpu.memory_space<semaphore_mem>>) src(%dma_wait3A_33 : memref<10000x128xf32, #tpu.memory_space<hbm>>) dst(%arg9 : memref<80x128xf32, #tpu.memory_space<vmem>>)
    %dma_wait3A_34 = arith.constant 0 : i32
    %dma_wait3A_35 = arith.constant 0 : i32
    %dma_wait3A_36 = tpu.memref_slice %arg3[%dma_wait3A_34, %dma_wait3A_35] : memref<10000x128xf32, #tpu.memory_space<hbm>> -> memref<10000x128xf32, #tpu.memory_space<hbm>>
    tpu.wait_indirect_dma semaphore(%arg19 : memref<!tpu.dma_semaphore, #tpu.memory_space<semaphore_mem>>) src(%dma_wait3A_36 : memref<10000x128xf32, #tpu.memory_space<hbm>>) dst(%arg10 : memref<80x128xf32, #tpu.memory_space<vmem>>)
    %add3A_37 = arith.constant 9760 : i32
    %add3A_38 = arith.addi %mul3A_2, %add3A_37 : i32
    %dma_wait3A_39 = arith.constant 0 : i32
    %dma_wait3A_40 = tpu.memref_slice %arg6[%add3A_38, %dma_wait3A_39] : memref<320000x128xf32, #tpu.memory_space<hbm>> -> memref<80x128xf32, #tpu.memory_space<hbm>>
    %dma_wait3A_41 = arith.constant 0 : i32
    %dma_wait3A_42 = tpu.memref_slice %arg6[%add3A_38, %dma_wait3A_41] : memref<320000x128xf32, #tpu.memory_space<hbm>> -> memref<80x128xf32, #tpu.memory_space<hbm>>
    tpu.wait_dma2 semaphore(%arg21 : memref<!tpu.dma_semaphore, #tpu.memory_space<semaphore_mem>>) src(%arg11 : memref<80x128xf32, #tpu.memory_space<vmem>>) dst(%dma_wait3A_42 : memref<80x128xf32, #tpu.memory_space<hbm>>)
    %parallel_loop3A = arith.constant 0 : i32
    %parallel_loop3A_43 = arith.constant 80 : i32
    %parallel_loop3A_44 = arith.constant 1 : i32
    scf.for %parallel_loop3A_63 = %parallel_loop3A to %parallel_loop3A_43 step %parallel_loop3A_44  : i32 {
      %parallel_loop3A_64 = arith.index_cast %parallel_loop3A_63 : i32 to index
      %parallel_loop3A_65 = arith.constant 0 : index
      %parallel_loop3A_66 = tpu.vector_load %arg9[%parallel_loop3A_64, %parallel_loop3A_65] {strides = array<i32>} : memref<80x128xf32, #tpu.memory_space<vmem>>, vector<16xf32>,
      %parallel_loop3A_67 = arith.index_cast %parallel_loop3A_63 : i32 to index
      %parallel_loop3A_68 = arith.constant 0 : index
      %parallel_loop3A_69 = tpu.vector_load %arg10[%parallel_loop3A_67, %parallel_loop3A_68] {strides = array<i32>} : memref<80x128xf32, #tpu.memory_space<vmem>>, vector<16xf32>,
      %parallel_loop3A_70 = arith.addf %parallel_loop3A_66, %parallel_loop3A_69 : vector<16xf32>
      %parallel_loop3A_71 = arith.index_cast %parallel_loop3A_63 : i32 to index
      %parallel_loop3A_72 = arith.constant 0 : index
      %parallel_loop3A_73 = tpu.vector_load %arg11[%parallel_loop3A_71, %parallel_loop3A_72] {strides = array<i32>} : memref<80x128xf32, #tpu.memory_space<vmem>>, vector<16xf32>,
      tpu.vector_store %arg11[%parallel_loop3A_71, %parallel_loop3A_72], %parallel_loop3A_70 {strides = array<i32>} : memref<80x128xf32, #tpu.memory_space<vmem>>, vector<16xf32>,
      %parallel_loop3A_74 = arith.index_cast %parallel_loop3A_63 : i32 to index
      %parallel_loop3A_75 = arith.constant 16 : index
      %parallel_loop3A_76 = tpu.vector_load %arg9[%parallel_loop3A_74, %parallel_loop3A_75] {strides = array<i32>} : memref<80x128xf32, #tpu.memory_space<vmem>>, vector<16xf32>,
      %parallel_loop3A_77 = arith.index_cast %parallel_loop3A_63 : i32 to index
      %parallel_loop3A_78 = arith.constant 16 : index
      %parallel_loop3A_79 = tpu.vector_load %arg10[%parallel_loop3A_77, %parallel_loop3A_78] {strides = array<i32>} : memref<80x128xf32, #tpu.memory_space<vmem>>, vector<16xf32>,
      %parallel_loop3A_80 = arith.addf %parallel_loop3A_76, %parallel_loop3A_79 : vector<16xf32>
      %parallel_loop3A_81 = arith.index_cast %parallel_loop3A_63 : i32 to index
      %parallel_loop3A_82 = arith.constant 16 : index
      %parallel_loop3A_83 = tpu.vector_load %arg11[%parallel_loop3A_81, %parallel_loop3A_82] {strides = array<i32>} : memref<80x128xf32, #tpu.memory_space<vmem>>, vector<16xf32>,
      tpu.vector_store %arg11[%parallel_loop3A_81, %parallel_loop3A_82], %parallel_loop3A_80 {strides = array<i32>} : memref<80x128xf32, #tpu.memory_space<vmem>>, vector<16xf32>,
      %parallel_loop3A_84 = arith.index_cast %parallel_loop3A_63 : i32 to index
      %parallel_loop3A_85 = arith.constant 32 : index
      %parallel_loop3A_86 = tpu.vector_load %arg9[%parallel_loop3A_84, %parallel_loop3A_85] {strides = array<i32>} : memref<80x128xf32, #tpu.memory_space<vmem>>, vector<16xf32>,
      %parallel_loop3A_87 = arith.index_cast %parallel_loop3A_63 : i32 to index
      %parallel_loop3A_88 = arith.constant 32 : index
      %parallel_loop3A_89 = tpu.vector_load %arg10[%parallel_loop3A_87, %parallel_loop3A_88] {strides = array<i32>} : memref<80x128xf32, #tpu.memory_space<vmem>>, vector<16xf32>,
      %parallel_loop3A_90 = arith.addf %parallel_loop3A_86, %parallel_loop3A_89 : vector<16xf32>
      %parallel_loop3A_91 = arith.index_cast %parallel_loop3A_63 : i32 to index
      %parallel_loop3A_92 = arith.constant 32 : index
      %parallel_loop3A_93 = tpu.vector_load %arg11[%parallel_loop3A_91, %parallel_loop3A_92] {strides = array<i32>} : memref<80x128xf32, #tpu.memory_space<vmem>>, vector<16xf32>,
      tpu.vector_store %arg11[%parallel_loop3A_91, %parallel_loop3A_92], %parallel_loop3A_90 {strides = array<i32>} : memref<80x128xf32, #tpu.memory_space<vmem>>, vector<16xf32>,
      %parallel_loop3A_94 = arith.index_cast %parallel_loop3A_63 : i32 to index
      %parallel_loop3A_95 = arith.constant 48 : index
      %parallel_loop3A_96 = tpu.vector_load %arg9[%parallel_loop3A_94, %parallel_loop3A_95] {strides = array<i32>} : memref<80x128xf32, #tpu.memory_space<vmem>>, vector<16xf32>,
      %parallel_loop3A_97 = arith.index_cast %parallel_loop3A_63 : i32 to index
      %parallel_loop3A_98 = arith.constant 48 : index
      %parallel_loop3A_99 = tpu.vector_load %arg10[%parallel_loop3A_97, %parallel_loop3A_98] {strides = array<i32>} : memref<80x128xf32, #tpu.memory_space<vmem>>, vector<16xf32>,
      %parallel_loop3A_100 = arith.addf %parallel_loop3A_96, %parallel_loop3A_99 : vector<16xf32>
      %parallel_loop3A_101 = arith.index_cast %parallel_loop3A_63 : i32 to index
      %parallel_loop3A_102 = arith.constant 48 : index
      %parallel_loop3A_103 = tpu.vector_load %arg11[%parallel_loop3A_101, %parallel_loop3A_102] {strides = array<i32>} : memref<80x128xf32, #tpu.memory_space<vmem>>, vector<16xf32>,
      tpu.vector_store %arg11[%parallel_loop3A_101, %parallel_loop3A_102], %parallel_loop3A_100 {strides = array<i32>} : memref<80x128xf32, #tpu.memory_space<vmem>>, vector<16xf32>,
      %parallel_loop3A_104 = arith.index_cast %parallel_loop3A_63 : i32 to index
      %parallel_loop3A_105 = arith.constant 64 : index
      %parallel_loop3A_106 = tpu.vector_load %arg9[%parallel_loop3A_104, %parallel_loop3A_105] {strides = array<i32>} : memref<80x128xf32, #tpu.memory_space<vmem>>, vector<16xf32>,
      %parallel_loop3A_107 = arith.index_cast %parallel_loop3A_63 : i32 to index
      %parallel_loop3A_108 = arith.constant 64 : index
      %parallel_loop3A_109 = tpu.vector_load %arg10[%parallel_loop3A_107, %parallel_loop3A_108] {strides = array<i32>} : memref<80x128xf32, #tpu.memory_space<vmem>>, vector<16xf32>,
      %parallel_loop3A_110 = arith.addf %parallel_loop3A_106, %parallel_loop3A_109 : vector<16xf32>
      %parallel_loop3A_111 = arith.index_cast %parallel_loop3A_63 : i32 to index
      %parallel_loop3A_112 = arith.constant 64 : index
      %parallel_loop3A_113 = tpu.vector_load %arg11[%parallel_loop3A_111, %parallel_loop3A_112] {strides = array<i32>} : memref<80x128xf32, #tpu.memory_space<vmem>>, vector<16xf32>,
      tpu.vector_store %arg11[%parallel_loop3A_111, %parallel_loop3A_112], %parallel_loop3A_110 {strides = array<i32>} : memref<80x128xf32, #tpu.memory_space<vmem>>, vector<16xf32>,
      %parallel_loop3A_114 = arith.index_cast %parallel_loop3A_63 : i32 to index
      %parallel_loop3A_115 = arith.constant 80 : index
      %parallel_loop3A_116 = tpu.vector_load %arg9[%parallel_loop3A_114, %parallel_loop3A_115] {strides = array<i32>} : memref<80x128xf32, #tpu.memory_space<vmem>>, vector<16xf32>,
      %parallel_loop3A_117 = arith.index_cast %parallel_loop3A_63 : i32 to index
      %parallel_loop3A_118 = arith.constant 80 : index
      %parallel_loop3A_119 = tpu.vector_load %arg10[%parallel_loop3A_117, %parallel_loop3A_118] {strides = array<i32>} : memref<80x128xf32, #tpu.memory_space<vmem>>, vector<16xf32>,
      %parallel_loop3A_120 = arith.addf %parallel_loop3A_116, %parallel_loop3A_119 : vector<16xf32>
      %parallel_loop3A_121 = arith.index_cast %parallel_loop3A_63 : i32 to index
      %parallel_loop3A_122 = arith.constant 80 : index
      %parallel_loop3A_123 = tpu.vector_load %arg11[%parallel_loop3A_121, %parallel_loop3A_122] {strides = array<i32>} : memref<80x128xf32, #tpu.memory_space<vmem>>, vector<16xf32>,
      tpu.vector_store %arg11[%parallel_loop3A_121, %parallel_loop3A_122], %parallel_loop3A_120 {strides = array<i32>} : memref<80x128xf32, #tpu.memory_space<vmem>>, vector<16xf32>,
      %parallel_loop3A_124 = arith.index_cast %parallel_loop3A_63 : i32 to index
      %parallel_loop3A_125 = arith.constant 96 : index
      %parallel_loop3A_126 = tpu.vector_load %arg9[%parallel_loop3A_124, %parallel_loop3A_125] {strides = array<i32>} : memref<80x128xf32, #tpu.memory_space<vmem>>, vector<16xf32>,
      %parallel_loop3A_127 = arith.index_cast %parallel_loop3A_63 : i32 to index
      %parallel_loop3A_128 = arith.constant 96 : index
      %parallel_loop3A_129 = tpu.vector_load %arg10[%parallel_loop3A_127, %parallel_loop3A_128] {strides = array<i32>} : memref<80x128xf32, #tpu.memory_space<vmem>>, vector<16xf32>,
      %parallel_loop3A_130 = arith.addf %parallel_loop3A_126, %parallel_loop3A_129 : vector<16xf32>
      %parallel_loop3A_131 = arith.index_cast %parallel_loop3A_63 : i32 to index
      %parallel_loop3A_132 = arith.constant 96 : index
      %parallel_loop3A_133 = tpu.vector_load %arg11[%parallel_loop3A_131, %parallel_loop3A_132] {strides = array<i32>} : memref<80x128xf32, #tpu.memory_space<vmem>>, vector<16xf32>,
      tpu.vector_store %arg11[%parallel_loop3A_131, %parallel_loop3A_132], %parallel_loop3A_130 {strides = array<i32>} : memref<80x128xf32, #tpu.memory_space<vmem>>, vector<16xf32>,
      %parallel_loop3A_134 = arith.index_cast %parallel_loop3A_63 : i32 to index
      %parallel_loop3A_135 = arith.constant 112 : index
      %parallel_loop3A_136 = tpu.vector_load %arg9[%parallel_loop3A_134, %parallel_loop3A_135] {strides = array<i32>} : memref<80x128xf32, #tpu.memory_space<vmem>>, vector<16xf32>,
      %parallel_loop3A_137 = arith.index_cast %parallel_loop3A_63 : i32 to index
      %parallel_loop3A_138 = arith.constant 112 : index
      %parallel_loop3A_139 = tpu.vector_load %arg10[%parallel_loop3A_137, %parallel_loop3A_138] {strides = array<i32>} : memref<80x128xf32, #tpu.memory_space<vmem>>, vector<16xf32>,
      %parallel_loop3A_140 = arith.addf %parallel_loop3A_136, %parallel_loop3A_139 : vector<16xf32>
      %parallel_loop3A_141 = arith.index_cast %parallel_loop3A_63 : i32 to index
      %parallel_loop3A_142 = arith.constant 112 : index
      %parallel_loop3A_143 = tpu.vector_load %arg11[%parallel_loop3A_141, %parallel_loop3A_142] {strides = array<i32>} : memref<80x128xf32, #tpu.memory_space<vmem>>, vector<16xf32>,
      tpu.vector_store %arg11[%parallel_loop3A_141, %parallel_loop3A_142], %parallel_loop3A_140 {strides = array<i32>} : memref<80x128xf32, #tpu.memory_space<vmem>>, vector<16xf32>,
    } {sc.loop_unroll_factor = 8 : i64, sc.parallel_access}
    %add3A_45 = arith.constant 9920 : i32
    %add3A_46 = arith.addi %mul3A_2, %add3A_45 : i32
    %dma_start3A_47 = arith.constant 0 : i32
    %dma_start3A_48 = tpu.memref_slice %arg6[%add3A_46, %dma_start3A_47] : memref<320000x128xf32, #tpu.memory_space<hbm>> -> memref<80x128xf32, #tpu.memory_space<hbm>>
    %dma_start3A_49 = arith.constant 0 : i32
    %dma_start3A_50 = tpu.memref_slice %arg6[%add3A_46, %dma_start3A_49] : memref<320000x128xf32, #tpu.memory_space<hbm>> -> memref<80x128xf32, #tpu.memory_space<hbm>>
    tpu.enqueue_dma source(%arg11 : memref<80x128xf32, #tpu.memory_space<vmem>>) target(%dma_start3A_50 : memref<80x128xf32, #tpu.memory_space<hbm>>) target_semaphore(%arg21 : memref<!tpu.dma_semaphore, #tpu.memory_space<semaphore_mem>>)
    %add3A_51 = arith.constant 9920 : i32
    %add3A_52 = arith.addi %mul3A_2, %add3A_51 : i32
    %dma_wait3A_53 = arith.constant 0 : i32
    %dma_wait3A_54 = tpu.memref_slice %arg6[%add3A_52, %dma_wait3A_53] : memref<320000x128xf32, #tpu.memory_space<hbm>> -> memref<80x128xf32, #tpu.memory_space<hbm>>
    %dma_wait3A_55 = arith.constant 0 : i32
    %dma_wait3A_56 = tpu.memref_slice %arg6[%add3A_52, %dma_wait3A_55] : memref<320000x128xf32, #tpu.memory_space<hbm>> -> memref<80x128xf32, #tpu.memory_space<hbm>>
    tpu.wait_dma2 semaphore(%arg21 : memref<!tpu.dma_semaphore, #tpu.memory_space<semaphore_mem>>) src(%arg11 : memref<80x128xf32, #tpu.memory_space<vmem>>) dst(%dma_wait3A_56 : memref<80x128xf32, #tpu.memory_space<hbm>>)
    %add3A_57 = arith.constant 9840 : i32
    %add3A_58 = arith.addi %mul3A_2, %add3A_57 : i32
    %dma_wait3A_59 = arith.constant 0 : i32
    %dma_wait3A_60 = tpu.memref_slice %arg6[%add3A_58, %dma_wait3A_59] : memref<320000x128xf32, #tpu.memory_space<hbm>> -> memref<80x128xf32, #tpu.memory_space<hbm>>
    %dma_wait3A_61 = arith.constant 0 : i32
    %dma_wait3A_62 = tpu.memref_slice %arg6[%add3A_58, %dma_wait3A_61] : memref<320000x128xf32, #tpu.memory_space<hbm>> -> memref<80x128xf32, #tpu.memory_space<hbm>>
    tpu.wait_dma2 semaphore(%arg22 : memref<!tpu.dma_semaphore, #tpu.memory_space<semaphore_mem>>) src(%arg16 : memref<80x128xf32, #tpu.memory_space<vmem>>) dst(%dma_wait3A_62 : memref<80x128xf32, #tpu.memory_space<hbm>>)
    return
  }
}

module attributes {stable_mosaic.version = 14 : i64} {
  func.func @body(%arg0: i32, %arg1: memref<2000x128xf32, #tpu.memory_space<vmem>>, %arg2: memref<128x128xf32, #tpu.memory_space<vmem>>, %arg3: memref<1x128xf32, #tpu.memory_space<vmem>>, %arg4: memref<128x128xf32, #tpu.memory_space<vmem>>, %arg5: memref<128x128xf32, #tpu.memory_space<vmem>>, %arg6: memref<2000x128xf32, #tpu.memory_space<vmem>>, %arg7: memref<2000x128xf32, #tpu.memory_space<vmem>>, %arg8: memref<2000x128xf32, #tpu.memory_space<vmem>>) attributes {dimension_semantics = [#tpu.dimension_semantics<arbitrary>], iteration_bounds = array<i64: 5>, scalar_prefetch = 0 : i64, scratch_operands = 0 : i64, tpu.core_type = #tpu.core_type<tc>, window_params = [{transform_indices = @transform_0, window_bounds = array<i64: 2000, 128>}, {pipeline_mode = #tpu.pipeline_mode<synchronous>, transform_indices = @transform_1, window_bounds = array<i64: 128, 128>}, {pipeline_mode = #tpu.pipeline_mode<synchronous>, transform_indices = @transform_2, window_bounds = array<i64: 1, 128>}, {pipeline_mode = #tpu.pipeline_mode<synchronous>, transform_indices = @transform_3, window_bounds = array<i64: 128, 128>}, {pipeline_mode = #tpu.pipeline_mode<synchronous>, transform_indices = @transform_4, window_bounds = array<i64: 128, 128>}, {transform_indices = @transform_5, window_bounds = array<i64: 2000, 128>}, {transform_indices = @transform_6, window_bounds = array<i64: 2000, 128>}, {transform_indices = @transform_7, window_bounds = array<i64: 2000, 128>}]} {
    %get3A = arith.constant 0 : index
    %get3A_0 = arith.constant 0 : index
    %get3A_1 = vector.load %arg1[%get3A, %get3A_0] : memref<2000x128xf32, #tpu.memory_space<vmem>>, vector<2000x128xf32>
    %get3A_2 = arith.constant 0 : index
    %get3A_3 = arith.constant 0 : index
    %get3A_4 = vector.load %arg2[%get3A_2, %get3A_3] : memref<128x128xf32, #tpu.memory_space<vmem>>, vector<128x128xf32>
    %dot_general3A = arith.constant dense<0.000000e+00> : vector<2000x128xf32>
    %dot_general3A_5 = tpu.matmul %get3A_1, %get3A_4, %dot_general3A {dimension_numbers = #tpu.dot_dimension_numbers<[1], [0], [0], [1], [0, 0, 1, 1], [], []>, transpose_lhs_hint = false} : vector<2000x128xf32>, vector<128x128xf32>, vector<2000x128xf32> -> vector<2000x128xf32>
    %get3A_6 = arith.constant 0 : index
    %get3A_7 = arith.constant 0 : index
    %get3A_8 = vector.load %arg3[%get3A_6, %get3A_7] : memref<1x128xf32, #tpu.memory_space<vmem>>, vector<1x128xf32>
    %add3A = vector.broadcast %get3A_8 : vector<1x128xf32> to vector<2000x128xf32>
    %add3A_9 = arith.addf %dot_general3A_5, %add3A : vector<2000x128xf32>
    %swap3A = arith.constant 0 : index
    %swap3A_10 = arith.constant 0 : index
    %swap3A_11 = vector.load %arg6[%swap3A, %swap3A_10] : memref<2000x128xf32, #tpu.memory_space<vmem>>, vector<2000x128xf32>
    tpu.vector_store %arg6[%swap3A, %swap3A_10], %add3A_9 {strides = array<i32>} : memref<2000x128xf32, #tpu.memory_space<vmem>>, vector<2000x128xf32>,
    %get3A_12 = arith.constant 0 : index
    %get3A_13 = arith.constant 0 : index
    %get3A_14 = vector.load %arg4[%get3A_12, %get3A_13] : memref<128x128xf32, #tpu.memory_space<vmem>>, vector<128x128xf32>
    %dot_general3A_15 = arith.constant dense<0.000000e+00> : vector<2000x128xf32>
    %dot_general3A_16 = tpu.matmul %get3A_1, %get3A_14, %dot_general3A_15 {dimension_numbers = #tpu.dot_dimension_numbers<[1], [0], [0], [1], [0, 0, 1, 1], [], []>, transpose_lhs_hint = false} : vector<2000x128xf32>, vector<128x128xf32>, vector<2000x128xf32> -> vector<2000x128xf32>
    %swap3A_17 = arith.constant 0 : index
    %swap3A_18 = arith.constant 0 : index
    %swap3A_19 = vector.load %arg7[%swap3A_17, %swap3A_18] : memref<2000x128xf32, #tpu.memory_space<vmem>>, vector<2000x128xf32>
    tpu.vector_store %arg7[%swap3A_17, %swap3A_18], %dot_general3A_16 {strides = array<i32>} : memref<2000x128xf32, #tpu.memory_space<vmem>>, vector<2000x128xf32>,
    %get3A_20 = arith.constant 0 : index
    %get3A_21 = arith.constant 0 : index
    %get3A_22 = vector.load %arg5[%get3A_20, %get3A_21] : memref<128x128xf32, #tpu.memory_space<vmem>>, vector<128x128xf32>
    %dot_general3A_23 = arith.constant dense<0.000000e+00> : vector<2000x128xf32>
    %dot_general3A_24 = tpu.matmul %get3A_1, %get3A_22, %dot_general3A_23 {dimension_numbers = #tpu.dot_dimension_numbers<[1], [0], [0], [1], [0, 0, 1, 1], [], []>, transpose_lhs_hint = false} : vector<2000x128xf32>, vector<128x128xf32>, vector<2000x128xf32> -> vector<2000x128xf32>
    %swap3A_25 = arith.constant 0 : index
    %swap3A_26 = arith.constant 0 : index
    %swap3A_27 = vector.load %arg8[%swap3A_25, %swap3A_26] : memref<2000x128xf32, #tpu.memory_space<vmem>>, vector<2000x128xf32>
    tpu.vector_store %arg8[%swap3A_25, %swap3A_26], %dot_general3A_24 {strides = array<i32>} : memref<2000x128xf32, #tpu.memory_space<vmem>>, vector<2000x128xf32>,
    return
  }
  func.func @transform_0(%arg0: i32) -> (i32, i32) {
    %c0_i32 = arith.constant 0 : i32
    %c0_i32_0 = arith.constant 0 : i32
    return %arg0, %c0_i32 : i32, i32
  }
  func.func @transform_1(%arg0: i32) -> (i32, i32) {
    %c0_i32 = arith.constant 0 : i32
    %c0_i32_0 = arith.constant 0 : i32
    %c0_i32_1 = arith.constant 0 : i32
    return %c0_i32, %c0_i32_0 : i32, i32
  }
  func.func @transform_2(%arg0: i32) -> (i32, i32) {
    %c0_i32 = arith.constant 0 : i32
    %c0_i32_0 = arith.constant 0 : i32
    %c0_i32_1 = arith.constant 0 : i32
    return %c0_i32, %c0_i32_0 : i32, i32
  }
  func.func @transform_3(%arg0: i32) -> (i32, i32) {
    %c0_i32 = arith.constant 0 : i32
    %c0_i32_0 = arith.constant 0 : i32
    %c0_i32_1 = arith.constant 0 : i32
    return %c0_i32, %c0_i32_0 : i32, i32
  }
  func.func @transform_4(%arg0: i32) -> (i32, i32) {
    %c0_i32 = arith.constant 0 : i32
    %c0_i32_0 = arith.constant 0 : i32
    %c0_i32_1 = arith.constant 0 : i32
    return %c0_i32, %c0_i32_0 : i32, i32
  }
  func.func @transform_5(%arg0: i32) -> (i32, i32) {
    %c0_i32 = arith.constant 0 : i32
    %c0_i32_0 = arith.constant 0 : i32
    return %arg0, %c0_i32 : i32, i32
  }
  func.func @transform_6(%arg0: i32) -> (i32, i32) {
    %c0_i32 = arith.constant 0 : i32
    %c0_i32_0 = arith.constant 0 : i32
    return %arg0, %c0_i32 : i32, i32
  }
  func.func @transform_7(%arg0: i32) -> (i32, i32) {
    %c0_i32 = arith.constant 0 : i32
    %c0_i32_0 = arith.constant 0 : i32
    return %arg0, %c0_i32 : i32, i32
  }
}

module attributes {stable_mosaic.version = 14 : i64} {
  func.func @body(%arg0: i32, %arg1: memref<8000x128xf32, #tpu.memory_space<vmem>>, %arg2: memref<8000x128xf32, #tpu.memory_space<vmem>>, %arg3: memref<128x256xbf16, #tpu.memory_space<vmem>>, %arg4: memref<1x256xf32, #tpu.memory_space<vmem>>, %arg5: memref<128x256xbf16, #tpu.memory_space<vmem>>, %arg6: memref<1x128xf32, #tpu.memory_space<vmem>>, %arg7: memref<1x128xf32, #tpu.memory_space<vmem>>, %arg8: memref<8000x128xf32, #tpu.memory_space<vmem>>, %arg9: memref<8000x16xf32, #tpu.memory_space<vmem>>) attributes {dimension_semantics = [#tpu.dimension_semantics<arbitrary>], iteration_bounds = array<i64: 40>, scalar_prefetch = 0 : i64, scratch_operands = 0 : i64, tpu.core_type = #tpu.core_type<tc>, window_params = [{transform_indices = @transform_0, window_bounds = array<i64: 8000, 128>}, {transform_indices = @transform_1, window_bounds = array<i64: 8000, 128>}, {pipeline_mode = #tpu.pipeline_mode<synchronous>, transform_indices = @transform_2, window_bounds = array<i64: 128, 256>}, {pipeline_mode = #tpu.pipeline_mode<synchronous>, transform_indices = @transform_3, window_bounds = array<i64: 1, 256>}, {pipeline_mode = #tpu.pipeline_mode<synchronous>, transform_indices = @transform_4, window_bounds = array<i64: 128, 256>}, {pipeline_mode = #tpu.pipeline_mode<synchronous>, transform_indices = @transform_5, window_bounds = array<i64: 1, 128>}, {pipeline_mode = #tpu.pipeline_mode<synchronous>, transform_indices = @transform_6, window_bounds = array<i64: 1, 128>}, {transform_indices = @transform_7, window_bounds = array<i64: 8000, 128>}, {transform_indices = @transform_8, window_bounds = array<i64: 8000, 16>}]} {
    %get3A = arith.constant 0 : index
    %get3A_0 = arith.constant 0 : index
    %get3A_1 = vector.load %arg1[%get3A, %get3A_0] : memref<8000x128xf32, #tpu.memory_space<vmem>>, vector<8000x128xf32>
    %get3A_2 = arith.constant 0 : index
    %get3A_3 = arith.constant 0 : index
    %get3A_4 = vector.load %arg2[%get3A_2, %get3A_3] : memref<8000x128xf32, #tpu.memory_space<vmem>>, vector<8000x128xf32>
    %convert_element_type3A = arith.truncf %get3A_1 : vector<8000x128xf32> to vector<8000x128xbf16>
    %get3A_5 = arith.constant 0 : index
    %get3A_6 = arith.constant 0 : index
    %get3A_7 = vector.load %arg3[%get3A_5, %get3A_6] : memref<128x256xbf16, #tpu.memory_space<vmem>>, vector<128x256xbf16>
    %dot_general3A = arith.constant dense<0.000000e+00> : vector<8000x256xf32>
    %dot_general3A_8 = tpu.matmul %convert_element_type3A, %get3A_7, %dot_general3A {dimension_numbers = #tpu.dot_dimension_numbers<[1], [0], [0], [1], [0, 0, 1, 1], [], []>, transpose_lhs_hint = false} : vector<8000x128xbf16>, vector<128x256xbf16>, vector<8000x256xf32> -> vector<8000x256xf32>
    %get3A_9 = arith.constant 0 : index
    %get3A_10 = arith.constant 0 : index
    %get3A_11 = vector.load %arg4[%get3A_9, %get3A_10] : memref<1x256xf32, #tpu.memory_space<vmem>>, vector<1x256xf32>
    %add3A = vector.broadcast %get3A_11 : vector<1x256xf32> to vector<8000x256xf32>
    %add3A_12 = arith.addf %dot_general3A_8, %add3A : vector<8000x256xf32>
    %slice3A = vector.extract_strided_slice %add3A_12 {offsets = [0, 0], sizes = [8000, 128], strides = [1, 1]} : vector<8000x256xf32> to vector<8000x128xf32>
    %mul3A = arith.mulf %get3A_4, %slice3A : vector<8000x128xf32>
    %max3A = arith.constant 0.000000e+00 : f32
    %max3A_13 = vector.broadcast %max3A : f32 to vector<8000x128xf32>
    %max3A_14 = arith.maximumf %mul3A, %max3A_13 : vector<8000x128xf32>
    %sqrt3A = math.sqrt %max3A_14 : vector<8000x128xf32>
    %neg3A = arith.constant 0.000000e+00 : f32
    %neg3A_15 = vector.broadcast %neg3A : f32 to vector<8000x128xf32>
    %neg3A_16 = arith.subf %neg3A_15, %mul3A : vector<8000x128xf32>
    %max3A_17 = arith.constant 0.000000e+00 : f32
    %max3A_18 = vector.broadcast %max3A_17 : f32 to vector<8000x128xf32>
    %max3A_19 = arith.maximumf %neg3A_16, %max3A_18 : vector<8000x128xf32>
    %sqrt3A_20 = math.sqrt %max3A_19 : vector<8000x128xf32>
    %sub3A = arith.subf %sqrt3A, %sqrt3A_20 : vector<8000x128xf32>
    %slice3A_21 = vector.extract_strided_slice %add3A_12 {offsets = [0, 128], sizes = [8000, 128], strides = [1, 1]} : vector<8000x256xf32> to vector<8000x128xf32>
    %add3A_22 = arith.addf %sub3A, %slice3A_21 : vector<8000x128xf32>
    %max3A_23 = arith.constant 0.000000e+00 : f32
    %max3A_24 = vector.broadcast %max3A_23 : f32 to vector<8000x128xf32>
    %max3A_25 = arith.maximumf %add3A_22, %max3A_24 : vector<8000x128xf32>
    %convert_element_type3A_26 = arith.truncf %max3A_25 : vector<8000x128xf32> to vector<8000x128xbf16>
    %get3A_27 = arith.constant 0 : index
    %get3A_28 = arith.constant 0 : index
    %get3A_29 = vector.load %arg5[%get3A_27, %get3A_28] : memref<128x256xbf16, #tpu.memory_space<vmem>>, vector<128x256xbf16>
    %dot_general3A_30 = arith.constant dense<0.000000e+00> : vector<8000x256xf32>
    %dot_general3A_31 = tpu.matmul %convert_element_type3A_26, %get3A_29, %dot_general3A_30 {dimension_numbers = #tpu.dot_dimension_numbers<[1], [0], [0], [1], [0, 0, 1, 1], [], []>, transpose_lhs_hint = false} : vector<8000x128xbf16>, vector<128x256xbf16>, vector<8000x256xf32> -> vector<8000x256xf32>
    %slice3A_32 = vector.extract_strided_slice %dot_general3A_31 {offsets = [0, 128], sizes = [8000, 16], strides = [1, 1]} : vector<8000x256xf32> to vector<8000x16xf32>
    %jit3A = arith.constant -5.000000e+00 : f32
    %jit3A_33 = arith.constant 5.000000e+00 : f32
    %max3A_34 = vector.broadcast %jit3A : f32 to vector<8000x16xf32>
    %max3A_35 = arith.maximumf %max3A_34, %slice3A_32 : vector<8000x16xf32>
    %min3A = vector.broadcast %jit3A_33 : f32 to vector<8000x16xf32>
    %min3A_36 = arith.minimumf %min3A, %max3A_35 : vector<8000x16xf32>
    %exp3A = math.exp %min3A_36 : vector<8000x16xf32>
    %swap3A = arith.constant 0 : index
    %swap3A_37 = arith.constant 0 : index
    %swap3A_38 = vector.load %arg9[%swap3A, %swap3A_37] : memref<8000x16xf32, #tpu.memory_space<vmem>>, vector<8000x16xf32>
    tpu.vector_store %arg9[%swap3A, %swap3A_37], %exp3A {strides = array<i32>} : memref<8000x16xf32, #tpu.memory_space<vmem>>, vector<8000x16xf32>,
    %slice3A_39 = vector.extract_strided_slice %dot_general3A_31 {offsets = [0, 0], sizes = [8000, 128], strides = [1, 1]} : vector<8000x256xf32> to vector<8000x128xf32>
    %add3A_40 = arith.addf %slice3A_39, %get3A_1 : vector<8000x128xf32>
    %reduce_sum3A = arith.constant dense<0.000000e+00> : vector<8000xf32>
    %reduce_sum3A_41 = vector.multi_reduction <add>, %add3A_40, %reduce_sum3A [1] : vector<8000x128xf32> to vector<8000xf32>
    %broadcast_in_dim3A = vector.shape_cast %reduce_sum3A_41 : vector<8000xf32> to vector<8000x1xf32>
    %div3A = arith.constant 1.280000e+02 : f32
    %div3A_42 = vector.broadcast %div3A : f32 to vector<8000x1xf32>
    %div3A_43 = arith.divf %broadcast_in_dim3A, %div3A_42 : vector<8000x1xf32>
    %sub3A_44 = vector.broadcast %div3A_43 : vector<8000x1xf32> to vector<8000x128xf32>
    %sub3A_45 = arith.subf %add3A_40, %sub3A_44 : vector<8000x128xf32>
    %integer_pow3A = arith.mulf %sub3A_45, %sub3A_45 : vector<8000x128xf32>
    %reduce_sum3A_46 = arith.constant dense<0.000000e+00> : vector<8000xf32>
    %reduce_sum3A_47 = vector.multi_reduction <add>, %integer_pow3A, %reduce_sum3A_46 [1] : vector<8000x128xf32> to vector<8000xf32>
    %broadcast_in_dim3A_48 = vector.shape_cast %reduce_sum3A_47 : vector<8000xf32> to vector<8000x1xf32>
    %div3A_49 = arith.constant 1.280000e+02 : f32
    %div3A_50 = vector.broadcast %div3A_49 : f32 to vector<8000x1xf32>
    %div3A_51 = arith.divf %broadcast_in_dim3A_48, %div3A_50 : vector<8000x1xf32>
    %sub3A_52 = vector.broadcast %div3A_43 : vector<8000x1xf32> to vector<8000x128xf32>
    %sub3A_53 = arith.subf %add3A_40, %sub3A_52 : vector<8000x128xf32>
    %add3A_54 = arith.constant 9.99999974E-6 : f32
    %add3A_55 = vector.broadcast %add3A_54 : f32 to vector<8000x1xf32>
    %add3A_56 = arith.addf %div3A_51, %add3A_55 : vector<8000x1xf32>
    %sqrt3A_57 = math.sqrt %add3A_56 : vector<8000x1xf32>
    %div3A_58 = vector.broadcast %sqrt3A_57 : vector<8000x1xf32> to vector<8000x128xf32>
    %div3A_59 = arith.divf %sub3A_53, %div3A_58 : vector<8000x128xf32>
    %get3A_60 = arith.constant 0 : index
    %get3A_61 = arith.constant 0 : index
    %get3A_62 = vector.load %arg6[%get3A_60, %get3A_61] : memref<1x128xf32, #tpu.memory_space<vmem>>, vector<1x128xf32>
    %mul3A_63 = vector.broadcast %get3A_62 : vector<1x128xf32> to vector<8000x128xf32>
    %mul3A_64 = arith.mulf %div3A_59, %mul3A_63 : vector<8000x128xf32>
    %get3A_65 = arith.constant 0 : index
    %get3A_66 = arith.constant 0 : index
    %get3A_67 = vector.load %arg7[%get3A_65, %get3A_66] : memref<1x128xf32, #tpu.memory_space<vmem>>, vector<1x128xf32>
    %add3A_68 = vector.broadcast %get3A_67 : vector<1x128xf32> to vector<8000x128xf32>
    %add3A_69 = arith.addf %mul3A_64, %add3A_68 : vector<8000x128xf32>
    %swap3A_70 = arith.constant 0 : index
    %swap3A_71 = arith.constant 0 : index
    %swap3A_72 = vector.load %arg8[%swap3A_70, %swap3A_71] : memref<8000x128xf32, #tpu.memory_space<vmem>>, vector<8000x128xf32>
    tpu.vector_store %arg8[%swap3A_70, %swap3A_71], %add3A_69 {strides = array<i32>} : memref<8000x128xf32, #tpu.memory_space<vmem>>, vector<8000x128xf32>,
    return
  }
  func.func @transform_0(%arg0: i32) -> (i32, i32) {
    %c0_i32 = arith.constant 0 : i32
    %c0_i32_0 = arith.constant 0 : i32
    return %arg0, %c0_i32 : i32, i32
  }
  func.func @transform_1(%arg0: i32) -> (i32, i32) {
    %c0_i32 = arith.constant 0 : i32
    %c0_i32_0 = arith.constant 0 : i32
    return %arg0, %c0_i32 : i32, i32
  }
  func.func @transform_2(%arg0: i32) -> (i32, i32) {
    %c0_i32 = arith.constant 0 : i32
    %c0_i32_0 = arith.constant 0 : i32
    %c0_i32_1 = arith.constant 0 : i32
    return %c0_i32, %c0_i32_0 : i32, i32
  }
  func.func @transform_3(%arg0: i32) -> (i32, i32) {
    %c0_i32 = arith.constant 0 : i32
    %c0_i32_0 = arith.constant 0 : i32
    %c0_i32_1 = arith.constant 0 : i32
    return %c0_i32, %c0_i32_0 : i32, i32
  }
  func.func @transform_4(%arg0: i32) -> (i32, i32) {
    %c0_i32 = arith.constant 0 : i32
    %c0_i32_0 = arith.constant 0 : i32
    %c0_i32_1 = arith.constant 0 : i32
    return %c0_i32, %c0_i32_0 : i32, i32
  }
  func.func @transform_5(%arg0: i32) -> (i32, i32) {
    %c0_i32 = arith.constant 0 : i32
    %c0_i32_0 = arith.constant 0 : i32
    %c0_i32_1 = arith.constant 0 : i32
    return %c0_i32, %c0_i32_0 : i32, i32
  }
  func.func @transform_6(%arg0: i32) -> (i32, i32) {
    %c0_i32 = arith.constant 0 : i32
    %c0_i32_0 = arith.constant 0 : i32
    %c0_i32_1 = arith.constant 0 : i32
    return %c0_i32, %c0_i32_0 : i32, i32
  }
  func.func @transform_7(%arg0: i32) -> (i32, i32) {
    %c0_i32 = arith.constant 0 : i32
    %c0_i32_0 = arith.constant 0 : i32
    return %arg0, %c0_i32 : i32, i32
  }
  func.func @transform_8(%arg0: i32) -> (i32, i32) {
    %c0_i32 = arith.constant 0 : i32
    %c0_i32_0 = arith.constant 0 : i32
    return %arg0, %c0_i32 : i32, i32
  }
}

module attributes {stable_mosaic.version = 14 : i64} {
  func.func @body(%arg0: i32, %arg1: memref<2x2000x144xf32, #tpu.memory_space<vmem>>, %arg2: memref<2000x128xf32, #tpu.memory_space<vmem>>, %arg3: memref<2000x128xf32, #tpu.memory_space<vmem>>, %arg4: memref<128x128xf32, #tpu.memory_space<vmem>>, %arg5: memref<1x128xf32, #tpu.memory_space<vmem>>, %arg6: memref<1x128xf32, #tpu.memory_space<vmem>>, %arg7: memref<2000x128xf32, #tpu.memory_space<vmem>>) attributes {dimension_semantics = [#tpu.dimension_semantics<arbitrary>], iteration_bounds = array<i64: 5>, scalar_prefetch = 0 : i64, scratch_operands = 0 : i64, tpu.core_type = #tpu.core_type<tc>, window_params = [{transform_indices = @transform_0, window_bounds = array<i64: 2, 2000, 144>}, {transform_indices = @transform_1, window_bounds = array<i64: 2000, 128>}, {transform_indices = @transform_2, window_bounds = array<i64: 2000, 128>}, {pipeline_mode = #tpu.pipeline_mode<synchronous>, transform_indices = @transform_3, window_bounds = array<i64: 128, 128>}, {pipeline_mode = #tpu.pipeline_mode<synchronous>, transform_indices = @transform_4, window_bounds = array<i64: 1, 128>}, {pipeline_mode = #tpu.pipeline_mode<synchronous>, transform_indices = @transform_5, window_bounds = array<i64: 1, 128>}, {transform_indices = @transform_6, window_bounds = array<i64: 2000, 128>}]} {
    %get3A = arith.constant 0 : index
    %get3A_0 = arith.constant 0 : index
    %get3A_1 = arith.constant 0 : index
    %get3A_2 = vector.load %arg1[%get3A, %get3A_0, %get3A_1] : memref<2x2000x144xf32, #tpu.memory_space<vmem>>, vector<1x2000x128xf32>
    %get3A_3 = vector.shape_cast %get3A_2 : vector<1x2000x128xf32> to vector<2000x128xf32>
    %get3A_4 = arith.constant 1 : index
    %get3A_5 = arith.constant 0 : index
    %get3A_6 = arith.constant 0 : index
    %get3A_7 = vector.load %arg1[%get3A_4, %get3A_5, %get3A_6] : memref<2x2000x144xf32, #tpu.memory_space<vmem>>, vector<1x2000x128xf32>
    %get3A_8 = vector.shape_cast %get3A_7 : vector<1x2000x128xf32> to vector<2000x128xf32>
    %add3A = arith.addf %get3A_3, %get3A_8 : vector<2000x128xf32>
    %get3A_9 = arith.constant 0 : index
    %get3A_10 = arith.constant 0 : index
    %get3A_11 = vector.load %arg2[%get3A_9, %get3A_10] : memref<2000x128xf32, #tpu.memory_space<vmem>>, vector<2000x128xf32>
    %add3A_12 = arith.constant 1.000000e-16 : f32
    %add3A_13 = vector.broadcast %add3A_12 : f32 to vector<2000x128xf32>
    %add3A_14 = arith.addf %get3A_11, %add3A_13 : vector<2000x128xf32>
    %div3A = arith.divf %add3A, %add3A_14 : vector<2000x128xf32>
    %get3A_15 = arith.constant 0 : index
    %get3A_16 = arith.constant 0 : index
    %get3A_17 = vector.load %arg4[%get3A_15, %get3A_16] : memref<128x128xf32, #tpu.memory_space<vmem>>, vector<128x128xf32>
    %dot_general3A = arith.constant dense<0.000000e+00> : vector<2000x128xf32>
    %dot_general3A_18 = tpu.matmul %div3A, %get3A_17, %dot_general3A {dimension_numbers = #tpu.dot_dimension_numbers<[1], [0], [0], [1], [0, 0, 1, 1], [], []>, transpose_lhs_hint = false} : vector<2000x128xf32>, vector<128x128xf32>, vector<2000x128xf32> -> vector<2000x128xf32>
    %get3A_19 = arith.constant 0 : index
    %get3A_20 = arith.constant 0 : index
    %get3A_21 = vector.load %arg3[%get3A_19, %get3A_20] : memref<2000x128xf32, #tpu.memory_space<vmem>>, vector<2000x128xf32>
    %add3A_22 = arith.addf %dot_general3A_18, %get3A_21 : vector<2000x128xf32>
    %reduce_sum3A = arith.constant dense<0.000000e+00> : vector<2000xf32>
    %reduce_sum3A_23 = vector.multi_reduction <add>, %add3A_22, %reduce_sum3A [1] : vector<2000x128xf32> to vector<2000xf32>
    %broadcast_in_dim3A = vector.shape_cast %reduce_sum3A_23 : vector<2000xf32> to vector<2000x1xf32>
    %div3A_24 = arith.constant 1.280000e+02 : f32
    %div3A_25 = vector.broadcast %div3A_24 : f32 to vector<2000x1xf32>
    %div3A_26 = arith.divf %broadcast_in_dim3A, %div3A_25 : vector<2000x1xf32>
    %sub3A = vector.broadcast %div3A_26 : vector<2000x1xf32> to vector<2000x128xf32>
    %sub3A_27 = arith.subf %add3A_22, %sub3A : vector<2000x128xf32>
    %integer_pow3A = arith.mulf %sub3A_27, %sub3A_27 : vector<2000x128xf32>
    %reduce_sum3A_28 = arith.constant dense<0.000000e+00> : vector<2000xf32>
    %reduce_sum3A_29 = vector.multi_reduction <add>, %integer_pow3A, %reduce_sum3A_28 [1] : vector<2000x128xf32> to vector<2000xf32>
    %broadcast_in_dim3A_30 = vector.shape_cast %reduce_sum3A_29 : vector<2000xf32> to vector<2000x1xf32>
    %div3A_31 = arith.constant 1.280000e+02 : f32
    %div3A_32 = vector.broadcast %div3A_31 : f32 to vector<2000x1xf32>
    %div3A_33 = arith.divf %broadcast_in_dim3A_30, %div3A_32 : vector<2000x1xf32>
    %sub3A_34 = vector.broadcast %div3A_26 : vector<2000x1xf32> to vector<2000x128xf32>
    %sub3A_35 = arith.subf %add3A_22, %sub3A_34 : vector<2000x128xf32>
    %add3A_36 = arith.constant 9.99999974E-6 : f32
    %add3A_37 = vector.broadcast %add3A_36 : f32 to vector<2000x1xf32>
    %add3A_38 = arith.addf %div3A_33, %add3A_37 : vector<2000x1xf32>
    %sqrt3A = math.sqrt %add3A_38 : vector<2000x1xf32>
    %div3A_39 = vector.broadcast %sqrt3A : vector<2000x1xf32> to vector<2000x128xf32>
    %div3A_40 = arith.divf %sub3A_35, %div3A_39 : vector<2000x128xf32>
    %get3A_41 = arith.constant 0 : index
    %get3A_42 = arith.constant 0 : index
    %get3A_43 = vector.load %arg5[%get3A_41, %get3A_42] : memref<1x128xf32, #tpu.memory_space<vmem>>, vector<1x128xf32>
    %mul3A = vector.broadcast %get3A_43 : vector<1x128xf32> to vector<2000x128xf32>
    %mul3A_44 = arith.mulf %div3A_40, %mul3A : vector<2000x128xf32>
    %get3A_45 = arith.constant 0 : index
    %get3A_46 = arith.constant 0 : index
    %get3A_47 = vector.load %arg6[%get3A_45, %get3A_46] : memref<1x128xf32, #tpu.memory_space<vmem>>, vector<1x128xf32>
    %add3A_48 = vector.broadcast %get3A_47 : vector<1x128xf32> to vector<2000x128xf32>
    %add3A_49 = arith.addf %mul3A_44, %add3A_48 : vector<2000x128xf32>
    %swap3A = arith.constant 0 : index
    %swap3A_50 = arith.constant 0 : index
    %swap3A_51 = vector.load %arg7[%swap3A, %swap3A_50] : memref<2000x128xf32, #tpu.memory_space<vmem>>, vector<2000x128xf32>
    tpu.vector_store %arg7[%swap3A, %swap3A_50], %add3A_49 {strides = array<i32>} : memref<2000x128xf32, #tpu.memory_space<vmem>>, vector<2000x128xf32>,
    return
  }
  func.func @transform_0(%arg0: i32) -> (i32, i32, i32) {
    %c0_i32 = arith.constant 0 : i32
    %c0_i32_0 = arith.constant 0 : i32
    %c0_i32_1 = arith.constant 0 : i32
    return %c0_i32, %arg0, %c0_i32_0 : i32, i32, i32
  }
  func.func @transform_1(%arg0: i32) -> (i32, i32) {
    %c0_i32 = arith.constant 0 : i32
    %c0_i32_0 = arith.constant 0 : i32
    return %arg0, %c0_i32 : i32, i32
  }
  func.func @transform_2(%arg0: i32) -> (i32, i32) {
    %c0_i32 = arith.constant 0 : i32
    %c0_i32_0 = arith.constant 0 : i32
    return %arg0, %c0_i32 : i32, i32
  }
  func.func @transform_3(%arg0: i32) -> (i32, i32) {
    %c0_i32 = arith.constant 0 : i32
    %c0_i32_0 = arith.constant 0 : i32
    %c0_i32_1 = arith.constant 0 : i32
    return %c0_i32, %c0_i32_0 : i32, i32
  }
  func.func @transform_4(%arg0: i32) -> (i32, i32) {
    %c0_i32 = arith.constant 0 : i32
    %c0_i32_0 = arith.constant 0 : i32
    %c0_i32_1 = arith.constant 0 : i32
    return %c0_i32, %c0_i32_0 : i32, i32
  }
  func.func @transform_5(%arg0: i32) -> (i32, i32) {
    %c0_i32 = arith.constant 0 : i32
    %c0_i32_0 = arith.constant 0 : i32
    %c0_i32_1 = arith.constant 0 : i32
    return %c0_i32, %c0_i32_0 : i32, i32
  }
  func.func @transform_6(%arg0: i32) -> (i32, i32) {
    %c0_i32 = arith.constant 0 : i32
    %c0_i32_0 = arith.constant 0 : i32
    return %arg0, %c0_i32 : i32, i32
  }
}

</mosaic_0001>

<sc_bundles>
// kernel: kernel.10.cloned.1.call-start
scs
__scs_entry_jumppad:
0x0: {  	(pc) =	sbr.rel $0x88, $3  }
0x1: {  	(tag) =	ssettag $0x0;
	lr =	simm.s32 $0x1  }
0x2: {  	[smem:$0x3F8F] =	sst lr;
	_ =	strace $0xD0000000  }
0x3: {  	_ = 	snop  }
0x4: {  	_ = 	snop  }
0x5: {  	_ = 	snop  }
0x6: {  	_ = 	snop  }
0x7: {  	_ = 	snop  }
__scs_overlays_trampoline_lowered:
0x8: {  	[smem:$0x3F9E] =	sst s0  }
0x9: {  	[smem:$0x3F9F] =	sst s1  }
0xa: {  	[smem:$0x3FA0] =	sst s2  }
0xb: {  	[smem:$0x3FA1] =	sst s3  }
0xc: {  	[smem:$0x3FA2] =	sst s4  }
0xd: {  	[smem:$0x3FA3] =	sst s5  }
0xe: {  	[smem:$0x3FA4] =	sst s6  }
0xf: {  	[smem:$0x3FA5] =	sst s7  }
0x10: {  	[smem:$0x3FA6] =	sst s8  }
0x11: {  	[smem:$0x3FA7] =	sst s9;
	s0 =	simm.s32 @!p0 $0x0  }
0x12: {  	s1 =	sld [smem:$0x3F8D];
	s0 =	simm.s32 @p0 $0x1  }
0x13: {  	[smem:$0x3FA8] =	sst s0;
	s0 =	simm.s32 @!p1 $0x0  }
0x14: {  	s2 =	sld [smem:$0x3F8C];
	s0 =	simm.s32 @p1 $0x1  }
0x15: {  	[smem:$0x3FA9] =	sst s0;
	s0 =	simm.s32 @!p2 $0x0  }
0x16: {  	s3 =	sld [smem:$0x3FDB];
	s0 =	simm.s32 @p2 $0x1  }
0x17: {  	s4 =	simm.s32 $0x1BF5;
	[smem:$0x3FAB] =	sst s0  }
0x18: {  	s0 =	sld [smem:$0x3F8E];
	_ =	swait.ge [sflag:s4], $0x0  }
0x19: {  	s7 =	sld [smem:$0x3F8F]  }
0x1a: {  	s8 =	sadd.s32 $0xFFFFE003, lr  }
0x1b: {  	s9 =	sadd.s32 $0xFFFFFEF7, lr;
	s5 =	simm.s32 $0xFFFFFFFF;
	p2 =	slt.u32 s8, $0xFFFFF086  }
0x1c: {  	p1 =	slt.u32 s9, $0xF7A;
	s5 =	simm.s32 @!p2 $0x0  }
0x1d: {  	s5 =	simm.s32 @p1 $0x1;
	p0 =	seq.s32 s7, s2  }
0x1e: {  	s7 =	smul.u32 @!p0 $0xF7A, s2;
	p2 =	seq.s32 @!p0 s5, $0x0  }
0x1f: {  	s9 =	smul.u32 $0xF7A, s1;
	s8 =	simm.s32 @!p0 $0x1BF5;
	p2 =	por !p2, p0  }
0x20: {  	[sflag:s8] =	ssyncset.s32 @!p0 $0xFFFFF086;
	s6 =	sadd.s32 @!p0 s3, s7;
	s7 =	simm.s32 @!p0 $0x108  }
0x21: {  	s3 =	sadd.s32 s3, s9;
	s6 =	sadd.s32 @!p0 $0x88, s6;
	s7 =	simm.s32 @p2 $0x1082  }
0x22: {  	[simem:s7], [sflag:s8] =	dma.local @!p0 [hbm:s6], $0xF7A  }
0x23: {  	s9 =	sor.u32 $0xD0000000, s2;
	s6 =	simm.s32 $0x108;
	_ =	swait.ge @!p0 [sflag:s8], $0x0  }
0x24: {  	s3 =	sadd.s32 $0x88, s3;
	s6 =	simm.s32 @!p1 $0x1082;
	[sflag:s4] =	ssyncset.s32 $0xFFFFF086  }
0x25: {  	[simem:s6], [sflag:s4] =	dma.local [hbm:s3], $0xF7A  }
0x26: {  	[smem:$0x3F8F] =	sst s1;
	(tag) =	ssettag s2;
	_ =	strace s9  }
0x27: {  	s1 =	sld [smem:$0x3F9F]  }
0x28: {  	s2 =	sld [smem:$0x3FA0]  }
0x29: {  	s4 =	sld [smem:$0x3FA2]  }
0x2a: {  	p0 =	seq.s32 s5, $0x0;
	s5 =	sld [smem:$0x3FA3]  }
0x2b: {  	s6 =	sld [smem:$0x3FA4]  }
0x2c: {  	s7 =	sld [smem:$0x3FA5]  }
0x2d: {  	s3 =	simm.s32 $0x108;
	s8 =	sld [smem:$0x3FA6]  }
0x2e: {  	s3 =	simm.s32 @!p0 $0x1082;
	s9 =	sld [smem:$0x3FA7]  }
0x2f: {  	lr =	sadd.s32 s0, s3;
	s0 =	sld [smem:$0x3F9E]  }
0x30: {  	s3 =	sld [smem:$0x3FA1]  }
0x31: {  	[smem:$0x3FAA] =	sst s10  }
0x32: {  	s10 =	sld [smem:$0x3FA8];
	_ =	sdelay $0x3  }
0x33: {  	p0 =	seq.s32 s10, $0x1;
	s10 =	sld [smem:$0x3FAA];
	_ =	sdelay $0x3  }
0x34: {  	[smem:$0x3FAA] =	sst s10  }
0x35: {  	s10 =	sld [smem:$0x3FA9];
	_ =	sdelay $0x3  }
0x36: {  	p1 =	seq.s32 s10, $0x1;
	s10 =	sld [smem:$0x3FAA];
	_ =	sdelay $0x3  }
0x37: {  	[smem:$0x3FAA] =	sst s10  }
0x38: {  	s10 =	sld [smem:$0x3FAB]  }
0x39: {  	_ = 	snop;
	(pc) =	sbr.ind lr, $3  }
0x3a: {  	_ = 	snop  }
0x3b: {  	_ = 	snop  }
0x3c: {  	p2 =	seq.s32 s10, $0x1;
	s10 =	sld [smem:$0x3FAA]  }
0x3d: {  	_ =	shalt  }
0x3e: {  	_ =	shalt  }
0x3f: {  	_ =	shalt  }
0x40: {  	_ =	shalt  }
0x41: {  	_ =	shalt  }
0x42: {  	_ =	shalt  }
0x43: {  	_ =	shalt  }
0x44: {  	_ =	shalt  }
0x45: {  	_ =	shalt  }
0x46: {  	_ =	shalt  }
0x47: {  	_ =	shalt  }
0x48: {  	_ =	shalt  }
0x49: {  	_ =	shalt  }
0x4a: {  	_ =	shalt  }
0x4b: {  	_ =	shalt  }
0x4c: {  	_ =	shalt  }
0x4d: {  	_ =	shalt  }
0x4e: {  	_ =	shalt  }
0x4f: {  	_ =	shalt  }
0x50: {  	_ =	shalt  }
0x51: {  	_ =	shalt  }
0x52: {  	_ =	shalt  }
0x53: {  	_ =	shalt  }
0x54: {  	_ =	shalt  }
0x55: {  	_ =	shalt  }
0x56: {  	_ =	shalt  }
0x57: {  	_ =	shalt  }
0x58: {  	_ =	shalt  }
0x59: {  	_ =	shalt  }
0x5a: {  	_ =	shalt  }
0x5b: {  	_ =	shalt  }
0x5c: {  	_ =	shalt  }
0x5d: {  	_ =	shalt  }
0x5e: {  	_ =	shalt  }
0x5f: {  	_ =	shalt  }
0x60: {  	_ =	shalt  }
0x61: {  	_ =	shalt  }
0x62: {  	_ =	shalt  }
0x63: {  	_ =	shalt  }
0x64: {  	_ =	shalt  }
0x65: {  	_ =	shalt  }
0x66: {  	_ =	shalt  }
0x67: {  	_ =	shalt  }
0x68: {  	_ =	shalt  }
0x69: {  	_ =	shalt  }
0x6a: {  	_ =	shalt  }
0x6b: {  	_ =	shalt  }
0x6c: {  	_ =	shalt  }
0x6d: {  	_ =	shalt  }
0x6e: {  	_ =	shalt  }
0x6f: {  	_ =	shalt  }
0x70: {  	_ =	shalt  }
0x71: {  	_ =	shalt  }
0x72: {  	_ =	shalt  }
0x73: {  	_ =	shalt  }
0x74: {  	_ =	shalt  }
0x75: {  	_ =	shalt  }
0x76: {  	_ =	shalt  }
0x77: {  	_ =	shalt  }
0x78: {  	_ =	shalt  }
0x79: {  	_ =	shalt  }
0x7a: {  	_ =	shalt  }
0x7b: {  	_ =	shalt  }
0x7c: {  	_ =	shalt  }
0x7d: {  	_ =	shalt  }
0x7e: {  	_ =	shalt  }
0x7f: {  	_ =	shalt  }
0x80: {  	_ =	shalt  }
0x81: {  	_ =	shalt  }
0x82: {  	_ =	shalt  }
0x83: {  	_ =	shalt  }
0x84: {  	_ =	shalt  }
0x85: {  	_ =	shalt  }
0x86: {  	_ =	shalt  }
0x87: {  	_ =	shalt  }
.Lfunc_end0:
.L_simem_size_0:
called_computation.1_lowered:
.L_overlay_start_0:
0x88: {  	s2 =	sld [smem:$0x3FD9]  }
0x89: {  	s3 =	sld [smem:$0x3FFE];
	_ =	sdelay $0x1  }
0x8a: {  	s1 =	srdreg.scid  }
0x8b: {  	s0 =	sand.u32 $0x1, s1  }
0x8c: {  	s14 =	sshll.u32 s0, $0xA;
	s2 =	sadd.s32 s3, s2  }
0x8d: {  	s2 =	sadd.s32 s2, s14  }
0x8e: {  	[smem:$0x3FB6] =	sst s2  }
0x8f: {  	_ = 	snop  }
0x90: {  	s2 =	sld [smem:$0x3FD0];
	_ =	sdelay $0x2  }
0x91: {  	s15 =	simm.s32 $0xA;
	s4 =	simm.s32 $0x10  }
0x92: {  	[smem:s4], [sflag:s15] =	dma.local [hbm:s2], $0x1  }
0x93: {  	_ =	swait.eq [sflag:s15], $0x1  }
0x94: {  	[sflag:s15] =	ssyncset.done $0x0  }
0x95: {  	[sflag:s15] =	ssyncadd.s32 $0xFFFFFFFF  }
0x96: {  	s16 =	sld [smem:$0x10];
	(tm) =	ssettm $0x1  }
0x97: {  	s17 =	sld [smem:$0x3FFB];
	_ =	sdelay $0x3  }
0x98: {  	_ =	strace s17  }
0x99: {  	s3 =	sld [smem:$0x3FFC];
	_ =	sdelay $0x3  }
0x9a: {  	_ =	strace s3  }
0x9b: {  	s3 =	sld [smem:$0x3FFD];
	_ =	sdelay $0x3  }
0x9c: {  	_ =	strace s3  }
0x9d: {  	_ =	strace $0x8FFFFFFF  }
0x9e: {  	s18 =	sld [smem:$0x3FDB];
	_ =	sdelay $0x1  }
0x9f: {  	s19 =	simm.s32 $_scs_section_size  }
0xa0: {  	s5 =	simm.s32 $_size__tile_overlayer_lowered;
	s6 =	simm.s32 $_tile_overlayer_lowered  }
0xa1: {  	s22 =	simm.s32 $0x1BFF;
	s21 =	sshll.u32 s6, $0x1;
	s3 =	sadd.s32 s19, s18  }
0xa2: {  	s7 =	simm.s32 $0x0;
	s20 =	sshll.u32 s5, $0x1;
	s5 =	sadd.s32 s21, s3  }
0xa3: {  	[timem:s7], [sflag:s22] =	dma.local [hbm:s5], s20  }
0xa4: {  	_ =	swait.ge [sflag:s22], s20  }
0xa5: {  	s4 =	ssub.s32 $0x0, s20;
	[sflag:s22] =	ssyncset.done $0x0  }
0xa6: {  	[sflag:s22] =	ssyncadd.s32 s4;
	_ =	sdelay $0x1  }
0xa7: {  	s23 =	simm.s32 $0x1B8B  }
0xa8: {  	_ =	swait.ge [sflag:s23], $0x1  }
0xa9: {  	[sflag:s23] =	ssyncset.done $0x0  }
0xaa: {  	s25 =	simm.s32 $0x1B8E;
	s24 =	sld [smem:$0x3FFE];
	[sflag:s23] =	ssyncadd.s32 $0xFFFFFFFF  }
0xab: {  	s26 =	simm.s32 $execute0_lowered;
	[smem:$0x3FD2] =	sst s25  }
0xac: {  	s5 =	sshll.u32 s26, $0x1;
	_ =	strace $0x80000049;
	[dreg:$0x1] =	wrdreg $0xFFFFFFFF  }
0xad: {  	s28 =	simm.s32 $_size_execute0_lowered;
	s3 =	sadd.s32 s3, s5;
	[dreg:$0x0] =	wrdreg $0x0  }
0xae: {  	s5 =	sshll.u32 s28, $0x1;
	[dreg:$0x2] =	wrdreg s3  }
0xaf: {  	[dreg:$0x3] =	wrdreg s5  }
0xb0: {  	[dreg:$0x4] =	wrdreg $0xC0  }
0xb1: {  	_ =	task [dreg:s7], $0x5FFFF  }
0xb2: {  	[dreg:$0x1] =	wrdreg $0xFFFFFFFF  }
0xb3: {  	[dreg:$0x0] =	wrdreg $0x60  }
0xb4: {  	[dreg:$0x2] =	wrdreg s16  }
0xb5: {  	[dreg:$0x3] =	wrdreg s24  }
0xb6: {  	[dreg:$0x4] =	wrdreg $0x5AF00  }
0xb7: {  	[dreg:$0x5] =	wrdreg $0x9  }
0xb8: {  	_ =	task.clear_ibuf [dreg:s7], $0x6FFFF;
	_ =	strace $0x90000049  }
0xb9: {  	s29 =	simm.s32 $0x9;
	_ =	strace $0x8000004B  }
0xba: {  	_ =	swait.ge [sflag:s29], $0x1  }
0xbb: {  	[sflag:s29] =	ssyncadd.s32 $0xFFFFFFFF  }
0xbc: {  	_ =	strace $0x9000004B  }
0xbd: {  	_ =	sfence  }
0xbe: {  	s30 =	sld [smem:$0x0];
	_ =	sdelay $0x2  }
0xbf: {  	s31 =	sshll.u32 s1, $0xD;
	s1 =	sshrl.u32 s1, $0x2  }
0xc0: {  	s3 =	sand.u32 $0x4000, s31;
	s1 =	sadd.s32 s1, s30  }
0xc1: {  	s0 =	sor.u32 s3, s0;
	s1 =	sshll.u32 s1, $0x11  }
0xc2: {  	s0 =	sor.u32 s1, s0  }
0xc3: {  	s0 =	sadd.s32 $0x8F2B, s0  }
0xc4: {  	[sflag:s0] =	ssyncadd.remote.s32 $0x1  }
0xc5: {  	_ =	sfence.sel $0xFFFF  }
0xc6: {  	[dreg:$0x0] =	wrdreg $0xFFFFFFFF;
	(pc) =	sbr.abs _section_cstart, $3  }
0xc7: {  	[dreg:$0x1] =	wrdreg $0xFFFFFFFF  }
0xc8: {  	_ =	task.clear_ibuf [dreg:s7], $0x2FFFF;
	_ =	strace $0x9FFFFFFF  }
0xc9: {  	(tm) =	ssettm $0x7FFFFFFF  }
tec
execute0_lowered:
.L_overlay_start_1:
0x0: {  	(tag) =	ssettag $0x1  }
0x1: {  	s1 =	rddreg [dreg:$0x0]  }
0x2: {  	s0 =	rddreg [dreg:$0x1]  }
0x3: {  	s2 =	rddreg [dreg:$0x2];
	s4 =	simm.s32 $0x0;
	s3 =	srdreg.scid  }
0x4: {  	s12 =	stileid.u32;
	s28 =	simm.s32 $0x1;
	s29 =	simm.s32 $0x2F8  }
0x5: {  	s30 =	simm.s32 $0x2;
	s31 =	simm.s32 $0x3070;
	[smem:$0x7FF] =	sst s4  }
0x6: {  	s3 =	sand.u32 $0x1, s3;
	s8 =	smul.u32 $0x1680, s12;
	s5 =	sadd.s32 $0xD000, s0  }
0x7: {  	s6 =	sadd.s32 $0x3200, s0;
	s16 =	ssub.s32 $0x109, s12;
	s23 =	smul.u32 $0x5A00, s12  }
0x8: {  	s13 =	simm.s32 $0x0;
	s7 =	smul.u32 $0x15F900, s3;
	_ =	strace $0x8000004A  }
0x9: {  	s9 =	sshll.u32 s3, $0x4;
	s3 =	ssub.s32 $0x2, s3;
	s18 =	sshrl.u32 s16, $0x4  }
0xa: {  	s14 =	sor.u32 s12, s9;
	s10 =	sshrl.u32 s3, $0x1;
	s26 =	sshrl.u32 s23, $0x2  }
0xb: {  	s12 =	simm.s32 $0x4470;
	[dreg:$0x4] =	wrdreg s18;
	s11 =	smul.u32 $0x2710, s14  }
0xc: {  	s7 =	sadd.s32 s8, s7;
	s3 =	ssub.s32 s3, s10;
	s8 =	smul.u32 $0x4E20, s14  }
0xd: {  	s15 =	sshrl.u32 s7, $0x3;
	s7 =	sadd.s32 $0x16E00, s0;
	s3 =	smax.u32 s3, $0x1  }
0xe: {  	s0 =	sadd.s32 s15, s0;
	s17 =	sshrl.u32 s11, $0x3;
	s20 =	sadd.s32 $0x28, s11  }
0xf: {  	s8 =	sadd.s32 s7, s8;
	s25 =	sadd.s32 $0x50, s11;
	s16 =	sadd.s32 $0x78, s11  }
0x10: {  	[dreg:$0xc] =	wrdreg s3;
	s3 =	simm.s32 $0x50;
	s11 =	simm.s32 $0x2DC8  }
0x11: {  	s19 =	sadd.s32 s5, s17;
	s10 =	sadd.s32 s6, s17;
	[dreg:$0x7] =	wrdreg s8  }
0x12: {  	s21 =	sshrl.u32 s20, $0x3;
	s9 =	sshll.u32 s20, $0x1;
	[dreg:$0xb] =	wrdreg s25  }
0x13: {  	s0 =	sadd.s32 $0xB3200, s0;
	s20 =	simm.s32 $0x16F8;
	[dreg:$0x5] =	wrdreg s19  }
0x14: {  	s25 =	simm.s32 $0x2DA0;
	[dreg:$0x6] =	wrdreg s10;
	s22 =	sadd.s32 s5, s21  }
0x15: {  	s8 =	sadd.s32 s6, s21;
	s24 =	sadd.s32 s7, s9;
	[dreg:$0xe] =	wrdreg s0  }
0x16: {  	s19 =	sadd.s32 s26, s2;
	s21 =	simm.s32 $0x7;
	[dreg:$0x8] =	wrdreg s22  }
0x17: {  	v0 =	vimm.f32 $0.0e+00;
	v1 =	vimm.s32 $0x0;
	v2 =	vimm.s32 $0x1;
	s26 =	simm.s32 $0x2DF0;
	s0 =	simm.s32 $0x3;
	[dreg:$0x9] =	wrdreg s8  }
0x18: {  	v3 =	vimm.s32 $0x2;
	v4 =	vimm.s32 $0x3;
	v5 =	vimm.s32 $0x4;
	s9 =	simm.s32 $0x4;
	s10 =	simm.s32 $0x6;
	[dreg:$0xa] =	wrdreg s24  }
0x19: {  	v6 =	vimm.s32 $0x5;
	v7 =	vimm.s32 $0x6;
	v8 =	vimm.s32 $0x7;
	s22 =	simm.s32 $0x28;
	s24 =	simm.s32 $0x2D78;
	[dreg:$0xd] =	wrdreg s19  }
.LBB2_1:
0x1a: {  	[dreg:$0xf] =	wrdreg s13;
	s8 =	simm.s32 $0x0;
	s13 =	simm.s32 $0x240  }
.LBB2_2:
0x1b: {  	p0 =	sne.s32 s13, $0x57C0;
	[tilespmem:s8+$0x1778] =	vst v0  }
0x1c: {  	[tilespmem:s8+$0x16F8] =	vst v0  }
0x1d: {  	[tilespmem:s8+$0x1708] =	vst v0  }
0x1e: {  	[tilespmem:s8+$0x1718] =	vst v0  }
.Ltmp0:
0x1f: {  	[tilespmem:s8+$0x1728] =	vst v0;
	(pc) =	sbr.rel @p0 .LBB2_2-.Ltmp0, $4  }
0x20: {  	[tilespmem:s8+$0x1738] =	vst v0  }
0x21: {  	[tilespmem:s8+$0x1748] =	vst v0  }
0x22: {  	[tilespmem:s8+$0x1758] =	vst v0  }
0x23: {  	[tilespmem:s8+$0x1768] =	vst v0;
	s8 =	sshra.s32 s13, $0x2;
	s13 =	sadd.s32 $0x240, s13  }
0x24: {  	[tilespmem:s8+$0x1778] =	vst v0  }
0x25: {  	[tilespmem:s8+$0x16F8] =	vst v0  }
0x26: {  	[tilespmem:s8+$0x1708] =	vst v0  }
0x27: {  	[tilespmem:s8+$0x1718] =	vst v0  }
0x28: {  	[tilespmem:s8+$0x1728] =	vst v0  }
0x29: {  	[tilespmem:s8+$0x1738] =	vst v0  }
0x2a: {  	[tilespmem:s8+$0x1748] =	vst v0;
	p0 =	sne.s32 s18, $0x1  }
.Ltmp1:
0x2b: {  	[tilespmem:s8+$0x1758] =	vst v0;
	(pc) =	sbr.rel @!p0 .LBB2_5-.Ltmp1, $4  }
0x2c: {  	[tilespmem:s8+$0x1768] =	vst v0  }
0x2d: {  	[spmem:s19] =	stream.linear.scatter [tilespmem:s20], [sflag:$0x7], $0x1680, $0x38;
	[tilespmem:$0x1BA80] =	vst v63  }
0x2e: {  	_ =	swait.ge [sflag:s21], $0x1680  }
0x2f: {  	s8 =	sadd.s32 $0xFFFFFFFF, s18;
	s13 =	smov.u32 s19;
	[sflag:s21] =	ssyncset.done $0x0  }
.LBB2_4:
0x30: {  	p1 =	sne.s32 s8, $0x1;
	[sflag:s21] =	ssyncadd.s32 $0xFFFFE980;
	s13 =	sadd.s32 $0x16800, s13  }
.Ltmp2:
0x31: {  	s8 =	sadd.s32 $0xFFFFFFFF, s8;
	(pc) =	sbr.rel @p1 .LBB2_4-.Ltmp2, $4  }
0x32: {  	_ = 	snop  }
0x33: {  	[spmem:s13] =	stream.linear.scatter [tilespmem:s20], [sflag:$0x7], $0x1680, $0x38;
	[tilespmem:$0x1BA80] =	vst v63  }
0x34: {  	_ =	swait.ge [sflag:s21], $0x1680  }
0x35: {  	[sflag:s21] =	ssyncset.done $0x0  }
.LBB2_5:
0x36: {  	[sflag:s21] =	ssyncadd.s32 $0xFFFFE980  }
0x37: {  	[bflag:$0x0] =	sbarrier.arrive $0xFFFF  }
0x38: {  	s17 =	simm.s32 $0x0;
	s8 =	rddreg [dreg:$0x5]  }
0x39: {  	[tilespmem:s17], [sflag:$0x1] =	stream.linear.gather [hbm4b:s8+s17], $0x28, $0x38;
	[tilespmem:$0x1BA80] =	vst v63  }
0x3a: {  	s14 =	rddreg [dreg:$0x6]  }
0x3b: {  	[tilespmem:s22], [sflag:$0x1] =	stream.linear.gather [hbm4b:s14+s17], $0x28, $0x38;
	[tilespmem:$0x1BA80] =	vst v63  }
0x3c: {  	s13 =	simm.s32 $0x78;
	s15 =	rddreg [dreg:$0x7]  }
0x3d: {  	[tilespmem:s13], [sflag:$0x1] =	stream.linear.gather [hbm4b:s15+s17], $0x280, $0x38;
	[tilespmem:$0x1BA80] =	vst v63  }
0x3e: {  	s18 =	rddreg [dreg:$0x8]  }
0x3f: {  	[tilespmem:s24], [sflag:$0x2] =	stream.linear.gather [hbm4b:s18+s17], $0x28, $0x38;
	[tilespmem:$0x1BA80] =	vst v63  }
0x40: {  	s19 =	rddreg [dreg:$0x9]  }
0x41: {  	[tilespmem:s25], [sflag:$0x2] =	stream.linear.gather [hbm4b:s19+s17], $0x28, $0x38;
	[tilespmem:$0x1BA80] =	vst v63  }
0x42: {  	s23 =	rddreg [dreg:$0xa]  }
0x43: {  	[tilespmem:s26], [sflag:$0x2] =	stream.linear.gather [hbm4b:s23+s17], $0x280, $0x38;
	[tilespmem:$0x1BA80] =	vst v63  }
0x44: {  	_ =	swait.ge [sflag:s28], $0x28  }
0x45: {  	[sflag:s28] =	ssyncset.done $0x0  }
0x46: {  	[sflag:s28] =	ssyncadd.s32 $0xFFFFFFD8  }
0x47: {  	_ =	swait.ge [sflag:s28], $0x28  }
0x48: {  	[sflag:s28] =	ssyncset.done $0x0  }
0x49: {  	[sflag:s28] =	ssyncadd.s32 $0xFFFFFFD8  }
0x4a: {  	_ =	swait.ge [sflag:s28], $0x280  }
0x4b: {  	[sflag:s28] =	ssyncset.done $0x0  }
0x4c: {  	[sflag:s28] =	ssyncadd.s32 $0xFFFFFD80  }
0x4d: {  	[tilespmem:s29], [sflag:$0x3] =	stream.indirect.gather [hbm4b:s1+s22], $0x80, s17, s22, $0xb8;
	[tilespmem:$0x1BA80] =	vst v63  }
.LBB2_6:
0x4e: {  	_ =	swait.ge [sflag:s30], $0x28  }
0x4f: {  	[sflag:s30] =	ssyncset.done $0x0  }
0x50: {  	[sflag:s30] =	ssyncadd.s32 $0xFFFFFFD8  }
0x51: {  	_ =	swait.ge [sflag:s30], $0x28  }
0x52: {  	[sflag:s30] =	ssyncset.done $0x0  }
0x53: {  	[sflag:s30] =	ssyncadd.s32 $0xFFFFFFD8  }
0x54: {  	_ =	swait.ge [sflag:s30], $0x280  }
0x55: {  	[sflag:s30] =	ssyncset.done $0x0  }
0x56: {  	[sflag:s30] =	ssyncadd.s32 $0xFFFFFD80  }
0x57: {  	[tilespmem:s31], [sflag:$0x4] =	stream.indirect.gather [hbm4b:s1+s22], $0x80, s24, s22, $0xb8;
	[tilespmem:$0x1BA80] =	vst v63  }
0x58: {  	_ =	swait.ge [sflag:s0], $0x1400  }
0x59: {  	p1 =	seq.s32 s17, $0x0;
	[sflag:s0] =	ssyncset.done $0x0  }
0x5a: {  	s8 =	simm.s32 @!p1 $0x5;
	[sflag:s0] =	ssyncadd.s32 $0xFFFFEC00  }
0x5b: {  	_ =	swait.ge @!p1 [sflag:s8], $0x1680  }
0x5c: {  	[sflag:s8] =	ssyncset.done @!p1 $0x0  }
0x5d: {  	s19 =	simm.s32 $0xB8;
	[sflag:s8] =	ssyncadd.s32 @!p1 $0xFFFFE980  }
0x5e: {  	v19 =	vld [tilespmem:s19+$0x30]  }
0x5f: {  	s18 =	simm.s32 $0x4F8;
	v23 =	vld [tilespmem:s19+$0xFFFFFFD0]  }
0x60: {  	v11 =	vld [tilespmem:s18+$0x180]  }
0x61: {  	v22 =	vld [tilespmem:s19+$0xFFFFFFE0]  }
0x62: {  	v21 =	vld [tilespmem:s19+$0xFFFFFFF0]  }
0x63: {  	v20 =	vld [tilespmem:s19+$0x0]  }
0x64: {  	v9 =	vld [tilespmem:s19+$0x10]  }
0x65: {  	v24 =	vld [tilespmem:s19+$0xFFFFFFC0]  }
0x66: {  	v10 =	vld [tilespmem:s19+$0x20]  }
0x67: {  	v13 =	vld [tilespmem:s18+$0xFFFFFE00]  }
0x68: {  	v14 =	vld [tilespmem:s18+$0xFFFFFE80];
	v12 =	vperm.xlane v19, v1  }
0x69: {  	v16 =	vld [tilespmem:s18+$0xFFFFFF80]  }
0x6a: {  	v11 =	vmul.f32 v11, v12;
	v12 =	vld [tilespmem:s18+$0xFFFFFF00]  }
0x6b: {  	s13 =	simm.s32 $0x1938;
	v26 =	vld [tilespmem:s18+$0x80];
	v15 =	vperm.xlane v24, v1  }
0x6c: {  	v17 =	vperm.xlane v23, v1;
	[tilespmem:s13+$0x1B0] =	vst v11;
	v11 =	vld [tilespmem:s18+$0x0]  }
0x6d: {  	v18 =	vperm.xlane v22, v1;
	v13 =	vmul.f32 v13, v15;
	v25 =	vld [tilespmem:s18+$0x190]  }
0x6e: {  	v27 =	vld [tilespmem:s18+$0x100];
	s19 =	simm.s32 $0x8F8;
	v15 =	vperm.xlane v21, v1;
	v14 =	vmul.f32 v14, v17  }
0x6f: {  	v35 =	vld [tilespmem:s19+$0x0];
	v17 =	vperm.xlane v20, v1;
	[tilespmem:s13+$0xFFFFFDC0] =	vst v13;
	v12 =	vmul.f32 v12, v18  }
0x70: {  	v13 =	vperm.xlane v19, v2;
	v15 =	vmul.f32 v16, v15;
	[tilespmem:s13+$0xFFFFFE50] =	vst v14;
	v16 =	vld [tilespmem:s18+$0xFFFFFE10]  }
0x71: {  	v14 =	vperm.xlane v9, v1;
	v11 =	vmul.f32 v11, v17;
	v17 =	vld [tilespmem:s18+$0xFFFFFE90];
	[tilespmem:s13+$0xFFFFFEE0] =	vst v12  }
0x72: {  	[tilespmem:s13+$0xFFFFFF70] =	vst v15;
	v12 =	vperm.xlane v10, v1;
	v13 =	vmul.f32 v25, v13;
	v18 =	vld [tilespmem:s18+$0xFFFFFF10]  }
0x73: {  	v15 =	vperm.xlane v24, v2;
	v14 =	vmul.f32 v26, v14;
	v25 =	vld [tilespmem:s18+$0xFFFFFF90];
	[tilespmem:s13+$0x0] =	vst v11  }
0x74: {  	v11 =	vperm.xlane v23, v2;
	v12 =	vmul.f32 v27, v12;
	[tilespmem:s13+$0x1C0] =	vst v13;
	v13 =	vld [tilespmem:s18+$0x10]  }
0x75: {  	v26 =	vperm.xlane v22, v2;
	[tilespmem:s13+$0x90] =	vst v14;
	v14 =	vmul.f32 v16, v15;
	v27 =	vld [tilespmem:s18+$0x1A0]  }
0x76: {  	v15 =	vperm.xlane v21, v2;
	v16 =	vld [tilespmem:s18+$0x90];
	[tilespmem:s13+$0x120] =	vst v12;
	v11 =	vmul.f32 v17, v11  }
0x77: {  	[tilespmem:s13+$0xFFFFFDD0] =	vst v14;
	v12 =	vperm.xlane v20, v2;
	v17 =	vld [tilespmem:s18+$0x110];
	v14 =	vmul.f32 v18, v26  }
0x78: {  	v18 =	vperm.xlane v19, v3;
	v26 =	vld [tilespmem:s18+$0xFFFFFE20];
	[tilespmem:s13+$0xFFFFFE60] =	vst v11;
	v11 =	vmul.f32 v25, v15  }
0x79: {  	v15 =	vperm.xlane v9, v2;
	v25 =	vld [tilespmem:s18+$0xFFFFFEA0];
	[tilespmem:s13+$0xFFFFFEF0] =	vst v14;
	v12 =	vmul.f32 v13, v12  }
0x7a: {  	v13 =	vperm.xlane v10, v2;
	v14 =	vmul.f32 v27, v18;
	v18 =	vld [tilespmem:s18+$0xFFFFFF20];
	[tilespmem:s13+$0xFFFFFF80] =	vst v11  }
0x7b: {  	v11 =	vperm.xlane v24, v3;
	v15 =	vmul.f32 v16, v15;
	v16 =	vld [tilespmem:s18+$0xFFFFFFA0];
	[tilespmem:s13+$0x10] =	vst v12  }
0x7c: {  	v12 =	vperm.xlane v23, v3;
	v13 =	vmul.f32 v17, v13;
	[tilespmem:s13+$0x1D0] =	vst v14;
	v14 =	vld [tilespmem:s18+$0x20]  }
0x7d: {  	v17 =	vperm.xlane v22, v3;
	[tilespmem:s13+$0xA0] =	vst v15;
	v11 =	vmul.f32 v26, v11;
	v27 =	vld [tilespmem:s18+$0x1B0]  }
0x7e: {  	v15 =	vperm.xlane v21, v3;
	v26 =	vld [tilespmem:s18+$0xA0];
	[tilespmem:s13+$0x130] =	vst v13;
	v12 =	vmul.f32 v25, v12  }
0x7f: {  	v13 =	vperm.xlane v20, v3;
	v25 =	vld [tilespmem:s18+$0x120];
	[tilespmem:s13+$0xFFFFFDE0] =	vst v11;
	v11 =	vmul.f32 v18, v17  }
0x80: {  	v17 =	vperm.xlane v19, v4;
	v18 =	vld [tilespmem:s18+$0xFFFFFE30];
	[tilespmem:s13+$0xFFFFFE70] =	vst v12;
	v12 =	vmul.f32 v16, v15  }
0x81: {  	v15 =	vperm.xlane v9, v3;
	v16 =	vld [tilespmem:s18+$0xFFFFFEB0];
	[tilespmem:s13+$0xFFFFFF00] =	vst v11;
	v11 =	vmul.f32 v14, v13  }
0x82: {  	v13 =	vperm.xlane v10, v3;
	v14 =	vmul.f32 v27, v17;
	v17 =	vld [tilespmem:s18+$0xFFFFFF30];
	[tilespmem:s13+$0xFFFFFF90] =	vst v12  }
0x83: {  	v12 =	vperm.xlane v24, v4;
	v15 =	vmul.f32 v26, v15;
	v26 =	vld [tilespmem:s18+$0xFFFFFFB0];
	[tilespmem:s13+$0x20] =	vst v11  }
0x84: {  	v11 =	vperm.xlane v23, v4;
	v13 =	vmul.f32 v25, v13;
	[tilespmem:s13+$0x1E0] =	vst v14;
	v14 =	vld [tilespmem:s18+$0x30]  }
0x85: {  	v25 =	vperm.xlane v22, v4;
	[tilespmem:s13+$0xB0] =	vst v15;
	v12 =	vmul.f32 v18, v12;
	v27 =	vld [tilespmem:s18+$0x1C0]  }
0x86: {  	v15 =	vperm.xlane v21, v4;
	v18 =	vld [tilespmem:s18+$0xB0];
	[tilespmem:s13+$0x140] =	vst v13;
	v11 =	vmul.f32 v16, v11  }
0x87: {  	v13 =	vperm.xlane v20, v4;
	v16 =	vld [tilespmem:s18+$0x130];
	[tilespmem:s13+$0xFFFFFDF0] =	vst v12;
	v12 =	vmul.f32 v17, v25  }
0x88: {  	v17 =	vperm.xlane v19, v5;
	v25 =	vld [tilespmem:s18+$0xFFFFFE40];
	[tilespmem:s13+$0xFFFFFE80] =	vst v11;
	v11 =	vmul.f32 v26, v15  }
0x89: {  	v15 =	vperm.xlane v9, v4;
	v26 =	vld [tilespmem:s18+$0xFFFFFEC0];
	[tilespmem:s13+$0xFFFFFF10] =	vst v12;
	v12 =	vmul.f32 v14, v13  }
0x8a: {  	v13 =	vperm.xlane v10, v4;
	v14 =	vmul.f32 v27, v17;
	v17 =	vld [tilespmem:s18+$0xFFFFFF40];
	[tilespmem:s13+$0xFFFFFFA0] =	vst v11  }
0x8b: {  	v11 =	vperm.xlane v24, v5;
	v15 =	vmul.f32 v18, v15;
	v18 =	vld [tilespmem:s18+$0xFFFFFFC0];
	[tilespmem:s13+$0x30] =	vst v12  }
0x8c: {  	v12 =	vperm.xlane v23, v5;
	v13 =	vmul.f32 v16, v13;
	[tilespmem:s13+$0x1F0] =	vst v14;
	v14 =	vld [tilespmem:s18+$0x40]  }
0x8d: {  	v16 =	vperm.xlane v22, v5;
	[tilespmem:s13+$0xC0] =	vst v15;
	v11 =	vmul.f32 v25, v11;
	v27 =	vld [tilespmem:s18+$0x1D0]  }
0x8e: {  	v15 =	vperm.xlane v21, v5;
	v25 =	vld [tilespmem:s18+$0xC0];
	[tilespmem:s13+$0x150] =	vst v13;
	v12 =	vmul.f32 v26, v12  }
0x8f: {  	v13 =	vperm.xlane v20, v5;
	v26 =	vld [tilespmem:s18+$0x140];
	[tilespmem:s13+$0xFFFFFE00] =	vst v11;
	v11 =	vmul.f32 v17, v16  }
0x90: {  	v16 =	vperm.xlane v19, v6;
	v17 =	vld [tilespmem:s18+$0xFFFFFE50];
	[tilespmem:s13+$0xFFFFFE90] =	vst v12;
	v12 =	vmul.f32 v18, v15  }
0x91: {  	v15 =	vperm.xlane v9, v5;
	v18 =	vld [tilespmem:s18+$0xFFFFFED0];
	[tilespmem:s13+$0xFFFFFF20] =	vst v11;
	v11 =	vmul.f32 v14, v13  }
0x92: {  	v13 =	vperm.xlane v10, v5;
	v14 =	vmul.f32 v27, v16;
	v16 =	vld [tilespmem:s18+$0xFFFFFF50];
	[tilespmem:s13+$0xFFFFFFB0] =	vst v12  }
0x93: {  	v12 =	vperm.xlane v24, v6;
	v15 =	vmul.f32 v25, v15;
	v25 =	vld [tilespmem:s18+$0xFFFFFFD0];
	[tilespmem:s13+$0x40] =	vst v11  }
0x94: {  	v11 =	vperm.xlane v23, v6;
	v13 =	vmul.f32 v26, v13;
	[tilespmem:s13+$0x200] =	vst v14;
	v14 =	vld [tilespmem:s18+$0x50]  }
0x95: {  	v26 =	vperm.xlane v22, v6;
	[tilespmem:s13+$0xD0] =	vst v15;
	v12 =	vmul.f32 v17, v12;
	v27 =	vld [tilespmem:s18+$0x1E0]  }
0x96: {  	v15 =	vperm.xlane v21, v6;
	v17 =	vld [tilespmem:s18+$0xD0];
	[tilespmem:s13+$0x160] =	vst v13;
	v11 =	vmul.f32 v18, v11  }
0x97: {  	v13 =	vperm.xlane v20, v6;
	v18 =	vld [tilespmem:s18+$0x150];
	[tilespmem:s13+$0xFFFFFE10] =	vst v12;
	v12 =	vmul.f32 v16, v26  }
0x98: {  	v16 =	vperm.xlane v19, v7;
	v26 =	vld [tilespmem:s18+$0xFFFFFE60];
	[tilespmem:s13+$0xFFFFFEA0] =	vst v11;
	v11 =	vmul.f32 v25, v15  }
0x99: {  	v15 =	vperm.xlane v9, v6;
	v25 =	vld [tilespmem:s18+$0xFFFFFEE0];
	[tilespmem:s13+$0xFFFFFF30] =	vst v12;
	v12 =	vmul.f32 v14, v13  }
0x9a: {  	v13 =	vperm.xlane v10, v6;
	v14 =	vmul.f32 v27, v16;
	v16 =	vld [tilespmem:s18+$0xFFFFFF60];
	[tilespmem:s13+$0xFFFFFFC0] =	vst v11  }
0x9b: {  	v11 =	vperm.xlane v24, v7;
	v15 =	vmul.f32 v17, v15;
	v17 =	vld [tilespmem:s18+$0xFFFFFFE0];
	[tilespmem:s13+$0x50] =	vst v12  }
0x9c: {  	v13 =	vmul.f32 v18, v13;
	[tilespmem:s13+$0x210] =	vst v14;
	v14 =	vld [tilespmem:s18+$0x60]  }
0x9d: {  	v12 =	vperm.xlane v23, v7;
	[tilespmem:s13+$0xE0] =	vst v15;
	v11 =	vmul.f32 v26, v11;
	v27 =	vld [tilespmem:s18+$0x1F0]  }
0x9e: {  	v18 =	vperm.xlane v22, v7;
	v26 =	vld [tilespmem:s18+$0xE0];
	[tilespmem:s13+$0x170] =	vst v13  }
0x9f: {  	v15 =	vperm.xlane v21, v7;
	v12 =	vmul.f32 v25, v12;
	v25 =	vld [tilespmem:s18+$0x160];
	[tilespmem:s13+$0xFFFFFE20] =	vst v11  }
0xa0: {  	v29 =	vperm.xlane v24, v8;
	v11 =	vmul.f32 v16, v18;
	v16 =	vld [tilespmem:s18+$0xFFFFFE70];
	[tilespmem:s13+$0xFFFFFE40] =	vst v24  }
0xa1: {  	v13 =	vperm.xlane v20, v7;
	v24 =	vld [tilespmem:s19+$0xFFFFFE80];
	[tilespmem:s13+$0xFFFFFEB0] =	vst v12;
	v12 =	vmul.f32 v17, v15  }
0xa2: {  	v15 =	vld [tilespmem:s18+$0xFFFFFEF0];
	[tilespmem:s13+$0xFFFFFF40] =	vst v11  }
0xa3: {  	v11 =	vmul.f32 v14, v13;
	v14 =	vld [tilespmem:s18+$0xFFFFFF70];
	[tilespmem:s13+$0xFFFFFFD0] =	vst v12  }
0xa4: {  	s23 =	simm.s32 $0x138;
	v17 =	vperm.xlane v10, v7;
	v13 =	vperm.xlane v9, v7;
	v18 =	vld [tilespmem:s18+$0xFFFFFFF0]  }
0xa5: {  	v12 =	vperm.xlane v19, v8;
	[tilespmem:s13+$0x60] =	vst v11;
	v11 =	vld [tilespmem:s23+$0x30]  }
0xa6: {  	[tilespmem:s13+$0x230] =	vst v19;
	v13 =	vmul.f32 v26, v13;
	v17 =	vmul.f32 v25, v17;
	v25 =	vld [tilespmem:s19+$0x180]  }
0xa7: {  	[tilespmem:s13+$0xFFFFFED0] =	vst v23;
	v26 =	vperm.xlane v23, v8;
	v23 =	vld [tilespmem:s19+$0xFFFFFF00];
	v27 =	vmul.f32 v27, v12  }
0xa8: {  	v28 =	vld [tilespmem:s18+$0x70];
	[tilespmem:s13+$0xF0] =	vst v13  }
0xa9: {  	v12 =	vld [tilespmem:s23+$0xFFFFFFD0];
	v16 =	vmul.f32 v16, v29;
	[tilespmem:s13+$0x220] =	vst v27;
	v27 =	vperm.xlane v22, v8  }
0xaa: {  	v30 =	vperm.xlane v20, v8;
	v29 =	vperm.xlane v21, v8;
	v13 =	vld [tilespmem:s23+$0xFFFFFFE0];
	[tilespmem:s13+$0x180] =	vst v17  }
0xab: {  	v17 =	vld [tilespmem:s23+$0x0];
	[tilespmem:s13+$0xFFFFFE30] =	vst v16;
	v16 =	vmul.f32 v14, v27;
	v27 =	vperm.xlane v11, v1  }
0xac: {  	[tilespmem:s13+$0xFFFFFF60] =	vst v22;
	v26 =	vmul.f32 v15, v26;
	v15 =	vld [tilespmem:s23+$0xFFFFFFF0];
	v18 =	vmul.f32 v18, v29  }
0xad: {  	[tilespmem:s13+$0x80] =	vst v20;
	v22 =	vld [tilespmem:s19+$0xFFFFFF80];
	v25 =	vmul.f32 v25, v27  }
0xae: {  	s8 =	simm.s32 $0x1DB8;
	v14 =	vld [tilespmem:s23+$0x10];
	v27 =	vmul.f32 v28, v30;
	[tilespmem:s13+$0xFFFFFFE0] =	vst v18  }
0xaf: {  	v29 =	vperm.xlane v12, v1;
	v18 =	vld [tilespmem:s23+$0xFFFFFFC0];
	[tilespmem:s8+$0x1B0] =	vst v25  }
0xb0: {  	[tilespmem:s13+$0x70] =	vst v27;
	v27 =	vld [tilespmem:s19+$0x190]  }
0xb1: {  	[tilespmem:s13+$0xFFFFFEC0] =	vst v26;
	v28 =	vld [tilespmem:s19+$0xFFFFFE00];
	v32 =	vperm.xlane v13, v1;
	v24 =	vmul.f32 v24, v29  }
0xb2: {  	v20 =	vld [tilespmem:s19+$0x80];
	v26 =	vperm.xlane v9, v8;
	[tilespmem:s13+$0xFFFFFF50] =	vst v16;
	v36 =	vperm.xlane v15, v1  }
0xb3: {  	v33 =	vperm.xlane v11, v2;
	v16 =	vld [tilespmem:s23+$0x20];
	v23 =	vmul.f32 v23, v32;
	[tilespmem:s8+$0xFFFFFE50] =	vst v24  }
0xb4: {  	[tilespmem:s13+$0xFFFFFFF0] =	vst v21;
	v22 =	vmul.f32 v22, v36;
	v46 =	vld [tilespmem:s19+$0xFFFFFE90];
	v21 =	vperm.xlane v18, v1  }
0xb5: {  	v37 =	vld [tilespmem:s19+$0x100];
	v19 =	vperm.xlane v17, v1;
	[tilespmem:s8+$0xFFFFFEE0] =	vst v23;
	v27 =	vmul.f32 v27, v33  }
0xb6: {  	v29 =	vperm.xlane v14, v1;
	v23 =	vld [tilespmem:s19+$0xFFFFFF10];
	[tilespmem:s8+$0xFFFFFF70] =	vst v22;
	v28 =	vmul.f32 v28, v21  }
0xb7: {  	v30 =	vperm.xlane v12, v2;
	v19 =	vmul.f32 v35, v19;
	v47 =	vld [tilespmem:s19+$0xFFFFFF90];
	[tilespmem:s8+$0x1C0] =	vst v27  }
0xb8: {  	v24 =	vperm.xlane v16, v1;
	v20 =	vmul.f32 v20, v29;
	[tilespmem:s8+$0xFFFFFDC0] =	vst v28;
	v28 =	vld [tilespmem:s19+$0x1A0]  }
0xb9: {  	v34 =	vperm.xlane v13, v2;
	[tilespmem:s8+$0x0] =	vst v19;
	v30 =	vmul.f32 v46, v30;
	v45 =	vld [tilespmem:s19+$0xFFFFFE10]  }
0xba: {  	v44 =	vperm.xlane v15, v2;
	v24 =	vmul.f32 v37, v24;
	[tilespmem:s8+$0x90] =	vst v20  }
0xbb: {  	v22 =	vperm.xlane v11, v3;
	v48 =	vld [tilespmem:s19+$0x10];
	v23 =	vmul.f32 v23, v34;
	[tilespmem:s8+$0xFFFFFE60] =	vst v30  }
0xbc: {  	v29 =	vperm.xlane v18, v2;
	[tilespmem:s8+$0x120] =	vst v24;
	v30 =	vmul.f32 v47, v44;
	v53 =	vld [tilespmem:s19+$0xFFFFFEA0]  }
0xbd: {  	v31 =	vperm.xlane v12, v3;
	v49 =	vld [tilespmem:s19+$0x110];
	[tilespmem:s8+$0xFFFFFEF0] =	vst v23;
	v20 =	vmul.f32 v28, v22  }
0xbe: {  	v27 =	vperm.xlane v17, v2;
	[tilespmem:s8+$0xFFFFFF80] =	vst v30;
	v28 =	vmul.f32 v45, v29;
	v29 =	vld [tilespmem:s19+$0x90]  }
0xbf: {  	v52 =	vperm.xlane v17, v3;
	v58 =	vperm.xlane v17, v4;
	v54 =	vld [tilespmem:s19+$0xFFFFFFA0];
	[tilespmem:s8+$0x1D0] =	vst v20  }
0xc0: {  	v23 =	vmul.f32 v48, v27;
	v22 =	vperm.xlane v16, v2;
	[tilespmem:s8+$0xFFFFFDD0] =	vst v28;
	v28 =	vld [tilespmem:s19+$0x1B0]  }
0xc1: {  	v19 =	vperm.xlane v14, v2;
	v31 =	vmul.f32 v53, v31;
	v51 =	vld [tilespmem:s19+$0xFFFFFE20]  }
0xc2: {  	v50 =	vperm.xlane v15, v3;
	v27 =	vld [tilespmem:s19+$0xFFFFFF20];
	[tilespmem:s8+$0x10] =	vst v23;
	v22 =	vmul.f32 v49, v22  }
0xc3: {  	v55 =	vld [tilespmem:s19+$0x20];
	[tilespmem:s8+$0xFFFFFE70] =	vst v31;
	v19 =	vmul.f32 v29, v19;
	v29 =	vperm.xlane v11, v4  }
0xc4: {  	v24 =	vperm.xlane v18, v3;
	v31 =	vmul.f32 v54, v50;
	[tilespmem:s8+$0x130] =	vst v22;
	v59 =	vld [tilespmem:s19+$0xFFFFFEB0]  }
0xc5: {  	v20 =	vperm.xlane v13, v3;
	v56 =	vld [tilespmem:s19+$0x120];
	[tilespmem:s8+$0xA0] =	vst v19;
	v19 =	vmul.f32 v28, v29  }
0xc6: {  	v40 =	vperm.xlane v15, v5;
	[tilespmem:s8+$0xFFFFFF90] =	vst v31;
	v24 =	vmul.f32 v51, v24;
	v29 =	vld [tilespmem:s19+$0xA0]  }
0xc7: {  	v25 =	vperm.xlane v10, v8;
	v20 =	vmul.f32 v27, v20;
	v61 =	vld [tilespmem:s19+$0xFFFFFFB0];
	[tilespmem:s8+$0x1E0] =	vst v19  }
0xc8: {  	v30 =	vperm.xlane v14, v3;
	v22 =	vperm.xlane v12, v4;
	[tilespmem:s8+$0xFFFFFDE0] =	vst v24;
	v24 =	vld [tilespmem:s19+$0x1C0]  }
0xc9: {  	v23 =	vperm.xlane v16, v3;
	[tilespmem:s8+$0xFFFFFF00] =	vst v20;
	v20 =	vmul.f32 v55, v52;
	v57 =	vld [tilespmem:s19+$0xFFFFFE30]  }
0xca: {  	v21 =	vld [tilespmem:s18+$0xF0];
	v27 =	vperm.xlane v15, v4;
	v22 =	vmul.f32 v59, v22  }
0xcb: {  	v60 =	vld [tilespmem:s19+$0xFFFFFF30];
	[tilespmem:s8+$0x20] =	vst v20;
	v29 =	vmul.f32 v29, v30;
	v30 =	vperm.xlane v11, v5  }
0xcc: {  	v28 =	vperm.xlane v18, v4;
	v62 =	vld [tilespmem:s19+$0x30];
	v20 =	vmul.f32 v56, v23;
	[tilespmem:s8+$0xFFFFFE80] =	vst v22  }
0xcd: {  	v22 =	vmul.f32 v61, v27;
	v61 =	vld [tilespmem:s18+$0x170];
	[tilespmem:s8+$0xB0] =	vst v29;
	v24 =	vmul.f32 v24, v30  }
0xce: {  	v19 =	vperm.xlane v13, v4;
	[tilespmem:s8+$0x140] =	vst v20;
	v28 =	vmul.f32 v57, v28;
	v30 =	vld [tilespmem:s19+$0xB0]  }
0xcf: {  	v38 =	vperm.xlane v16, v7;
	v47 =	vperm.xlane v15, v6;
	v63 =	vld [tilespmem:s19+$0x130];
	[tilespmem:s8+$0x1F0] =	vst v24  }
0xd0: {  	v21 =	vmul.f32 v21, v26;
	v19 =	vmul.f32 v60, v19;
	[tilespmem:s8+$0xFFFFFDF0] =	vst v28;
	v28 =	vld [tilespmem:s19+$0x1D0]  }
0xd1: {  	v53 =	vperm.xlane v12, v7;
	v31 =	vperm.xlane v14, v4;
	v41 =	vld [tilespmem:s19+$0xFFFFFE40]  }
0xd2: {  	v23 =	vperm.xlane v16, v4;
	v42 =	vld [tilespmem:s19+$0xFFFFFEC0];
	[tilespmem:s8+$0xFFFFFF10] =	vst v19;
	v19 =	vmul.f32 v62, v58  }
0xd3: {  	[tilespmem:s8+$0xFFFFFFA0] =	vst v22;
	v43 =	vld [tilespmem:s19+$0xFFFFFF40];
	v22 =	vmul.f32 v30, v31;
	v30 =	vperm.xlane v11, v6  }
0xd4: {  	v44 =	vld [tilespmem:s19+$0xFFFFFFC0];
	v29 =	vperm.xlane v18, v5;
	[tilespmem:s8+$0x30] =	vst v19;
	v19 =	vmul.f32 v63, v23  }
0xd5: {  	v20 =	vperm.xlane v12, v5;
	v45 =	vld [tilespmem:s19+$0x40];
	[tilespmem:s8+$0xC0] =	vst v22;
	v22 =	vmul.f32 v28, v30  }
0xd6: {  	v24 =	vperm.xlane v13, v5;
	[tilespmem:s8+$0x150] =	vst v19;
	v29 =	vmul.f32 v41, v29;
	v30 =	vld [tilespmem:s19+$0xC0]  }
0xd7: {  	v49 =	vperm.xlane v17, v6;
	v20 =	vmul.f32 v42, v20;
	v46 =	vld [tilespmem:s19+$0x140];
	[tilespmem:s8+$0x200] =	vst v22  }
0xd8: {  	v27 =	vperm.xlane v17, v5;
	v24 =	vmul.f32 v43, v24;
	[tilespmem:s8+$0xFFFFFE00] =	vst v29;
	v29 =	vld [tilespmem:s19+$0x1E0]  }
0xd9: {  	[tilespmem:s8+$0xFFFFFE90] =	vst v20;
	v20 =	vmul.f32 v44, v40;
	v31 =	vperm.xlane v14, v5;
	v48 =	vld [tilespmem:s19+$0xFFFFFE50]  }
0xda: {  	v23 =	vperm.xlane v16, v5;
	v50 =	vld [tilespmem:s19+$0xFFFFFED0];
	[tilespmem:s8+$0xFFFFFF20] =	vst v24;
	v24 =	vmul.f32 v45, v27  }
0xdb: {  	[tilespmem:s8+$0xFFFFFFB0] =	vst v20;
	v27 =	vld [tilespmem:s19+$0xFFFFFF50];
	v20 =	vmul.f32 v30, v31;
	v30 =	vperm.xlane v11, v7  }
0xdc: {  	v51 =	vld [tilespmem:s19+$0xFFFFFFD0];
	v28 =	vperm.xlane v18, v6;
	[tilespmem:s8+$0x40] =	vst v24;
	v23 =	vmul.f32 v46, v23  }
0xdd: {  	v19 =	vperm.xlane v12, v6;
	v52 =	vld [tilespmem:s19+$0x50];
	[tilespmem:s8+$0xD0] =	vst v20;
	v20 =	vmul.f32 v29, v30  }
0xde: {  	v22 =	vperm.xlane v13, v6;
	[tilespmem:s8+$0x160] =	vst v23;
	v28 =	vmul.f32 v48, v28;
	v30 =	vld [tilespmem:s19+$0xD0]  }
0xdf: {  	v55 =	vperm.xlane v17, v7;
	v19 =	vmul.f32 v50, v19;
	v23 =	vld [tilespmem:s19+$0x150];
	[tilespmem:s8+$0x210] =	vst v20  }
0xe0: {  	v58 =	vperm.xlane v14, v7;
	v22 =	vmul.f32 v27, v22;
	[tilespmem:s8+$0xFFFFFE10] =	vst v28;
	v27 =	vld [tilespmem:s19+$0x1F0]  }
0xe1: {  	[tilespmem:s8+$0xFFFFFEA0] =	vst v19;
	v19 =	vmul.f32 v51, v47;
	v31 =	vperm.xlane v14, v6;
	v54 =	vld [tilespmem:s19+$0xFFFFFE60]  }
0xe2: {  	v24 =	vperm.xlane v16, v6;
	v56 =	vld [tilespmem:s19+$0xFFFFFEE0];
	[tilespmem:s8+$0xFFFFFF30] =	vst v22;
	v22 =	vmul.f32 v52, v49  }
0xe3: {  	[tilespmem:s8+$0xFFFFFFC0] =	vst v19;
	v57 =	vld [tilespmem:s19+$0xFFFFFF60];
	v19 =	vmul.f32 v30, v31;
	v30 =	vperm.xlane v11, v8  }
0xe4: {  	v29 =	vperm.xlane v18, v7;
	[tilespmem:s8+$0x50] =	vst v22;
	v23 =	vmul.f32 v23, v24;
	v31 =	vld [tilespmem:s19+$0xFFFFFFE0]  }
0xe5: {  	v25 =	vmul.f32 v61, v25;
	v39 =	vld [tilespmem:s19+$0x60];
	[tilespmem:s8+$0xE0] =	vst v19;
	v19 =	vmul.f32 v27, v30  }
0xe6: {  	v20 =	vperm.xlane v13, v7;
	[tilespmem:s8+$0x170] =	vst v23;
	v27 =	vmul.f32 v54, v29;
	v59 =	vld [tilespmem:s19+$0xE0]  }
0xe7: {  	v28 =	vperm.xlane v15, v7;
	v60 =	vld [tilespmem:s19+$0x160];
	v30 =	vmul.f32 v56, v53;
	[tilespmem:s8+$0x220] =	vst v19  }
0xe8: {  	v22 =	vperm.xlane v18, v8;
	[tilespmem:s8+$0xFFFFFE20] =	vst v27;
	v19 =	vmul.f32 v57, v20  }
0xe9: {  	v24 =	vperm.xlane v13, v8;
	[tilespmem:s8+$0xFFFFFEB0] =	vst v30;
	v20 =	vmul.f32 v31, v28;
	v29 =	vld [tilespmem:s19+$0xFFFFFE70]  }
0xea: {  	v23 =	vperm.xlane v12, v8;
	v62 =	vmul.f32 v39, v55;
	v31 =	vld [tilespmem:s19+$0xFFFFFEF0];
	[tilespmem:s8+$0xFFFFFF40] =	vst v19  }
0xeb: {  	v27 =	vperm.xlane v15, v8;
	[tilespmem:s8+$0xFFFFFFD0] =	vst v20;
	v30 =	vld [tilespmem:s19+$0xFFFFFF70];
	v63 =	vmul.f32 v59, v58  }
0xec: {  	s15 =	simm.s32 $0x1B8;
	[tilespmem:s8+$0x60] =	vst v62;
	v28 =	vperm.xlane v17, v8;
	v33 =	vmul.f32 v60, v38;
	v26 =	vld [tilespmem:s19+$0xFFFFFFF0]  }
0xed: {  	s14 =	simm.s32 $0x8F8;
	s23 =	simm.s32 $0x8;
	s18 =	simm.s32 $0x1DB8;
	v32 =	vld [tilespmem:s19+$0x70];
	v19 =	vperm.xlane v14, v8;
	v20 =	vperm.xlane v16, v8;
	[tilespmem:s8+$0xF0] =	vst v63  }
.LBB2_7:
0xee: {  	v34 =	vld [tilespmem:s15+$0x30];
	s23 =	sadd.s32 $0x8, s23;
	v22 =	vmul.f32 v29, v22;
	[tilespmem:s8+$0x180] =	vst v33  }
0xef: {  	s19 =	sadd.s32 $0x400, s19;
	v29 =	vld [tilespmem:s15+$0xFFFFFFD0];
	p2 =	slt.u32 s23, $0x20;
	v23 =	vmul.f32 v31, v23;
	[tilespmem:s13+$0x100] =	vst v21  }
0xf0: {  	v21 =	vld [tilespmem:s19+$0x180];
	[tilespmem:s8+$0xFFFFFE30] =	vst v22;
	v22 =	vmul.f32 v30, v24  }
0xf1: {  	v24 =	vld [tilespmem:s15+$0xFFFFFFE0];
	[tilespmem:s8+$0xFFFFFEC0] =	vst v23;
	v23 =	vmul.f32 v26, v27  }
0xf2: {  	v26 =	vld [tilespmem:s15+$0xFFFFFFF0];
	[tilespmem:s8+$0xFFFFFF50] =	vst v22;
	v22 =	vmul.f32 v32, v28  }
0xf3: {  	v27 =	vld [tilespmem:s15+$0x0];
	v28 =	vperm.xlane v34, v1;
	[tilespmem:s8+$0xFFFFFFE0] =	vst v23  }
0xf4: {  	v23 =	vperm.xlane v29, v1;
	v30 =	vperm.xlane v29, v2;
	v31 =	vld [tilespmem:s15+$0x10];
	[tilespmem:s8+$0x70] =	vst v22  }
0xf5: {  	v22 =	vperm.xlane v29, v3;
	v32 =	vld [tilespmem:s15+$0x20];
	v21 =	vmul.f32 v21, v28;
	[tilespmem:s13+$0x190] =	vst v25  }
0xf6: {  	s8 =	sadd.s32 $0x480, s8;
	v25 =	vperm.xlane v24, v1;
	v28 =	vperm.xlane v24, v2;
	[tilespmem:s18+$0xFFFFFE40] =	vst v18;
	v18 =	vld [tilespmem:s15+$0xFFFFFFC0]  }
0xf7: {  	v33 =	vld [tilespmem:s19+$0xFFFFFE00];
	v35 =	vperm.xlane v26, v1;
	v36 =	vperm.xlane v26, v2;
	[tilespmem:s8+$0x1B0] =	vst v21  }
0xf8: {  	v37 =	vperm.xlane v27, v1;
	v38 =	vperm.xlane v27, v2;
	v21 =	vld [tilespmem:s19+$0x190];
	[tilespmem:s18+$0xFFFFFED0] =	vst v12;
	v12 =	vmov v29  }
0xf9: {  	v29 =	vld [tilespmem:s19+$0xFFFFFE80];
	v39 =	vperm.xlane v31, v1;
	v40 =	vperm.xlane v31, v2;
	[tilespmem:s18+$0xFFFFFF60] =	vst v13;
	v13 =	vmov v24  }
0xfa: {  	v24 =	vld [tilespmem:s19+$0xFFFFFF00];
	v41 =	vperm.xlane v32, v1;
	v42 =	vperm.xlane v32, v2;
	[tilespmem:s18+$0xFFFFFFF0] =	vst v15;
	v15 =	vmov v26  }
0xfb: {  	v44 =	vperm.xlane v34, v2;
	v26 =	vperm.xlane v18, v1;
	v43 =	vld [tilespmem:s19+$0xFFFFFF80];
	[tilespmem:s18+$0x80] =	vst v17;
	v17 =	vmov v27  }
0xfc: {  	v27 =	vperm.xlane v18, v2;
	v45 =	vperm.xlane v18, v3;
	v46 =	vld [tilespmem:s19+$0x0];
	[tilespmem:s13+$0x110] =	vst v9;
	v9 =	vmovc v14;
	v14 =	vmov v31  }
0xfd: {  	v26 =	vmul.f32 v33, v26;
	v31 =	vld [tilespmem:s19+$0x80];
	v21 =	vmul.f32 v21, v44;
	[tilespmem:s13+$0x1A0] =	vst v10;
	v10 =	vmovc v16;
	v16 =	vmov v32;
	s13 =	smov.u32 s18;
	s18 =	smov.u32 s8  }
0xfe: {  	v23 =	vmul.f32 v29, v23;
	v29 =	vperm.xlane v13, v3;
	v32 =	vld [tilespmem:s19+$0x100];
	[tilespmem:s13+$0x230] =	vst v11;
	v11 =	vmov v34  }
0xff: {  	v24 =	vmul.f32 v24, v25;
	v25 =	vperm.xlane v15, v3;
	[tilespmem:s8+$0x1C0] =	vst v21;
	v21 =	vld [tilespmem:s14+$0xF0]  }
0x100: {  	v33 =	vperm.xlane v17, v3;
	[tilespmem:s8+$0xFFFFFDC0] =	vst v26;
	v26 =	vmul.f32 v43, v35;
	v34 =	vld [tilespmem:s19+$0x1A0]  }
0x101: {  	v35 =	vld [tilespmem:s19+$0xFFFFFE10];
	[tilespmem:s8+$0xFFFFFE50] =	vst v23;
	v23 =	vmul.f32 v46, v37;
	v37 =	vperm.xlane v14, v3  }
0x102: {  	v43 =	vld [tilespmem:s19+$0xFFFFFE90];
	[tilespmem:s8+$0xFFFFFEE0] =	vst v24;
	v24 =	vmul.f32 v31, v39;
	v31 =	vperm.xlane v16, v3  }
0x103: {  	v39 =	vld [tilespmem:s19+$0xFFFFFF10];
	[tilespmem:s8+$0xFFFFFF70] =	vst v26;
	v26 =	vmul.f32 v32, v41;
	v32 =	vperm.xlane v11, v3  }
0x104: {  	v44 =	vperm.xlane v12, v4;
	v41 =	vperm.xlane v18, v4;
	v46 =	vld [tilespmem:s19+$0xFFFFFF90];
	[tilespmem:s8+$0x0] =	vst v23  }
0x105: {  	v23 =	vperm.xlane v13, v4;
	v47 =	vld [tilespmem:s19+$0x10];
	[tilespmem:s8+$0x90] =	vst v24;
	v24 =	vmul.f32 v34, v32  }
0x106: {  	v32 =	vperm.xlane v15, v4;
	v27 =	vmul.f32 v35, v27;
	v34 =	vld [tilespmem:s19+$0x90];
	[tilespmem:s8+$0x120] =	vst v26  }
0x107: {  	v26 =	vmul.f32 v43, v30;
	v30 =	vperm.xlane v17, v4;
	v35 =	vld [tilespmem:s19+$0x110];
	[tilespmem:s8+$0x1D0] =	vst v24  }
0x108: {  	[tilespmem:s8+$0xFFFFFDD0] =	vst v27;
	v24 =	vmul.f32 v39, v28;
	v27 =	vperm.xlane v14, v4;
	v28 =	vld [tilespmem:s19+$0x1B0]  }
0x109: {  	v39 =	vld [tilespmem:s19+$0xFFFFFE20];
	[tilespmem:s8+$0xFFFFFE60] =	vst v26;
	v26 =	vmul.f32 v46, v36;
	v36 =	vperm.xlane v16, v4  }
0x10a: {  	v43 =	vperm.xlane v18, v5;
	v46 =	vld [tilespmem:s19+$0xFFFFFEA0];
	[tilespmem:s8+$0xFFFFFEF0] =	vst v24;
	v24 =	vmul.f32 v47, v38  }
0x10b: {  	v38 =	vld [tilespmem:s19+$0xFFFFFF20];
	[tilespmem:s8+$0xFFFFFF80] =	vst v26;
	v26 =	vmul.f32 v34, v40;
	v34 =	vperm.xlane v11, v4  }
0x10c: {  	v40 =	vperm.xlane v12, v5;
	v47 =	vld [tilespmem:s19+$0xFFFFFFA0];
	[tilespmem:s8+$0x10] =	vst v24;
	v24 =	vmul.f32 v35, v42  }
0x10d: {  	v35 =	vperm.xlane v13, v5;
	v42 =	vld [tilespmem:s19+$0x20];
	[tilespmem:s8+$0xA0] =	vst v26;
	v26 =	vmul.f32 v28, v34  }
0x10e: {  	v34 =	vperm.xlane v15, v5;
	v28 =	vmul.f32 v39, v45;
	v39 =	vld [tilespmem:s19+$0xA0];
	[tilespmem:s8+$0x130] =	vst v24  }
0x10f: {  	v24 =	vperm.xlane v17, v5;
	v22 =	vmul.f32 v46, v22;
	v45 =	vld [tilespmem:s19+$0x120];
	[tilespmem:s8+$0x1E0] =	vst v26  }
0x110: {  	[tilespmem:s8+$0xFFFFFDE0] =	vst v28;
	v26 =	vmul.f32 v38, v29;
	v28 =	vperm.xlane v14, v5;
	v29 =	vld [tilespmem:s19+$0x1C0]  }
0x111: {  	v38 =	vld [tilespmem:s19+$0xFFFFFE30];
	[tilespmem:s8+$0xFFFFFE70] =	vst v22;
	v22 =	vmul.f32 v47, v25;
	v25 =	vperm.xlane v16, v5  }
0x112: {  	v46 =	vperm.xlane v18, v6;
	v47 =	vld [tilespmem:s19+$0xFFFFFEB0];
	[tilespmem:s8+$0xFFFFFF00] =	vst v26;
	v26 =	vmul.f32 v42, v33  }
0x113: {  	v33 =	vld [tilespmem:s19+$0xFFFFFF30];
	[tilespmem:s8+$0xFFFFFF90] =	vst v22;
	v22 =	vmul.f32 v39, v37;
	v37 =	vperm.xlane v11, v5  }
0x114: {  	v39 =	vperm.xlane v12, v6;
	v42 =	vld [tilespmem:s19+$0xFFFFFFB0];
	[tilespmem:s8+$0x20] =	vst v26;
	v26 =	vmul.f32 v45, v31  }
0x115: {  	v31 =	vperm.xlane v13, v6;
	v45 =	vld [tilespmem:s19+$0x30];
	[tilespmem:s8+$0xB0] =	vst v22;
	v22 =	vmul.f32 v29, v37  }
0x116: {  	v37 =	vperm.xlane v15, v6;
	v29 =	vmul.f32 v38, v41;
	v38 =	vld [tilespmem:s19+$0xB0];
	[tilespmem:s8+$0x140] =	vst v26  }
0x117: {  	v41 =	vperm.xlane v17, v6;
	v26 =	vmul.f32 v47, v44;
	v44 =	vld [tilespmem:s19+$0x130];
	[tilespmem:s8+$0x1F0] =	vst v22  }
0x118: {  	[tilespmem:s8+$0xFFFFFDF0] =	vst v29;
	v22 =	vmul.f32 v33, v23;
	v29 =	vperm.xlane v14, v6;
	v23 =	vld [tilespmem:s19+$0x1D0]  }
0x119: {  	v33 =	vld [tilespmem:s19+$0xFFFFFE40];
	[tilespmem:s8+$0xFFFFFE80] =	vst v26;
	v26 =	vmul.f32 v42, v32;
	v32 =	vperm.xlane v16, v6  }
0x11a: {  	v42 =	vperm.xlane v18, v7;
	v47 =	vld [tilespmem:s19+$0xFFFFFEC0];
	[tilespmem:s8+$0xFFFFFF10] =	vst v22;
	v22 =	vmul.f32 v45, v30  }
0x11b: {  	v30 =	vld [tilespmem:s19+$0xFFFFFF40];
	[tilespmem:s8+$0xFFFFFFA0] =	vst v26;
	v26 =	vmul.f32 v38, v27;
	v27 =	vperm.xlane v11, v6  }
0x11c: {  	v38 =	vperm.xlane v12, v7;
	v45 =	vld [tilespmem:s19+$0xFFFFFFC0];
	[tilespmem:s8+$0x30] =	vst v22;
	v22 =	vmul.f32 v44, v36  }
0x11d: {  	v36 =	vperm.xlane v13, v7;
	v44 =	vld [tilespmem:s19+$0x40];
	[tilespmem:s8+$0xC0] =	vst v26;
	v23 =	vmul.f32 v23, v27  }
0x11e: {  	v26 =	vmul.f32 v33, v43;
	v33 =	vperm.xlane v15, v7;
	v27 =	vld [tilespmem:s19+$0xC0];
	[tilespmem:s8+$0x150] =	vst v22  }
0x11f: {  	v22 =	vmul.f32 v47, v40;
	v40 =	vperm.xlane v17, v7;
	v43 =	vld [tilespmem:s19+$0x140];
	[tilespmem:s8+$0x200] =	vst v23  }
0x120: {  	[tilespmem:s8+$0xFFFFFE00] =	vst v26;
	v23 =	vmul.f32 v30, v35;
	v26 =	vperm.xlane v14, v7;
	v30 =	vld [tilespmem:s19+$0x1E0]  }
0x121: {  	v35 =	vld [tilespmem:s19+$0xFFFFFE50];
	[tilespmem:s8+$0xFFFFFE90] =	vst v22;
	v34 =	vmul.f32 v45, v34;
	v45 =	vperm.xlane v16, v7  }
0x122: {  	v22 =	vperm.xlane v18, v8;
	v47 =	vld [tilespmem:s19+$0xFFFFFED0];
	[tilespmem:s8+$0xFFFFFF20] =	vst v23;
	v24 =	vmul.f32 v44, v24  }
0x123: {  	v44 =	vld [tilespmem:s19+$0xFFFFFF50];
	[tilespmem:s8+$0xFFFFFFB0] =	vst v34;
	v27 =	vmul.f32 v27, v28;
	v28 =	vperm.xlane v11, v7  }
0x124: {  	v23 =	vperm.xlane v12, v8;
	v34 =	vld [tilespmem:s19+$0xFFFFFFD0];
	[tilespmem:s8+$0x40] =	vst v24;
	v25 =	vmul.f32 v43, v25  }
0x125: {  	v24 =	vperm.xlane v13, v8;
	v43 =	vld [tilespmem:s19+$0x50];
	[tilespmem:s8+$0xD0] =	vst v27;
	v30 =	vmul.f32 v30, v28  }
0x126: {  	v27 =	vperm.xlane v15, v8;
	v35 =	vmul.f32 v35, v46;
	v46 =	vld [tilespmem:s19+$0xD0];
	[tilespmem:s8+$0x160] =	vst v25  }
0x127: {  	v28 =	vperm.xlane v17, v8;
	v25 =	vmul.f32 v47, v39;
	v39 =	vld [tilespmem:s19+$0x150];
	[tilespmem:s8+$0x210] =	vst v30  }
0x128: {  	[tilespmem:s8+$0xFFFFFE10] =	vst v35;
	v30 =	vmul.f32 v44, v31;
	v31 =	vperm.xlane v14, v8;
	v35 =	vld [tilespmem:s19+$0x1F0]  }
0x129: {  	v44 =	vld [tilespmem:s19+$0xFFFFFE60];
	[tilespmem:s8+$0xFFFFFEA0] =	vst v25;
	v25 =	vmul.f32 v34, v37;
	v34 =	vperm.xlane v16, v8  }
0x12a: {  	v21 =	vmul.f32 v21, v19;
	v37 =	vld [tilespmem:s19+$0xFFFFFEE0];
	[tilespmem:s8+$0xFFFFFF30] =	vst v30;
	v30 =	vmul.f32 v43, v41;
	v19 =	vmov v31  }
0x12b: {  	v31 =	vld [tilespmem:s19+$0xFFFFFF60];
	[tilespmem:s8+$0xFFFFFFC0] =	vst v25;
	v25 =	vmul.f32 v46, v29;
	v29 =	vperm.xlane v11, v8  }
0x12c: {  	v41 =	vld [tilespmem:s19+$0xFFFFFFE0];
	[tilespmem:s8+$0x50] =	vst v30;
	v30 =	vmul.f32 v39, v32  }
0x12d: {  	v32 =	vld [tilespmem:s19+$0x60];
	[tilespmem:s8+$0xE0] =	vst v25;
	v25 =	vmul.f32 v35, v29  }
0x12e: {  	v29 =	vmul.f32 v44, v42;
	v35 =	vld [tilespmem:s19+$0xE0];
	[tilespmem:s8+$0x170] =	vst v30  }
0x12f: {  	v30 =	vmul.f32 v37, v38;
	v37 =	vld [tilespmem:s19+$0x160];
	[tilespmem:s8+$0x220] =	vst v25  }
0x130: {  	[tilespmem:s8+$0xFFFFFE20] =	vst v29;
	v25 =	vmul.f32 v31, v36;
	v36 =	vld [tilespmem:s14+$0x170];
	s14 =	smov.u32 s19  }
.Ltmp3:
0x131: {  	v29 =	vld [tilespmem:s19+$0xFFFFFE70];
	[tilespmem:s8+$0xFFFFFEB0] =	vst v30;
	v33 =	vmul.f32 v41, v33;
	(pc) =	sbr.rel @p2 .LBB2_7-.Ltmp3, $4  }
0x132: {  	v31 =	vld [tilespmem:s19+$0xFFFFFEF0];
	[tilespmem:s8+$0xFFFFFF40] =	vst v25;
	v25 =	vmul.f32 v32, v40  }
0x133: {  	v30 =	vld [tilespmem:s19+$0xFFFFFF70];
	[tilespmem:s8+$0xFFFFFFD0] =	vst v33;
	v35 =	vmul.f32 v35, v26  }
0x134: {  	v26 =	vld [tilespmem:s19+$0xFFFFFFF0];
	[tilespmem:s8+$0x60] =	vst v25;
	v33 =	vmul.f32 v37, v45  }
0x135: {  	s15 =	sadd.s32 $0x80, s15;
	v32 =	vld [tilespmem:s19+$0x70];
	[tilespmem:s8+$0xF0] =	vst v35;
	v25 =	vmul.f32 v36, v20;
	v20 =	vmov v34  }
0x136: {  	[tilespmem:s8+$0x180] =	vst v33  }
0x137: {  	[tilespmem:s13+$0x100] =	vst v21  }
0x138: {  	[tilespmem:s13+$0x110] =	vst v9  }
0x139: {  	[tilespmem:s13+$0x1A0] =	vst v10  }
0x13a: {  	[tilespmem:s18+$0x230] =	vst v11  }
0x13b: {  	v62 =	vld [tilespmem:s14+$0xF0];
	[tilespmem:s18+$0x110] =	vst v14  }
0x13c: {  	v22 =	vmul.f32 v29, v22;
	[tilespmem:s13+$0x190] =	vst v25  }
0x13d: {  	v23 =	vmul.f32 v31, v23;
	v63 =	vld [tilespmem:s14+$0x170];
	[tilespmem:s18+$0x1A0] =	vst v16  }
0x13e: {  	[tilespmem:s8+$0xFFFFFE30] =	vst v22  }
0x13f: {  	v59 =	vmul.f32 v30, v24;
	[tilespmem:s8+$0xFFFFFEC0] =	vst v23  }
0x140: {  	[tilespmem:s18+$0xFFFFFE40] =	vst v18  }
0x141: {  	v60 =	vmul.f32 v26, v27;
	[tilespmem:s8+$0xFFFFFF50] =	vst v59  }
0x142: {  	[tilespmem:s18+$0xFFFFFED0] =	vst v12  }
0x143: {  	v61 =	vmul.f32 v32, v28;
	[tilespmem:s8+$0xFFFFFFE0] =	vst v60  }
0x144: {  	[tilespmem:s18+$0xFFFFFF60] =	vst v13  }
0x145: {  	[tilespmem:s8+$0x70] =	vst v61  }
0x146: {  	v9 =	vmul.f32 v62, v19;
	[tilespmem:s18+$0xFFFFFFF0] =	vst v15  }
0x147: {  	v10 =	vmul.f32 v63, v20;
	[tilespmem:s18+$0x80] =	vst v17  }
0x148: {  	[tilespmem:s18+$0x100] =	vst v9  }
0x149: {  	[tilespmem:s18+$0x190] =	vst v10  }
0x14a: {  	v9 =	vld [tilespmem:$0x28]  }
0x14b: {  	v10 =	vld [tilespmem:$0x38]  }
0x14c: {  	v11 =	vld [tilespmem:$0x40]  }
0x14d: {  	p2 =	sne.s32 s17, $0x7C  }
.Ltmp4:
0x14e: {  	_ = 	snop;
	(pc) =	sbr.rel @p2 .LBB2_10-.Ltmp4, $4  }
0x14f: {  	[tilespmem:$0x50] =	vst v9  }
0x150: {  	[tilespmem:$0x60] =	vst v10  }
0x151: {  	[tilespmem:$0x68] =	vst v11  }
0x152: {  	[spmem:s2] =	stream.indirect.scatter.add.f32 [tilespmem:s20], [sflag:$0x5], $0x90, s3, s22, $0xb8;
	[tilespmem:$0x1BA80] =	vst v63  }
.Ltmp5:
0x153: {  	(pc) =	sbr.rel .LBB2_11-.Ltmp5, $4  }
0x154: {  	_ = 	snop  }
0x155: {  	_ =	swait.ge [sflag:s9], $0x1400  }
0x156: {  	[sflag:s9] =	ssyncset.done $0x0  }
0x157: {  	[sflag:s9] =	ssyncadd.s32 $0xFFFFEC00  }
.LBB2_10:
0x158: {  	s8 =	smul.u32 $0x50, s17  }
0x159: {  	s13 =	rddreg [dreg:$0xb]  }
0x15a: {  	s8 =	sadd.s32 s8, s13  }
0x15b: {  	s13 =	sshrl.u32 s8, $0x3  }
0x15c: {  	s8 =	sshll.u32 s8, $0x1;
	s14 =	sadd.s32 s5, s13  }
0x15d: {  	[tilespmem:s4], [sflag:$0x1] =	stream.linear.gather [hbm4b:s14+s4], $0x28, $0x38;
	[tilespmem:$0x1BA80] =	vst v63  }
0x15e: {  	s13 =	sadd.s32 s6, s13;
	s8 =	sand.u32 $0x1FFFFFE0, s8  }
0x15f: {  	[tilespmem:s22], [sflag:$0x1] =	stream.linear.gather [hbm4b:s13+s4], $0x28, $0x38;
	[tilespmem:$0x1BA80] =	vst v63  }
.Ltmp6:
0x160: {  	s23 =	simm.s32 $0x78;
	s8 =	sadd.s32 s7, s8;
	(pc) =	sbr.rel @p1 .LBB2_12-.Ltmp6, $4  }
0x161: {  	[tilespmem:s23], [sflag:$0x1] =	stream.linear.gather [hbm4b:s8+s4], $0x280, $0x38;
	[tilespmem:$0x1BA80] =	vst v63  }
0x162: {  	_ =	swait.ge [sflag:s9], $0x1400  }
0x163: {  	[sflag:s9] =	ssyncset.done $0x0  }
0x164: {  	[sflag:s9] =	ssyncadd.s32 $0xFFFFEC00  }
.LBB2_11:
0x165: {  	_ =	swait.ge [sflag:s10], $0x1680  }
0x166: {  	[sflag:s10] =	ssyncset.done $0x0  }
0x167: {  	[sflag:s10] =	ssyncadd.s32 $0xFFFFE980  }
.LBB2_12:
0x168: {  	s8 =	simm.s32 $0x2E30  }
0x169: {  	v19 =	vld [tilespmem:s8+$0x30]  }
0x16a: {  	s18 =	simm.s32 $0x3270;
	v23 =	vld [tilespmem:s8+$0xFFFFFFD0]  }
0x16b: {  	v11 =	vld [tilespmem:s18+$0x180]  }
0x16c: {  	v22 =	vld [tilespmem:s8+$0xFFFFFFE0]  }
0x16d: {  	v21 =	vld [tilespmem:s8+$0xFFFFFFF0]  }
0x16e: {  	v20 =	vld [tilespmem:s8+$0x0]  }
0x16f: {  	v9 =	vld [tilespmem:s8+$0x10]  }
0x170: {  	v24 =	vld [tilespmem:s8+$0xFFFFFFC0]  }
0x171: {  	v10 =	vld [tilespmem:s8+$0x20]  }
0x172: {  	v13 =	vld [tilespmem:s18+$0xFFFFFE00]  }
0x173: {  	v14 =	vld [tilespmem:s18+$0xFFFFFE80];
	v12 =	vperm.xlane v19, v1  }
0x174: {  	v16 =	vld [tilespmem:s18+$0xFFFFFF80]  }
0x175: {  	v11 =	vmul.f32 v11, v12;
	v12 =	vld [tilespmem:s18+$0xFFFFFF00]  }
0x176: {  	s13 =	simm.s32 $0x46B0;
	v26 =	vld [tilespmem:s18+$0x80];
	v15 =	vperm.xlane v24, v1  }
0x177: {  	v17 =	vperm.xlane v23, v1;
	[tilespmem:s13+$0x1B0] =	vst v11;
	v11 =	vld [tilespmem:s18+$0x0]  }
0x178: {  	v18 =	vperm.xlane v22, v1;
	v13 =	vmul.f32 v13, v15;
	v25 =	vld [tilespmem:s18+$0x190]  }
0x179: {  	s19 =	simm.s32 $0x3670;
	v27 =	vld [tilespmem:s18+$0x100];
	v15 =	vperm.xlane v21, v1;
	v14 =	vmul.f32 v14, v17  }
0x17a: {  	v35 =	vld [tilespmem:s19+$0x0];
	v17 =	vperm.xlane v20, v1;
	[tilespmem:s13+$0xFFFFFDC0] =	vst v13;
	v12 =	vmul.f32 v12, v18  }
0x17b: {  	v13 =	vperm.xlane v19, v2;
	v15 =	vmul.f32 v16, v15;
	[tilespmem:s13+$0xFFFFFE50] =	vst v14;
	v16 =	vld [tilespmem:s18+$0xFFFFFE10]  }
0x17c: {  	v14 =	vperm.xlane v9, v1;
	v11 =	vmul.f32 v11, v17;
	v17 =	vld [tilespmem:s18+$0xFFFFFE90];
	[tilespmem:s13+$0xFFFFFEE0] =	vst v12  }
0x17d: {  	[tilespmem:s13+$0xFFFFFF70] =	vst v15;
	v12 =	vperm.xlane v10, v1;
	v13 =	vmul.f32 v25, v13;
	v18 =	vld [tilespmem:s18+$0xFFFFFF10]  }
0x17e: {  	v15 =	vperm.xlane v24, v2;
	v14 =	vmul.f32 v26, v14;
	v25 =	vld [tilespmem:s18+$0xFFFFFF90];
	[tilespmem:s13+$0x0] =	vst v11  }
0x17f: {  	v11 =	vperm.xlane v23, v2;
	v12 =	vmul.f32 v27, v12;
	[tilespmem:s13+$0x1C0] =	vst v13;
	v13 =	vld [tilespmem:s18+$0x10]  }
0x180: {  	v26 =	vperm.xlane v22, v2;
	[tilespmem:s13+$0x90] =	vst v14;
	v14 =	vmul.f32 v16, v15;
	v27 =	vld [tilespmem:s18+$0x1A0]  }
0x181: {  	v15 =	vperm.xlane v21, v2;
	v16 =	vld [tilespmem:s18+$0x90];
	[tilespmem:s13+$0x120] =	vst v12;
	v11 =	vmul.f32 v17, v11  }
0x182: {  	[tilespmem:s13+$0xFFFFFDD0] =	vst v14;
	v12 =	vperm.xlane v20, v2;
	v17 =	vld [tilespmem:s18+$0x110];
	v14 =	vmul.f32 v18, v26  }
0x183: {  	v18 =	vperm.xlane v19, v3;
	v26 =	vld [tilespmem:s18+$0xFFFFFE20];
	[tilespmem:s13+$0xFFFFFE60] =	vst v11;
	v11 =	vmul.f32 v25, v15  }
0x184: {  	v15 =	vperm.xlane v9, v2;
	v25 =	vld [tilespmem:s18+$0xFFFFFEA0];
	[tilespmem:s13+$0xFFFFFEF0] =	vst v14;
	v12 =	vmul.f32 v13, v12  }
0x185: {  	v13 =	vperm.xlane v10, v2;
	v14 =	vmul.f32 v27, v18;
	v18 =	vld [tilespmem:s18+$0xFFFFFF20];
	[tilespmem:s13+$0xFFFFFF80] =	vst v11  }
0x186: {  	v11 =	vperm.xlane v24, v3;
	v15 =	vmul.f32 v16, v15;
	v16 =	vld [tilespmem:s18+$0xFFFFFFA0];
	[tilespmem:s13+$0x10] =	vst v12  }
0x187: {  	v12 =	vperm.xlane v23, v3;
	v13 =	vmul.f32 v17, v13;
	[tilespmem:s13+$0x1D0] =	vst v14;
	v14 =	vld [tilespmem:s18+$0x20]  }
0x188: {  	v17 =	vperm.xlane v22, v3;
	[tilespmem:s13+$0xA0] =	vst v15;
	v11 =	vmul.f32 v26, v11;
	v27 =	vld [tilespmem:s18+$0x1B0]  }
0x189: {  	v15 =	vperm.xlane v21, v3;
	v26 =	vld [tilespmem:s18+$0xA0];
	[tilespmem:s13+$0x130] =	vst v13;
	v12 =	vmul.f32 v25, v12  }
0x18a: {  	v13 =	vperm.xlane v20, v3;
	v25 =	vld [tilespmem:s18+$0x120];
	[tilespmem:s13+$0xFFFFFDE0] =	vst v11;
	v11 =	vmul.f32 v18, v17  }
0x18b: {  	v17 =	vperm.xlane v19, v4;
	v18 =	vld [tilespmem:s18+$0xFFFFFE30];
	[tilespmem:s13+$0xFFFFFE70] =	vst v12;
	v12 =	vmul.f32 v16, v15  }
0x18c: {  	v15 =	vperm.xlane v9, v3;
	v16 =	vld [tilespmem:s18+$0xFFFFFEB0];
	[tilespmem:s13+$0xFFFFFF00] =	vst v11;
	v11 =	vmul.f32 v14, v13  }
0x18d: {  	v13 =	vperm.xlane v10, v3;
	v14 =	vmul.f32 v27, v17;
	v17 =	vld [tilespmem:s18+$0xFFFFFF30];
	[tilespmem:s13+$0xFFFFFF90] =	vst v12  }
0x18e: {  	v12 =	vperm.xlane v24, v4;
	v15 =	vmul.f32 v26, v15;
	v26 =	vld [tilespmem:s18+$0xFFFFFFB0];
	[tilespmem:s13+$0x20] =	vst v11  }
0x18f: {  	v11 =	vperm.xlane v23, v4;
	v13 =	vmul.f32 v25, v13;
	[tilespmem:s13+$0x1E0] =	vst v14;
	v14 =	vld [tilespmem:s18+$0x30]  }
0x190: {  	v25 =	vperm.xlane v22, v4;
	[tilespmem:s13+$0xB0] =	vst v15;
	v12 =	vmul.f32 v18, v12;
	v27 =	vld [tilespmem:s18+$0x1C0]  }
0x191: {  	v15 =	vperm.xlane v21, v4;
	v18 =	vld [tilespmem:s18+$0xB0];
	[tilespmem:s13+$0x140] =	vst v13;
	v11 =	vmul.f32 v16, v11  }
0x192: {  	v13 =	vperm.xlane v20, v4;
	v16 =	vld [tilespmem:s18+$0x130];
	[tilespmem:s13+$0xFFFFFDF0] =	vst v12;
	v12 =	vmul.f32 v17, v25  }
0x193: {  	v17 =	vperm.xlane v19, v5;
	v25 =	vld [tilespmem:s18+$0xFFFFFE40];
	[tilespmem:s13+$0xFFFFFE80] =	vst v11;
	v11 =	vmul.f32 v26, v15  }
0x194: {  	v15 =	vperm.xlane v9, v4;
	v26 =	vld [tilespmem:s18+$0xFFFFFEC0];
	[tilespmem:s13+$0xFFFFFF10] =	vst v12;
	v12 =	vmul.f32 v14, v13  }
0x195: {  	v13 =	vperm.xlane v10, v4;
	v14 =	vmul.f32 v27, v17;
	v17 =	vld [tilespmem:s18+$0xFFFFFF40];
	[tilespmem:s13+$0xFFFFFFA0] =	vst v11  }
0x196: {  	v11 =	vperm.xlane v24, v5;
	v15 =	vmul.f32 v18, v15;
	v18 =	vld [tilespmem:s18+$0xFFFFFFC0];
	[tilespmem:s13+$0x30] =	vst v12  }
0x197: {  	v12 =	vperm.xlane v23, v5;
	v13 =	vmul.f32 v16, v13;
	[tilespmem:s13+$0x1F0] =	vst v14;
	v14 =	vld [tilespmem:s18+$0x40]  }
0x198: {  	v16 =	vperm.xlane v22, v5;
	[tilespmem:s13+$0xC0] =	vst v15;
	v11 =	vmul.f32 v25, v11;
	v27 =	vld [tilespmem:s18+$0x1D0]  }
0x199: {  	v15 =	vperm.xlane v21, v5;
	v25 =	vld [tilespmem:s18+$0xC0];
	[tilespmem:s13+$0x150] =	vst v13;
	v12 =	vmul.f32 v26, v12  }
0x19a: {  	v13 =	vperm.xlane v20, v5;
	v26 =	vld [tilespmem:s18+$0x140];
	[tilespmem:s13+$0xFFFFFE00] =	vst v11;
	v11 =	vmul.f32 v17, v16  }
0x19b: {  	v16 =	vperm.xlane v19, v6;
	v17 =	vld [tilespmem:s18+$0xFFFFFE50];
	[tilespmem:s13+$0xFFFFFE90] =	vst v12;
	v12 =	vmul.f32 v18, v15  }
0x19c: {  	v15 =	vperm.xlane v9, v5;
	v18 =	vld [tilespmem:s18+$0xFFFFFED0];
	[tilespmem:s13+$0xFFFFFF20] =	vst v11;
	v11 =	vmul.f32 v14, v13  }
0x19d: {  	v13 =	vperm.xlane v10, v5;
	v14 =	vmul.f32 v27, v16;
	v16 =	vld [tilespmem:s18+$0xFFFFFF50];
	[tilespmem:s13+$0xFFFFFFB0] =	vst v12  }
0x19e: {  	v12 =	vperm.xlane v24, v6;
	v15 =	vmul.f32 v25, v15;
	v25 =	vld [tilespmem:s18+$0xFFFFFFD0];
	[tilespmem:s13+$0x40] =	vst v11  }
0x19f: {  	v11 =	vperm.xlane v23, v6;
	v13 =	vmul.f32 v26, v13;
	[tilespmem:s13+$0x200] =	vst v14;
	v14 =	vld [tilespmem:s18+$0x50]  }
0x1a0: {  	v26 =	vperm.xlane v22, v6;
	[tilespmem:s13+$0xD0] =	vst v15;
	v12 =	vmul.f32 v17, v12;
	v27 =	vld [tilespmem:s18+$0x1E0]  }
0x1a1: {  	v15 =	vperm.xlane v21, v6;
	v17 =	vld [tilespmem:s18+$0xD0];
	[tilespmem:s13+$0x160] =	vst v13;
	v11 =	vmul.f32 v18, v11  }
0x1a2: {  	v13 =	vperm.xlane v20, v6;
	v18 =	vld [tilespmem:s18+$0x150];
	[tilespmem:s13+$0xFFFFFE10] =	vst v12;
	v12 =	vmul.f32 v16, v26  }
0x1a3: {  	v16 =	vperm.xlane v19, v7;
	v26 =	vld [tilespmem:s18+$0xFFFFFE60];
	[tilespmem:s13+$0xFFFFFEA0] =	vst v11;
	v11 =	vmul.f32 v25, v15  }
0x1a4: {  	v15 =	vperm.xlane v9, v6;
	v25 =	vld [tilespmem:s18+$0xFFFFFEE0];
	[tilespmem:s13+$0xFFFFFF30] =	vst v12;
	v12 =	vmul.f32 v14, v13  }
0x1a5: {  	v13 =	vperm.xlane v10, v6;
	v14 =	vmul.f32 v27, v16;
	v16 =	vld [tilespmem:s18+$0xFFFFFF60];
	[tilespmem:s13+$0xFFFFFFC0] =	vst v11  }
0x1a6: {  	v11 =	vperm.xlane v24, v7;
	v15 =	vmul.f32 v17, v15;
	v17 =	vld [tilespmem:s18+$0xFFFFFFE0];
	[tilespmem:s13+$0x50] =	vst v12  }
0x1a7: {  	v13 =	vmul.f32 v18, v13;
	[tilespmem:s13+$0x210] =	vst v14;
	v14 =	vld [tilespmem:s18+$0x60]  }
0x1a8: {  	v12 =	vperm.xlane v23, v7;
	[tilespmem:s13+$0xE0] =	vst v15;
	v11 =	vmul.f32 v26, v11;
	v27 =	vld [tilespmem:s18+$0x1F0]  }
0x1a9: {  	v18 =	vperm.xlane v22, v7;
	v26 =	vld [tilespmem:s18+$0xE0];
	[tilespmem:s13+$0x170] =	vst v13  }
0x1aa: {  	v15 =	vperm.xlane v21, v7;
	v12 =	vmul.f32 v25, v12;
	v25 =	vld [tilespmem:s18+$0x160];
	[tilespmem:s13+$0xFFFFFE20] =	vst v11  }
0x1ab: {  	v29 =	vperm.xlane v24, v8;
	v11 =	vmul.f32 v16, v18;
	v16 =	vld [tilespmem:s18+$0xFFFFFE70];
	[tilespmem:s13+$0xFFFFFE40] =	vst v24  }
0x1ac: {  	v13 =	vperm.xlane v20, v7;
	v24 =	vld [tilespmem:s19+$0xFFFFFE80];
	[tilespmem:s13+$0xFFFFFEB0] =	vst v12;
	v12 =	vmul.f32 v17, v15  }
0x1ad: {  	v15 =	vld [tilespmem:s18+$0xFFFFFEF0];
	[tilespmem:s13+$0xFFFFFF40] =	vst v11  }
0x1ae: {  	v11 =	vmul.f32 v14, v13;
	v14 =	vld [tilespmem:s18+$0xFFFFFF70];
	[tilespmem:s13+$0xFFFFFFD0] =	vst v12  }
0x1af: {  	s23 =	simm.s32 $0x2EB0;
	v17 =	vperm.xlane v10, v7;
	v13 =	vperm.xlane v9, v7;
	v18 =	vld [tilespmem:s18+$0xFFFFFFF0]  }
0x1b0: {  	v12 =	vperm.xlane v19, v8;
	[tilespmem:s13+$0x60] =	vst v11;
	v11 =	vld [tilespmem:s23+$0x30]  }
0x1b1: {  	[tilespmem:s13+$0x230] =	vst v19;
	v13 =	vmul.f32 v26, v13;
	v17 =	vmul.f32 v25, v17;
	v25 =	vld [tilespmem:s19+$0x180]  }
0x1b2: {  	[tilespmem:s13+$0xFFFFFED0] =	vst v23;
	v26 =	vperm.xlane v23, v8;
	v23 =	vld [tilespmem:s19+$0xFFFFFF00];
	v27 =	vmul.f32 v27, v12  }
0x1b3: {  	v28 =	vld [tilespmem:s18+$0x70];
	[tilespmem:s13+$0xF0] =	vst v13  }
0x1b4: {  	v12 =	vld [tilespmem:s23+$0xFFFFFFD0];
	v16 =	vmul.f32 v16, v29;
	[tilespmem:s13+$0x220] =	vst v27;
	v27 =	vperm.xlane v22, v8  }
0x1b5: {  	v30 =	vperm.xlane v20, v8;
	v29 =	vperm.xlane v21, v8;
	v13 =	vld [tilespmem:s23+$0xFFFFFFE0];
	[tilespmem:s13+$0x180] =	vst v17  }
0x1b6: {  	v17 =	vld [tilespmem:s23+$0x0];
	[tilespmem:s13+$0xFFFFFE30] =	vst v16;
	v16 =	vmul.f32 v14, v27;
	v27 =	vperm.xlane v11, v1  }
0x1b7: {  	[tilespmem:s13+$0xFFFFFF60] =	vst v22;
	v26 =	vmul.f32 v15, v26;
	v15 =	vld [tilespmem:s23+$0xFFFFFFF0];
	v18 =	vmul.f32 v18, v29  }
0x1b8: {  	[tilespmem:s13+$0x80] =	vst v20;
	v22 =	vld [tilespmem:s19+$0xFFFFFF80];
	v25 =	vmul.f32 v25, v27  }
0x1b9: {  	s8 =	simm.s32 $0x4B30;
	v14 =	vld [tilespmem:s23+$0x10];
	v27 =	vmul.f32 v28, v30;
	[tilespmem:s13+$0xFFFFFFE0] =	vst v18  }
0x1ba: {  	v29 =	vperm.xlane v12, v1;
	v18 =	vld [tilespmem:s23+$0xFFFFFFC0];
	[tilespmem:s8+$0x1B0] =	vst v25  }
0x1bb: {  	[tilespmem:s13+$0x70] =	vst v27;
	v27 =	vld [tilespmem:s19+$0x190]  }
0x1bc: {  	[tilespmem:s13+$0xFFFFFEC0] =	vst v26;
	v28 =	vld [tilespmem:s19+$0xFFFFFE00];
	v32 =	vperm.xlane v13, v1;
	v24 =	vmul.f32 v24, v29  }
0x1bd: {  	v20 =	vld [tilespmem:s19+$0x80];
	v26 =	vperm.xlane v9, v8;
	[tilespmem:s13+$0xFFFFFF50] =	vst v16;
	v36 =	vperm.xlane v15, v1  }
0x1be: {  	v33 =	vperm.xlane v11, v2;
	v16 =	vld [tilespmem:s23+$0x20];
	v23 =	vmul.f32 v23, v32;
	[tilespmem:s8+$0xFFFFFE50] =	vst v24  }
0x1bf: {  	[tilespmem:s13+$0xFFFFFFF0] =	vst v21;
	v22 =	vmul.f32 v22, v36;
	v46 =	vld [tilespmem:s19+$0xFFFFFE90];
	v21 =	vperm.xlane v18, v1  }
0x1c0: {  	v37 =	vld [tilespmem:s19+$0x100];
	v19 =	vperm.xlane v17, v1;
	[tilespmem:s8+$0xFFFFFEE0] =	vst v23;
	v27 =	vmul.f32 v27, v33  }
0x1c1: {  	v29 =	vperm.xlane v14, v1;
	v23 =	vld [tilespmem:s19+$0xFFFFFF10];
	[tilespmem:s8+$0xFFFFFF70] =	vst v22;
	v28 =	vmul.f32 v28, v21  }
0x1c2: {  	v30 =	vperm.xlane v12, v2;
	v19 =	vmul.f32 v35, v19;
	v47 =	vld [tilespmem:s19+$0xFFFFFF90];
	[tilespmem:s8+$0x1C0] =	vst v27  }
0x1c3: {  	v24 =	vperm.xlane v16, v1;
	v20 =	vmul.f32 v20, v29;
	[tilespmem:s8+$0xFFFFFDC0] =	vst v28;
	v28 =	vld [tilespmem:s19+$0x1A0]  }
0x1c4: {  	v34 =	vperm.xlane v13, v2;
	[tilespmem:s8+$0x0] =	vst v19;
	v30 =	vmul.f32 v46, v30;
	v45 =	vld [tilespmem:s19+$0xFFFFFE10]  }
0x1c5: {  	v44 =	vperm.xlane v15, v2;
	v24 =	vmul.f32 v37, v24;
	[tilespmem:s8+$0x90] =	vst v20  }
0x1c6: {  	v22 =	vperm.xlane v11, v3;
	v48 =	vld [tilespmem:s19+$0x10];
	v23 =	vmul.f32 v23, v34;
	[tilespmem:s8+$0xFFFFFE60] =	vst v30  }
0x1c7: {  	v29 =	vperm.xlane v18, v2;
	[tilespmem:s8+$0x120] =	vst v24;
	v30 =	vmul.f32 v47, v44;
	v53 =	vld [tilespmem:s19+$0xFFFFFEA0]  }
0x1c8: {  	v31 =	vperm.xlane v12, v3;
	v49 =	vld [tilespmem:s19+$0x110];
	[tilespmem:s8+$0xFFFFFEF0] =	vst v23;
	v20 =	vmul.f32 v28, v22  }
0x1c9: {  	v27 =	vperm.xlane v17, v2;
	[tilespmem:s8+$0xFFFFFF80] =	vst v30;
	v28 =	vmul.f32 v45, v29;
	v29 =	vld [tilespmem:s19+$0x90]  }
0x1ca: {  	v52 =	vperm.xlane v17, v3;
	v58 =	vperm.xlane v17, v4;
	v54 =	vld [tilespmem:s19+$0xFFFFFFA0];
	[tilespmem:s8+$0x1D0] =	vst v20  }
0x1cb: {  	v23 =	vmul.f32 v48, v27;
	v22 =	vperm.xlane v16, v2;
	[tilespmem:s8+$0xFFFFFDD0] =	vst v28;
	v28 =	vld [tilespmem:s19+$0x1B0]  }
0x1cc: {  	v19 =	vperm.xlane v14, v2;
	v31 =	vmul.f32 v53, v31;
	v51 =	vld [tilespmem:s19+$0xFFFFFE20]  }
0x1cd: {  	v50 =	vperm.xlane v15, v3;
	v27 =	vld [tilespmem:s19+$0xFFFFFF20];
	[tilespmem:s8+$0x10] =	vst v23;
	v22 =	vmul.f32 v49, v22  }
0x1ce: {  	v55 =	vld [tilespmem:s19+$0x20];
	[tilespmem:s8+$0xFFFFFE70] =	vst v31;
	v19 =	vmul.f32 v29, v19;
	v29 =	vperm.xlane v11, v4  }
0x1cf: {  	v24 =	vperm.xlane v18, v3;
	v31 =	vmul.f32 v54, v50;
	[tilespmem:s8+$0x130] =	vst v22;
	v59 =	vld [tilespmem:s19+$0xFFFFFEB0]  }
0x1d0: {  	v20 =	vperm.xlane v13, v3;
	v56 =	vld [tilespmem:s19+$0x120];
	[tilespmem:s8+$0xA0] =	vst v19;
	v19 =	vmul.f32 v28, v29  }
0x1d1: {  	v40 =	vperm.xlane v15, v5;
	[tilespmem:s8+$0xFFFFFF90] =	vst v31;
	v24 =	vmul.f32 v51, v24;
	v29 =	vld [tilespmem:s19+$0xA0]  }
0x1d2: {  	v25 =	vperm.xlane v10, v8;
	v20 =	vmul.f32 v27, v20;
	v61 =	vld [tilespmem:s19+$0xFFFFFFB0];
	[tilespmem:s8+$0x1E0] =	vst v19  }
0x1d3: {  	v30 =	vperm.xlane v14, v3;
	v22 =	vperm.xlane v12, v4;
	[tilespmem:s8+$0xFFFFFDE0] =	vst v24;
	v24 =	vld [tilespmem:s19+$0x1C0]  }
0x1d4: {  	v23 =	vperm.xlane v16, v3;
	[tilespmem:s8+$0xFFFFFF00] =	vst v20;
	v20 =	vmul.f32 v55, v52;
	v57 =	vld [tilespmem:s19+$0xFFFFFE30]  }
0x1d5: {  	v21 =	vld [tilespmem:s18+$0xF0];
	v27 =	vperm.xlane v15, v4;
	v22 =	vmul.f32 v59, v22  }
0x1d6: {  	v60 =	vld [tilespmem:s19+$0xFFFFFF30];
	[tilespmem:s8+$0x20] =	vst v20;
	v29 =	vmul.f32 v29, v30;
	v30 =	vperm.xlane v11, v5  }
0x1d7: {  	v28 =	vperm.xlane v18, v4;
	v62 =	vld [tilespmem:s19+$0x30];
	v20 =	vmul.f32 v56, v23;
	[tilespmem:s8+$0xFFFFFE80] =	vst v22  }
0x1d8: {  	v22 =	vmul.f32 v61, v27;
	v61 =	vld [tilespmem:s18+$0x170];
	[tilespmem:s8+$0xB0] =	vst v29;
	v24 =	vmul.f32 v24, v30  }
0x1d9: {  	v19 =	vperm.xlane v13, v4;
	[tilespmem:s8+$0x140] =	vst v20;
	v28 =	vmul.f32 v57, v28;
	v30 =	vld [tilespmem:s19+$0xB0]  }
0x1da: {  	v38 =	vperm.xlane v16, v7;
	v47 =	vperm.xlane v15, v6;
	v63 =	vld [tilespmem:s19+$0x130];
	[tilespmem:s8+$0x1F0] =	vst v24  }
0x1db: {  	v21 =	vmul.f32 v21, v26;
	v19 =	vmul.f32 v60, v19;
	[tilespmem:s8+$0xFFFFFDF0] =	vst v28;
	v28 =	vld [tilespmem:s19+$0x1D0]  }
0x1dc: {  	v53 =	vperm.xlane v12, v7;
	v31 =	vperm.xlane v14, v4;
	v41 =	vld [tilespmem:s19+$0xFFFFFE40]  }
0x1dd: {  	v23 =	vperm.xlane v16, v4;
	v42 =	vld [tilespmem:s19+$0xFFFFFEC0];
	[tilespmem:s8+$0xFFFFFF10] =	vst v19;
	v19 =	vmul.f32 v62, v58  }
0x1de: {  	[tilespmem:s8+$0xFFFFFFA0] =	vst v22;
	v43 =	vld [tilespmem:s19+$0xFFFFFF40];
	v22 =	vmul.f32 v30, v31;
	v30 =	vperm.xlane v11, v6  }
0x1df: {  	v44 =	vld [tilespmem:s19+$0xFFFFFFC0];
	v29 =	vperm.xlane v18, v5;
	[tilespmem:s8+$0x30] =	vst v19;
	v19 =	vmul.f32 v63, v23  }
0x1e0: {  	v20 =	vperm.xlane v12, v5;
	v45 =	vld [tilespmem:s19+$0x40];
	[tilespmem:s8+$0xC0] =	vst v22;
	v22 =	vmul.f32 v28, v30  }
0x1e1: {  	v24 =	vperm.xlane v13, v5;
	[tilespmem:s8+$0x150] =	vst v19;
	v29 =	vmul.f32 v41, v29;
	v30 =	vld [tilespmem:s19+$0xC0]  }
0x1e2: {  	v49 =	vperm.xlane v17, v6;
	v20 =	vmul.f32 v42, v20;
	v46 =	vld [tilespmem:s19+$0x140];
	[tilespmem:s8+$0x200] =	vst v22  }
0x1e3: {  	v27 =	vperm.xlane v17, v5;
	v24 =	vmul.f32 v43, v24;
	[tilespmem:s8+$0xFFFFFE00] =	vst v29;
	v29 =	vld [tilespmem:s19+$0x1E0]  }
0x1e4: {  	[tilespmem:s8+$0xFFFFFE90] =	vst v20;
	v20 =	vmul.f32 v44, v40;
	v31 =	vperm.xlane v14, v5;
	v48 =	vld [tilespmem:s19+$0xFFFFFE50]  }
0x1e5: {  	v23 =	vperm.xlane v16, v5;
	v50 =	vld [tilespmem:s19+$0xFFFFFED0];
	[tilespmem:s8+$0xFFFFFF20] =	vst v24;
	v24 =	vmul.f32 v45, v27  }
0x1e6: {  	[tilespmem:s8+$0xFFFFFFB0] =	vst v20;
	v27 =	vld [tilespmem:s19+$0xFFFFFF50];
	v20 =	vmul.f32 v30, v31;
	v30 =	vperm.xlane v11, v7  }
0x1e7: {  	v51 =	vld [tilespmem:s19+$0xFFFFFFD0];
	v28 =	vperm.xlane v18, v6;
	[tilespmem:s8+$0x40] =	vst v24;
	v23 =	vmul.f32 v46, v23  }
0x1e8: {  	v19 =	vperm.xlane v12, v6;
	v52 =	vld [tilespmem:s19+$0x50];
	[tilespmem:s8+$0xD0] =	vst v20;
	v20 =	vmul.f32 v29, v30  }
0x1e9: {  	v22 =	vperm.xlane v13, v6;
	[tilespmem:s8+$0x160] =	vst v23;
	v28 =	vmul.f32 v48, v28;
	v30 =	vld [tilespmem:s19+$0xD0]  }
0x1ea: {  	v55 =	vperm.xlane v17, v7;
	v19 =	vmul.f32 v50, v19;
	v23 =	vld [tilespmem:s19+$0x150];
	[tilespmem:s8+$0x210] =	vst v20  }
0x1eb: {  	v58 =	vperm.xlane v14, v7;
	v22 =	vmul.f32 v27, v22;
	[tilespmem:s8+$0xFFFFFE10] =	vst v28;
	v27 =	vld [tilespmem:s19+$0x1F0]  }
0x1ec: {  	[tilespmem:s8+$0xFFFFFEA0] =	vst v19;
	v19 =	vmul.f32 v51, v47;
	v31 =	vperm.xlane v14, v6;
	v54 =	vld [tilespmem:s19+$0xFFFFFE60]  }
0x1ed: {  	v24 =	vperm.xlane v16, v6;
	v56 =	vld [tilespmem:s19+$0xFFFFFEE0];
	[tilespmem:s8+$0xFFFFFF30] =	vst v22;
	v22 =	vmul.f32 v52, v49  }
0x1ee: {  	[tilespmem:s8+$0xFFFFFFC0] =	vst v19;
	v57 =	vld [tilespmem:s19+$0xFFFFFF60];
	v19 =	vmul.f32 v30, v31;
	v30 =	vperm.xlane v11, v8  }
0x1ef: {  	v29 =	vperm.xlane v18, v7;
	[tilespmem:s8+$0x50] =	vst v22;
	v23 =	vmul.f32 v23, v24;
	v31 =	vld [tilespmem:s19+$0xFFFFFFE0]  }
0x1f0: {  	v25 =	vmul.f32 v61, v25;
	v39 =	vld [tilespmem:s19+$0x60];
	[tilespmem:s8+$0xE0] =	vst v19;
	v19 =	vmul.f32 v27, v30  }
0x1f1: {  	v20 =	vperm.xlane v13, v7;
	[tilespmem:s8+$0x170] =	vst v23;
	v27 =	vmul.f32 v54, v29;
	v59 =	vld [tilespmem:s19+$0xE0]  }
0x1f2: {  	v28 =	vperm.xlane v15, v7;
	v60 =	vld [tilespmem:s19+$0x160];
	v30 =	vmul.f32 v56, v53;
	[tilespmem:s8+$0x220] =	vst v19  }
0x1f3: {  	v22 =	vperm.xlane v18, v8;
	[tilespmem:s8+$0xFFFFFE20] =	vst v27;
	v19 =	vmul.f32 v57, v20  }
0x1f4: {  	v24 =	vperm.xlane v13, v8;
	[tilespmem:s8+$0xFFFFFEB0] =	vst v30;
	v20 =	vmul.f32 v31, v28;
	v29 =	vld [tilespmem:s19+$0xFFFFFE70]  }
0x1f5: {  	v23 =	vperm.xlane v12, v8;
	v62 =	vmul.f32 v39, v55;
	v31 =	vld [tilespmem:s19+$0xFFFFFEF0];
	[tilespmem:s8+$0xFFFFFF40] =	vst v19  }
0x1f6: {  	v27 =	vperm.xlane v15, v8;
	[tilespmem:s8+$0xFFFFFFD0] =	vst v20;
	v30 =	vld [tilespmem:s19+$0xFFFFFF70];
	v63 =	vmul.f32 v59, v58  }
0x1f7: {  	s15 =	simm.s32 $0x2F30;
	[tilespmem:s8+$0x60] =	vst v62;
	v28 =	vperm.xlane v17, v8;
	v33 =	vmul.f32 v60, v38;
	v26 =	vld [tilespmem:s19+$0xFFFFFFF0]  }
0x1f8: {  	s14 =	simm.s32 $0x3670;
	s23 =	simm.s32 $0x8;
	s18 =	simm.s32 $0x4B30;
	v32 =	vld [tilespmem:s19+$0x70];
	v19 =	vperm.xlane v14, v8;
	v20 =	vperm.xlane v16, v8;
	[tilespmem:s8+$0xF0] =	vst v63  }
.LBB2_13:
0x1f9: {  	v34 =	vld [tilespmem:s15+$0x30];
	s23 =	sadd.s32 $0x8, s23;
	v22 =	vmul.f32 v29, v22;
	[tilespmem:s8+$0x180] =	vst v33  }
0x1fa: {  	s19 =	sadd.s32 $0x400, s19;
	v29 =	vld [tilespmem:s15+$0xFFFFFFD0];
	p1 =	slt.u32 s23, $0x20;
	v23 =	vmul.f32 v31, v23;
	[tilespmem:s13+$0x100] =	vst v21  }
0x1fb: {  	v21 =	vld [tilespmem:s19+$0x180];
	[tilespmem:s8+$0xFFFFFE30] =	vst v22;
	v22 =	vmul.f32 v30, v24  }
0x1fc: {  	v24 =	vld [tilespmem:s15+$0xFFFFFFE0];
	[tilespmem:s8+$0xFFFFFEC0] =	vst v23;
	v23 =	vmul.f32 v26, v27  }
0x1fd: {  	v26 =	vld [tilespmem:s15+$0xFFFFFFF0];
	[tilespmem:s8+$0xFFFFFF50] =	vst v22;
	v22 =	vmul.f32 v32, v28  }
0x1fe: {  	v27 =	vld [tilespmem:s15+$0x0];
	v28 =	vperm.xlane v34, v1;
	[tilespmem:s8+$0xFFFFFFE0] =	vst v23  }
0x1ff: {  	v23 =	vperm.xlane v29, v1;
	v30 =	vperm.xlane v29, v2;
	v31 =	vld [tilespmem:s15+$0x10];
	[tilespmem:s8+$0x70] =	vst v22  }
0x200: {  	v22 =	vperm.xlane v29, v3;
	v32 =	vld [tilespmem:s15+$0x20];
	v21 =	vmul.f32 v21, v28;
	[tilespmem:s13+$0x190] =	vst v25  }
0x201: {  	s8 =	sadd.s32 $0x480, s8;
	v25 =	vperm.xlane v24, v1;
	v28 =	vperm.xlane v24, v2;
	[tilespmem:s18+$0xFFFFFE40] =	vst v18;
	v18 =	vld [tilespmem:s15+$0xFFFFFFC0]  }
0x202: {  	v33 =	vld [tilespmem:s19+$0xFFFFFE00];
	v35 =	vperm.xlane v26, v1;
	v36 =	vperm.xlane v26, v2;
	[tilespmem:s8+$0x1B0] =	vst v21  }
0x203: {  	v37 =	vperm.xlane v27, v1;
	v38 =	vperm.xlane v27, v2;
	v21 =	vld [tilespmem:s19+$0x190];
	[tilespmem:s18+$0xFFFFFED0] =	vst v12;
	v12 =	vmov v29  }
0x204: {  	v29 =	vld [tilespmem:s19+$0xFFFFFE80];
	v39 =	vperm.xlane v31, v1;
	v40 =	vperm.xlane v31, v2;
	[tilespmem:s18+$0xFFFFFF60] =	vst v13;
	v13 =	vmov v24  }
0x205: {  	v24 =	vld [tilespmem:s19+$0xFFFFFF00];
	v41 =	vperm.xlane v32, v1;
	v42 =	vperm.xlane v32, v2;
	[tilespmem:s18+$0xFFFFFFF0] =	vst v15;
	v15 =	vmov v26  }
0x206: {  	v44 =	vperm.xlane v34, v2;
	v26 =	vperm.xlane v18, v1;
	v43 =	vld [tilespmem:s19+$0xFFFFFF80];
	[tilespmem:s18+$0x80] =	vst v17;
	v17 =	vmov v27  }
0x207: {  	v27 =	vperm.xlane v18, v2;
	v45 =	vperm.xlane v18, v3;
	v46 =	vld [tilespmem:s19+$0x0];
	[tilespmem:s13+$0x110] =	vst v9;
	v9 =	vmovc v14;
	v14 =	vmov v31  }
0x208: {  	v26 =	vmul.f32 v33, v26;
	v31 =	vld [tilespmem:s19+$0x80];
	v21 =	vmul.f32 v21, v44;
	[tilespmem:s13+$0x1A0] =	vst v10;
	v10 =	vmovc v16;
	v16 =	vmov v32;
	s13 =	smov.u32 s18;
	s18 =	smov.u32 s8  }
0x209: {  	v23 =	vmul.f32 v29, v23;
	v29 =	vperm.xlane v13, v3;
	v32 =	vld [tilespmem:s19+$0x100];
	[tilespmem:s13+$0x230] =	vst v11;
	v11 =	vmov v34  }
0x20a: {  	v24 =	vmul.f32 v24, v25;
	v25 =	vperm.xlane v15, v3;
	[tilespmem:s8+$0x1C0] =	vst v21;
	v21 =	vld [tilespmem:s14+$0xF0]  }
0x20b: {  	v33 =	vperm.xlane v17, v3;
	[tilespmem:s8+$0xFFFFFDC0] =	vst v26;
	v26 =	vmul.f32 v43, v35;
	v34 =	vld [tilespmem:s19+$0x1A0]  }
0x20c: {  	v35 =	vld [tilespmem:s19+$0xFFFFFE10];
	[tilespmem:s8+$0xFFFFFE50] =	vst v23;
	v23 =	vmul.f32 v46, v37;
	v37 =	vperm.xlane v14, v3  }
0x20d: {  	v43 =	vld [tilespmem:s19+$0xFFFFFE90];
	[tilespmem:s8+$0xFFFFFEE0] =	vst v24;
	v24 =	vmul.f32 v31, v39;
	v31 =	vperm.xlane v16, v3  }
0x20e: {  	v39 =	vld [tilespmem:s19+$0xFFFFFF10];
	[tilespmem:s8+$0xFFFFFF70] =	vst v26;
	v26 =	vmul.f32 v32, v41;
	v32 =	vperm.xlane v11, v3  }
0x20f: {  	v44 =	vperm.xlane v12, v4;
	v41 =	vperm.xlane v18, v4;
	v46 =	vld [tilespmem:s19+$0xFFFFFF90];
	[tilespmem:s8+$0x0] =	vst v23  }
0x210: {  	v23 =	vperm.xlane v13, v4;
	v47 =	vld [tilespmem:s19+$0x10];
	[tilespmem:s8+$0x90] =	vst v24;
	v24 =	vmul.f32 v34, v32  }
0x211: {  	v32 =	vperm.xlane v15, v4;
	v27 =	vmul.f32 v35, v27;
	v34 =	vld [tilespmem:s19+$0x90];
	[tilespmem:s8+$0x120] =	vst v26  }
0x212: {  	v26 =	vmul.f32 v43, v30;
	v30 =	vperm.xlane v17, v4;
	v35 =	vld [tilespmem:s19+$0x110];
	[tilespmem:s8+$0x1D0] =	vst v24  }
0x213: {  	[tilespmem:s8+$0xFFFFFDD0] =	vst v27;
	v24 =	vmul.f32 v39, v28;
	v27 =	vperm.xlane v14, v4;
	v28 =	vld [tilespmem:s19+$0x1B0]  }
0x214: {  	v39 =	vld [tilespmem:s19+$0xFFFFFE20];
	[tilespmem:s8+$0xFFFFFE60] =	vst v26;
	v26 =	vmul.f32 v46, v36;
	v36 =	vperm.xlane v16, v4  }
0x215: {  	v43 =	vperm.xlane v18, v5;
	v46 =	vld [tilespmem:s19+$0xFFFFFEA0];
	[tilespmem:s8+$0xFFFFFEF0] =	vst v24;
	v24 =	vmul.f32 v47, v38  }
0x216: {  	v38 =	vld [tilespmem:s19+$0xFFFFFF20];
	[tilespmem:s8+$0xFFFFFF80] =	vst v26;
	v26 =	vmul.f32 v34, v40;
	v34 =	vperm.xlane v11, v4  }
0x217: {  	v40 =	vperm.xlane v12, v5;
	v47 =	vld [tilespmem:s19+$0xFFFFFFA0];
	[tilespmem:s8+$0x10] =	vst v24;
	v24 =	vmul.f32 v35, v42  }
0x218: {  	v35 =	vperm.xlane v13, v5;
	v42 =	vld [tilespmem:s19+$0x20];
	[tilespmem:s8+$0xA0] =	vst v26;
	v26 =	vmul.f32 v28, v34  }
0x219: {  	v34 =	vperm.xlane v15, v5;
	v28 =	vmul.f32 v39, v45;
	v39 =	vld [tilespmem:s19+$0xA0];
	[tilespmem:s8+$0x130] =	vst v24  }
0x21a: {  	v24 =	vperm.xlane v17, v5;
	v22 =	vmul.f32 v46, v22;
	v45 =	vld [tilespmem:s19+$0x120];
	[tilespmem:s8+$0x1E0] =	vst v26  }
0x21b: {  	[tilespmem:s8+$0xFFFFFDE0] =	vst v28;
	v26 =	vmul.f32 v38, v29;
	v28 =	vperm.xlane v14, v5;
	v29 =	vld [tilespmem:s19+$0x1C0]  }
0x21c: {  	v38 =	vld [tilespmem:s19+$0xFFFFFE30];
	[tilespmem:s8+$0xFFFFFE70] =	vst v22;
	v22 =	vmul.f32 v47, v25;
	v25 =	vperm.xlane v16, v5  }
0x21d: {  	v46 =	vperm.xlane v18, v6;
	v47 =	vld [tilespmem:s19+$0xFFFFFEB0];
	[tilespmem:s8+$0xFFFFFF00] =	vst v26;
	v26 =	vmul.f32 v42, v33  }
0x21e: {  	v33 =	vld [tilespmem:s19+$0xFFFFFF30];
	[tilespmem:s8+$0xFFFFFF90] =	vst v22;
	v22 =	vmul.f32 v39, v37;
	v37 =	vperm.xlane v11, v5  }
0x21f: {  	v39 =	vperm.xlane v12, v6;
	v42 =	vld [tilespmem:s19+$0xFFFFFFB0];
	[tilespmem:s8+$0x20] =	vst v26;
	v26 =	vmul.f32 v45, v31  }
0x220: {  	v31 =	vperm.xlane v13, v6;
	v45 =	vld [tilespmem:s19+$0x30];
	[tilespmem:s8+$0xB0] =	vst v22;
	v22 =	vmul.f32 v29, v37  }
0x221: {  	v37 =	vperm.xlane v15, v6;
	v29 =	vmul.f32 v38, v41;
	v38 =	vld [tilespmem:s19+$0xB0];
	[tilespmem:s8+$0x140] =	vst v26  }
0x222: {  	v41 =	vperm.xlane v17, v6;
	v26 =	vmul.f32 v47, v44;
	v44 =	vld [tilespmem:s19+$0x130];
	[tilespmem:s8+$0x1F0] =	vst v22  }
0x223: {  	[tilespmem:s8+$0xFFFFFDF0] =	vst v29;
	v22 =	vmul.f32 v33, v23;
	v29 =	vperm.xlane v14, v6;
	v23 =	vld [tilespmem:s19+$0x1D0]  }
0x224: {  	v33 =	vld [tilespmem:s19+$0xFFFFFE40];
	[tilespmem:s8+$0xFFFFFE80] =	vst v26;
	v26 =	vmul.f32 v42, v32;
	v32 =	vperm.xlane v16, v6  }
0x225: {  	v42 =	vperm.xlane v18, v7;
	v47 =	vld [tilespmem:s19+$0xFFFFFEC0];
	[tilespmem:s8+$0xFFFFFF10] =	vst v22;
	v22 =	vmul.f32 v45, v30  }
0x226: {  	v30 =	vld [tilespmem:s19+$0xFFFFFF40];
	[tilespmem:s8+$0xFFFFFFA0] =	vst v26;
	v26 =	vmul.f32 v38, v27;
	v27 =	vperm.xlane v11, v6  }
0x227: {  	v38 =	vperm.xlane v12, v7;
	v45 =	vld [tilespmem:s19+$0xFFFFFFC0];
	[tilespmem:s8+$0x30] =	vst v22;
	v22 =	vmul.f32 v44, v36  }
0x228: {  	v36 =	vperm.xlane v13, v7;
	v44 =	vld [tilespmem:s19+$0x40];
	[tilespmem:s8+$0xC0] =	vst v26;
	v23 =	vmul.f32 v23, v27  }
0x229: {  	v26 =	vmul.f32 v33, v43;
	v33 =	vperm.xlane v15, v7;
	v27 =	vld [tilespmem:s19+$0xC0];
	[tilespmem:s8+$0x150] =	vst v22  }
0x22a: {  	v22 =	vmul.f32 v47, v40;
	v40 =	vperm.xlane v17, v7;
	v43 =	vld [tilespmem:s19+$0x140];
	[tilespmem:s8+$0x200] =	vst v23  }
0x22b: {  	[tilespmem:s8+$0xFFFFFE00] =	vst v26;
	v23 =	vmul.f32 v30, v35;
	v26 =	vperm.xlane v14, v7;
	v30 =	vld [tilespmem:s19+$0x1E0]  }
0x22c: {  	v35 =	vld [tilespmem:s19+$0xFFFFFE50];
	[tilespmem:s8+$0xFFFFFE90] =	vst v22;
	v34 =	vmul.f32 v45, v34;
	v45 =	vperm.xlane v16, v7  }
0x22d: {  	v22 =	vperm.xlane v18, v8;
	v47 =	vld [tilespmem:s19+$0xFFFFFED0];
	[tilespmem:s8+$0xFFFFFF20] =	vst v23;
	v24 =	vmul.f32 v44, v24  }
0x22e: {  	v44 =	vld [tilespmem:s19+$0xFFFFFF50];
	[tilespmem:s8+$0xFFFFFFB0] =	vst v34;
	v27 =	vmul.f32 v27, v28;
	v28 =	vperm.xlane v11, v7  }
0x22f: {  	v23 =	vperm.xlane v12, v8;
	v34 =	vld [tilespmem:s19+$0xFFFFFFD0];
	[tilespmem:s8+$0x40] =	vst v24;
	v25 =	vmul.f32 v43, v25  }
0x230: {  	v24 =	vperm.xlane v13, v8;
	v43 =	vld [tilespmem:s19+$0x50];
	[tilespmem:s8+$0xD0] =	vst v27;
	v30 =	vmul.f32 v30, v28  }
0x231: {  	v27 =	vperm.xlane v15, v8;
	v35 =	vmul.f32 v35, v46;
	v46 =	vld [tilespmem:s19+$0xD0];
	[tilespmem:s8+$0x160] =	vst v25  }
0x232: {  	v28 =	vperm.xlane v17, v8;
	v25 =	vmul.f32 v47, v39;
	v39 =	vld [tilespmem:s19+$0x150];
	[tilespmem:s8+$0x210] =	vst v30  }
0x233: {  	[tilespmem:s8+$0xFFFFFE10] =	vst v35;
	v30 =	vmul.f32 v44, v31;
	v31 =	vperm.xlane v14, v8;
	v35 =	vld [tilespmem:s19+$0x1F0]  }
0x234: {  	v44 =	vld [tilespmem:s19+$0xFFFFFE60];
	[tilespmem:s8+$0xFFFFFEA0] =	vst v25;
	v25 =	vmul.f32 v34, v37;
	v34 =	vperm.xlane v16, v8  }
0x235: {  	v21 =	vmul.f32 v21, v19;
	v37 =	vld [tilespmem:s19+$0xFFFFFEE0];
	[tilespmem:s8+$0xFFFFFF30] =	vst v30;
	v30 =	vmul.f32 v43, v41;
	v19 =	vmov v31  }
0x236: {  	v31 =	vld [tilespmem:s19+$0xFFFFFF60];
	[tilespmem:s8+$0xFFFFFFC0] =	vst v25;
	v25 =	vmul.f32 v46, v29;
	v29 =	vperm.xlane v11, v8  }
0x237: {  	v41 =	vld [tilespmem:s19+$0xFFFFFFE0];
	[tilespmem:s8+$0x50] =	vst v30;
	v30 =	vmul.f32 v39, v32  }
0x238: {  	v32 =	vld [tilespmem:s19+$0x60];
	[tilespmem:s8+$0xE0] =	vst v25;
	v25 =	vmul.f32 v35, v29  }
0x239: {  	v29 =	vmul.f32 v44, v42;
	v35 =	vld [tilespmem:s19+$0xE0];
	[tilespmem:s8+$0x170] =	vst v30  }
0x23a: {  	v30 =	vmul.f32 v37, v38;
	v37 =	vld [tilespmem:s19+$0x160];
	[tilespmem:s8+$0x220] =	vst v25  }
0x23b: {  	[tilespmem:s8+$0xFFFFFE20] =	vst v29;
	v25 =	vmul.f32 v31, v36;
	v36 =	vld [tilespmem:s14+$0x170];
	s14 =	smov.u32 s19  }
.Ltmp7:
0x23c: {  	v29 =	vld [tilespmem:s19+$0xFFFFFE70];
	[tilespmem:s8+$0xFFFFFEB0] =	vst v30;
	v33 =	vmul.f32 v41, v33;
	(pc) =	sbr.rel @p1 .LBB2_13-.Ltmp7, $4  }
0x23d: {  	v31 =	vld [tilespmem:s19+$0xFFFFFEF0];
	[tilespmem:s8+$0xFFFFFF40] =	vst v25;
	v25 =	vmul.f32 v32, v40  }
0x23e: {  	v30 =	vld [tilespmem:s19+$0xFFFFFF70];
	[tilespmem:s8+$0xFFFFFFD0] =	vst v33;
	v35 =	vmul.f32 v35, v26  }
0x23f: {  	v26 =	vld [tilespmem:s19+$0xFFFFFFF0];
	[tilespmem:s8+$0x60] =	vst v25;
	v33 =	vmul.f32 v37, v45  }
0x240: {  	s15 =	sadd.s32 $0x80, s15;
	v32 =	vld [tilespmem:s19+$0x70];
	[tilespmem:s8+$0xF0] =	vst v35;
	v25 =	vmul.f32 v36, v20;
	v20 =	vmov v34  }
0x241: {  	[tilespmem:s8+$0x180] =	vst v33  }
0x242: {  	[tilespmem:s13+$0x100] =	vst v21  }
0x243: {  	[tilespmem:s13+$0x110] =	vst v9  }
0x244: {  	[tilespmem:s13+$0x1A0] =	vst v10  }
0x245: {  	[tilespmem:s18+$0x230] =	vst v11  }
0x246: {  	v62 =	vld [tilespmem:s14+$0xF0];
	[tilespmem:s18+$0x110] =	vst v14  }
0x247: {  	v22 =	vmul.f32 v29, v22;
	[tilespmem:s13+$0x190] =	vst v25  }
0x248: {  	v23 =	vmul.f32 v31, v23;
	v63 =	vld [tilespmem:s14+$0x170];
	[tilespmem:s18+$0x1A0] =	vst v16  }
0x249: {  	[tilespmem:s8+$0xFFFFFE30] =	vst v22  }
0x24a: {  	v59 =	vmul.f32 v30, v24;
	[tilespmem:s8+$0xFFFFFEC0] =	vst v23  }
0x24b: {  	[tilespmem:s18+$0xFFFFFE40] =	vst v18  }
0x24c: {  	v60 =	vmul.f32 v26, v27;
	[tilespmem:s8+$0xFFFFFF50] =	vst v59  }
0x24d: {  	[tilespmem:s18+$0xFFFFFED0] =	vst v12  }
0x24e: {  	v61 =	vmul.f32 v32, v28;
	[tilespmem:s8+$0xFFFFFFE0] =	vst v60  }
0x24f: {  	[tilespmem:s18+$0xFFFFFF60] =	vst v13  }
0x250: {  	[tilespmem:s8+$0x70] =	vst v61  }
0x251: {  	v9 =	vmul.f32 v62, v19;
	[tilespmem:s18+$0xFFFFFFF0] =	vst v15  }
0x252: {  	v10 =	vmul.f32 v63, v20;
	[tilespmem:s18+$0x80] =	vst v17  }
0x253: {  	[tilespmem:s18+$0x100] =	vst v9  }
0x254: {  	[tilespmem:s18+$0x190] =	vst v10  }
0x255: {  	v9 =	vld [tilespmem:$0x2DA0]  }
0x256: {  	v10 =	vld [tilespmem:$0x2DB0]  }
0x257: {  	v11 =	vld [tilespmem:$0x2DB8]  }
0x258: {  	p1 =	seq.s32 s17, $0x7C  }
.Ltmp8:
0x259: {  	_ = 	snop;
	(pc) =	sbr.rel @p1 .LBB2_16-.Ltmp8, $4  }
0x25a: {  	[tilespmem:$0x2DC8] =	vst v9  }
0x25b: {  	[tilespmem:$0x2DD8] =	vst v10  }
0x25c: {  	[tilespmem:$0x2DE0] =	vst v11  }
0x25d: {  	[spmem:s2] =	stream.indirect.scatter.add.f32 [tilespmem:s12], [sflag:$0x6], $0x90, s11, s22, $0xb8;
	[tilespmem:$0x1BA80] =	vst v63  }
0x25e: {  	s8 =	smul.u32 $0x50, s17;
	_ =	sdelay $0x1  }
0x25f: {  	s8 =	sadd.s32 s8, s16  }
0x260: {  	s13 =	sshrl.u32 s8, $0x3  }
0x261: {  	s8 =	sshll.u32 s8, $0x1;
	s14 =	sadd.s32 s5, s13  }
0x262: {  	[tilespmem:s24], [sflag:$0x2] =	stream.linear.gather [hbm4b:s14+s4], $0x28, $0x38;
	[tilespmem:$0x1BA80] =	vst v63  }
0x263: {  	s13 =	sadd.s32 s6, s13;
	s8 =	sand.u32 $0x1FFFFFF0, s8  }
0x264: {  	[tilespmem:s25], [sflag:$0x2] =	stream.linear.gather [hbm4b:s13+s4], $0x28, $0x38;
	[tilespmem:$0x1BA80] =	vst v63  }
0x265: {  	s8 =	sadd.s32 s7, s8  }
0x266: {  	[tilespmem:s26], [sflag:$0x2] =	stream.linear.gather [hbm4b:s8+s4], $0x280, $0x38;
	[tilespmem:$0x1BA80] =	vst v63  }
0x267: {  	_ =	swait.ge [sflag:s28], $0x28  }
0x268: {  	[sflag:s28] =	ssyncset.done $0x0  }
0x269: {  	[sflag:s28] =	ssyncadd.s32 $0xFFFFFFD8  }
0x26a: {  	_ =	swait.ge [sflag:s28], $0x28  }
0x26b: {  	[sflag:s28] =	ssyncset.done $0x0  }
.Ltmp9:
0x26c: {  	[sflag:s28] =	ssyncadd.s32 $0xFFFFFFD8;
	(pc) =	sbr.rel .LBB2_6-.Ltmp9, $4  }
0x26d: {  	_ =	swait.ge [sflag:s28], $0x280  }
0x26e: {  	[sflag:s28] =	ssyncset.done $0x0  }
0x26f: {  	s17 =	sadd.s32 $0x1, s17;
	[sflag:s28] =	ssyncadd.s32 $0xFFFFFD80  }
0x270: {  	[tilespmem:s29], [sflag:$0x3] =	stream.indirect.gather [hbm4b:s1+s22], $0x80, s4, s22, $0xb8;
	[tilespmem:$0x1BA80] =	vst v63  }
.LBB2_16:
0x271: {  	s8 =	simm.s32 $0x5  }
0x272: {  	_ =	swait.ge [sflag:s8], $0x1680  }
0x273: {  	[sflag:s8] =	ssyncset.done $0x0  }
0x274: {  	[sflag:s8] =	ssyncadd.s32 $0xFFFFE980  }
0x275: {  	_ =	swait.ge [sflag:s10], $0x1680  }
0x276: {  	[sflag:s10] =	ssyncset.done $0x0  }
0x277: {  	[sflag:s10] =	ssyncadd.s32 $0xFFFFE980  }
0x278: {  	s23 =	stileid.u32;
	[bflag:$0x0] =	sbarrier.arrive $0xFFFF  }
.Ltmp10:
0x279: {  	s8 =	sshll.u32 s23, $0x6;
	s19 =	rddreg [dreg:$0xd];
	(pc) =	sbr.rel @!p0 .LBB2_18-.Ltmp10, $4  }
0x27a: {  	s8 =	sor.u32 $0x1C07, s8;
	s15 =	rddreg [dreg:$0xe];
	s13 =	sshrl.u32 s19, $0x3  }
0x27b: {  	[hbm:s15], [sflag:s8] =	dma.local [spmem:s13], $0x2D0  }
0x27c: {  	s18 =	rddreg [dreg:$0x4]  }
0x27d: {  	s14 =	sadd.s32 $0x16800, s19;
	_ =	swait.ge [sflag:s21], $0x2D0;
	s13 =	sadd.s32 $0xFFFFFFFF, s18  }
.LBB2_17:
0x27e: {  	[sflag:s21] =	ssyncset.done $0x0;
	s15 =	sadd.s32 $0x2D00, s15;
	p0 =	sne.s32 s13, $0x1  }
.Ltmp11:
0x27f: {  	s17 =	sshrl.u32 s14, $0x3;
	[sflag:s21] =	ssyncadd.s32 $0xFFFFFD30;
	(pc) =	sbr.rel @p0 .LBB2_17-.Ltmp11, $3  }
0x280: {  	[hbm:s15], [sflag:s8] =	dma.local [spmem:s17], $0x2D0  }
0x281: {  	s13 =	sadd.s32 $0xFFFFFFFF, s13;
	_ =	sdelay $0x1  }
0x282: {  	s14 =	sadd.s32 $0x16800, s14;
	_ =	swait.ge [sflag:s21], $0x2D0  }
.LBB2_18:
0x283: {  	s13 =	rddreg [dreg:$0xf]  }
0x284: {  	s8 =	rddreg [dreg:$0xc];
	s13 =	sadd.s32 $0x1, s13  }
0x285: {  	p0 =	sne.s32 s13, s8  }
.Ltmp12:
0x286: {  	_ = 	snop;
	(pc) =	sbr.rel @p0 .LBB2_1-.Ltmp12, $3  }
0x287: {  	_ =	sdelay $0x1  }
0x288: {  	[sflag:s21] =	ssyncset.done $0x0  }
0x289: {  	[sflag:s21] =	ssyncadd.s32 $0xFFFFFD30  }
0x28a: {  	_ =	sfence.sel $0x180000  }
0x28b: {  	[bflag:$0x0] =	sbarrier.arrive $0xFFFF  }
0x28c: {  	_ =	strace $0x9000004A  }
0x28d: {  	s0 =	stileid.u32;
	[bflag:$0x2] =	sbarrier.arrive $0xFFFF  }
0x28e: {  	p0 =	sne.s32 s0, $0x0;
	s0 =	rddreg [dreg:$0x3]  }
0x28f: {  	s0 =	sadd.s32 @!p0 $0x100000, s0  }
0x290: {  	[sflag:s0] =	ssyncadd.tile.s32 @!p0 $0x1;
	_ =	shalt  }
.Lfunc_end2:
_tile_overlayer_lowered:
.L_overlay_start_2:
0x291: {  	(tag) =	ssettag $0x2  }
0x292: {  	s0 =	rddreg [dreg:$0x0];
	s2 =	stileid.u32  }
0x293: {  	s1 =	rddreg [dreg:$0x1];
	p0 =	sne.s32 s2, $0x0  }
0x294: {  	s3 =	rddreg [dreg:$0x2];
	[bflag:$0x3] =	sbarrier.arrive $0xFFFF;
	s2 =	simm.s32 @!p0 $0x1C07  }
0x295: {  	[timem:s3], [sflag:s2] =	dma.local @!p0 [hbm:s0], s1  }
0x296: {  	s0 =	simm.s32 @!p0 $0x7  }
0x297: {  	_ =	swait.ge @!p0 [sflag:s0], s1  }
0x298: {  	s1 =	ssub.s32 @!p0 $0x0, s1;
	[sflag:s0] =	ssyncset.done @!p0 $0x0  }
0x299: {  	[sflag:s0] =	ssyncadd.s32 @!p0 s1  }
0x29a: {  	[bflag:$0x3] =	sbarrier.arrive $0xFFFF  }
0x29b: {  	_ =	shalt  }

// kernel: kernel.7.cloned.1.call-start
scs
__scs_entry_jumppad:
0x0: {  	(pc) =	sbr.rel $0x88, $3  }
0x1: {  	(tag) =	ssettag $0x0;
	lr =	simm.s32 $0x1  }
0x2: {  	[smem:$0x3F8F] =	sst lr;
	_ =	strace $0xD0000000  }
0x3: {  	_ = 	snop  }
0x4: {  	_ = 	snop  }
0x5: {  	_ = 	snop  }
0x6: {  	_ = 	snop  }
0x7: {  	_ = 	snop  }
__scs_overlays_trampoline_lowered:
0x8: {  	[smem:$0x3F9E] =	sst s0  }
0x9: {  	[smem:$0x3F9F] =	sst s1  }
0xa: {  	[smem:$0x3FA0] =	sst s2  }
0xb: {  	[smem:$0x3FA1] =	sst s3  }
0xc: {  	[smem:$0x3FA2] =	sst s4  }
0xd: {  	[smem:$0x3FA3] =	sst s5  }
0xe: {  	[smem:$0x3FA4] =	sst s6  }
0xf: {  	[smem:$0x3FA5] =	sst s7  }
0x10: {  	[smem:$0x3FA6] =	sst s8  }
0x11: {  	[smem:$0x3FA7] =	sst s9;
	s0 =	simm.s32 @!p0 $0x0  }
0x12: {  	s1 =	sld [smem:$0x3F8D];
	s0 =	simm.s32 @p0 $0x1  }
0x13: {  	[smem:$0x3FA8] =	sst s0;
	s0 =	simm.s32 @!p1 $0x0  }
0x14: {  	s2 =	sld [smem:$0x3F8C];
	s0 =	simm.s32 @p1 $0x1  }
0x15: {  	[smem:$0x3FA9] =	sst s0;
	s0 =	simm.s32 @!p2 $0x0  }
0x16: {  	s3 =	sld [smem:$0x3FDB];
	s0 =	simm.s32 @p2 $0x1  }
0x17: {  	s4 =	simm.s32 $0x1BF5;
	[smem:$0x3FAB] =	sst s0  }
0x18: {  	s0 =	sld [smem:$0x3F8E];
	_ =	swait.ge [sflag:s4], $0x0  }
0x19: {  	s7 =	sld [smem:$0x3F8F]  }
0x1a: {  	s8 =	sadd.s32 $0xFFFFE003, lr  }
0x1b: {  	s9 =	sadd.s32 $0xFFFFFEF7, lr;
	s5 =	simm.s32 $0xFFFFFFFF;
	p2 =	slt.u32 s8, $0xFFFFF086  }
0x1c: {  	p1 =	slt.u32 s9, $0xF7A;
	s5 =	simm.s32 @!p2 $0x0  }
0x1d: {  	s5 =	simm.s32 @p1 $0x1;
	p0 =	seq.s32 s7, s2  }
0x1e: {  	s7 =	smul.u32 @!p0 $0xF7A, s2;
	p2 =	seq.s32 @!p0 s5, $0x0  }
0x1f: {  	s9 =	smul.u32 $0xF7A, s1;
	s8 =	simm.s32 @!p0 $0x1BF5;
	p2 =	por !p2, p0  }
0x20: {  	[sflag:s8] =	ssyncset.s32 @!p0 $0xFFFFF086;
	s6 =	sadd.s32 @!p0 s3, s7;
	s7 =	simm.s32 @!p0 $0x108  }
0x21: {  	s3 =	sadd.s32 s3, s9;
	s6 =	sadd.s32 @!p0 $0x88, s6;
	s7 =	simm.s32 @p2 $0x1082  }
0x22: {  	[simem:s7], [sflag:s8] =	dma.local @!p0 [hbm:s6], $0xF7A  }
0x23: {  	s9 =	sor.u32 $0xD0000000, s2;
	s6 =	simm.s32 $0x108;
	_ =	swait.ge @!p0 [sflag:s8], $0x0  }
0x24: {  	s3 =	sadd.s32 $0x88, s3;
	s6 =	simm.s32 @!p1 $0x1082;
	[sflag:s4] =	ssyncset.s32 $0xFFFFF086  }
0x25: {  	[simem:s6], [sflag:s4] =	dma.local [hbm:s3], $0xF7A  }
0x26: {  	[smem:$0x3F8F] =	sst s1;
	(tag) =	ssettag s2;
	_ =	strace s9  }
0x27: {  	s1 =	sld [smem:$0x3F9F]  }
0x28: {  	s2 =	sld [smem:$0x3FA0]  }
0x29: {  	s4 =	sld [smem:$0x3FA2]  }
0x2a: {  	p0 =	seq.s32 s5, $0x0;
	s5 =	sld [smem:$0x3FA3]  }
0x2b: {  	s6 =	sld [smem:$0x3FA4]  }
0x2c: {  	s7 =	sld [smem:$0x3FA5]  }
0x2d: {  	s3 =	simm.s32 $0x108;
	s8 =	sld [smem:$0x3FA6]  }
0x2e: {  	s3 =	simm.s32 @!p0 $0x1082;
	s9 =	sld [smem:$0x3FA7]  }
0x2f: {  	lr =	sadd.s32 s0, s3;
	s0 =	sld [smem:$0x3F9E]  }
0x30: {  	s3 =	sld [smem:$0x3FA1]  }
0x31: {  	[smem:$0x3FAA] =	sst s10  }
0x32: {  	s10 =	sld [smem:$0x3FA8];
	_ =	sdelay $0x3  }
0x33: {  	p0 =	seq.s32 s10, $0x1;
	s10 =	sld [smem:$0x3FAA];
	_ =	sdelay $0x3  }
0x34: {  	[smem:$0x3FAA] =	sst s10  }
0x35: {  	s10 =	sld [smem:$0x3FA9];
	_ =	sdelay $0x3  }
0x36: {  	p1 =	seq.s32 s10, $0x1;
	s10 =	sld [smem:$0x3FAA];
	_ =	sdelay $0x3  }
0x37: {  	[smem:$0x3FAA] =	sst s10  }
0x38: {  	s10 =	sld [smem:$0x3FAB]  }
0x39: {  	_ = 	snop;
	(pc) =	sbr.ind lr, $3  }
0x3a: {  	_ = 	snop  }
0x3b: {  	_ = 	snop  }
0x3c: {  	p2 =	seq.s32 s10, $0x1;
	s10 =	sld [smem:$0x3FAA]  }
0x3d: {  	_ =	shalt  }
0x3e: {  	_ =	shalt  }
0x3f: {  	_ =	shalt  }
0x40: {  	_ =	shalt  }
0x41: {  	_ =	shalt  }
0x42: {  	_ =	shalt  }
0x43: {  	_ =	shalt  }
0x44: {  	_ =	shalt  }
0x45: {  	_ =	shalt  }
0x46: {  	_ =	shalt  }
0x47: {  	_ =	shalt  }
0x48: {  	_ =	shalt  }
0x49: {  	_ =	shalt  }
0x4a: {  	_ =	shalt  }
0x4b: {  	_ =	shalt  }
0x4c: {  	_ =	shalt  }
0x4d: {  	_ =	shalt  }
0x4e: {  	_ =	shalt  }
0x4f: {  	_ =	shalt  }
0x50: {  	_ =	shalt  }
0x51: {  	_ =	shalt  }
0x52: {  	_ =	shalt  }
0x53: {  	_ =	shalt  }
0x54: {  	_ =	shalt  }
0x55: {  	_ =	shalt  }
0x56: {  	_ =	shalt  }
0x57: {  	_ =	shalt  }
0x58: {  	_ =	shalt  }
0x59: {  	_ =	shalt  }
0x5a: {  	_ =	shalt  }
0x5b: {  	_ =	shalt  }
0x5c: {  	_ =	shalt  }
0x5d: {  	_ =	shalt  }
0x5e: {  	_ =	shalt  }
0x5f: {  	_ =	shalt  }
0x60: {  	_ =	shalt  }
0x61: {  	_ =	shalt  }
0x62: {  	_ =	shalt  }
0x63: {  	_ =	shalt  }
0x64: {  	_ =	shalt  }
0x65: {  	_ =	shalt  }
0x66: {  	_ =	shalt  }
0x67: {  	_ =	shalt  }
0x68: {  	_ =	shalt  }
0x69: {  	_ =	shalt  }
0x6a: {  	_ =	shalt  }
0x6b: {  	_ =	shalt  }
0x6c: {  	_ =	shalt  }
0x6d: {  	_ =	shalt  }
0x6e: {  	_ =	shalt  }
0x6f: {  	_ =	shalt  }
0x70: {  	_ =	shalt  }
0x71: {  	_ =	shalt  }
0x72: {  	_ =	shalt  }
0x73: {  	_ =	shalt  }
0x74: {  	_ =	shalt  }
0x75: {  	_ =	shalt  }
0x76: {  	_ =	shalt  }
0x77: {  	_ =	shalt  }
0x78: {  	_ =	shalt  }
0x79: {  	_ =	shalt  }
0x7a: {  	_ =	shalt  }
0x7b: {  	_ =	shalt  }
0x7c: {  	_ =	shalt  }
0x7d: {  	_ =	shalt  }
0x7e: {  	_ =	shalt  }
0x7f: {  	_ =	shalt  }
0x80: {  	_ =	shalt  }
0x81: {  	_ =	shalt  }
0x82: {  	_ =	shalt  }
0x83: {  	_ =	shalt  }
0x84: {  	_ =	shalt  }
0x85: {  	_ =	shalt  }
0x86: {  	_ =	shalt  }
0x87: {  	_ =	shalt  }
.Lfunc_end0:
.L_simem_size_0:
called_computation_lowered:
.L_overlay_start_0:
0x88: {  	s2 =	sld [smem:$0x3FD9]  }
0x89: {  	s3 =	sld [smem:$0x3FFE];
	_ =	sdelay $0x1  }
0x8a: {  	s1 =	srdreg.scid  }
0x8b: {  	s0 =	sand.u32 $0x1, s1  }
0x8c: {  	s14 =	sshll.u32 s0, $0xA;
	s2 =	sadd.s32 s3, s2  }
0x8d: {  	s2 =	sadd.s32 s2, s14  }
0x8e: {  	[smem:$0x3FB6] =	sst s2  }
0x8f: {  	_ = 	snop  }
0x90: {  	s2 =	sld [smem:$0x3FD0];
	_ =	sdelay $0x2  }
0x91: {  	s15 =	simm.s32 $0xA;
	s4 =	simm.s32 $0x10  }
0x92: {  	[smem:s4], [sflag:s15] =	dma.local [hbm:s2], $0x1  }
0x93: {  	_ =	swait.eq [sflag:s15], $0x1  }
0x94: {  	[sflag:s15] =	ssyncset.done $0x0  }
0x95: {  	[sflag:s15] =	ssyncadd.s32 $0xFFFFFFFF  }
0x96: {  	s16 =	sld [smem:$0x11];
	(tm) =	ssettm $0x1  }
0x97: {  	s17 =	sld [smem:$0x3FFB];
	_ =	sdelay $0x3  }
0x98: {  	_ =	strace s17  }
0x99: {  	s3 =	sld [smem:$0x3FFC];
	_ =	sdelay $0x3  }
0x9a: {  	_ =	strace s3  }
0x9b: {  	s3 =	sld [smem:$0x3FFD];
	_ =	sdelay $0x3  }
0x9c: {  	_ =	strace s3  }
0x9d: {  	_ =	strace $0x8FFFFFFF  }
0x9e: {  	s18 =	sld [smem:$0x3FDB];
	_ =	sdelay $0x1  }
0x9f: {  	s19 =	simm.s32 $_scs_section_size  }
0xa0: {  	s5 =	simm.s32 $_size__tile_overlayer_lowered;
	s6 =	simm.s32 $_tile_overlayer_lowered  }
0xa1: {  	s22 =	simm.s32 $0x1BFF;
	s21 =	sshll.u32 s6, $0x1;
	s3 =	sadd.s32 s19, s18  }
0xa2: {  	s7 =	simm.s32 $0x0;
	s20 =	sshll.u32 s5, $0x1;
	s5 =	sadd.s32 s21, s3  }
0xa3: {  	[timem:s7], [sflag:s22] =	dma.local [hbm:s5], s20  }
0xa4: {  	_ =	swait.ge [sflag:s22], s20  }
0xa5: {  	s4 =	ssub.s32 $0x0, s20;
	[sflag:s22] =	ssyncset.done $0x0  }
0xa6: {  	[sflag:s22] =	ssyncadd.s32 s4;
	_ =	sdelay $0x1  }
0xa7: {  	s23 =	simm.s32 $0x1B8B  }
0xa8: {  	_ =	swait.ge [sflag:s23], $0x1  }
0xa9: {  	[sflag:s23] =	ssyncset.done $0x0  }
0xaa: {  	s25 =	simm.s32 $0x1B8E;
	s24 =	sld [smem:$0x3FFE];
	[sflag:s23] =	ssyncadd.s32 $0xFFFFFFFF  }
0xab: {  	s26 =	simm.s32 $execute0_lowered;
	[smem:$0x3FD2] =	sst s25  }
0xac: {  	s5 =	sshll.u32 s26, $0x1;
	_ =	strace $0x80000046;
	[dreg:$0x1] =	wrdreg $0xFFFFFFFF  }
0xad: {  	s28 =	simm.s32 $_size_execute0_lowered;
	s3 =	sadd.s32 s3, s5;
	[dreg:$0x0] =	wrdreg $0x0  }
0xae: {  	s5 =	sshll.u32 s28, $0x1;
	[dreg:$0x2] =	wrdreg s3  }
0xaf: {  	[dreg:$0x3] =	wrdreg s5  }
0xb0: {  	[dreg:$0x4] =	wrdreg $0xC0  }
0xb1: {  	_ =	task [dreg:s7], $0x5FFFF  }
0xb2: {  	[dreg:$0x1] =	wrdreg $0xFFFFFFFF  }
0xb3: {  	[dreg:$0x0] =	wrdreg $0x60  }
0xb4: {  	[dreg:$0x2] =	wrdreg s16  }
0xb5: {  	[dreg:$0x3] =	wrdreg s24  }
0xb6: {  	[dreg:$0x4] =	wrdreg $0x9  }
0xb7: {  	_ =	task.clear_ibuf [dreg:s7], $0x5FFFF;
	_ =	strace $0x90000046  }
0xb8: {  	s29 =	simm.s32 $0x9;
	_ =	strace $0x80000048  }
0xb9: {  	_ =	swait.ge [sflag:s29], $0x1  }
0xba: {  	[sflag:s29] =	ssyncadd.s32 $0xFFFFFFFF  }
0xbb: {  	_ =	strace $0x90000048  }
0xbc: {  	_ =	sfence  }
0xbd: {  	s30 =	sld [smem:$0x0];
	_ =	sdelay $0x2  }
0xbe: {  	s31 =	sshll.u32 s1, $0xD;
	s1 =	sshrl.u32 s1, $0x2  }
0xbf: {  	s3 =	sand.u32 $0x4000, s31;
	s1 =	sadd.s32 s1, s30  }
0xc0: {  	s0 =	sor.u32 s3, s0;
	s1 =	sshll.u32 s1, $0x11  }
0xc1: {  	s0 =	sor.u32 s1, s0  }
0xc2: {  	s0 =	sadd.s32 $0x8F2B, s0  }
0xc3: {  	[sflag:s0] =	ssyncadd.remote.s32 $0x1  }
0xc4: {  	_ =	sfence.sel $0xFFFF  }
0xc5: {  	[dreg:$0x0] =	wrdreg $0xFFFFFFFF;
	(pc) =	sbr.abs _section_cstart, $3  }
0xc6: {  	[dreg:$0x1] =	wrdreg $0xFFFFFFFF  }
0xc7: {  	_ =	task.clear_ibuf [dreg:s7], $0x2FFFF;
	_ =	strace $0x9FFFFFFF  }
0xc8: {  	(tm) =	ssettm $0x7FFFFFFF  }
0xc9: {  	_ =	shalt  }
tec
execute0_lowered:
.L_overlay_start_1:
0x0: {  	(tag) =	ssettag $0x1  }
0x1: {  	s1 =	rddreg [dreg:$0x0]  }
0x2: {  	s0 =	rddreg [dreg:$0x1];
	s2 =	simm.s32 $0x0;
	s3 =	srdreg.scid  }
0x3: {  	s6 =	stileid.u32;
	s18 =	simm.s32 $0x50;
	s19 =	simm.s32 $0x78A0  }
0x4: {  	s20 =	simm.s32 $0x78F0;
	s21 =	simm.s32 $0x1;
	s28 =	simm.s32 $0x3  }
0x5: {  	s29 =	simm.s32 $0x50A0;
	s30 =	simm.s32 $0x4;
	s31 =	simm.s32 $0xC940  }
0x6: {  	[smem:$0x7FF] =	sst s2;
	s3 =	sand.u32 $0x1, s3;
	s4 =	sadd.s32 $0x16E00, s0  }
0x7: {  	s7 =	sadd.s32 $0x3200, s0;
	s5 =	sshll.u32 s3, $0x4;
	s3 =	ssub.s32 $0x2, s3  }
0x8: {  	s8 =	sadd.s32 $0x3E000, s0;
	s10 =	sor.u32 s6, s5;
	s9 =	sshrl.u32 s3, $0x1  }
0x9: {  	_ =	strace $0x80000047;
	s6 =	smul.u32 $0x2710, s10;
	s22 =	ssub.s32 s3, s9  }
0xa: {  	s5 =	sadd.s32 $0xD000, s0;
	s10 =	smul.u32 $0x138800, s10;
	s0 =	smax.u32 s22, $0x1  }
0xb: {  	s22 =	simm.s32 $0xA0;
	s23 =	sshrl.u32 s6, $0x3;
	s9 =	sadd.s32 $0x50, s6  }
0xc: {  	s26 =	sshrl.u32 s10, $0x3;
	s14 =	sadd.s32 $0xA0, s6;
	s15 =	sadd.s32 $0xF0, s6  }
0xd: {  	[dreg:$0x8] =	wrdreg s0;
	s10 =	simm.s32 $0x0;
	s11 =	sadd.s32 s5, s23  }
0xe: {  	s3 =	sadd.s32 s7, s23;
	s24 =	sshrl.u32 s9, $0x3;
	[dreg:$0x3] =	wrdreg s11  }
0xf: {  	s23 =	simm.s32 $0x28A0;
	[dreg:$0x4] =	wrdreg s3;
	s3 =	sadd.s32 s7, s24  }
0x10: {  	s25 =	sadd.s32 s5, s24;
	[dreg:$0x6] =	wrdreg s3;
	s3 =	sadd.s32 s8, s26  }
0x11: {  	s24 =	simm.s32 $0x2;
	[dreg:$0x5] =	wrdreg s25;
	s3 =	sadd.s32 $0x26C00, s3  }
0x12: {  	s25 =	simm.s32 $0x7940;
	s26 =	simm.s32 $0xA140;
	[dreg:$0x7] =	wrdreg s3  }
.LBB2_1:
0x13: {  	s0 =	rddreg [dreg:$0x3]  }
0x14: {  	[tilespmem:s2], [sflag:$0x1] =	stream.linear.gather [hbm4b:s0+s2], $0x50, $0x38;
	[tilespmem:$0xF140] =	vst v63  }
0x15: {  	s13 =	rddreg [dreg:$0x4]  }
0x16: {  	[tilespmem:s18], [sflag:$0x1] =	stream.linear.gather [hbm4b:s13+s2], $0x50, $0x38;
	[tilespmem:$0xF140] =	vst v63  }
0x17: {  	s16 =	rddreg [dreg:$0x5]  }
0x18: {  	[tilespmem:s19], [sflag:$0x2] =	stream.linear.gather [hbm4b:s16+s2], $0x50, $0x38;
	[tilespmem:$0xF140] =	vst v63  }
0x19: {  	s17 =	rddreg [dreg:$0x6]  }
0x1a: {  	[tilespmem:s20], [sflag:$0x2] =	stream.linear.gather [hbm4b:s17+s2], $0x50, $0x38;
	[tilespmem:$0xF140] =	vst v63  }
0x1b: {  	_ =	swait.ge [sflag:s21], $0x50  }
0x1c: {  	[sflag:s21] =	ssyncset.done $0x0  }
0x1d: {  	[sflag:s21] =	ssyncadd.s32 $0xFFFFFFB0  }
0x1e: {  	_ =	swait.ge [sflag:s21], $0x50  }
0x1f: {  	[sflag:s21] =	ssyncset.done $0x0  }
0x20: {  	[sflag:s21] =	ssyncadd.s32 $0xFFFFFFB0  }
0x21: {  	[tilespmem:s22], [sflag:$0x3] =	stream.indirect.gather [hbm4b:s1+s18], $0x80, s2, s18, $0xb8;
	[tilespmem:$0xF140] =	vst v63  }
0x22: {  	s11 =	simm.s32 $0x0  }
0x23: {  	[tilespmem:s23], [sflag:$0x3] =	stream.indirect.gather [hbm4b:s4+s18], $0x80, s18, s18, $0xb8;
	[tilespmem:$0xF140] =	vst v63  }
.LBB2_2:
0x24: {  	_ =	swait.ge [sflag:s24], $0x50  }
0x25: {  	[sflag:s24] =	ssyncset.done $0x0  }
0x26: {  	[sflag:s24] =	ssyncadd.s32 $0xFFFFFFB0  }
0x27: {  	_ =	swait.ge [sflag:s24], $0x50  }
0x28: {  	[sflag:s24] =	ssyncset.done $0x0  }
0x29: {  	[sflag:s24] =	ssyncadd.s32 $0xFFFFFFB0  }
0x2a: {  	[tilespmem:s25], [sflag:$0x4] =	stream.indirect.gather [hbm4b:s1+s18], $0x80, s19, s18, $0xb8;
	[tilespmem:$0xF140] =	vst v63  }
0x2b: {  	_ = 	snop  }
0x2c: {  	[tilespmem:s26], [sflag:$0x4] =	stream.indirect.gather [hbm4b:s4+s18], $0x80, s20, s18, $0xb8;
	[tilespmem:$0xF140] =	vst v63  }
0x2d: {  	_ =	swait.ge [sflag:s28], $0x2800  }
0x2e: {  	[sflag:s28] =	ssyncset.done $0x0  }
0x2f: {  	[sflag:s28] =	ssyncadd.s32 $0xFFFFD800  }
0x30: {  	_ =	swait.ge [sflag:s28], $0x2800  }
0x31: {  	p0 =	seq.s32 s11, $0x0;
	[sflag:s28] =	ssyncset.done $0x0  }
0x32: {  	s0 =	simm.s32 @!p0 $0x5;
	[sflag:s28] =	ssyncadd.s32 $0xFFFFD800  }
0x33: {  	_ =	swait.ge @!p0 [sflag:s0], $0x2800  }
0x34: {  	[sflag:s0] =	ssyncset.done @!p0 $0x0  }
0x35: {  	s13 =	simm.s32 $0x2A0;
	[sflag:s0] =	ssyncadd.s32 @!p0 $0xFFFFD800  }
0x36: {  	s17 =	simm.s32 $0x2AA0;
	v0 =	vld [tilespmem:s13+$0x180]  }
0x37: {  	v1 =	vld [tilespmem:s17+$0x180]  }
0x38: {  	v2 =	vld [tilespmem:s17+$0xFFFFFE00]  }
0x39: {  	v3 =	vld [tilespmem:s13+$0xFFFFFE80]  }
0x3a: {  	v4 =	vld [tilespmem:s17+$0xFFFFFE80]  }
0x3b: {  	v5 =	vld [tilespmem:s13+$0xFFFFFF00]  }
0x3c: {  	v6 =	vld [tilespmem:s17+$0xFFFFFF00]  }
0x3d: {  	v7 =	vld [tilespmem:s17+$0xFFFFFF80]  }
0x3e: {  	v9 =	vld [tilespmem:s13+$0x0]  }
0x3f: {  	v10 =	vld [tilespmem:s17+$0x0]  }
0x40: {  	v11 =	vld [tilespmem:s13+$0x80]  }
0x41: {  	v12 =	vld [tilespmem:s17+$0x80];
	v0 =	vadd.f32 v1, v0  }
0x42: {  	s16 =	simm.s32 $0x52A0;
	v1 =	vld [tilespmem:s13+$0xFFFFFF80]  }
0x43: {  	v3 =	vadd.f32 v4, v3;
	v4 =	vld [tilespmem:s13+$0xFFFFFE00];
	[tilespmem:s16+$0x180] =	vst v0  }
0x44: {  	v0 =	vld [tilespmem:s13+$0x190]  }
0x45: {  	v8 =	vld [tilespmem:s17+$0x190]  }
0x46: {  	v13 =	vld [tilespmem:s13+$0x100];
	[tilespmem:s16+$0xFFFFFE80] =	vst v3;
	v3 =	vadd.f32 v6, v5  }
0x47: {  	v6 =	vld [tilespmem:s13+$0xFFFFFE90]  }
0x48: {  	[tilespmem:s16+$0xFFFFFF00] =	vst v3;
	v3 =	vld [tilespmem:s17+$0xFFFFFE90];
	v1 =	vadd.f32 v7, v1  }
0x49: {  	v2 =	vadd.f32 v2, v4;
	v4 =	vld [tilespmem:s13+$0xFFFFFF10]  }
0x4a: {  	[tilespmem:s16+$0xFFFFFF80] =	vst v1;
	v1 =	vld [tilespmem:s17+$0xFFFFFF10];
	v0 =	vadd.f32 v8, v0  }
0x4b: {  	[tilespmem:s16+$0xFFFFFE00] =	vst v2;
	v2 =	vld [tilespmem:s13+$0xFFFFFF90]  }
0x4c: {  	v32 =	vld [tilespmem:s17+$0xFFFFFF90];
	[tilespmem:s16+$0x190] =	vst v0  }
0x4d: {  	v0 =	vld [tilespmem:s13+$0x1A0]  }
0x4e: {  	v3 =	vadd.f32 v3, v6;
	v5 =	vld [tilespmem:s17+$0x1A0]  }
0x4f: {  	v8 =	vld [tilespmem:s17+$0x100]  }
0x50: {  	v7 =	vld [tilespmem:s17+$0xFFFFFE10];
	[tilespmem:s16+$0xFFFFFE90] =	vst v3;
	v1 =	vadd.f32 v1, v4  }
0x51: {  	v4 =	vld [tilespmem:s13+$0xFFFFFEA0]  }
0x52: {  	[tilespmem:s16+$0xFFFFFF10] =	vst v1;
	v1 =	vadd.f32 v32, v2;
	v2 =	vld [tilespmem:s17+$0xFFFFFEA0]  }
0x53: {  	v0 =	vadd.f32 v5, v0;
	v5 =	vld [tilespmem:s13+$0xFFFFFE10]  }
0x54: {  	v36 =	vld [tilespmem:s13+$0xFFFFFF20];
	[tilespmem:s16+$0xFFFFFF90] =	vst v1  }
0x55: {  	v1 =	vld [tilespmem:s17+$0xFFFFFF20];
	[tilespmem:s16+$0x1A0] =	vst v0;
	v0 =	vadd.f32 v10, v9  }
0x56: {  	v37 =	vld [tilespmem:s13+$0xFFFFFFA0]  }
0x57: {  	v30 =	vld [tilespmem:s13+$0x1B0];
	[tilespmem:s16+$0x0] =	vst v0;
	v0 =	vadd.f32 v12, v11  }
0x58: {  	v31 =	vld [tilespmem:s17+$0x1B0];
	v5 =	vadd.f32 v7, v5  }
0x59: {  	v33 =	vld [tilespmem:s13+$0x10];
	[tilespmem:s16+$0x80] =	vst v0;
	v0 =	vadd.f32 v8, v13  }
0x5a: {  	v34 =	vld [tilespmem:s13+$0x90];
	[tilespmem:s16+$0xFFFFFE10] =	vst v5  }
0x5b: {  	[tilespmem:s16+$0x100] =	vst v0;
	v0 =	vld [tilespmem:s17+$0x90]  }
0x5c: {  	v6 =	vld [tilespmem:s13+$0xFFFFFE20]  }
0x5d: {  	v9 =	vadd.f32 v31, v30;
	v3 =	vld [tilespmem:s17+$0xFFFFFE20]  }
0x5e: {  	v35 =	vld [tilespmem:s13+$0x110]  }
0x5f: {  	v7 =	vld [tilespmem:s17+$0x110];
	[tilespmem:s16+$0x1B0] =	vst v9  }
0x60: {  	v2 =	vadd.f32 v2, v4;
	v9 =	vld [tilespmem:s13+$0x1C0]  }
0x61: {  	v1 =	vadd.f32 v1, v36;
	v5 =	vld [tilespmem:s17+$0x1C0]  }
0x62: {  	[tilespmem:s16+$0xFFFFFEA0] =	vst v2;
	v8 =	vld [tilespmem:s17+$0x10];
	v0 =	vadd.f32 v0, v34  }
0x63: {  	v42 =	vld [tilespmem:s13+$0xFFFFFEB0];
	[tilespmem:s16+$0xFFFFFF20] =	vst v1;
	v3 =	vadd.f32 v3, v6  }
0x64: {  	v43 =	vld [tilespmem:s13+$0xFFFFFF30];
	[tilespmem:s16+$0x90] =	vst v0  }
0x65: {  	v0 =	vadd.f32 v7, v35;
	[tilespmem:s16+$0xFFFFFE20] =	vst v3;
	v40 =	vld [tilespmem:s13+$0xA0]  }
0x66: {  	v5 =	vadd.f32 v5, v9;
	v4 =	vld [tilespmem:s13+$0xFFFFFE30]  }
0x67: {  	[tilespmem:s16+$0x110] =	vst v0;
	v0 =	vld [tilespmem:s17+$0xA0]  }
0x68: {  	[tilespmem:s16+$0x1C0] =	vst v5;
	v41 =	vld [tilespmem:s13+$0x120]  }
0x69: {  	v5 =	vadd.f32 v8, v33;
	v8 =	vld [tilespmem:s13+$0x1D0]  }
0x6a: {  	v38 =	vld [tilespmem:s17+$0x1D0]  }
0x6b: {  	[tilespmem:s16+$0x10] =	vst v5;
	v5 =	vld [tilespmem:s17+$0xFFFFFFA0]  }
0x6c: {  	v6 =	vld [tilespmem:s17+$0x120]  }
0x6d: {  	v2 =	vld [tilespmem:s17+$0xFFFFFE30]  }
0x6e: {  	v39 =	vld [tilespmem:s13+$0x20];
	v0 =	vadd.f32 v0, v40  }
0x6f: {  	v7 =	vld [tilespmem:s17+$0x20];
	v8 =	vadd.f32 v38, v8  }
0x70: {  	[tilespmem:s16+$0xA0] =	vst v0;
	v1 =	vadd.f32 v5, v37;
	v5 =	vld [tilespmem:s17+$0xFFFFFEB0]  }
0x71: {  	v0 =	vadd.f32 v6, v41;
	v46 =	vld [tilespmem:s13+$0xB0];
	[tilespmem:s16+$0x1D0] =	vst v8  }
0x72: {  	v8 =	vld [tilespmem:s13+$0x1E0]  }
0x73: {  	[tilespmem:s16+$0x120] =	vst v0;
	v3 =	vld [tilespmem:s17+$0x1E0]  }
0x74: {  	v0 =	vadd.f32 v2, v4;
	[tilespmem:s16+$0xFFFFFFA0] =	vst v1;
	v1 =	vld [tilespmem:s17+$0xFFFFFF30]  }
0x75: {  	v2 =	vld [tilespmem:s17+$0xB0]  }
0x76: {  	v4 =	vld [tilespmem:s13+$0x130];
	[tilespmem:s16+$0xFFFFFE30] =	vst v0  }
0x77: {  	v47 =	vld [tilespmem:s13+$0xFFFFFE40];
	v0 =	vadd.f32 v5, v42  }
0x78: {  	v5 =	vld [tilespmem:s17+$0x130]  }
0x79: {  	v3 =	vadd.f32 v3, v8;
	[tilespmem:s16+$0xFFFFFEB0] =	vst v0;
	v0 =	vadd.f32 v1, v43;
	v1 =	vld [tilespmem:s17+$0xFFFFFE40]  }
0x7a: {  	v8 =	vld [tilespmem:s13+$0xFFFFFFB0]  }
0x7b: {  	v48 =	vld [tilespmem:s13+$0xFFFFFEC0];
	[tilespmem:s16+$0x1E0] =	vst v3;
	v3 =	vadd.f32 v7, v39  }
0x7c: {  	v7 =	vld [tilespmem:s13+$0x1F0]  }
0x7d: {  	[tilespmem:s16+$0x20] =	vst v3;
	v3 =	vld [tilespmem:s17+$0xFFFFFFB0]  }
0x7e: {  	v45 =	vld [tilespmem:s13+$0x30];
	v1 =	vadd.f32 v1, v47  }
0x7f: {  	v6 =	vld [tilespmem:s17+$0x30]  }
0x80: {  	v44 =	vld [tilespmem:s17+$0x1F0];
	[tilespmem:s16+$0xFFFFFE40] =	vst v1  }
0x81: {  	v52 =	vld [tilespmem:s13+$0xFFFFFE50]  }
0x82: {  	[tilespmem:s16+$0xFFFFFF30] =	vst v0;
	v0 =	vadd.f32 v3, v8;
	v3 =	vld [tilespmem:s17+$0xFFFFFEC0]  }
0x83: {  	v8 =	vld [tilespmem:s13+$0xFFFFFF40]  }
0x84: {  	[tilespmem:s16+$0xFFFFFFB0] =	vst v0;
	v0 =	vadd.f32 v6, v45;
	v6 =	vld [tilespmem:s17+$0xFFFFFF40]  }
0x85: {  	v49 =	vld [tilespmem:s13+$0xFFFFFFC0]  }
0x86: {  	[tilespmem:s16+$0x30] =	vst v0;
	v0 =	vadd.f32 v2, v46;
	v2 =	vld [tilespmem:s17+$0xFFFFFFC0]  }
0x87: {  	v50 =	vld [tilespmem:s13+$0x40]  }
0x88: {  	v1 =	vadd.f32 v3, v48;
	[tilespmem:s16+$0xB0] =	vst v0;
	v0 =	vadd.f32 v5, v4;
	v4 =	vld [tilespmem:s17+$0x40]  }
0x89: {  	v5 =	vld [tilespmem:s13+$0xC0]  }
0x8a: {  	[tilespmem:s16+$0xFFFFFEC0] =	vst v1;
	v1 =	vadd.f32 v6, v8;
	v6 =	vld [tilespmem:s17+$0xFFFFFE50]  }
0x8b: {  	[tilespmem:s16+$0x130] =	vst v0;
	v0 =	vld [tilespmem:s17+$0xC0]  }
0x8c: {  	v8 =	vld [tilespmem:s13+$0xFFFFFED0]  }
0x8d: {  	v51 =	vld [tilespmem:s13+$0x140]  }
0x8e: {  	v3 =	vld [tilespmem:s17+$0x140]  }
0x8f: {  	[tilespmem:s16+$0xFFFFFF40] =	vst v1;
	v1 =	vadd.f32 v2, v49;
	v2 =	vld [tilespmem:s17+$0xFFFFFED0]  }
0x90: {  	v53 =	vld [tilespmem:s13+$0xFFFFFF50]  }
0x91: {  	[tilespmem:s16+$0xFFFFFFC0] =	vst v1;
	v1 =	vadd.f32 v4, v50;
	v4 =	vld [tilespmem:s17+$0xFFFFFF50]  }
0x92: {  	v54 =	vld [tilespmem:s13+$0xFFFFFFD0];
	v6 =	vadd.f32 v6, v52  }
0x93: {  	[tilespmem:s16+$0x40] =	vst v1;
	v0 =	vadd.f32 v0, v5;
	v1 =	vld [tilespmem:s17+$0xFFFFFFD0]  }
0x94: {  	v5 =	vld [tilespmem:s13+$0x50];
	[tilespmem:s16+$0xFFFFFE50] =	vst v6  }
0x95: {  	[tilespmem:s16+$0xC0] =	vst v0;
	v0 =	vadd.f32 v3, v51;
	v3 =	vld [tilespmem:s17+$0x50]  }
0x96: {  	v2 =	vadd.f32 v2, v8;
	v8 =	vld [tilespmem:s13+$0xFFFFFE60]  }
0x97: {  	v55 =	vld [tilespmem:s13+$0xD0]  }
0x98: {  	[tilespmem:s16+$0xFFFFFED0] =	vst v2;
	v2 =	vadd.f32 v4, v53;
	v4 =	vld [tilespmem:s17+$0xFFFFFE60]  }
0x99: {  	[tilespmem:s16+$0x140] =	vst v0;
	v0 =	vld [tilespmem:s17+$0xD0]  }
0x9a: {  	v57 =	vld [tilespmem:s13+$0xFFFFFEE0]  }
0x9b: {  	v56 =	vld [tilespmem:s13+$0x150]  }
0x9c: {  	v6 =	vld [tilespmem:s17+$0x150]  }
0x9d: {  	[tilespmem:s16+$0xFFFFFF50] =	vst v2;
	v1 =	vadd.f32 v1, v54;
	v2 =	vld [tilespmem:s17+$0xFFFFFEE0]  }
0x9e: {  	v58 =	vld [tilespmem:s13+$0xFFFFFF60]  }
0x9f: {  	[tilespmem:s16+$0xFFFFFFD0] =	vst v1;
	v1 =	vadd.f32 v3, v5;
	v3 =	vld [tilespmem:s17+$0xFFFFFF60]  }
0xa0: {  	v5 =	vld [tilespmem:s13+$0xFFFFFFE0];
	v4 =	vadd.f32 v4, v8  }
0xa1: {  	[tilespmem:s16+$0x50] =	vst v1;
	v0 =	vadd.f32 v0, v55;
	v1 =	vld [tilespmem:s17+$0xFFFFFFE0]  }
0xa2: {  	v59 =	vld [tilespmem:s13+$0x60];
	[tilespmem:s16+$0xFFFFFE60] =	vst v4  }
0xa3: {  	[tilespmem:s16+$0xD0] =	vst v0;
	v0 =	vadd.f32 v6, v56;
	v6 =	vld [tilespmem:s17+$0x60]  }
0xa4: {  	v2 =	vadd.f32 v2, v57;
	v61 =	vld [tilespmem:s13+$0xFFFFFE70]  }
0xa5: {  	v60 =	vld [tilespmem:s13+$0xE0]  }
0xa6: {  	[tilespmem:s16+$0xFFFFFEE0] =	vst v2;
	v2 =	vadd.f32 v3, v58;
	v3 =	vld [tilespmem:s17+$0xFFFFFE70]  }
0xa7: {  	[tilespmem:s16+$0x150] =	vst v0;
	v0 =	vld [tilespmem:s17+$0xE0]  }
0xa8: {  	v62 =	vld [tilespmem:s13+$0xFFFFFEF0]  }
0xa9: {  	v8 =	vld [tilespmem:s13+$0x160]  }
0xaa: {  	v4 =	vld [tilespmem:s17+$0x160]  }
0xab: {  	[tilespmem:s16+$0xFFFFFF60] =	vst v2;
	v1 =	vadd.f32 v1, v5;
	v5 =	vld [tilespmem:s17+$0xFFFFFEF0]  }
0xac: {  	v14 =	vld [tilespmem:s13+$0xFFFFFF70]  }
0xad: {  	[tilespmem:s16+$0xFFFFFFE0] =	vst v1;
	v1 =	vadd.f32 v6, v59;
	v6 =	vld [tilespmem:s17+$0xFFFFFF70]  }
0xae: {  	v2 =	vadd.f32 v44, v7;
	v7 =	vld [tilespmem:s13+$0xFFFFFFF0]  }
0xaf: {  	v63 =	vld [tilespmem:s17+$0xFFFFFFF0];
	[tilespmem:s16+$0x60] =	vst v1;
	v1 =	vadd.f32 v0, v60  }
0xb0: {  	[tilespmem:s16+$0x1F0] =	vst v2;
	v3 =	vadd.f32 v3, v61;
	v0 =	vld [tilespmem:s13+$0x70]  }
0xb1: {  	v4 =	vadd.f32 v4, v8;
	v2 =	vld [tilespmem:s17+$0x70];
	[tilespmem:s16+$0xE0] =	vst v1  }
0xb2: {  	[tilespmem:s16+$0xFFFFFE70] =	vst v3;
	v1 =	vld [tilespmem:s13+$0xF0];
	v6 =	vadd.f32 v6, v14  }
0xb3: {  	s12 =	smul.u32 $0xA0, s11;
	v5 =	vadd.f32 v5, v62;
	[tilespmem:s16+$0x160] =	vst v4;
	v4 =	vld [tilespmem:s17+$0xF0]  }
0xb4: {  	v3 =	vld [tilespmem:s13+$0x170];
	[tilespmem:s16+$0xFFFFFF70] =	vst v6;
	v6 =	vadd.f32 v63, v7  }
0xb5: {  	s3 =	simm.s32 $0x0;
	s0 =	simm.s32 $0x6A0;
	[tilespmem:s16+$0xFFFFFEF0] =	vst v5;
	s13 =	sadd.s32 s12, s9;
	v5 =	vld [tilespmem:s17+$0x170]  }
.LBB2_3:
0xb6: {  	v7 =	vld [tilespmem:s0+$0x180];
	[tilespmem:s16+$0xFFFFFFF0] =	vst v6;
	v0 =	vadd.f32 v2, v0;
	s17 =	sadd.s32 $0x400, s17  }
0xb7: {  	v2 =	vld [tilespmem:s17+$0x180]  }
0xb8: {  	v6 =	vld [tilespmem:s17+$0xFFFFFE00];
	[tilespmem:s16+$0x70] =	vst v0;
	v0 =	vadd.f32 v4, v1  }
0xb9: {  	v1 =	vld [tilespmem:s0+$0xFFFFFE80]  }
0xba: {  	v4 =	vld [tilespmem:s17+$0xFFFFFE80];
	[tilespmem:s16+$0xF0] =	vst v0;
	v0 =	vadd.f32 v5, v3  }
0xbb: {  	v3 =	vld [tilespmem:s0+$0xFFFFFF00]  }
0xbc: {  	v5 =	vld [tilespmem:s17+$0xFFFFFF00];
	v2 =	vadd.f32 v2, v7;
	[tilespmem:s16+$0x170] =	vst v0  }
0xbd: {  	s16 =	sadd.s32 $0x400, s16;
	v0 =	vld [tilespmem:s0+$0xFFFFFF80]  }
0xbe: {  	s3 =	sadd.s32 $0x8, s3;
	v7 =	vld [tilespmem:s17+$0xFFFFFF80];
	[tilespmem:s16+$0x180] =	vst v2  }
0xbf: {  	p1 =	slt.u32 s3, $0x48;
	v1 =	vadd.f32 v4, v1;
	v2 =	vld [tilespmem:s0+$0x190]  }
0xc0: {  	v4 =	vld [tilespmem:s17+$0x190]  }
0xc1: {  	[tilespmem:s16+$0xFFFFFE80] =	vst v1;
	v1 =	vadd.f32 v5, v3;
	v3 =	vld [tilespmem:s0+$0x0]  }
0xc2: {  	v5 =	vld [tilespmem:s17+$0x0]  }
0xc3: {  	[tilespmem:s16+$0xFFFFFF00] =	vst v1;
	v0 =	vadd.f32 v7, v0;
	v1 =	vld [tilespmem:s0+$0x80]  }
0xc4: {  	v7 =	vld [tilespmem:s17+$0x80]  }
0xc5: {  	[tilespmem:s16+$0xFFFFFF80] =	vst v0;
	v0 =	vld [tilespmem:s0+$0x100];
	v2 =	vadd.f32 v4, v2  }
0xc6: {  	v4 =	vld [tilespmem:s17+$0x100]  }
0xc7: {  	v8 =	vld [tilespmem:s0+$0xFFFFFE00];
	v3 =	vadd.f32 v5, v3;
	[tilespmem:s16+$0x190] =	vst v2  }
0xc8: {  	v2 =	vld [tilespmem:s0+$0x1A0]  }
0xc9: {  	[tilespmem:s16+$0x0] =	vst v3;
	v1 =	vadd.f32 v7, v1;
	v3 =	vld [tilespmem:s17+$0x1A0]  }
0xca: {  	v5 =	vld [tilespmem:s0+$0xFFFFFE90]  }
0xcb: {  	v7 =	vld [tilespmem:s17+$0xFFFFFE90];
	[tilespmem:s16+$0x80] =	vst v1;
	v0 =	vadd.f32 v4, v0  }
0xcc: {  	v1 =	vadd.f32 v6, v8;
	v4 =	vld [tilespmem:s0+$0xFFFFFF10]  }
0xcd: {  	v6 =	vld [tilespmem:s17+$0xFFFFFF10];
	[tilespmem:s16+$0x100] =	vst v0  }
0xce: {  	[tilespmem:s16+$0xFFFFFE00] =	vst v1;
	v0 =	vld [tilespmem:s0+$0xFFFFFF90];
	v1 =	vadd.f32 v3, v2  }
0xcf: {  	v2 =	vld [tilespmem:s0+$0xFFFFFE10]  }
0xd0: {  	v3 =	vld [tilespmem:s17+$0xFFFFFE10];
	v5 =	vadd.f32 v7, v5;
	[tilespmem:s16+$0x1A0] =	vst v1  }
0xd1: {  	v1 =	vld [tilespmem:s0+$0x1B0]  }
0xd2: {  	[tilespmem:s16+$0xFFFFFE90] =	vst v5;
	v4 =	vadd.f32 v6, v4;
	v5 =	vld [tilespmem:s17+$0x1B0]  }
0xd3: {  	v6 =	vld [tilespmem:s17+$0xFFFFFF90]  }
0xd4: {  	[tilespmem:s16+$0xFFFFFF10] =	vst v4;
	v4 =	vld [tilespmem:s0+$0x10]  }
0xd5: {  	v2 =	vadd.f32 v3, v2;
	v3 =	vld [tilespmem:s17+$0x10]  }
0xd6: {  	v7 =	vld [tilespmem:s0+$0x90]  }
0xd7: {  	[tilespmem:s16+$0xFFFFFE10] =	vst v2;
	v2 =	vld [tilespmem:s17+$0x90];
	v1 =	vadd.f32 v5, v1  }
0xd8: {  	v0 =	vadd.f32 v6, v0;
	v5 =	vld [tilespmem:s0+$0x110]  }
0xd9: {  	v6 =	vld [tilespmem:s17+$0x110];
	[tilespmem:s16+$0x1B0] =	vst v1  }
0xda: {  	[tilespmem:s16+$0xFFFFFF90] =	vst v0;
	v0 =	vadd.f32 v3, v4;
	v1 =	vld [tilespmem:s0+$0x1C0]  }
0xdb: {  	v3 =	vld [tilespmem:s17+$0x1C0]  }
0xdc: {  	v4 =	vld [tilespmem:s0+$0xFFFFFE20];
	[tilespmem:s16+$0x10] =	vst v0;
	v0 =	vadd.f32 v2, v7  }
0xdd: {  	v2 =	vld [tilespmem:s17+$0xFFFFFE20]  }
0xde: {  	v7 =	vld [tilespmem:s0+$0xFFFFFEA0];
	[tilespmem:s16+$0x90] =	vst v0;
	v0 =	vadd.f32 v6, v5  }
0xdf: {  	v5 =	vld [tilespmem:s17+$0xFFFFFEA0]  }
0xe0: {  	v6 =	vld [tilespmem:s0+$0xFFFFFF20];
	[tilespmem:s16+$0x110] =	vst v0;
	v0 =	vadd.f32 v3, v1  }
0xe1: {  	v1 =	vld [tilespmem:s17+$0xFFFFFF20]  }
0xe2: {  	v2 =	vadd.f32 v2, v4;
	v3 =	vld [tilespmem:s0+$0xFFFFFFA0];
	[tilespmem:s16+$0x1C0] =	vst v0  }
0xe3: {  	v0 =	vld [tilespmem:s0+$0x1D0]  }
0xe4: {  	[tilespmem:s16+$0xFFFFFE20] =	vst v2;
	v2 =	vadd.f32 v5, v7;
	v4 =	vld [tilespmem:s17+$0x1D0]  }
0xe5: {  	v5 =	vld [tilespmem:s17+$0xFFFFFFA0]  }
0xe6: {  	[tilespmem:s16+$0xFFFFFEA0] =	vst v2;
	v1 =	vadd.f32 v1, v6;
	v2 =	vld [tilespmem:s0+$0x20]  }
0xe7: {  	v6 =	vld [tilespmem:s17+$0x20]  }
0xe8: {  	[tilespmem:s16+$0xFFFFFF20] =	vst v1;
	v1 =	vld [tilespmem:s0+$0xA0]  }
0xe9: {  	v7 =	vld [tilespmem:s17+$0xA0];
	v0 =	vadd.f32 v4, v0  }
0xea: {  	v3 =	vadd.f32 v5, v3;
	v4 =	vld [tilespmem:s0+$0x120]  }
0xeb: {  	v5 =	vld [tilespmem:s17+$0x120];
	[tilespmem:s16+$0x1D0] =	vst v0  }
0xec: {  	[tilespmem:s16+$0xFFFFFFA0] =	vst v3;
	v0 =	vadd.f32 v6, v2;
	v2 =	vld [tilespmem:s0+$0x1E0]  }
0xed: {  	v3 =	vld [tilespmem:s17+$0x1E0]  }
0xee: {  	v6 =	vld [tilespmem:s0+$0xFFFFFE30];
	[tilespmem:s16+$0x20] =	vst v0;
	v0 =	vadd.f32 v7, v1  }
0xef: {  	v1 =	vld [tilespmem:s17+$0xFFFFFE30]  }
0xf0: {  	v7 =	vld [tilespmem:s0+$0xFFFFFEB0];
	[tilespmem:s16+$0xA0] =	vst v0;
	v0 =	vadd.f32 v5, v4  }
0xf1: {  	v4 =	vld [tilespmem:s17+$0xFFFFFEB0]  }
0xf2: {  	v5 =	vld [tilespmem:s0+$0xFFFFFF30];
	[tilespmem:s16+$0x120] =	vst v0;
	v0 =	vadd.f32 v3, v2  }
0xf3: {  	v2 =	vld [tilespmem:s17+$0xFFFFFF30]  }
0xf4: {  	v1 =	vadd.f32 v1, v6;
	v3 =	vld [tilespmem:s0+$0xFFFFFFB0];
	[tilespmem:s16+$0x1E0] =	vst v0  }
0xf5: {  	v0 =	vld [tilespmem:s0+$0x1F0]  }
0xf6: {  	[tilespmem:s16+$0xFFFFFE30] =	vst v1;
	v1 =	vadd.f32 v4, v7;
	v4 =	vld [tilespmem:s17+$0x1F0]  }
0xf7: {  	v6 =	vld [tilespmem:s17+$0xFFFFFFB0]  }
0xf8: {  	[tilespmem:s16+$0xFFFFFEB0] =	vst v1;
	v1 =	vadd.f32 v2, v5;
	v2 =	vld [tilespmem:s0+$0x30]  }
0xf9: {  	v5 =	vld [tilespmem:s17+$0x30]  }
0xfa: {  	[tilespmem:s16+$0xFFFFFF30] =	vst v1;
	v1 =	vld [tilespmem:s0+$0xB0]  }
0xfb: {  	v7 =	vld [tilespmem:s17+$0xB0];
	v0 =	vadd.f32 v4, v0  }
0xfc: {  	v3 =	vadd.f32 v6, v3;
	v4 =	vld [tilespmem:s0+$0x130]  }
0xfd: {  	v6 =	vld [tilespmem:s17+$0x130];
	[tilespmem:s16+$0x1F0] =	vst v0  }
0xfe: {  	v0 =	vld [tilespmem:s0+$0xFFFFFE40];
	[tilespmem:s16+$0xFFFFFFB0] =	vst v3;
	v2 =	vadd.f32 v5, v2  }
0xff: {  	v3 =	vld [tilespmem:s17+$0xFFFFFE40]  }
0x100: {  	v5 =	vld [tilespmem:s0+$0xFFFFFEC0];
	[tilespmem:s16+$0x30] =	vst v2;
	v1 =	vadd.f32 v7, v1  }
0x101: {  	v2 =	vld [tilespmem:s17+$0xFFFFFEC0]  }
0x102: {  	v7 =	vld [tilespmem:s0+$0xFFFFFF40];
	[tilespmem:s16+$0xB0] =	vst v1;
	v1 =	vadd.f32 v6, v4  }
0x103: {  	v4 =	vld [tilespmem:s17+$0xFFFFFF40]  }
0x104: {  	v0 =	vadd.f32 v3, v0;
	v3 =	vld [tilespmem:s0+$0xFFFFFFC0];
	[tilespmem:s16+$0x130] =	vst v1  }
0x105: {  	v1 =	vld [tilespmem:s17+$0xFFFFFFC0]  }
0x106: {  	[tilespmem:s16+$0xFFFFFE40] =	vst v0;
	v0 =	vadd.f32 v2, v5;
	v2 =	vld [tilespmem:s0+$0x40]  }
0x107: {  	v5 =	vld [tilespmem:s17+$0x40]  }
0x108: {  	[tilespmem:s16+$0xFFFFFEC0] =	vst v0;
	v0 =	vadd.f32 v4, v7;
	v4 =	vld [tilespmem:s0+$0xC0]  }
0x109: {  	v6 =	vld [tilespmem:s17+$0xC0]  }
0x10a: {  	[tilespmem:s16+$0xFFFFFF40] =	vst v0;
	v0 =	vadd.f32 v1, v3;
	v1 =	vld [tilespmem:s0+$0x140]  }
0x10b: {  	v3 =	vld [tilespmem:s17+$0x140]  }
0x10c: {  	v7 =	vld [tilespmem:s0+$0xFFFFFE50];
	[tilespmem:s16+$0xFFFFFFC0] =	vst v0;
	v0 =	vadd.f32 v5, v2  }
0x10d: {  	v2 =	vld [tilespmem:s17+$0xFFFFFE50]  }
0x10e: {  	v5 =	vld [tilespmem:s0+$0xFFFFFED0];
	[tilespmem:s16+$0x40] =	vst v0;
	v0 =	vadd.f32 v6, v4  }
0x10f: {  	v4 =	vld [tilespmem:s17+$0xFFFFFED0]  }
0x110: {  	v6 =	vld [tilespmem:s0+$0xFFFFFF50];
	[tilespmem:s16+$0xC0] =	vst v0;
	v0 =	vadd.f32 v3, v1  }
0x111: {  	v1 =	vld [tilespmem:s17+$0xFFFFFF50]  }
0x112: {  	v2 =	vadd.f32 v2, v7;
	v3 =	vld [tilespmem:s0+$0xFFFFFFD0];
	[tilespmem:s16+$0x140] =	vst v0  }
0x113: {  	v0 =	vld [tilespmem:s17+$0xFFFFFFD0]  }
0x114: {  	[tilespmem:s16+$0xFFFFFE50] =	vst v2;
	v2 =	vadd.f32 v4, v5;
	v4 =	vld [tilespmem:s0+$0x50]  }
0x115: {  	v5 =	vld [tilespmem:s17+$0x50]  }
0x116: {  	[tilespmem:s16+$0xFFFFFED0] =	vst v2;
	v1 =	vadd.f32 v1, v6;
	v2 =	vld [tilespmem:s0+$0xD0]  }
0x117: {  	v6 =	vld [tilespmem:s17+$0xD0]  }
0x118: {  	[tilespmem:s16+$0xFFFFFF50] =	vst v1;
	v0 =	vadd.f32 v0, v3;
	v1 =	vld [tilespmem:s0+$0x150]  }
0x119: {  	v3 =	vld [tilespmem:s17+$0x150]  }
0x11a: {  	v7 =	vld [tilespmem:s0+$0xFFFFFE60];
	[tilespmem:s16+$0xFFFFFFD0] =	vst v0;
	v0 =	vadd.f32 v5, v4  }
0x11b: {  	v4 =	vld [tilespmem:s17+$0xFFFFFE60]  }
0x11c: {  	v5 =	vld [tilespmem:s0+$0xFFFFFEE0];
	[tilespmem:s16+$0x50] =	vst v0;
	v0 =	vadd.f32 v6, v2  }
0x11d: {  	v2 =	vld [tilespmem:s17+$0xFFFFFEE0]  }
0x11e: {  	v6 =	vld [tilespmem:s0+$0xFFFFFF60];
	[tilespmem:s16+$0xD0] =	vst v0;
	v0 =	vadd.f32 v3, v1  }
0x11f: {  	v1 =	vld [tilespmem:s17+$0xFFFFFF60]  }
0x120: {  	v3 =	vadd.f32 v4, v7;
	v4 =	vld [tilespmem:s0+$0xFFFFFFE0];
	[tilespmem:s16+$0x150] =	vst v0  }
0x121: {  	v0 =	vld [tilespmem:s17+$0xFFFFFFE0]  }
0x122: {  	[tilespmem:s16+$0xFFFFFE60] =	vst v3;
	v2 =	vadd.f32 v2, v5;
	v3 =	vld [tilespmem:s0+$0x60]  }
0x123: {  	v5 =	vld [tilespmem:s17+$0x60]  }
0x124: {  	[tilespmem:s16+$0xFFFFFEE0] =	vst v2;
	v1 =	vadd.f32 v1, v6;
	v2 =	vld [tilespmem:s0+$0xE0]  }
0x125: {  	v6 =	vld [tilespmem:s17+$0xE0]  }
0x126: {  	[tilespmem:s16+$0xFFFFFF60] =	vst v1;
	v0 =	vadd.f32 v0, v4;
	v1 =	vld [tilespmem:s0+$0x160]  }
0x127: {  	v4 =	vld [tilespmem:s17+$0x160]  }
0x128: {  	v7 =	vld [tilespmem:s0+$0xFFFFFE70];
	[tilespmem:s16+$0xFFFFFFE0] =	vst v0;
	v0 =	vadd.f32 v5, v3  }
0x129: {  	v3 =	vld [tilespmem:s17+$0xFFFFFE70]  }
0x12a: {  	v5 =	vld [tilespmem:s0+$0xFFFFFEF0];
	[tilespmem:s16+$0x60] =	vst v0;
	v0 =	vadd.f32 v6, v2  }
0x12b: {  	v2 =	vld [tilespmem:s17+$0xFFFFFEF0]  }
0x12c: {  	v6 =	vld [tilespmem:s0+$0xFFFFFF70];
	[tilespmem:s16+$0xE0] =	vst v0;
	v0 =	vadd.f32 v4, v1  }
0x12d: {  	v1 =	vld [tilespmem:s17+$0xFFFFFF70]  }
0x12e: {  	v3 =	vadd.f32 v3, v7;
	v7 =	vld [tilespmem:s0+$0xFFFFFFF0];
	[tilespmem:s16+$0x160] =	vst v0  }
0x12f: {  	v8 =	vld [tilespmem:s17+$0xFFFFFFF0]  }
0x130: {  	[tilespmem:s16+$0xFFFFFE70] =	vst v3;
	v3 =	vadd.f32 v2, v5;
	v0 =	vld [tilespmem:s0+$0x70]  }
.Ltmp0:
0x131: {  	v2 =	vld [tilespmem:s17+$0x70];
	(pc) =	sbr.rel @p1 .LBB2_3-.Ltmp0, $4  }
0x132: {  	[tilespmem:s16+$0xFFFFFEF0] =	vst v3;
	v3 =	vadd.f32 v1, v6;
	v1 =	vld [tilespmem:s0+$0xF0]  }
0x133: {  	v4 =	vld [tilespmem:s17+$0xF0]  }
0x134: {  	[tilespmem:s16+$0xFFFFFF70] =	vst v3;
	v6 =	vadd.f32 v8, v7;
	v3 =	vld [tilespmem:s0+$0x170]  }
0x135: {  	s0 =	sadd.s32 $0x400, s0;
	v5 =	vld [tilespmem:s17+$0x170]  }
0x136: {  	_ =	sdelay $0x1  }
0x137: {  	v0 =	vadd.f32 v2, v0  }
0x138: {  	[tilespmem:s16+$0xFFFFFFF0] =	vst v6;
	v1 =	vadd.f32 v4, v1  }
0x139: {  	s0 =	sadd.s32 s6, s12;
	[tilespmem:s16+$0x70] =	vst v0;
	v0 =	vadd.f32 v5, v3  }
0x13a: {  	s0 =	sshll.u32 s0, $0x4;
	[tilespmem:s16+$0xF0] =	vst v1  }
0x13b: {  	s17 =	sadd.s32 s12, s14;
	s0 =	sadd.s32 s8, s0;
	[tilespmem:s16+$0x170] =	vst v0  }
0x13c: {  	[hbm4b:s0+s2] =	stream.linear.scatter [tilespmem:s29], [sflag:$0x5], $0x2800, $0x38;
	[tilespmem:$0xF140] =	vst v63  }
0x13d: {  	s0 =	sshrl.u32 s17, $0x3  }
0x13e: {  	s3 =	sadd.s32 s5, s0  }
0x13f: {  	[tilespmem:s2], [sflag:$0x1] =	stream.linear.gather [hbm4b:s3+s2], $0x50, $0x38;
	[tilespmem:$0xF140] =	vst v63  }
0x140: {  	s0 =	sadd.s32 s7, s0  }
0x141: {  	[tilespmem:s18], [sflag:$0x1] =	stream.linear.gather [hbm4b:s0+s2], $0x50, $0x38;
	[tilespmem:$0xF140] =	vst v63  }
0x142: {  	_ =	swait.ge [sflag:s30], $0x2800  }
0x143: {  	[sflag:s30] =	ssyncset.done $0x0  }
0x144: {  	[sflag:s30] =	ssyncadd.s32 $0xFFFFD800  }
0x145: {  	_ =	swait.ge [sflag:s30], $0x2800  }
0x146: {  	[sflag:s30] =	ssyncset.done $0x0  }
0x147: {  	s0 =	simm.s32 @!p0 $0x6;
	[sflag:s30] =	ssyncadd.s32 $0xFFFFD800  }
0x148: {  	_ =	swait.ge @!p0 [sflag:s0], $0x2800  }
0x149: {  	[sflag:s0] =	ssyncset.done @!p0 $0x0  }
0x14a: {  	s3 =	simm.s32 $0x7B40;
	[sflag:s0] =	ssyncadd.s32 @!p0 $0xFFFFD800  }
0x14b: {  	s17 =	simm.s32 $0xA340;
	v0 =	vld [tilespmem:s3+$0x180]  }
0x14c: {  	v1 =	vld [tilespmem:s17+$0x180]  }
0x14d: {  	v2 =	vld [tilespmem:s17+$0xFFFFFE00]  }
0x14e: {  	v3 =	vld [tilespmem:s3+$0xFFFFFE80]  }
0x14f: {  	v4 =	vld [tilespmem:s17+$0xFFFFFE80]  }
0x150: {  	v5 =	vld [tilespmem:s3+$0xFFFFFF00]  }
0x151: {  	v6 =	vld [tilespmem:s17+$0xFFFFFF00]  }
0x152: {  	v7 =	vld [tilespmem:s17+$0xFFFFFF80]  }
0x153: {  	v9 =	vld [tilespmem:s3+$0x0]  }
0x154: {  	v10 =	vld [tilespmem:s17+$0x0]  }
0x155: {  	v11 =	vld [tilespmem:s3+$0x80]  }
0x156: {  	v12 =	vld [tilespmem:s17+$0x80];
	v0 =	vadd.f32 v1, v0  }
0x157: {  	s16 =	simm.s32 $0xCB40;
	v1 =	vld [tilespmem:s3+$0xFFFFFF80]  }
0x158: {  	v3 =	vadd.f32 v4, v3;
	v4 =	vld [tilespmem:s3+$0xFFFFFE00];
	[tilespmem:s16+$0x180] =	vst v0  }
0x159: {  	v0 =	vld [tilespmem:s3+$0x190]  }
0x15a: {  	v8 =	vld [tilespmem:s17+$0x190]  }
0x15b: {  	v13 =	vld [tilespmem:s3+$0x100];
	[tilespmem:s16+$0xFFFFFE80] =	vst v3;
	v3 =	vadd.f32 v6, v5  }
0x15c: {  	v6 =	vld [tilespmem:s3+$0xFFFFFE90]  }
0x15d: {  	[tilespmem:s16+$0xFFFFFF00] =	vst v3;
	v3 =	vld [tilespmem:s17+$0xFFFFFE90];
	v1 =	vadd.f32 v7, v1  }
0x15e: {  	v2 =	vadd.f32 v2, v4;
	v4 =	vld [tilespmem:s3+$0xFFFFFF10]  }
0x15f: {  	[tilespmem:s16+$0xFFFFFF80] =	vst v1;
	v1 =	vld [tilespmem:s17+$0xFFFFFF10];
	v0 =	vadd.f32 v8, v0  }
0x160: {  	[tilespmem:s16+$0xFFFFFE00] =	vst v2;
	v2 =	vld [tilespmem:s3+$0xFFFFFF90]  }
0x161: {  	v32 =	vld [tilespmem:s17+$0xFFFFFF90];
	[tilespmem:s16+$0x190] =	vst v0  }
0x162: {  	v0 =	vld [tilespmem:s3+$0x1A0]  }
0x163: {  	v3 =	vadd.f32 v3, v6;
	v5 =	vld [tilespmem:s17+$0x1A0]  }
0x164: {  	v8 =	vld [tilespmem:s17+$0x100]  }
0x165: {  	v7 =	vld [tilespmem:s17+$0xFFFFFE10];
	[tilespmem:s16+$0xFFFFFE90] =	vst v3;
	v1 =	vadd.f32 v1, v4  }
0x166: {  	v4 =	vld [tilespmem:s3+$0xFFFFFEA0]  }
0x167: {  	[tilespmem:s16+$0xFFFFFF10] =	vst v1;
	v1 =	vadd.f32 v32, v2;
	v2 =	vld [tilespmem:s17+$0xFFFFFEA0]  }
0x168: {  	v0 =	vadd.f32 v5, v0;
	v5 =	vld [tilespmem:s3+$0xFFFFFE10]  }
0x169: {  	v36 =	vld [tilespmem:s3+$0xFFFFFF20];
	[tilespmem:s16+$0xFFFFFF90] =	vst v1  }
0x16a: {  	v1 =	vld [tilespmem:s17+$0xFFFFFF20];
	[tilespmem:s16+$0x1A0] =	vst v0;
	v0 =	vadd.f32 v10, v9  }
0x16b: {  	v37 =	vld [tilespmem:s3+$0xFFFFFFA0]  }
0x16c: {  	v30 =	vld [tilespmem:s3+$0x1B0];
	[tilespmem:s16+$0x0] =	vst v0;
	v0 =	vadd.f32 v12, v11  }
0x16d: {  	v31 =	vld [tilespmem:s17+$0x1B0];
	v5 =	vadd.f32 v7, v5  }
0x16e: {  	v33 =	vld [tilespmem:s3+$0x10];
	[tilespmem:s16+$0x80] =	vst v0;
	v0 =	vadd.f32 v8, v13  }
0x16f: {  	v34 =	vld [tilespmem:s3+$0x90];
	[tilespmem:s16+$0xFFFFFE10] =	vst v5  }
0x170: {  	[tilespmem:s16+$0x100] =	vst v0;
	v0 =	vld [tilespmem:s17+$0x90]  }
0x171: {  	v6 =	vld [tilespmem:s3+$0xFFFFFE20]  }
0x172: {  	v9 =	vadd.f32 v31, v30;
	v3 =	vld [tilespmem:s17+$0xFFFFFE20]  }
0x173: {  	v35 =	vld [tilespmem:s3+$0x110]  }
0x174: {  	v7 =	vld [tilespmem:s17+$0x110];
	[tilespmem:s16+$0x1B0] =	vst v9  }
0x175: {  	v2 =	vadd.f32 v2, v4;
	v9 =	vld [tilespmem:s3+$0x1C0]  }
0x176: {  	v1 =	vadd.f32 v1, v36;
	v5 =	vld [tilespmem:s17+$0x1C0]  }
0x177: {  	[tilespmem:s16+$0xFFFFFEA0] =	vst v2;
	v8 =	vld [tilespmem:s17+$0x10];
	v0 =	vadd.f32 v0, v34  }
0x178: {  	v42 =	vld [tilespmem:s3+$0xFFFFFEB0];
	[tilespmem:s16+$0xFFFFFF20] =	vst v1;
	v3 =	vadd.f32 v3, v6  }
0x179: {  	v43 =	vld [tilespmem:s3+$0xFFFFFF30];
	[tilespmem:s16+$0x90] =	vst v0  }
0x17a: {  	v0 =	vadd.f32 v7, v35;
	[tilespmem:s16+$0xFFFFFE20] =	vst v3;
	v40 =	vld [tilespmem:s3+$0xA0]  }
0x17b: {  	v5 =	vadd.f32 v5, v9;
	v4 =	vld [tilespmem:s3+$0xFFFFFE30]  }
0x17c: {  	[tilespmem:s16+$0x110] =	vst v0;
	v0 =	vld [tilespmem:s17+$0xA0]  }
0x17d: {  	[tilespmem:s16+$0x1C0] =	vst v5;
	v41 =	vld [tilespmem:s3+$0x120]  }
0x17e: {  	v5 =	vadd.f32 v8, v33;
	v8 =	vld [tilespmem:s3+$0x1D0]  }
0x17f: {  	v38 =	vld [tilespmem:s17+$0x1D0]  }
0x180: {  	[tilespmem:s16+$0x10] =	vst v5;
	v5 =	vld [tilespmem:s17+$0xFFFFFFA0]  }
0x181: {  	v6 =	vld [tilespmem:s17+$0x120]  }
0x182: {  	v2 =	vld [tilespmem:s17+$0xFFFFFE30]  }
0x183: {  	v39 =	vld [tilespmem:s3+$0x20];
	v0 =	vadd.f32 v0, v40  }
0x184: {  	v7 =	vld [tilespmem:s17+$0x20];
	v8 =	vadd.f32 v38, v8  }
0x185: {  	[tilespmem:s16+$0xA0] =	vst v0;
	v1 =	vadd.f32 v5, v37;
	v5 =	vld [tilespmem:s17+$0xFFFFFEB0]  }
0x186: {  	v0 =	vadd.f32 v6, v41;
	v46 =	vld [tilespmem:s3+$0xB0];
	[tilespmem:s16+$0x1D0] =	vst v8  }
0x187: {  	v8 =	vld [tilespmem:s3+$0x1E0]  }
0x188: {  	[tilespmem:s16+$0x120] =	vst v0;
	v3 =	vld [tilespmem:s17+$0x1E0]  }
0x189: {  	v0 =	vadd.f32 v2, v4;
	[tilespmem:s16+$0xFFFFFFA0] =	vst v1;
	v1 =	vld [tilespmem:s17+$0xFFFFFF30]  }
0x18a: {  	v2 =	vld [tilespmem:s17+$0xB0]  }
0x18b: {  	v4 =	vld [tilespmem:s3+$0x130];
	[tilespmem:s16+$0xFFFFFE30] =	vst v0  }
0x18c: {  	v47 =	vld [tilespmem:s3+$0xFFFFFE40];
	v0 =	vadd.f32 v5, v42  }
0x18d: {  	v5 =	vld [tilespmem:s17+$0x130]  }
0x18e: {  	v3 =	vadd.f32 v3, v8;
	[tilespmem:s16+$0xFFFFFEB0] =	vst v0;
	v0 =	vadd.f32 v1, v43;
	v1 =	vld [tilespmem:s17+$0xFFFFFE40]  }
0x18f: {  	v8 =	vld [tilespmem:s3+$0xFFFFFFB0]  }
0x190: {  	v48 =	vld [tilespmem:s3+$0xFFFFFEC0];
	[tilespmem:s16+$0x1E0] =	vst v3;
	v3 =	vadd.f32 v7, v39  }
0x191: {  	v7 =	vld [tilespmem:s3+$0x1F0]  }
0x192: {  	[tilespmem:s16+$0x20] =	vst v3;
	v3 =	vld [tilespmem:s17+$0xFFFFFFB0]  }
0x193: {  	v45 =	vld [tilespmem:s3+$0x30];
	v1 =	vadd.f32 v1, v47  }
0x194: {  	v6 =	vld [tilespmem:s17+$0x30]  }
0x195: {  	v44 =	vld [tilespmem:s17+$0x1F0];
	[tilespmem:s16+$0xFFFFFE40] =	vst v1  }
0x196: {  	v52 =	vld [tilespmem:s3+$0xFFFFFE50]  }
0x197: {  	[tilespmem:s16+$0xFFFFFF30] =	vst v0;
	v0 =	vadd.f32 v3, v8;
	v3 =	vld [tilespmem:s17+$0xFFFFFEC0]  }
0x198: {  	v8 =	vld [tilespmem:s3+$0xFFFFFF40]  }
0x199: {  	[tilespmem:s16+$0xFFFFFFB0] =	vst v0;
	v0 =	vadd.f32 v6, v45;
	v6 =	vld [tilespmem:s17+$0xFFFFFF40]  }
0x19a: {  	v49 =	vld [tilespmem:s3+$0xFFFFFFC0]  }
0x19b: {  	[tilespmem:s16+$0x30] =	vst v0;
	v0 =	vadd.f32 v2, v46;
	v2 =	vld [tilespmem:s17+$0xFFFFFFC0]  }
0x19c: {  	v50 =	vld [tilespmem:s3+$0x40]  }
0x19d: {  	v1 =	vadd.f32 v3, v48;
	[tilespmem:s16+$0xB0] =	vst v0;
	v0 =	vadd.f32 v5, v4;
	v4 =	vld [tilespmem:s17+$0x40]  }
0x19e: {  	v5 =	vld [tilespmem:s3+$0xC0]  }
0x19f: {  	[tilespmem:s16+$0xFFFFFEC0] =	vst v1;
	v1 =	vadd.f32 v6, v8;
	v6 =	vld [tilespmem:s17+$0xFFFFFE50]  }
0x1a0: {  	[tilespmem:s16+$0x130] =	vst v0;
	v0 =	vld [tilespmem:s17+$0xC0]  }
0x1a1: {  	v8 =	vld [tilespmem:s3+$0xFFFFFED0]  }
0x1a2: {  	v51 =	vld [tilespmem:s3+$0x140]  }
0x1a3: {  	v3 =	vld [tilespmem:s17+$0x140]  }
0x1a4: {  	[tilespmem:s16+$0xFFFFFF40] =	vst v1;
	v1 =	vadd.f32 v2, v49;
	v2 =	vld [tilespmem:s17+$0xFFFFFED0]  }
0x1a5: {  	v53 =	vld [tilespmem:s3+$0xFFFFFF50]  }
0x1a6: {  	[tilespmem:s16+$0xFFFFFFC0] =	vst v1;
	v1 =	vadd.f32 v4, v50;
	v4 =	vld [tilespmem:s17+$0xFFFFFF50]  }
0x1a7: {  	v54 =	vld [tilespmem:s3+$0xFFFFFFD0];
	v6 =	vadd.f32 v6, v52  }
0x1a8: {  	[tilespmem:s16+$0x40] =	vst v1;
	v0 =	vadd.f32 v0, v5;
	v1 =	vld [tilespmem:s17+$0xFFFFFFD0]  }
0x1a9: {  	v5 =	vld [tilespmem:s3+$0x50];
	[tilespmem:s16+$0xFFFFFE50] =	vst v6  }
0x1aa: {  	[tilespmem:s16+$0xC0] =	vst v0;
	v0 =	vadd.f32 v3, v51;
	v3 =	vld [tilespmem:s17+$0x50]  }
0x1ab: {  	v2 =	vadd.f32 v2, v8;
	v8 =	vld [tilespmem:s3+$0xFFFFFE60]  }
0x1ac: {  	v55 =	vld [tilespmem:s3+$0xD0]  }
0x1ad: {  	[tilespmem:s16+$0xFFFFFED0] =	vst v2;
	v2 =	vadd.f32 v4, v53;
	v4 =	vld [tilespmem:s17+$0xFFFFFE60]  }
0x1ae: {  	[tilespmem:s16+$0x140] =	vst v0;
	v0 =	vld [tilespmem:s17+$0xD0]  }
0x1af: {  	v57 =	vld [tilespmem:s3+$0xFFFFFEE0]  }
0x1b0: {  	v56 =	vld [tilespmem:s3+$0x150]  }
0x1b1: {  	v6 =	vld [tilespmem:s17+$0x150]  }
0x1b2: {  	[tilespmem:s16+$0xFFFFFF50] =	vst v2;
	v1 =	vadd.f32 v1, v54;
	v2 =	vld [tilespmem:s17+$0xFFFFFEE0]  }
0x1b3: {  	v58 =	vld [tilespmem:s3+$0xFFFFFF60]  }
0x1b4: {  	[tilespmem:s16+$0xFFFFFFD0] =	vst v1;
	v1 =	vadd.f32 v3, v5;
	v3 =	vld [tilespmem:s17+$0xFFFFFF60]  }
0x1b5: {  	v5 =	vld [tilespmem:s3+$0xFFFFFFE0];
	v4 =	vadd.f32 v4, v8  }
0x1b6: {  	[tilespmem:s16+$0x50] =	vst v1;
	v0 =	vadd.f32 v0, v55;
	v1 =	vld [tilespmem:s17+$0xFFFFFFE0]  }
0x1b7: {  	v59 =	vld [tilespmem:s3+$0x60];
	[tilespmem:s16+$0xFFFFFE60] =	vst v4  }
0x1b8: {  	[tilespmem:s16+$0xD0] =	vst v0;
	v0 =	vadd.f32 v6, v56;
	v6 =	vld [tilespmem:s17+$0x60]  }
0x1b9: {  	v2 =	vadd.f32 v2, v57;
	v61 =	vld [tilespmem:s3+$0xFFFFFE70]  }
0x1ba: {  	v60 =	vld [tilespmem:s3+$0xE0]  }
0x1bb: {  	[tilespmem:s16+$0xFFFFFEE0] =	vst v2;
	v2 =	vadd.f32 v3, v58;
	v3 =	vld [tilespmem:s17+$0xFFFFFE70]  }
0x1bc: {  	[tilespmem:s16+$0x150] =	vst v0;
	v0 =	vld [tilespmem:s17+$0xE0]  }
0x1bd: {  	v62 =	vld [tilespmem:s3+$0xFFFFFEF0]  }
0x1be: {  	v8 =	vld [tilespmem:s3+$0x160]  }
0x1bf: {  	v4 =	vld [tilespmem:s17+$0x160]  }
0x1c0: {  	[tilespmem:s16+$0xFFFFFF60] =	vst v2;
	v1 =	vadd.f32 v1, v5;
	v5 =	vld [tilespmem:s17+$0xFFFFFEF0]  }
0x1c1: {  	v14 =	vld [tilespmem:s3+$0xFFFFFF70]  }
0x1c2: {  	[tilespmem:s16+$0xFFFFFFE0] =	vst v1;
	v1 =	vadd.f32 v6, v59;
	v6 =	vld [tilespmem:s17+$0xFFFFFF70]  }
0x1c3: {  	v2 =	vadd.f32 v44, v7;
	v7 =	vld [tilespmem:s3+$0xFFFFFFF0]  }
0x1c4: {  	v63 =	vld [tilespmem:s17+$0xFFFFFFF0];
	[tilespmem:s16+$0x60] =	vst v1;
	v1 =	vadd.f32 v0, v60  }
0x1c5: {  	[tilespmem:s16+$0x1F0] =	vst v2;
	v3 =	vadd.f32 v3, v61;
	v0 =	vld [tilespmem:s3+$0x70]  }
0x1c6: {  	v4 =	vadd.f32 v4, v8;
	v2 =	vld [tilespmem:s17+$0x70];
	[tilespmem:s16+$0xE0] =	vst v1  }
0x1c7: {  	[tilespmem:s16+$0xFFFFFE70] =	vst v3;
	v1 =	vld [tilespmem:s3+$0xF0];
	v6 =	vadd.f32 v6, v14  }
0x1c8: {  	v5 =	vadd.f32 v5, v62;
	[tilespmem:s16+$0x160] =	vst v4;
	v4 =	vld [tilespmem:s17+$0xF0]  }
0x1c9: {  	v3 =	vld [tilespmem:s3+$0x170];
	[tilespmem:s16+$0xFFFFFF70] =	vst v6;
	v6 =	vadd.f32 v63, v7  }
0x1ca: {  	s0 =	simm.s32 $0x7F40;
	[tilespmem:s16+$0xFFFFFEF0] =	vst v5;
	s3 =	simm.s32 $0x0;
	v5 =	vld [tilespmem:s17+$0x170]  }
.LBB2_5:
0x1cb: {  	v7 =	vld [tilespmem:s0+$0x180];
	[tilespmem:s16+$0xFFFFFFF0] =	vst v6;
	v0 =	vadd.f32 v2, v0;
	s17 =	sadd.s32 $0x400, s17  }
0x1cc: {  	v2 =	vld [tilespmem:s17+$0x180]  }
0x1cd: {  	v6 =	vld [tilespmem:s17+$0xFFFFFE00];
	[tilespmem:s16+$0x70] =	vst v0;
	v0 =	vadd.f32 v4, v1  }
0x1ce: {  	v1 =	vld [tilespmem:s0+$0xFFFFFE80]  }
0x1cf: {  	v4 =	vld [tilespmem:s17+$0xFFFFFE80];
	[tilespmem:s16+$0xF0] =	vst v0;
	v0 =	vadd.f32 v5, v3  }
0x1d0: {  	v3 =	vld [tilespmem:s0+$0xFFFFFF00]  }
0x1d1: {  	v5 =	vld [tilespmem:s17+$0xFFFFFF00];
	v2 =	vadd.f32 v2, v7;
	[tilespmem:s16+$0x170] =	vst v0  }
0x1d2: {  	s16 =	sadd.s32 $0x400, s16;
	v0 =	vld [tilespmem:s0+$0xFFFFFF80]  }
0x1d3: {  	s3 =	sadd.s32 $0x8, s3;
	v7 =	vld [tilespmem:s17+$0xFFFFFF80];
	[tilespmem:s16+$0x180] =	vst v2  }
0x1d4: {  	p0 =	slt.u32 s3, $0x48;
	v1 =	vadd.f32 v4, v1;
	v2 =	vld [tilespmem:s0+$0x190]  }
0x1d5: {  	v4 =	vld [tilespmem:s17+$0x190]  }
0x1d6: {  	[tilespmem:s16+$0xFFFFFE80] =	vst v1;
	v1 =	vadd.f32 v5, v3;
	v3 =	vld [tilespmem:s0+$0x0]  }
0x1d7: {  	v5 =	vld [tilespmem:s17+$0x0]  }
0x1d8: {  	[tilespmem:s16+$0xFFFFFF00] =	vst v1;
	v0 =	vadd.f32 v7, v0;
	v1 =	vld [tilespmem:s0+$0x80]  }
0x1d9: {  	v7 =	vld [tilespmem:s17+$0x80]  }
0x1da: {  	[tilespmem:s16+$0xFFFFFF80] =	vst v0;
	v0 =	vld [tilespmem:s0+$0x100];
	v2 =	vadd.f32 v4, v2  }
0x1db: {  	v4 =	vld [tilespmem:s17+$0x100]  }
0x1dc: {  	v8 =	vld [tilespmem:s0+$0xFFFFFE00];
	v3 =	vadd.f32 v5, v3;
	[tilespmem:s16+$0x190] =	vst v2  }
0x1dd: {  	v2 =	vld [tilespmem:s0+$0x1A0]  }
0x1de: {  	[tilespmem:s16+$0x0] =	vst v3;
	v1 =	vadd.f32 v7, v1;
	v3 =	vld [tilespmem:s17+$0x1A0]  }
0x1df: {  	v5 =	vld [tilespmem:s0+$0xFFFFFE90]  }
0x1e0: {  	v7 =	vld [tilespmem:s17+$0xFFFFFE90];
	[tilespmem:s16+$0x80] =	vst v1;
	v0 =	vadd.f32 v4, v0  }
0x1e1: {  	v1 =	vadd.f32 v6, v8;
	v4 =	vld [tilespmem:s0+$0xFFFFFF10]  }
0x1e2: {  	v6 =	vld [tilespmem:s17+$0xFFFFFF10];
	[tilespmem:s16+$0x100] =	vst v0  }
0x1e3: {  	[tilespmem:s16+$0xFFFFFE00] =	vst v1;
	v0 =	vld [tilespmem:s0+$0xFFFFFF90];
	v1 =	vadd.f32 v3, v2  }
0x1e4: {  	v2 =	vld [tilespmem:s0+$0xFFFFFE10]  }
0x1e5: {  	v3 =	vld [tilespmem:s17+$0xFFFFFE10];
	v5 =	vadd.f32 v7, v5;
	[tilespmem:s16+$0x1A0] =	vst v1  }
0x1e6: {  	v1 =	vld [tilespmem:s0+$0x1B0]  }
0x1e7: {  	[tilespmem:s16+$0xFFFFFE90] =	vst v5;
	v4 =	vadd.f32 v6, v4;
	v5 =	vld [tilespmem:s17+$0x1B0]  }
0x1e8: {  	v6 =	vld [tilespmem:s17+$0xFFFFFF90]  }
0x1e9: {  	[tilespmem:s16+$0xFFFFFF10] =	vst v4;
	v4 =	vld [tilespmem:s0+$0x10]  }
0x1ea: {  	v2 =	vadd.f32 v3, v2;
	v3 =	vld [tilespmem:s17+$0x10]  }
0x1eb: {  	v7 =	vld [tilespmem:s0+$0x90]  }
0x1ec: {  	[tilespmem:s16+$0xFFFFFE10] =	vst v2;
	v2 =	vld [tilespmem:s17+$0x90];
	v1 =	vadd.f32 v5, v1  }
0x1ed: {  	v0 =	vadd.f32 v6, v0;
	v5 =	vld [tilespmem:s0+$0x110]  }
0x1ee: {  	v6 =	vld [tilespmem:s17+$0x110];
	[tilespmem:s16+$0x1B0] =	vst v1  }
0x1ef: {  	[tilespmem:s16+$0xFFFFFF90] =	vst v0;
	v0 =	vadd.f32 v3, v4;
	v1 =	vld [tilespmem:s0+$0x1C0]  }
0x1f0: {  	v3 =	vld [tilespmem:s17+$0x1C0]  }
0x1f1: {  	v4 =	vld [tilespmem:s0+$0xFFFFFE20];
	[tilespmem:s16+$0x10] =	vst v0;
	v0 =	vadd.f32 v2, v7  }
0x1f2: {  	v2 =	vld [tilespmem:s17+$0xFFFFFE20]  }
0x1f3: {  	v7 =	vld [tilespmem:s0+$0xFFFFFEA0];
	[tilespmem:s16+$0x90] =	vst v0;
	v0 =	vadd.f32 v6, v5  }
0x1f4: {  	v5 =	vld [tilespmem:s17+$0xFFFFFEA0]  }
0x1f5: {  	v6 =	vld [tilespmem:s0+$0xFFFFFF20];
	[tilespmem:s16+$0x110] =	vst v0;
	v0 =	vadd.f32 v3, v1  }
0x1f6: {  	v1 =	vld [tilespmem:s17+$0xFFFFFF20]  }
0x1f7: {  	v2 =	vadd.f32 v2, v4;
	v3 =	vld [tilespmem:s0+$0xFFFFFFA0];
	[tilespmem:s16+$0x1C0] =	vst v0  }
0x1f8: {  	v0 =	vld [tilespmem:s0+$0x1D0]  }
0x1f9: {  	[tilespmem:s16+$0xFFFFFE20] =	vst v2;
	v2 =	vadd.f32 v5, v7;
	v4 =	vld [tilespmem:s17+$0x1D0]  }
0x1fa: {  	v5 =	vld [tilespmem:s17+$0xFFFFFFA0]  }
0x1fb: {  	[tilespmem:s16+$0xFFFFFEA0] =	vst v2;
	v1 =	vadd.f32 v1, v6;
	v2 =	vld [tilespmem:s0+$0x20]  }
0x1fc: {  	v6 =	vld [tilespmem:s17+$0x20]  }
0x1fd: {  	[tilespmem:s16+$0xFFFFFF20] =	vst v1;
	v1 =	vld [tilespmem:s0+$0xA0]  }
0x1fe: {  	v7 =	vld [tilespmem:s17+$0xA0];
	v0 =	vadd.f32 v4, v0  }
0x1ff: {  	v3 =	vadd.f32 v5, v3;
	v4 =	vld [tilespmem:s0+$0x120]  }
0x200: {  	v5 =	vld [tilespmem:s17+$0x120];
	[tilespmem:s16+$0x1D0] =	vst v0  }
0x201: {  	[tilespmem:s16+$0xFFFFFFA0] =	vst v3;
	v0 =	vadd.f32 v6, v2;
	v2 =	vld [tilespmem:s0+$0x1E0]  }
0x202: {  	v3 =	vld [tilespmem:s17+$0x1E0]  }
0x203: {  	v6 =	vld [tilespmem:s0+$0xFFFFFE30];
	[tilespmem:s16+$0x20] =	vst v0;
	v0 =	vadd.f32 v7, v1  }
0x204: {  	v1 =	vld [tilespmem:s17+$0xFFFFFE30]  }
0x205: {  	v7 =	vld [tilespmem:s0+$0xFFFFFEB0];
	[tilespmem:s16+$0xA0] =	vst v0;
	v0 =	vadd.f32 v5, v4  }
0x206: {  	v4 =	vld [tilespmem:s17+$0xFFFFFEB0]  }
0x207: {  	v5 =	vld [tilespmem:s0+$0xFFFFFF30];
	[tilespmem:s16+$0x120] =	vst v0;
	v0 =	vadd.f32 v3, v2  }
0x208: {  	v2 =	vld [tilespmem:s17+$0xFFFFFF30]  }
0x209: {  	v1 =	vadd.f32 v1, v6;
	v3 =	vld [tilespmem:s0+$0xFFFFFFB0];
	[tilespmem:s16+$0x1E0] =	vst v0  }
0x20a: {  	v0 =	vld [tilespmem:s0+$0x1F0]  }
0x20b: {  	[tilespmem:s16+$0xFFFFFE30] =	vst v1;
	v1 =	vadd.f32 v4, v7;
	v4 =	vld [tilespmem:s17+$0x1F0]  }
0x20c: {  	v6 =	vld [tilespmem:s17+$0xFFFFFFB0]  }
0x20d: {  	[tilespmem:s16+$0xFFFFFEB0] =	vst v1;
	v1 =	vadd.f32 v2, v5;
	v2 =	vld [tilespmem:s0+$0x30]  }
0x20e: {  	v5 =	vld [tilespmem:s17+$0x30]  }
0x20f: {  	[tilespmem:s16+$0xFFFFFF30] =	vst v1;
	v1 =	vld [tilespmem:s0+$0xB0]  }
0x210: {  	v7 =	vld [tilespmem:s17+$0xB0];
	v0 =	vadd.f32 v4, v0  }
0x211: {  	v3 =	vadd.f32 v6, v3;
	v4 =	vld [tilespmem:s0+$0x130]  }
0x212: {  	v6 =	vld [tilespmem:s17+$0x130];
	[tilespmem:s16+$0x1F0] =	vst v0  }
0x213: {  	v0 =	vld [tilespmem:s0+$0xFFFFFE40];
	[tilespmem:s16+$0xFFFFFFB0] =	vst v3;
	v2 =	vadd.f32 v5, v2  }
0x214: {  	v3 =	vld [tilespmem:s17+$0xFFFFFE40]  }
0x215: {  	v5 =	vld [tilespmem:s0+$0xFFFFFEC0];
	[tilespmem:s16+$0x30] =	vst v2;
	v1 =	vadd.f32 v7, v1  }
0x216: {  	v2 =	vld [tilespmem:s17+$0xFFFFFEC0]  }
0x217: {  	v7 =	vld [tilespmem:s0+$0xFFFFFF40];
	[tilespmem:s16+$0xB0] =	vst v1;
	v1 =	vadd.f32 v6, v4  }
0x218: {  	v4 =	vld [tilespmem:s17+$0xFFFFFF40]  }
0x219: {  	v0 =	vadd.f32 v3, v0;
	v3 =	vld [tilespmem:s0+$0xFFFFFFC0];
	[tilespmem:s16+$0x130] =	vst v1  }
0x21a: {  	v1 =	vld [tilespmem:s17+$0xFFFFFFC0]  }
0x21b: {  	[tilespmem:s16+$0xFFFFFE40] =	vst v0;
	v0 =	vadd.f32 v2, v5;
	v2 =	vld [tilespmem:s0+$0x40]  }
0x21c: {  	v5 =	vld [tilespmem:s17+$0x40]  }
0x21d: {  	[tilespmem:s16+$0xFFFFFEC0] =	vst v0;
	v0 =	vadd.f32 v4, v7;
	v4 =	vld [tilespmem:s0+$0xC0]  }
0x21e: {  	v6 =	vld [tilespmem:s17+$0xC0]  }
0x21f: {  	[tilespmem:s16+$0xFFFFFF40] =	vst v0;
	v0 =	vadd.f32 v1, v3;
	v1 =	vld [tilespmem:s0+$0x140]  }
0x220: {  	v3 =	vld [tilespmem:s17+$0x140]  }
0x221: {  	v7 =	vld [tilespmem:s0+$0xFFFFFE50];
	[tilespmem:s16+$0xFFFFFFC0] =	vst v0;
	v0 =	vadd.f32 v5, v2  }
0x222: {  	v2 =	vld [tilespmem:s17+$0xFFFFFE50]  }
0x223: {  	v5 =	vld [tilespmem:s0+$0xFFFFFED0];
	[tilespmem:s16+$0x40] =	vst v0;
	v0 =	vadd.f32 v6, v4  }
0x224: {  	v4 =	vld [tilespmem:s17+$0xFFFFFED0]  }
0x225: {  	v6 =	vld [tilespmem:s0+$0xFFFFFF50];
	[tilespmem:s16+$0xC0] =	vst v0;
	v0 =	vadd.f32 v3, v1  }
0x226: {  	v1 =	vld [tilespmem:s17+$0xFFFFFF50]  }
0x227: {  	v2 =	vadd.f32 v2, v7;
	v3 =	vld [tilespmem:s0+$0xFFFFFFD0];
	[tilespmem:s16+$0x140] =	vst v0  }
0x228: {  	v0 =	vld [tilespmem:s17+$0xFFFFFFD0]  }
0x229: {  	[tilespmem:s16+$0xFFFFFE50] =	vst v2;
	v2 =	vadd.f32 v4, v5;
	v4 =	vld [tilespmem:s0+$0x50]  }
0x22a: {  	v5 =	vld [tilespmem:s17+$0x50]  }
0x22b: {  	[tilespmem:s16+$0xFFFFFED0] =	vst v2;
	v1 =	vadd.f32 v1, v6;
	v2 =	vld [tilespmem:s0+$0xD0]  }
0x22c: {  	v6 =	vld [tilespmem:s17+$0xD0]  }
0x22d: {  	[tilespmem:s16+$0xFFFFFF50] =	vst v1;
	v0 =	vadd.f32 v0, v3;
	v1 =	vld [tilespmem:s0+$0x150]  }
0x22e: {  	v3 =	vld [tilespmem:s17+$0x150]  }
0x22f: {  	v7 =	vld [tilespmem:s0+$0xFFFFFE60];
	[tilespmem:s16+$0xFFFFFFD0] =	vst v0;
	v0 =	vadd.f32 v5, v4  }
0x230: {  	v4 =	vld [tilespmem:s17+$0xFFFFFE60]  }
0x231: {  	v5 =	vld [tilespmem:s0+$0xFFFFFEE0];
	[tilespmem:s16+$0x50] =	vst v0;
	v0 =	vadd.f32 v6, v2  }
0x232: {  	v2 =	vld [tilespmem:s17+$0xFFFFFEE0]  }
0x233: {  	v6 =	vld [tilespmem:s0+$0xFFFFFF60];
	[tilespmem:s16+$0xD0] =	vst v0;
	v0 =	vadd.f32 v3, v1  }
0x234: {  	v1 =	vld [tilespmem:s17+$0xFFFFFF60]  }
0x235: {  	v3 =	vadd.f32 v4, v7;
	v4 =	vld [tilespmem:s0+$0xFFFFFFE0];
	[tilespmem:s16+$0x150] =	vst v0  }
0x236: {  	v0 =	vld [tilespmem:s17+$0xFFFFFFE0]  }
0x237: {  	[tilespmem:s16+$0xFFFFFE60] =	vst v3;
	v2 =	vadd.f32 v2, v5;
	v3 =	vld [tilespmem:s0+$0x60]  }
0x238: {  	v5 =	vld [tilespmem:s17+$0x60]  }
0x239: {  	[tilespmem:s16+$0xFFFFFEE0] =	vst v2;
	v1 =	vadd.f32 v1, v6;
	v2 =	vld [tilespmem:s0+$0xE0]  }
0x23a: {  	v6 =	vld [tilespmem:s17+$0xE0]  }
0x23b: {  	[tilespmem:s16+$0xFFFFFF60] =	vst v1;
	v0 =	vadd.f32 v0, v4;
	v1 =	vld [tilespmem:s0+$0x160]  }
0x23c: {  	v4 =	vld [tilespmem:s17+$0x160]  }
0x23d: {  	v7 =	vld [tilespmem:s0+$0xFFFFFE70];
	[tilespmem:s16+$0xFFFFFFE0] =	vst v0;
	v0 =	vadd.f32 v5, v3  }
0x23e: {  	v3 =	vld [tilespmem:s17+$0xFFFFFE70]  }
0x23f: {  	v5 =	vld [tilespmem:s0+$0xFFFFFEF0];
	[tilespmem:s16+$0x60] =	vst v0;
	v0 =	vadd.f32 v6, v2  }
0x240: {  	v2 =	vld [tilespmem:s17+$0xFFFFFEF0]  }
0x241: {  	v6 =	vld [tilespmem:s0+$0xFFFFFF70];
	[tilespmem:s16+$0xE0] =	vst v0;
	v0 =	vadd.f32 v4, v1  }
0x242: {  	v1 =	vld [tilespmem:s17+$0xFFFFFF70]  }
0x243: {  	v3 =	vadd.f32 v3, v7;
	v7 =	vld [tilespmem:s0+$0xFFFFFFF0];
	[tilespmem:s16+$0x160] =	vst v0  }
0x244: {  	v8 =	vld [tilespmem:s17+$0xFFFFFFF0]  }
0x245: {  	[tilespmem:s16+$0xFFFFFE70] =	vst v3;
	v3 =	vadd.f32 v2, v5;
	v0 =	vld [tilespmem:s0+$0x70]  }
.Ltmp1:
0x246: {  	v2 =	vld [tilespmem:s17+$0x70];
	(pc) =	sbr.rel @p0 .LBB2_5-.Ltmp1, $4  }
0x247: {  	[tilespmem:s16+$0xFFFFFEF0] =	vst v3;
	v3 =	vadd.f32 v1, v6;
	v1 =	vld [tilespmem:s0+$0xF0]  }
0x248: {  	v4 =	vld [tilespmem:s17+$0xF0]  }
0x249: {  	[tilespmem:s16+$0xFFFFFF70] =	vst v3;
	v6 =	vadd.f32 v8, v7;
	v3 =	vld [tilespmem:s0+$0x170]  }
0x24a: {  	s0 =	sadd.s32 $0x400, s0;
	v5 =	vld [tilespmem:s17+$0x170]  }
0x24b: {  	_ =	sdelay $0x1  }
0x24c: {  	v0 =	vadd.f32 v2, v0  }
0x24d: {  	[tilespmem:s16+$0xFFFFFFF0] =	vst v6;
	v1 =	vadd.f32 v4, v1  }
0x24e: {  	s0 =	sshll.u32 s13, $0x4;
	[tilespmem:s16+$0x70] =	vst v0;
	v63 =	vadd.f32 v5, v3  }
0x24f: {  	s0 =	sand.u32 $0x1FFFFF00, s0;
	[tilespmem:s16+$0xF0] =	vst v1  }
0x250: {  	p0 =	seq.s32 s11, $0x3D;
	s0 =	sadd.s32 s8, s0;
	[tilespmem:s16+$0x170] =	vst v63  }
0x251: {  	[hbm4b:s0+s2] =	stream.linear.scatter [tilespmem:s31], [sflag:$0x6], $0x2800, $0x38;
	[tilespmem:$0xF140] =	vst v63  }
0x252: {  	s0 =	sadd.s32 @!p0 s12, s15  }
0x253: {  	s0 =	sshrl.u32 @!p0 s0, $0x3  }
0x254: {  	s13 =	simm.s32 @!p0 $0x78A0;
	s12 =	simm.s32 @!p0 $0x0;
	s3 =	sadd.s32 @!p0 s5, s0  }
0x255: {  	[tilespmem:s13], [sflag:$0x2] =	stream.linear.gather @!p0 [hbm4b:s3+s12], $0x50, $0x38;
	[tilespmem:$0xF140] =	vst v63  }
0x256: {  	s0 =	sadd.s32 @!p0 s7, s0;
	s3 =	simm.s32 @!p0 $0x78F0  }
0x257: {  	[tilespmem:s3], [sflag:$0x2] =	stream.linear.gather @!p0 [hbm4b:s0+s12], $0x50, $0x38;
	[tilespmem:$0xF140] =	vst v63  }
0x258: {  	_ =	swait.ge [sflag:s21], $0x50  }
0x259: {  	[sflag:s21] =	ssyncset.done $0x0  }
0x25a: {  	s11 =	sadd.s32 $0x1, s11;
	[sflag:s21] =	ssyncadd.s32 $0xFFFFFFB0  }
0x25b: {  	p0 =	sne.s32 s11, $0x3E;
	_ =	swait.ge [sflag:s21], $0x50  }
.Ltmp2:
0x25c: {  	[sflag:s21] =	ssyncset.done $0x0;
	(pc) =	sbr.rel @p0 .LBB2_2-.Ltmp2, $4  }
0x25d: {  	[sflag:s21] =	ssyncadd.s32 $0xFFFFFFB0  }
0x25e: {  	[tilespmem:s22], [sflag:$0x3] =	stream.indirect.gather [hbm4b:s1+s18], $0x80, s2, s18, $0xb8;
	[tilespmem:$0xF140] =	vst v63  }
0x25f: {  	_ = 	snop  }
0x260: {  	[tilespmem:s23], [sflag:$0x3] =	stream.indirect.gather [hbm4b:s4+s18], $0x80, s18, s18, $0xb8;
	[tilespmem:$0xF140] =	vst v63  }
0x261: {  	_ =	swait.ge [sflag:s28], $0x2800  }
0x262: {  	[sflag:s28] =	ssyncset.done $0x0  }
0x263: {  	[sflag:s28] =	ssyncadd.s32 $0xFFFFD800  }
0x264: {  	_ =	swait.ge [sflag:s28], $0x2800  }
0x265: {  	[sflag:s28] =	ssyncset.done $0x0  }
0x266: {  	s13 =	simm.s32 $0x5;
	[sflag:s28] =	ssyncadd.s32 $0xFFFFD800  }
0x267: {  	_ =	swait.ge [sflag:s13], $0x2800  }
0x268: {  	[sflag:s13] =	ssyncset.done $0x0  }
0x269: {  	s0 =	simm.s32 $0x2A0;
	[sflag:s13] =	ssyncadd.s32 $0xFFFFD800  }
0x26a: {  	s11 =	simm.s32 $0x2AA0;
	v0 =	vld [tilespmem:s0+$0x180]  }
0x26b: {  	v1 =	vld [tilespmem:s11+$0x180]  }
0x26c: {  	v2 =	vld [tilespmem:s11+$0xFFFFFE00]  }
0x26d: {  	v3 =	vld [tilespmem:s0+$0xFFFFFE80]  }
0x26e: {  	v4 =	vld [tilespmem:s11+$0xFFFFFE80]  }
0x26f: {  	v5 =	vld [tilespmem:s0+$0xFFFFFF00]  }
0x270: {  	v6 =	vld [tilespmem:s11+$0xFFFFFF00]  }
0x271: {  	v7 =	vld [tilespmem:s11+$0xFFFFFF80]  }
0x272: {  	v9 =	vld [tilespmem:s0+$0x0]  }
0x273: {  	v10 =	vld [tilespmem:s11+$0x0]  }
0x274: {  	v11 =	vld [tilespmem:s0+$0x80]  }
0x275: {  	v12 =	vld [tilespmem:s11+$0x80];
	v0 =	vadd.f32 v1, v0  }
0x276: {  	s12 =	simm.s32 $0x52A0;
	v1 =	vld [tilespmem:s0+$0xFFFFFF80]  }
0x277: {  	v3 =	vadd.f32 v4, v3;
	v4 =	vld [tilespmem:s0+$0xFFFFFE00];
	[tilespmem:s12+$0x180] =	vst v0  }
0x278: {  	v0 =	vld [tilespmem:s0+$0x190]  }
0x279: {  	v8 =	vld [tilespmem:s11+$0x190]  }
0x27a: {  	v13 =	vld [tilespmem:s0+$0x100];
	[tilespmem:s12+$0xFFFFFE80] =	vst v3;
	v3 =	vadd.f32 v6, v5  }
0x27b: {  	v6 =	vld [tilespmem:s0+$0xFFFFFE90]  }
0x27c: {  	[tilespmem:s12+$0xFFFFFF00] =	vst v3;
	v3 =	vld [tilespmem:s11+$0xFFFFFE90];
	v1 =	vadd.f32 v7, v1  }
0x27d: {  	v2 =	vadd.f32 v2, v4;
	v4 =	vld [tilespmem:s0+$0xFFFFFF10]  }
0x27e: {  	[tilespmem:s12+$0xFFFFFF80] =	vst v1;
	v1 =	vld [tilespmem:s11+$0xFFFFFF10];
	v0 =	vadd.f32 v8, v0  }
0x27f: {  	[tilespmem:s12+$0xFFFFFE00] =	vst v2;
	v2 =	vld [tilespmem:s0+$0xFFFFFF90]  }
0x280: {  	v32 =	vld [tilespmem:s11+$0xFFFFFF90];
	[tilespmem:s12+$0x190] =	vst v0  }
0x281: {  	v0 =	vld [tilespmem:s0+$0x1A0]  }
0x282: {  	v3 =	vadd.f32 v3, v6;
	v5 =	vld [tilespmem:s11+$0x1A0]  }
0x283: {  	v8 =	vld [tilespmem:s11+$0x100]  }
0x284: {  	v7 =	vld [tilespmem:s11+$0xFFFFFE10];
	[tilespmem:s12+$0xFFFFFE90] =	vst v3;
	v1 =	vadd.f32 v1, v4  }
0x285: {  	v4 =	vld [tilespmem:s0+$0xFFFFFEA0]  }
0x286: {  	[tilespmem:s12+$0xFFFFFF10] =	vst v1;
	v1 =	vadd.f32 v32, v2;
	v2 =	vld [tilespmem:s11+$0xFFFFFEA0]  }
0x287: {  	v0 =	vadd.f32 v5, v0;
	v5 =	vld [tilespmem:s0+$0xFFFFFE10]  }
0x288: {  	v36 =	vld [tilespmem:s0+$0xFFFFFF20];
	[tilespmem:s12+$0xFFFFFF90] =	vst v1  }
0x289: {  	v1 =	vld [tilespmem:s11+$0xFFFFFF20];
	[tilespmem:s12+$0x1A0] =	vst v0;
	v0 =	vadd.f32 v10, v9  }
0x28a: {  	v37 =	vld [tilespmem:s0+$0xFFFFFFA0]  }
0x28b: {  	v30 =	vld [tilespmem:s0+$0x1B0];
	[tilespmem:s12+$0x0] =	vst v0;
	v0 =	vadd.f32 v12, v11  }
0x28c: {  	v31 =	vld [tilespmem:s11+$0x1B0];
	v5 =	vadd.f32 v7, v5  }
0x28d: {  	v33 =	vld [tilespmem:s0+$0x10];
	[tilespmem:s12+$0x80] =	vst v0;
	v0 =	vadd.f32 v8, v13  }
0x28e: {  	v34 =	vld [tilespmem:s0+$0x90];
	[tilespmem:s12+$0xFFFFFE10] =	vst v5  }
0x28f: {  	[tilespmem:s12+$0x100] =	vst v0;
	v0 =	vld [tilespmem:s11+$0x90]  }
0x290: {  	v6 =	vld [tilespmem:s0+$0xFFFFFE20]  }
0x291: {  	v9 =	vadd.f32 v31, v30;
	v3 =	vld [tilespmem:s11+$0xFFFFFE20]  }
0x292: {  	v35 =	vld [tilespmem:s0+$0x110]  }
0x293: {  	v7 =	vld [tilespmem:s11+$0x110];
	[tilespmem:s12+$0x1B0] =	vst v9  }
0x294: {  	v2 =	vadd.f32 v2, v4;
	v9 =	vld [tilespmem:s0+$0x1C0]  }
0x295: {  	v1 =	vadd.f32 v1, v36;
	v5 =	vld [tilespmem:s11+$0x1C0]  }
0x296: {  	[tilespmem:s12+$0xFFFFFEA0] =	vst v2;
	v8 =	vld [tilespmem:s11+$0x10];
	v0 =	vadd.f32 v0, v34  }
0x297: {  	v42 =	vld [tilespmem:s0+$0xFFFFFEB0];
	[tilespmem:s12+$0xFFFFFF20] =	vst v1;
	v3 =	vadd.f32 v3, v6  }
0x298: {  	v43 =	vld [tilespmem:s0+$0xFFFFFF30];
	[tilespmem:s12+$0x90] =	vst v0  }
0x299: {  	v0 =	vadd.f32 v7, v35;
	[tilespmem:s12+$0xFFFFFE20] =	vst v3;
	v40 =	vld [tilespmem:s0+$0xA0]  }
0x29a: {  	v5 =	vadd.f32 v5, v9;
	v4 =	vld [tilespmem:s0+$0xFFFFFE30]  }
0x29b: {  	[tilespmem:s12+$0x110] =	vst v0;
	v0 =	vld [tilespmem:s11+$0xA0]  }
0x29c: {  	[tilespmem:s12+$0x1C0] =	vst v5;
	v41 =	vld [tilespmem:s0+$0x120]  }
0x29d: {  	v5 =	vadd.f32 v8, v33;
	v8 =	vld [tilespmem:s0+$0x1D0]  }
0x29e: {  	v38 =	vld [tilespmem:s11+$0x1D0]  }
0x29f: {  	[tilespmem:s12+$0x10] =	vst v5;
	v5 =	vld [tilespmem:s11+$0xFFFFFFA0]  }
0x2a0: {  	v6 =	vld [tilespmem:s11+$0x120]  }
0x2a1: {  	v2 =	vld [tilespmem:s11+$0xFFFFFE30]  }
0x2a2: {  	v39 =	vld [tilespmem:s0+$0x20];
	v0 =	vadd.f32 v0, v40  }
0x2a3: {  	v7 =	vld [tilespmem:s11+$0x20];
	v8 =	vadd.f32 v38, v8  }
0x2a4: {  	[tilespmem:s12+$0xA0] =	vst v0;
	v1 =	vadd.f32 v5, v37;
	v5 =	vld [tilespmem:s11+$0xFFFFFEB0]  }
0x2a5: {  	v0 =	vadd.f32 v6, v41;
	v46 =	vld [tilespmem:s0+$0xB0];
	[tilespmem:s12+$0x1D0] =	vst v8  }
0x2a6: {  	v8 =	vld [tilespmem:s0+$0x1E0]  }
0x2a7: {  	[tilespmem:s12+$0x120] =	vst v0;
	v3 =	vld [tilespmem:s11+$0x1E0]  }
0x2a8: {  	v0 =	vadd.f32 v2, v4;
	[tilespmem:s12+$0xFFFFFFA0] =	vst v1;
	v1 =	vld [tilespmem:s11+$0xFFFFFF30]  }
0x2a9: {  	v2 =	vld [tilespmem:s11+$0xB0]  }
0x2aa: {  	v4 =	vld [tilespmem:s0+$0x130];
	[tilespmem:s12+$0xFFFFFE30] =	vst v0  }
0x2ab: {  	v47 =	vld [tilespmem:s0+$0xFFFFFE40];
	v0 =	vadd.f32 v5, v42  }
0x2ac: {  	v5 =	vld [tilespmem:s11+$0x130]  }
0x2ad: {  	v3 =	vadd.f32 v3, v8;
	[tilespmem:s12+$0xFFFFFEB0] =	vst v0;
	v0 =	vadd.f32 v1, v43;
	v1 =	vld [tilespmem:s11+$0xFFFFFE40]  }
0x2ae: {  	v8 =	vld [tilespmem:s0+$0xFFFFFFB0]  }
0x2af: {  	v48 =	vld [tilespmem:s0+$0xFFFFFEC0];
	[tilespmem:s12+$0x1E0] =	vst v3;
	v3 =	vadd.f32 v7, v39  }
0x2b0: {  	v7 =	vld [tilespmem:s0+$0x1F0]  }
0x2b1: {  	[tilespmem:s12+$0x20] =	vst v3;
	v3 =	vld [tilespmem:s11+$0xFFFFFFB0]  }
0x2b2: {  	v45 =	vld [tilespmem:s0+$0x30];
	v1 =	vadd.f32 v1, v47  }
0x2b3: {  	v6 =	vld [tilespmem:s11+$0x30]  }
0x2b4: {  	v44 =	vld [tilespmem:s11+$0x1F0];
	[tilespmem:s12+$0xFFFFFE40] =	vst v1  }
0x2b5: {  	v52 =	vld [tilespmem:s0+$0xFFFFFE50]  }
0x2b6: {  	[tilespmem:s12+$0xFFFFFF30] =	vst v0;
	v0 =	vadd.f32 v3, v8;
	v3 =	vld [tilespmem:s11+$0xFFFFFEC0]  }
0x2b7: {  	v8 =	vld [tilespmem:s0+$0xFFFFFF40]  }
0x2b8: {  	[tilespmem:s12+$0xFFFFFFB0] =	vst v0;
	v0 =	vadd.f32 v6, v45;
	v6 =	vld [tilespmem:s11+$0xFFFFFF40]  }
0x2b9: {  	v49 =	vld [tilespmem:s0+$0xFFFFFFC0]  }
0x2ba: {  	[tilespmem:s12+$0x30] =	vst v0;
	v0 =	vadd.f32 v2, v46;
	v2 =	vld [tilespmem:s11+$0xFFFFFFC0]  }
0x2bb: {  	v50 =	vld [tilespmem:s0+$0x40]  }
0x2bc: {  	v1 =	vadd.f32 v3, v48;
	[tilespmem:s12+$0xB0] =	vst v0;
	v0 =	vadd.f32 v5, v4;
	v4 =	vld [tilespmem:s11+$0x40]  }
0x2bd: {  	v5 =	vld [tilespmem:s0+$0xC0]  }
0x2be: {  	[tilespmem:s12+$0xFFFFFEC0] =	vst v1;
	v1 =	vadd.f32 v6, v8;
	v6 =	vld [tilespmem:s11+$0xFFFFFE50]  }
0x2bf: {  	[tilespmem:s12+$0x130] =	vst v0;
	v0 =	vld [tilespmem:s11+$0xC0]  }
0x2c0: {  	v8 =	vld [tilespmem:s0+$0xFFFFFED0]  }
0x2c1: {  	v51 =	vld [tilespmem:s0+$0x140]  }
0x2c2: {  	v3 =	vld [tilespmem:s11+$0x140]  }
0x2c3: {  	[tilespmem:s12+$0xFFFFFF40] =	vst v1;
	v1 =	vadd.f32 v2, v49;
	v2 =	vld [tilespmem:s11+$0xFFFFFED0]  }
0x2c4: {  	v53 =	vld [tilespmem:s0+$0xFFFFFF50]  }
0x2c5: {  	[tilespmem:s12+$0xFFFFFFC0] =	vst v1;
	v1 =	vadd.f32 v4, v50;
	v4 =	vld [tilespmem:s11+$0xFFFFFF50]  }
0x2c6: {  	v54 =	vld [tilespmem:s0+$0xFFFFFFD0];
	v6 =	vadd.f32 v6, v52  }
0x2c7: {  	[tilespmem:s12+$0x40] =	vst v1;
	v0 =	vadd.f32 v0, v5;
	v1 =	vld [tilespmem:s11+$0xFFFFFFD0]  }
0x2c8: {  	v5 =	vld [tilespmem:s0+$0x50];
	[tilespmem:s12+$0xFFFFFE50] =	vst v6  }
0x2c9: {  	[tilespmem:s12+$0xC0] =	vst v0;
	v0 =	vadd.f32 v3, v51;
	v3 =	vld [tilespmem:s11+$0x50]  }
0x2ca: {  	v2 =	vadd.f32 v2, v8;
	v8 =	vld [tilespmem:s0+$0xFFFFFE60]  }
0x2cb: {  	v55 =	vld [tilespmem:s0+$0xD0]  }
0x2cc: {  	[tilespmem:s12+$0xFFFFFED0] =	vst v2;
	v2 =	vadd.f32 v4, v53;
	v4 =	vld [tilespmem:s11+$0xFFFFFE60]  }
0x2cd: {  	[tilespmem:s12+$0x140] =	vst v0;
	v0 =	vld [tilespmem:s11+$0xD0]  }
0x2ce: {  	v57 =	vld [tilespmem:s0+$0xFFFFFEE0]  }
0x2cf: {  	v56 =	vld [tilespmem:s0+$0x150]  }
0x2d0: {  	v6 =	vld [tilespmem:s11+$0x150]  }
0x2d1: {  	[tilespmem:s12+$0xFFFFFF50] =	vst v2;
	v1 =	vadd.f32 v1, v54;
	v2 =	vld [tilespmem:s11+$0xFFFFFEE0]  }
0x2d2: {  	v58 =	vld [tilespmem:s0+$0xFFFFFF60]  }
0x2d3: {  	[tilespmem:s12+$0xFFFFFFD0] =	vst v1;
	v1 =	vadd.f32 v3, v5;
	v3 =	vld [tilespmem:s11+$0xFFFFFF60]  }
0x2d4: {  	v5 =	vld [tilespmem:s0+$0xFFFFFFE0];
	v4 =	vadd.f32 v4, v8  }
0x2d5: {  	[tilespmem:s12+$0x50] =	vst v1;
	v0 =	vadd.f32 v0, v55;
	v1 =	vld [tilespmem:s11+$0xFFFFFFE0]  }
0x2d6: {  	v59 =	vld [tilespmem:s0+$0x60];
	[tilespmem:s12+$0xFFFFFE60] =	vst v4  }
0x2d7: {  	[tilespmem:s12+$0xD0] =	vst v0;
	v0 =	vadd.f32 v6, v56;
	v6 =	vld [tilespmem:s11+$0x60]  }
0x2d8: {  	v2 =	vadd.f32 v2, v57;
	v61 =	vld [tilespmem:s0+$0xFFFFFE70]  }
0x2d9: {  	v60 =	vld [tilespmem:s0+$0xE0]  }
0x2da: {  	[tilespmem:s12+$0xFFFFFEE0] =	vst v2;
	v2 =	vadd.f32 v3, v58;
	v3 =	vld [tilespmem:s11+$0xFFFFFE70]  }
0x2db: {  	[tilespmem:s12+$0x150] =	vst v0;
	v0 =	vld [tilespmem:s11+$0xE0]  }
0x2dc: {  	v62 =	vld [tilespmem:s0+$0xFFFFFEF0]  }
0x2dd: {  	v8 =	vld [tilespmem:s0+$0x160]  }
0x2de: {  	v4 =	vld [tilespmem:s11+$0x160]  }
0x2df: {  	[tilespmem:s12+$0xFFFFFF60] =	vst v2;
	v1 =	vadd.f32 v1, v5;
	v5 =	vld [tilespmem:s11+$0xFFFFFEF0]  }
0x2e0: {  	v14 =	vld [tilespmem:s0+$0xFFFFFF70]  }
0x2e1: {  	[tilespmem:s12+$0xFFFFFFE0] =	vst v1;
	v1 =	vadd.f32 v6, v59;
	v6 =	vld [tilespmem:s11+$0xFFFFFF70]  }
0x2e2: {  	v2 =	vadd.f32 v44, v7;
	v7 =	vld [tilespmem:s0+$0xFFFFFFF0]  }
0x2e3: {  	v63 =	vld [tilespmem:s11+$0xFFFFFFF0];
	[tilespmem:s12+$0x60] =	vst v1;
	v1 =	vadd.f32 v0, v60  }
0x2e4: {  	[tilespmem:s12+$0x1F0] =	vst v2;
	v3 =	vadd.f32 v3, v61;
	v0 =	vld [tilespmem:s0+$0x70]  }
0x2e5: {  	v4 =	vadd.f32 v4, v8;
	v2 =	vld [tilespmem:s11+$0x70];
	[tilespmem:s12+$0xE0] =	vst v1  }
0x2e6: {  	[tilespmem:s12+$0xFFFFFE70] =	vst v3;
	v1 =	vld [tilespmem:s0+$0xF0];
	v6 =	vadd.f32 v6, v14  }
0x2e7: {  	v5 =	vadd.f32 v5, v62;
	[tilespmem:s12+$0x160] =	vst v4;
	v4 =	vld [tilespmem:s11+$0xF0]  }
0x2e8: {  	v3 =	vld [tilespmem:s0+$0x170];
	[tilespmem:s12+$0xFFFFFF70] =	vst v6;
	v6 =	vadd.f32 v63, v7  }
0x2e9: {  	s3 =	simm.s32 $0x0;
	[tilespmem:s12+$0xFFFFFEF0] =	vst v5;
	v5 =	vld [tilespmem:s11+$0x170];
	s0 =	simm.s32 $0x6A0  }
.LBB2_8:
0x2ea: {  	v7 =	vld [tilespmem:s0+$0x180];
	[tilespmem:s12+$0xFFFFFFF0] =	vst v6;
	v0 =	vadd.f32 v2, v0;
	s11 =	sadd.s32 $0x400, s11  }
0x2eb: {  	v2 =	vld [tilespmem:s11+$0x180]  }
0x2ec: {  	v6 =	vld [tilespmem:s11+$0xFFFFFE00];
	[tilespmem:s12+$0x70] =	vst v0;
	v0 =	vadd.f32 v4, v1  }
0x2ed: {  	v1 =	vld [tilespmem:s0+$0xFFFFFE80]  }
0x2ee: {  	v4 =	vld [tilespmem:s11+$0xFFFFFE80];
	[tilespmem:s12+$0xF0] =	vst v0;
	v0 =	vadd.f32 v5, v3  }
0x2ef: {  	v3 =	vld [tilespmem:s0+$0xFFFFFF00]  }
0x2f0: {  	v5 =	vld [tilespmem:s11+$0xFFFFFF00];
	v2 =	vadd.f32 v2, v7;
	[tilespmem:s12+$0x170] =	vst v0  }
0x2f1: {  	s12 =	sadd.s32 $0x400, s12;
	v0 =	vld [tilespmem:s0+$0xFFFFFF80]  }
0x2f2: {  	s3 =	sadd.s32 $0x8, s3;
	v7 =	vld [tilespmem:s11+$0xFFFFFF80];
	[tilespmem:s12+$0x180] =	vst v2  }
0x2f3: {  	p0 =	slt.u32 s3, $0x48;
	v1 =	vadd.f32 v4, v1;
	v2 =	vld [tilespmem:s0+$0x190]  }
0x2f4: {  	v4 =	vld [tilespmem:s11+$0x190]  }
0x2f5: {  	[tilespmem:s12+$0xFFFFFE80] =	vst v1;
	v1 =	vadd.f32 v5, v3;
	v3 =	vld [tilespmem:s0+$0x0]  }
0x2f6: {  	v5 =	vld [tilespmem:s11+$0x0]  }
0x2f7: {  	[tilespmem:s12+$0xFFFFFF00] =	vst v1;
	v0 =	vadd.f32 v7, v0;
	v1 =	vld [tilespmem:s0+$0x80]  }
0x2f8: {  	v7 =	vld [tilespmem:s11+$0x80]  }
0x2f9: {  	[tilespmem:s12+$0xFFFFFF80] =	vst v0;
	v0 =	vld [tilespmem:s0+$0x100];
	v2 =	vadd.f32 v4, v2  }
0x2fa: {  	v4 =	vld [tilespmem:s11+$0x100]  }
0x2fb: {  	v8 =	vld [tilespmem:s0+$0xFFFFFE00];
	v3 =	vadd.f32 v5, v3;
	[tilespmem:s12+$0x190] =	vst v2  }
0x2fc: {  	v2 =	vld [tilespmem:s0+$0x1A0]  }
0x2fd: {  	[tilespmem:s12+$0x0] =	vst v3;
	v1 =	vadd.f32 v7, v1;
	v3 =	vld [tilespmem:s11+$0x1A0]  }
0x2fe: {  	v5 =	vld [tilespmem:s0+$0xFFFFFE90]  }
0x2ff: {  	v7 =	vld [tilespmem:s11+$0xFFFFFE90];
	[tilespmem:s12+$0x80] =	vst v1;
	v0 =	vadd.f32 v4, v0  }
0x300: {  	v1 =	vadd.f32 v6, v8;
	v4 =	vld [tilespmem:s0+$0xFFFFFF10]  }
0x301: {  	v6 =	vld [tilespmem:s11+$0xFFFFFF10];
	[tilespmem:s12+$0x100] =	vst v0  }
0x302: {  	[tilespmem:s12+$0xFFFFFE00] =	vst v1;
	v0 =	vld [tilespmem:s0+$0xFFFFFF90];
	v1 =	vadd.f32 v3, v2  }
0x303: {  	v2 =	vld [tilespmem:s0+$0xFFFFFE10]  }
0x304: {  	v3 =	vld [tilespmem:s11+$0xFFFFFE10];
	v5 =	vadd.f32 v7, v5;
	[tilespmem:s12+$0x1A0] =	vst v1  }
0x305: {  	v1 =	vld [tilespmem:s0+$0x1B0]  }
0x306: {  	[tilespmem:s12+$0xFFFFFE90] =	vst v5;
	v4 =	vadd.f32 v6, v4;
	v5 =	vld [tilespmem:s11+$0x1B0]  }
0x307: {  	v6 =	vld [tilespmem:s11+$0xFFFFFF90]  }
0x308: {  	[tilespmem:s12+$0xFFFFFF10] =	vst v4;
	v4 =	vld [tilespmem:s0+$0x10]  }
0x309: {  	v2 =	vadd.f32 v3, v2;
	v3 =	vld [tilespmem:s11+$0x10]  }
0x30a: {  	v7 =	vld [tilespmem:s0+$0x90]  }
0x30b: {  	[tilespmem:s12+$0xFFFFFE10] =	vst v2;
	v2 =	vld [tilespmem:s11+$0x90];
	v1 =	vadd.f32 v5, v1  }
0x30c: {  	v0 =	vadd.f32 v6, v0;
	v5 =	vld [tilespmem:s0+$0x110]  }
0x30d: {  	v6 =	vld [tilespmem:s11+$0x110];
	[tilespmem:s12+$0x1B0] =	vst v1  }
0x30e: {  	[tilespmem:s12+$0xFFFFFF90] =	vst v0;
	v0 =	vadd.f32 v3, v4;
	v1 =	vld [tilespmem:s0+$0x1C0]  }
0x30f: {  	v3 =	vld [tilespmem:s11+$0x1C0]  }
0x310: {  	v4 =	vld [tilespmem:s0+$0xFFFFFE20];
	[tilespmem:s12+$0x10] =	vst v0;
	v0 =	vadd.f32 v2, v7  }
0x311: {  	v2 =	vld [tilespmem:s11+$0xFFFFFE20]  }
0x312: {  	v7 =	vld [tilespmem:s0+$0xFFFFFEA0];
	[tilespmem:s12+$0x90] =	vst v0;
	v0 =	vadd.f32 v6, v5  }
0x313: {  	v5 =	vld [tilespmem:s11+$0xFFFFFEA0]  }
0x314: {  	v6 =	vld [tilespmem:s0+$0xFFFFFF20];
	[tilespmem:s12+$0x110] =	vst v0;
	v0 =	vadd.f32 v3, v1  }
0x315: {  	v1 =	vld [tilespmem:s11+$0xFFFFFF20]  }
0x316: {  	v2 =	vadd.f32 v2, v4;
	v3 =	vld [tilespmem:s0+$0xFFFFFFA0];
	[tilespmem:s12+$0x1C0] =	vst v0  }
0x317: {  	v0 =	vld [tilespmem:s0+$0x1D0]  }
0x318: {  	[tilespmem:s12+$0xFFFFFE20] =	vst v2;
	v2 =	vadd.f32 v5, v7;
	v4 =	vld [tilespmem:s11+$0x1D0]  }
0x319: {  	v5 =	vld [tilespmem:s11+$0xFFFFFFA0]  }
0x31a: {  	[tilespmem:s12+$0xFFFFFEA0] =	vst v2;
	v1 =	vadd.f32 v1, v6;
	v2 =	vld [tilespmem:s0+$0x20]  }
0x31b: {  	v6 =	vld [tilespmem:s11+$0x20]  }
0x31c: {  	[tilespmem:s12+$0xFFFFFF20] =	vst v1;
	v1 =	vld [tilespmem:s0+$0xA0]  }
0x31d: {  	v7 =	vld [tilespmem:s11+$0xA0];
	v0 =	vadd.f32 v4, v0  }
0x31e: {  	v3 =	vadd.f32 v5, v3;
	v4 =	vld [tilespmem:s0+$0x120]  }
0x31f: {  	v5 =	vld [tilespmem:s11+$0x120];
	[tilespmem:s12+$0x1D0] =	vst v0  }
0x320: {  	[tilespmem:s12+$0xFFFFFFA0] =	vst v3;
	v0 =	vadd.f32 v6, v2;
	v2 =	vld [tilespmem:s0+$0x1E0]  }
0x321: {  	v3 =	vld [tilespmem:s11+$0x1E0]  }
0x322: {  	v6 =	vld [tilespmem:s0+$0xFFFFFE30];
	[tilespmem:s12+$0x20] =	vst v0;
	v0 =	vadd.f32 v7, v1  }
0x323: {  	v1 =	vld [tilespmem:s11+$0xFFFFFE30]  }
0x324: {  	v7 =	vld [tilespmem:s0+$0xFFFFFEB0];
	[tilespmem:s12+$0xA0] =	vst v0;
	v0 =	vadd.f32 v5, v4  }
0x325: {  	v4 =	vld [tilespmem:s11+$0xFFFFFEB0]  }
0x326: {  	v5 =	vld [tilespmem:s0+$0xFFFFFF30];
	[tilespmem:s12+$0x120] =	vst v0;
	v0 =	vadd.f32 v3, v2  }
0x327: {  	v2 =	vld [tilespmem:s11+$0xFFFFFF30]  }
0x328: {  	v1 =	vadd.f32 v1, v6;
	v3 =	vld [tilespmem:s0+$0xFFFFFFB0];
	[tilespmem:s12+$0x1E0] =	vst v0  }
0x329: {  	v0 =	vld [tilespmem:s0+$0x1F0]  }
0x32a: {  	[tilespmem:s12+$0xFFFFFE30] =	vst v1;
	v1 =	vadd.f32 v4, v7;
	v4 =	vld [tilespmem:s11+$0x1F0]  }
0x32b: {  	v6 =	vld [tilespmem:s11+$0xFFFFFFB0]  }
0x32c: {  	[tilespmem:s12+$0xFFFFFEB0] =	vst v1;
	v1 =	vadd.f32 v2, v5;
	v2 =	vld [tilespmem:s0+$0x30]  }
0x32d: {  	v5 =	vld [tilespmem:s11+$0x30]  }
0x32e: {  	[tilespmem:s12+$0xFFFFFF30] =	vst v1;
	v1 =	vld [tilespmem:s0+$0xB0]  }
0x32f: {  	v7 =	vld [tilespmem:s11+$0xB0];
	v0 =	vadd.f32 v4, v0  }
0x330: {  	v3 =	vadd.f32 v6, v3;
	v4 =	vld [tilespmem:s0+$0x130]  }
0x331: {  	v6 =	vld [tilespmem:s11+$0x130];
	[tilespmem:s12+$0x1F0] =	vst v0  }
0x332: {  	v0 =	vld [tilespmem:s0+$0xFFFFFE40];
	[tilespmem:s12+$0xFFFFFFB0] =	vst v3;
	v2 =	vadd.f32 v5, v2  }
0x333: {  	v3 =	vld [tilespmem:s11+$0xFFFFFE40]  }
0x334: {  	v5 =	vld [tilespmem:s0+$0xFFFFFEC0];
	[tilespmem:s12+$0x30] =	vst v2;
	v1 =	vadd.f32 v7, v1  }
0x335: {  	v2 =	vld [tilespmem:s11+$0xFFFFFEC0]  }
0x336: {  	v7 =	vld [tilespmem:s0+$0xFFFFFF40];
	[tilespmem:s12+$0xB0] =	vst v1;
	v1 =	vadd.f32 v6, v4  }
0x337: {  	v4 =	vld [tilespmem:s11+$0xFFFFFF40]  }
0x338: {  	v0 =	vadd.f32 v3, v0;
	v3 =	vld [tilespmem:s0+$0xFFFFFFC0];
	[tilespmem:s12+$0x130] =	vst v1  }
0x339: {  	v1 =	vld [tilespmem:s11+$0xFFFFFFC0]  }
0x33a: {  	[tilespmem:s12+$0xFFFFFE40] =	vst v0;
	v0 =	vadd.f32 v2, v5;
	v2 =	vld [tilespmem:s0+$0x40]  }
0x33b: {  	v5 =	vld [tilespmem:s11+$0x40]  }
0x33c: {  	[tilespmem:s12+$0xFFFFFEC0] =	vst v0;
	v0 =	vadd.f32 v4, v7;
	v4 =	vld [tilespmem:s0+$0xC0]  }
0x33d: {  	v6 =	vld [tilespmem:s11+$0xC0]  }
0x33e: {  	[tilespmem:s12+$0xFFFFFF40] =	vst v0;
	v0 =	vadd.f32 v1, v3;
	v1 =	vld [tilespmem:s0+$0x140]  }
0x33f: {  	v3 =	vld [tilespmem:s11+$0x140]  }
0x340: {  	v7 =	vld [tilespmem:s0+$0xFFFFFE50];
	[tilespmem:s12+$0xFFFFFFC0] =	vst v0;
	v0 =	vadd.f32 v5, v2  }
0x341: {  	v2 =	vld [tilespmem:s11+$0xFFFFFE50]  }
0x342: {  	v5 =	vld [tilespmem:s0+$0xFFFFFED0];
	[tilespmem:s12+$0x40] =	vst v0;
	v0 =	vadd.f32 v6, v4  }
0x343: {  	v4 =	vld [tilespmem:s11+$0xFFFFFED0]  }
0x344: {  	v6 =	vld [tilespmem:s0+$0xFFFFFF50];
	[tilespmem:s12+$0xC0] =	vst v0;
	v0 =	vadd.f32 v3, v1  }
0x345: {  	v1 =	vld [tilespmem:s11+$0xFFFFFF50]  }
0x346: {  	v2 =	vadd.f32 v2, v7;
	v3 =	vld [tilespmem:s0+$0xFFFFFFD0];
	[tilespmem:s12+$0x140] =	vst v0  }
0x347: {  	v0 =	vld [tilespmem:s11+$0xFFFFFFD0]  }
0x348: {  	[tilespmem:s12+$0xFFFFFE50] =	vst v2;
	v2 =	vadd.f32 v4, v5;
	v4 =	vld [tilespmem:s0+$0x50]  }
0x349: {  	v5 =	vld [tilespmem:s11+$0x50]  }
0x34a: {  	[tilespmem:s12+$0xFFFFFED0] =	vst v2;
	v1 =	vadd.f32 v1, v6;
	v2 =	vld [tilespmem:s0+$0xD0]  }
0x34b: {  	v6 =	vld [tilespmem:s11+$0xD0]  }
0x34c: {  	[tilespmem:s12+$0xFFFFFF50] =	vst v1;
	v0 =	vadd.f32 v0, v3;
	v1 =	vld [tilespmem:s0+$0x150]  }
0x34d: {  	v3 =	vld [tilespmem:s11+$0x150]  }
0x34e: {  	v7 =	vld [tilespmem:s0+$0xFFFFFE60];
	[tilespmem:s12+$0xFFFFFFD0] =	vst v0;
	v0 =	vadd.f32 v5, v4  }
0x34f: {  	v4 =	vld [tilespmem:s11+$0xFFFFFE60]  }
0x350: {  	v5 =	vld [tilespmem:s0+$0xFFFFFEE0];
	[tilespmem:s12+$0x50] =	vst v0;
	v0 =	vadd.f32 v6, v2  }
0x351: {  	v2 =	vld [tilespmem:s11+$0xFFFFFEE0]  }
0x352: {  	v6 =	vld [tilespmem:s0+$0xFFFFFF60];
	[tilespmem:s12+$0xD0] =	vst v0;
	v0 =	vadd.f32 v3, v1  }
0x353: {  	v1 =	vld [tilespmem:s11+$0xFFFFFF60]  }
0x354: {  	v3 =	vadd.f32 v4, v7;
	v4 =	vld [tilespmem:s0+$0xFFFFFFE0];
	[tilespmem:s12+$0x150] =	vst v0  }
0x355: {  	v0 =	vld [tilespmem:s11+$0xFFFFFFE0]  }
0x356: {  	[tilespmem:s12+$0xFFFFFE60] =	vst v3;
	v2 =	vadd.f32 v2, v5;
	v3 =	vld [tilespmem:s0+$0x60]  }
0x357: {  	v5 =	vld [tilespmem:s11+$0x60]  }
0x358: {  	[tilespmem:s12+$0xFFFFFEE0] =	vst v2;
	v1 =	vadd.f32 v1, v6;
	v2 =	vld [tilespmem:s0+$0xE0]  }
0x359: {  	v6 =	vld [tilespmem:s11+$0xE0]  }
0x35a: {  	[tilespmem:s12+$0xFFFFFF60] =	vst v1;
	v0 =	vadd.f32 v0, v4;
	v1 =	vld [tilespmem:s0+$0x160]  }
0x35b: {  	v4 =	vld [tilespmem:s11+$0x160]  }
0x35c: {  	v7 =	vld [tilespmem:s0+$0xFFFFFE70];
	[tilespmem:s12+$0xFFFFFFE0] =	vst v0;
	v0 =	vadd.f32 v5, v3  }
0x35d: {  	v3 =	vld [tilespmem:s11+$0xFFFFFE70]  }
0x35e: {  	v5 =	vld [tilespmem:s0+$0xFFFFFEF0];
	[tilespmem:s12+$0x60] =	vst v0;
	v0 =	vadd.f32 v6, v2  }
0x35f: {  	v2 =	vld [tilespmem:s11+$0xFFFFFEF0]  }
0x360: {  	v6 =	vld [tilespmem:s0+$0xFFFFFF70];
	[tilespmem:s12+$0xE0] =	vst v0;
	v0 =	vadd.f32 v4, v1  }
0x361: {  	v1 =	vld [tilespmem:s11+$0xFFFFFF70]  }
0x362: {  	v3 =	vadd.f32 v3, v7;
	v7 =	vld [tilespmem:s0+$0xFFFFFFF0];
	[tilespmem:s12+$0x160] =	vst v0  }
0x363: {  	v8 =	vld [tilespmem:s11+$0xFFFFFFF0]  }
0x364: {  	[tilespmem:s12+$0xFFFFFE70] =	vst v3;
	v3 =	vadd.f32 v2, v5;
	v0 =	vld [tilespmem:s0+$0x70]  }
.Ltmp3:
0x365: {  	v2 =	vld [tilespmem:s11+$0x70];
	(pc) =	sbr.rel @p0 .LBB2_8-.Ltmp3, $4  }
0x366: {  	[tilespmem:s12+$0xFFFFFEF0] =	vst v3;
	v3 =	vadd.f32 v1, v6;
	v1 =	vld [tilespmem:s0+$0xF0]  }
0x367: {  	v4 =	vld [tilespmem:s11+$0xF0]  }
0x368: {  	[tilespmem:s12+$0xFFFFFF70] =	vst v3;
	v6 =	vadd.f32 v8, v7;
	v3 =	vld [tilespmem:s0+$0x170]  }
0x369: {  	s0 =	sadd.s32 $0x400, s0;
	v5 =	vld [tilespmem:s11+$0x170]  }
0x36a: {  	_ =	sdelay $0x1  }
0x36b: {  	v0 =	vadd.f32 v2, v0  }
0x36c: {  	[tilespmem:s12+$0xFFFFFFF0] =	vst v6;
	v1 =	vadd.f32 v4, v1  }
0x36d: {  	[tilespmem:s12+$0x70] =	vst v0;
	v63 =	vadd.f32 v5, v3  }
0x36e: {  	[tilespmem:s12+$0xF0] =	vst v1  }
0x36f: {  	[tilespmem:s12+$0x170] =	vst v63  }
0x370: {  	s0 =	rddreg [dreg:$0x7]  }
0x371: {  	[hbm4b:s0+s2] =	stream.linear.scatter [tilespmem:s29], [sflag:$0x5], $0x2800, $0x38;
	[tilespmem:$0xF140] =	vst v63  }
0x372: {  	_ =	swait.ge [sflag:s13], $0x2800  }
0x373: {  	[sflag:s13] =	ssyncset.done $0x0  }
0x374: {  	s3 =	simm.s32 $0x6;
	[sflag:s13] =	ssyncadd.s32 $0xFFFFD800  }
0x375: {  	_ =	swait.ge [sflag:s3], $0x2800  }
0x376: {  	s10 =	sadd.s32 $0x1, s10;
	s17 =	rddreg [dreg:$0x8]  }
0x377: {  	p0 =	sne.s32 s10, s17  }
.Ltmp4:
0x378: {  	_ = 	snop;
	(pc) =	sbr.rel @p0 .LBB2_1-.Ltmp4, $3  }
0x379: {  	_ =	sdelay $0x1  }
0x37a: {  	[sflag:s3] =	ssyncset.done $0x0  }
0x37b: {  	[sflag:s3] =	ssyncadd.s32 $0xFFFFD800  }
0x37c: {  	_ =	sfence.sel $0x180000  }
0x37d: {  	[bflag:$0x0] =	sbarrier.arrive $0xFFFF  }
0x37e: {  	_ =	strace $0x90000047  }
0x37f: {  	s0 =	stileid.u32;
	[bflag:$0x2] =	sbarrier.arrive $0xFFFF  }
0x380: {  	p0 =	sne.s32 s0, $0x0;
	s0 =	rddreg [dreg:$0x2]  }
0x381: {  	s0 =	sadd.s32 @!p0 $0x100000, s0  }
0x382: {  	[sflag:s0] =	ssyncadd.tile.s32 @!p0 $0x1;
	_ =	shalt  }
.Lfunc_end2:
_tile_overlayer_lowered:
.L_overlay_start_2:
0x383: {  	(tag) =	ssettag $0x2  }
0x384: {  	s0 =	rddreg [dreg:$0x0];
	s2 =	stileid.u32  }
0x385: {  	s1 =	rddreg [dreg:$0x1];
	p0 =	sne.s32 s2, $0x0  }
0x386: {  	s3 =	rddreg [dreg:$0x2];
	[bflag:$0x3] =	sbarrier.arrive $0xFFFF;
	s2 =	simm.s32 @!p0 $0x1C07  }
0x387: {  	[timem:s3], [sflag:s2] =	dma.local @!p0 [hbm:s0], s1  }
0x388: {  	s0 =	simm.s32 @!p0 $0x7  }
0x389: {  	_ =	swait.ge @!p0 [sflag:s0], s1  }
0x38a: {  	s1 =	ssub.s32 @!p0 $0x0, s1;
	[sflag:s0] =	ssyncset.done @!p0 $0x0  }
0x38b: {  	[sflag:s0] =	ssyncadd.s32 @!p0 s1  }
0x38c: {  	[bflag:$0x3] =	sbarrier.arrive $0xFFFF  }
0x38d: {  	_ =	shalt  }

</sc_bundles>
